<compile_context>
chip_gen: v7x
topology: tpu7x:2x2x1
jax: 0.10.2.dev20260603
libtpu: 0.0.44.dev20260713+nightly
codegen_flags: <defaults>
</compile_context>

<pallas_src>
import functools

import jax
import jax.numpy as jnp
from jax import lax
from jax.experimental import pallas as pl
from jax.experimental.pallas import tpu as pltpu
from jax.experimental.pallas import tpu_sc as plsc

N = 10000
H = 128
NH = 8
DH = 16
E = 320000
OUT = 64
FF = 2048

NC = 2
NS = 16
NW = NC * NS
C = 40
NCHUNKS = E // C
DENW = 16
NP = 10240
RPT = NP // NS

B = 400
F32 = jnp.float32





def _sc_edge_pass(q, k, m, si, di):
    qh = q.reshape(-1, NH, DH)
    kh = k.reshape(-1, NH, DH)
    mh = m.reshape(-1, NH, DH)
    sc = jnp.sum(qh[di] * kh[si], axis=-1) * 0.25
    ex = jnp.exp(sc)
    den = jax.ops.segment_sum(ex, di, num_segments=N)
    num = jax.ops.segment_sum(ex[:, :, None] * mh[si], di, num_segments=N)
    num = num.reshape(N, H)
    den16 = jnp.pad(den, ((0, 0), (0, 8)))
    z = jnp.zeros_like(num)
    z16 = jnp.zeros_like(den16)
    return (jnp.stack([num, z]), jnp.stack([den16, z16]))



def _dot(a, b):
    return jnp.dot(a, b, preferred_element_type=F32)


def _head_mask():
    r = lax.broadcasted_iota(jnp.int32, (H, NH), 0) // DH
    h = lax.broadcasted_iota(jnp.int32, (H, NH), 1)
    return (r == h).astype(F32)


def _ln(x, g, b):
    mu = jnp.mean(x, axis=-1, keepdims=True)
    var = jnp.mean((x - mu) ** 2, axis=-1, keepdims=True)
    return (x - mu) / jnp.sqrt(var + 1e-5) * g + b


def _token(num2, den2, rel):
    hm = _head_mask()
    numv = num2[0] + num2[1]
    den8 = den2[0, :, :NH] + den2[1, :, :NH]
    den128 = _dot(den8, hm.T)
    return numv / (den128 + 1e-9) + rel


def _tc_pre_body(xp_r, xa_r, Wip, bip, Wia, bia,
                 Wq0p, Wk0w, Wm0w, Wq0a, Wk0r, Wm0r,
                 xp0_o, xa0_o, q0p_o, k0w_o, m0w_o, q0a_o, k0r_o, m0r_o):
    xp = _dot(xp_r[...], Wip[...]) + bip[...]
    xa = _dot(xa_r[...], Wia[...]) + bia[...]
    xp0_o[...] = xp
    xa0_o[...] = xa
    q0p_o[...] = _dot(xp, Wq0p[...])
    k0w_o[...] = _dot(xa, Wk0w[...])
    m0w_o[...] = _dot(xa, Wm0w[...])
    q0a_o[...] = _dot(xa, Wq0a[...])
    k0r_o[...] = _dot(xp, Wk0r[...])
    m0r_o[...] = _dot(xp, Wm0r[...])


def _tc_mid_body(xp0_r, xa0_r, numw_r, denw_r, numr_r, denr_r, relw, relr,
                 Wq1p, Wk1w, Wm1w,
                 xp1_o, q1p_o, k1w_o, m1w_o):
    xp0 = xp0_r[...]
    xa0 = xa0_r[...]
    xp1 = jnp.maximum(_token(numw_r[...], denw_r[...], relw[...]), 0.0)
    xa1 = jnp.maximum(_token(numr_r[...], denr_r[...], relr[...]), 0.0)
    xp1_o[...] = xp1
    h_p = (xp0 + xp1) * 0.5
    h_a = (xa0 + xa1) * 0.5
    q1p_o[...] = _dot(h_p, Wq1p[...])
    k1w_o[...] = _dot(h_a, Wk1w[...])
    m1w_o[...] = _dot(h_a, Wm1w[...])


def _tc_head_body(xp0_r, xp1_r, num2_r, den2_r, relw,
                  Wv_sa, Wo_sa, Wq_ca, Wk_ca, Wv_ca, Wo_ca,
                  ln1_g, ln1_b, ln2_g, ln2_b, ln3_g, ln3_b,
                  Wf1, bf1, Wf2, bf2, W_out, b_out,
                  out_o):
    hm = _head_mask()
    xp0 = xp0_r[...]
    xp1 = xp1_r[...]
    xp2 = jnp.maximum(_token(num2_r[...], den2_r[...], relw[...]), 0.0)
    t = xp0
    t1 = _ln(t + _dot(_dot(t, Wv_sa[...]), Wo_sa[...]), ln1_g[...], ln1_b[...])
    q = _dot(t1, Wq_ca[...])
    toks = (xp0, xp1, xp2)
    ss = []
    vs = []
    for xj in toks:
        kj = _dot(xj, Wk_ca[...])
        vs.append(_dot(xj, Wv_ca[...]))
        ss.append(_dot(q * kj, hm) * 0.25)
    mx = jnp.maximum(ss[0], jnp.maximum(ss[1], ss[2]))
    es = [jnp.exp(sj - mx) for sj in ss]
    den = es[0] + es[1] + es[2]
    o = sum(_dot(ej / den, hm.T) * vj for ej, vj in zip(es, vs))
    t2 = _ln(t1 + _dot(o, Wo_ca[...]), ln2_g[...], ln2_b[...])
    ff = _dot(jnp.maximum(_dot(t2, Wf1[...]) + bf1[...], 0.0), Wf2[...]) + bf2[...]
    t3 = _ln(t2 + ff, ln3_g[...], ln3_b[...])
    out_o[...] = _dot(t3, W_out[...]) + b_out[...]


def _row_spec(cols=H):
    return pl.BlockSpec((B, cols), lambda i: (i, 0))


def _w_spec(shape):
    nd = len(shape)
    return pl.BlockSpec(shape, lambda i, _n=nd: (0,) * _n)


def _part_specs():
    return [pl.BlockSpec((NC, B, H), lambda i: (0, i, 0)),
            pl.BlockSpec((NC, B, DENW), lambda i: (0, i, 0))]


def _tc_pre(xp, xa, p):
    grid = N // B
    in_specs = ([_row_spec(), _row_spec()] +
                [_w_spec((H, H)), _w_spec((H,)), _w_spec((H, H)), _w_spec((H,))] +
                [_w_spec((H, H))] * 6)
    out_specs = [_row_spec()] * 8
    out_shape = [jax.ShapeDtypeStruct((N, H), F32)] * 8
    return pl.pallas_call(
        _tc_pre_body, grid=(grid,), in_specs=in_specs,
        out_specs=out_specs, out_shape=out_shape,
    )(xp, xa, p['W_in_paper'], p['b_in_paper'], p['W_in_author'], p['b_in_author'],
      p['Wq_0_paper'], p['Wk_0_writes'], p['Wm_0_writes'],
      p['Wq_0_author'], p['Wk_0_rev'], p['Wm_0_rev'])


def _tc_mid(xp0, xa0, numw, denw, numr, denr, p):
    grid = N // B
    in_specs = ([_row_spec(), _row_spec()] + _part_specs() + _part_specs() +
                [_w_spec((H,)), _w_spec((H,))] + [_w_spec((H, H))] * 3)
    out_specs = [_row_spec()] * 4
    out_shape = [jax.ShapeDtypeStruct((N, H), F32)] * 4
    return pl.pallas_call(
        _tc_mid_body, grid=(grid,), in_specs=in_specs,
        out_specs=out_specs, out_shape=out_shape,
    )(xp0, xa0, numw, denw, numr, denr, p['rel_writes'], p['rel_rev'],
      p['Wq_1_paper'], p['Wk_1_writes'], p['Wm_1_writes'])


def _tc_head(xp0, xp1, num2, den2, p):
    grid = N // B
    in_specs = ([_row_spec(), _row_spec()] + _part_specs() +
                [_w_spec((H,))] + [_w_spec((H, H))] * 6 +
                [_w_spec((H,))] * 6 +
                [_w_spec((H, FF)), _w_spec((FF,)), _w_spec((FF, H)), _w_spec((H,))] +
                [_w_spec((H, OUT)), _w_spec((OUT,))])
    return pl.pallas_call(
        _tc_head_body, grid=(grid,), in_specs=in_specs,
        out_specs=_row_spec(OUT), out_shape=jax.ShapeDtypeStruct((N, OUT), F32),
    )(xp0, xp1, num2, den2, p['rel_writes'],
      p['Wv_sa'], p['Wo_sa'], p['Wq_ca'], p['Wk_ca'], p['Wv_ca'], p['Wo_ca'],
      p['ln1_g'], p['ln1_b'], p['ln2_g'], p['ln2_b'], p['ln3_g'], p['ln3_b'],
      p['Wf1'], p['bf1'], p['Wf2'], p['bf2'], p['W_out'], p['b_out'])



def kernel(x_paper, x_author, edge_index_ap, edge_index_pa, params):
    si_ap, di_ap = edge_index_ap[0], edge_index_ap[1]
    si_pa, di_pa = edge_index_pa[0], edge_index_pa[1]
    (xp0, xa0, q0p, k0w, m0w, q0a, k0r, m0r) = _tc_pre(x_paper, x_author, params)

    numw, denw = _sc_edge_pass(q0p, k0w, m0w, si_ap, di_ap)
    numr, denr = _sc_edge_pass(q0a, k0r, m0r, si_pa, di_pa)

    xp1, q1p, k1w, m1w = _tc_mid(xp0, xa0, numw, denw, numr, denr, params)

    num2, den2 = _sc_edge_pass(q1p, k1w, m1w, si_ap, di_ap)

    return _tc_head(xp0, xp1, num2, den2, params)

# --- scband reference (transcript-rebuilt; emitter-appended) ---
"""Pipeline reference for scband-seq-hgnn-60301340835896 (READ-ONLY COPY).

The authoritative reference and input builder live on the scoring server;
editing this copy changes nothing except your own understanding.
"""

import jax, jax.numpy as jnp
import numpy as np

H = 128
NH = 8
DH = H // NH
N_PAPER = 10000
N_AUTHOR = 10000
E = 320000
OUT = 64
NUM_LAYERS = 2
FF = 2048


def _ln(x, g, b):
    mu = jnp.mean(x, axis=-1, keepdims=True)
    var = jnp.mean((x - mu) ** 2, axis=-1, keepdims=True)
    return (x - mu) / jnp.sqrt(var + 1e-5) * g + b


def _mha(x_q, x_kv, Wq, Wk, Wv, Wo):
    N, Lq, D = x_q.shape
    Lk = x_kv.shape[1]
    q = (x_q @ Wq).reshape(N, Lq, NH, DH).transpose(0, 2, 1, 3)
    k = (x_kv @ Wk).reshape(N, Lk, NH, DH).transpose(0, 2, 1, 3)
    v = (x_kv @ Wv).reshape(N, Lk, NH, DH).transpose(0, 2, 1, 3)
    att = jax.nn.softmax(jnp.einsum('nhqd,nhkd->nhqk', q, k) / jnp.sqrt(DH), axis=-1)
    o = jnp.einsum('nhqk,nhkd->nhqd', att, v).transpose(0, 2, 1, 3).reshape(N, Lq, D)
    return o @ Wo


def _forward(x_paper, x_author, edge_index_ap, edge_index_pa, params):
    x = {}
    x['paper'] = (x_paper @ params['W_in_paper'] + params['b_in_paper'])[:, None, :]
    x['author'] = (x_author @ params['W_in_author'] + params['b_in_author'])[:, None, :]
    rels = [('author', 'writes', 'paper', edge_index_ap), ('paper', 'rev', 'author', edge_index_pa)]
    for l in range(NUM_LAYERS):
        agg = {}
        for src, rname, dst, eidx in rels:
            h_src = jnp.mean(x[src], axis=1)
            h_dst = jnp.mean(x[dst], axis=1)
            n_dst = h_dst.shape[0]
            q = (h_dst @ params['Wq_%d_%s' % (l, dst)]).reshape(-1, NH, DH)
            k = (h_src @ params['Wk_%d_%s' % (l, rname)]).reshape(-1, NH, DH)
            m = (h_src @ params['Wm_%d_%s' % (l, rname)]).reshape(-1, NH, DH)
            si = eidx[0]
            di = eidx[1]
            score = jnp.sum(q[di] * k[si], axis=-1) / jnp.sqrt(DH)
            smax = jax.ops.segment_max(score, di, num_segments=n_dst)
            smax = jax.lax.stop_gradient(jnp.where(jnp.isfinite(smax), smax, 0.0))
            ex = jnp.exp(score - smax[di])
            denom = jax.ops.segment_sum(ex, di, num_segments=n_dst)
            alpha = ex / (denom[di] + 1e-9)
            msg = jax.ops.segment_sum(alpha[:, :, None] * m[si], di, num_segments=n_dst)
            token = msg.reshape(n_dst, H) + params['rel_%s' % rname]
            agg[dst] = agg.get(dst, 0.0) + token
        for t in list(x.keys()):
            x[t] = jnp.concatenate([x[t], jax.nn.relu(agg[t])[:, None, :]], axis=1)
    out = x['paper']
    tgt = out[:, :1, :]
    t1 = _ln(tgt + _mha(tgt, tgt, params['Wq_sa'], params['Wk_sa'], params['Wv_sa'], params['Wo_sa']), params['ln1_g'], params['ln1_b'])
    t2 = _ln(t1 + _mha(t1, out, params['Wq_ca'], params['Wk_ca'], params['Wv_ca'], params['Wo_ca']), params['ln2_g'], params['ln2_b'])
    ff = jax.nn.relu(t2 @ params['Wf1'] + params['bf1']) @ params['Wf2'] + params['bf2']
    t3 = _ln(t2 + ff, params['ln3_g'], params['ln3_b'])
    return t3[:, 0, :] @ params['W_out'] + params['b_out']


def setup_inputs(seed: int = 0):
    key = jax.random.key(seed)
    ks = iter([jax.random.fold_in(key, i) for i in range(100)])
    x_paper = jax.random.normal(next(ks), (N_PAPER, H), dtype=jnp.float32)
    x_author = jax.random.normal(next(ks), (N_AUTHOR, H), dtype=jnp.float32)
    edge_index_ap = jnp.stack([
        jax.random.randint(next(ks), (E,), 0, N_AUTHOR, dtype=jnp.int32),
        jax.random.randint(next(ks), (E,), 0, N_PAPER, dtype=jnp.int32)])
    edge_index_pa = jnp.stack([
        jax.random.randint(next(ks), (E,), 0, N_PAPER, dtype=jnp.int32),
        jax.random.randint(next(ks), (E,), 0, N_AUTHOR, dtype=jnp.int32)])

    def P(shape, k):
        return jax.random.normal(k, shape, dtype=jnp.float32) * 0.02

    params = {}
    for t in ['paper', 'author']:
        params['W_in_%s' % t] = P((H, H), next(ks))
        params['b_in_%s' % t] = jnp.zeros((H,), jnp.float32)
    for l in range(NUM_LAYERS):
        for t in ['paper', 'author']:
            params['Wq_%d_%s' % (l, t)] = P((H, H), next(ks))
        for r in ['writes', 'rev']:
            params['Wk_%d_%s' % (l, r)] = P((H, H), next(ks))
            params['Wm_%d_%s' % (l, r)] = P((H, H), next(ks))
    for r in ['writes', 'rev']:
        params['rel_%s' % r] = P((H,), next(ks))
    for nm in ['Wq_sa', 'Wk_sa', 'Wv_sa', 'Wo_sa', 'Wq_ca', 'Wk_ca', 'Wv_ca', 'Wo_ca']:
        params[nm] = P((H, H), next(ks))
    for i in ['1', '2', '3']:
        params['ln%s_g' % i] = jnp.ones((H,), jnp.float32)
        params['ln%s_b' % i] = jnp.zeros((H,), jnp.float32)
    params['Wf1'] = P((H, FF), next(ks))
    params['bf1'] = jnp.zeros((FF,), jnp.float32)
    params['Wf2'] = P((FF, H), next(ks))
    params['bf2'] = jnp.zeros((H,), jnp.float32)
    params['W_out'] = P((H, OUT), next(ks))
    params['b_out'] = jnp.zeros((OUT,), jnp.float32)
    return {'x_paper': x_paper, 'x_author': x_author, 'edge_index_ap': edge_index_ap, 'edge_index_pa': edge_index_pa, 'params': params}


def reference(x_paper, x_author, edge_index_ap, edge_index_pa, params):
    return _forward(x_paper, x_author, edge_index_ap, edge_index_pa, params)

if __name__ == "__main__":
    import jax
    _d = setup_inputs()
    print(jax.jit(kernel)(*tuple(_d.values())))

</pallas_src>

<mosaic_0001>
module attributes {stable_mosaic.version = 14 : i64} {
  func.func @_tc_pre_body(%arg0: i32, %arg1: memref<400x128xf32, #tpu.memory_space<vmem>>, %arg2: memref<400x128xf32, #tpu.memory_space<vmem>>, %arg3: memref<128x128xf32, #tpu.memory_space<vmem>>, %arg4: memref<128xf32, #tpu.memory_space<vmem>>, %arg5: memref<128x128xf32, #tpu.memory_space<vmem>>, %arg6: memref<128xf32, #tpu.memory_space<vmem>>, %arg7: memref<128x128xf32, #tpu.memory_space<vmem>>, %arg8: memref<128x128xf32, #tpu.memory_space<vmem>>, %arg9: memref<128x128xf32, #tpu.memory_space<vmem>>, %arg10: memref<128x128xf32, #tpu.memory_space<vmem>>, %arg11: memref<128x128xf32, #tpu.memory_space<vmem>>, %arg12: memref<128x128xf32, #tpu.memory_space<vmem>>, %arg13: memref<400x128xf32, #tpu.memory_space<vmem>>, %arg14: memref<400x128xf32, #tpu.memory_space<vmem>>, %arg15: memref<400x128xf32, #tpu.memory_space<vmem>>, %arg16: memref<400x128xf32, #tpu.memory_space<vmem>>, %arg17: memref<400x128xf32, #tpu.memory_space<vmem>>, %arg18: memref<400x128xf32, #tpu.memory_space<vmem>>, %arg19: memref<400x128xf32, #tpu.memory_space<vmem>>, %arg20: memref<400x128xf32, #tpu.memory_space<vmem>>) attributes {dimension_semantics = [#tpu.dimension_semantics<arbitrary>], iteration_bounds = array<i64: 25>, scalar_prefetch = 0 : i64, scratch_operands = 0 : i64, tpu.core_type = #tpu.core_type<tc>, window_params = [{transform_indices = @transform_0, window_bounds = array<i64: 400, 128>}, {transform_indices = @transform_1, window_bounds = array<i64: 400, 128>}, {pipeline_mode = #tpu.pipeline_mode<synchronous>, transform_indices = @transform_2, window_bounds = array<i64: 128, 128>}, {pipeline_mode = #tpu.pipeline_mode<synchronous>, transform_indices = @transform_3, window_bounds = array<i64: 128>}, {pipeline_mode = #tpu.pipeline_mode<synchronous>, transform_indices = @transform_4, window_bounds = array<i64: 128, 128>}, {pipeline_mode = #tpu.pipeline_mode<synchronous>, transform_indices = @transform_5, window_bounds = array<i64: 128>}, {pipeline_mode = #tpu.pipeline_mode<synchronous>, transform_indices = @transform_6, window_bounds = array<i64: 128, 128>}, {pipeline_mode = #tpu.pipeline_mode<synchronous>, transform_indices = @transform_7, window_bounds = array<i64: 128, 128>}, {pipeline_mode = #tpu.pipeline_mode<synchronous>, transform_indices = @transform_8, window_bounds = array<i64: 128, 128>}, {pipeline_mode = #tpu.pipeline_mode<synchronous>, transform_indices = @transform_9, window_bounds = array<i64: 128, 128>}, {pipeline_mode = #tpu.pipeline_mode<synchronous>, transform_indices = @transform_10, window_bounds = array<i64: 128, 128>}, {pipeline_mode = #tpu.pipeline_mode<synchronous>, transform_indices = @transform_11, window_bounds = array<i64: 128, 128>}, {transform_indices = @transform_12, window_bounds = array<i64: 400, 128>}, {transform_indices = @transform_13, window_bounds = array<i64: 400, 128>}, {transform_indices = @transform_14, window_bounds = array<i64: 400, 128>}, {transform_indices = @transform_15, window_bounds = array<i64: 400, 128>}, {transform_indices = @transform_16, window_bounds = array<i64: 400, 128>}, {transform_indices = @transform_17, window_bounds = array<i64: 400, 128>}, {transform_indices = @transform_18, window_bounds = array<i64: 400, 128>}, {transform_indices = @transform_19, window_bounds = array<i64: 400, 128>}]} {
    %get3A = arith.constant 0 : index
    %get3A_0 = arith.constant 0 : index
    %get3A_1 = vector.load %arg1[%get3A, %get3A_0] : memref<400x128xf32, #tpu.memory_space<vmem>>, vector<400x128xf32>
    %get3A_2 = arith.constant 0 : index
    %get3A_3 = arith.constant 0 : index
    %get3A_4 = vector.load %arg3[%get3A_2, %get3A_3] : memref<128x128xf32, #tpu.memory_space<vmem>>, vector<128x128xf32>
    %dot_general3A = arith.constant dense<0.000000e+00> : vector<400x128xf32>
    %dot_general3A_5 = tpu.matmul %get3A_1, %get3A_4, %dot_general3A {dimension_numbers = #tpu.dot_dimension_numbers<[1], [0], [0], [1], [0, 0, 1, 1], [], []>, transpose_lhs_hint = false} : vector<400x128xf32>, vector<128x128xf32>, vector<400x128xf32> -> vector<400x128xf32>
    %get3A_6 = arith.constant 0 : index
    %get3A_7 = vector.load %arg4[%get3A_6] : memref<128xf32, #tpu.memory_space<vmem>>, vector<128xf32>
    %broadcast_in_dim3A = vector.shape_cast %get3A_7 : vector<128xf32> to vector<1x128xf32>
    %add3A = vector.broadcast %broadcast_in_dim3A : vector<1x128xf32> to vector<400x128xf32>
    %add3A_8 = arith.addf %dot_general3A_5, %add3A : vector<400x128xf32>
    %get3A_9 = arith.constant 0 : index
    %get3A_10 = arith.constant 0 : index
    %get3A_11 = vector.load %arg2[%get3A_9, %get3A_10] : memref<400x128xf32, #tpu.memory_space<vmem>>, vector<400x128xf32>
    %get3A_12 = arith.constant 0 : index
    %get3A_13 = arith.constant 0 : index
    %get3A_14 = vector.load %arg5[%get3A_12, %get3A_13] : memref<128x128xf32, #tpu.memory_space<vmem>>, vector<128x128xf32>
    %dot_general3A_15 = arith.constant dense<0.000000e+00> : vector<400x128xf32>
    %dot_general3A_16 = tpu.matmul %get3A_11, %get3A_14, %dot_general3A_15 {dimension_numbers = #tpu.dot_dimension_numbers<[1], [0], [0], [1], [0, 0, 1, 1], [], []>, transpose_lhs_hint = false} : vector<400x128xf32>, vector<128x128xf32>, vector<400x128xf32> -> vector<400x128xf32>
    %get3A_17 = arith.constant 0 : index
    %get3A_18 = vector.load %arg6[%get3A_17] : memref<128xf32, #tpu.memory_space<vmem>>, vector<128xf32>
    %broadcast_in_dim3A_19 = vector.shape_cast %get3A_18 : vector<128xf32> to vector<1x128xf32>
    %add3A_20 = vector.broadcast %broadcast_in_dim3A_19 : vector<1x128xf32> to vector<400x128xf32>
    %add3A_21 = arith.addf %dot_general3A_16, %add3A_20 : vector<400x128xf32>
    %swap3A = arith.constant 0 : index
    %swap3A_22 = arith.constant 0 : index
    %swap3A_23 = vector.load %arg13[%swap3A, %swap3A_22] : memref<400x128xf32, #tpu.memory_space<vmem>>, vector<400x128xf32>
    tpu.vector_store %arg13[%swap3A, %swap3A_22], %add3A_8 {strides = array<i32>} : memref<400x128xf32, #tpu.memory_space<vmem>>, vector<400x128xf32>,
    %swap3A_24 = arith.constant 0 : index
    %swap3A_25 = arith.constant 0 : index
    %swap3A_26 = vector.load %arg14[%swap3A_24, %swap3A_25] : memref<400x128xf32, #tpu.memory_space<vmem>>, vector<400x128xf32>
    tpu.vector_store %arg14[%swap3A_24, %swap3A_25], %add3A_21 {strides = array<i32>} : memref<400x128xf32, #tpu.memory_space<vmem>>, vector<400x128xf32>,
    %get3A_27 = arith.constant 0 : index
    %get3A_28 = arith.constant 0 : index
    %get3A_29 = vector.load %arg7[%get3A_27, %get3A_28] : memref<128x128xf32, #tpu.memory_space<vmem>>, vector<128x128xf32>
    %dot_general3A_30 = arith.constant dense<0.000000e+00> : vector<400x128xf32>
    %dot_general3A_31 = tpu.matmul %add3A_8, %get3A_29, %dot_general3A_30 {dimension_numbers = #tpu.dot_dimension_numbers<[1], [0], [0], [1], [0, 0, 1, 1], [], []>, transpose_lhs_hint = false} : vector<400x128xf32>, vector<128x128xf32>, vector<400x128xf32> -> vector<400x128xf32>
    %swap3A_32 = arith.constant 0 : index
    %swap3A_33 = arith.constant 0 : index
    %swap3A_34 = vector.load %arg15[%swap3A_32, %swap3A_33] : memref<400x128xf32, #tpu.memory_space<vmem>>, vector<400x128xf32>
    tpu.vector_store %arg15[%swap3A_32, %swap3A_33], %dot_general3A_31 {strides = array<i32>} : memref<400x128xf32, #tpu.memory_space<vmem>>, vector<400x128xf32>,
    %get3A_35 = arith.constant 0 : index
    %get3A_36 = arith.constant 0 : index
    %get3A_37 = vector.load %arg8[%get3A_35, %get3A_36] : memref<128x128xf32, #tpu.memory_space<vmem>>, vector<128x128xf32>
    %dot_general3A_38 = arith.constant dense<0.000000e+00> : vector<400x128xf32>
    %dot_general3A_39 = tpu.matmul %add3A_21, %get3A_37, %dot_general3A_38 {dimension_numbers = #tpu.dot_dimension_numbers<[1], [0], [0], [1], [0, 0, 1, 1], [], []>, transpose_lhs_hint = false} : vector<400x128xf32>, vector<128x128xf32>, vector<400x128xf32> -> vector<400x128xf32>
    %swap3A_40 = arith.constant 0 : index
    %swap3A_41 = arith.constant 0 : index
    %swap3A_42 = vector.load %arg16[%swap3A_40, %swap3A_41] : memref<400x128xf32, #tpu.memory_space<vmem>>, vector<400x128xf32>
    tpu.vector_store %arg16[%swap3A_40, %swap3A_41], %dot_general3A_39 {strides = array<i32>} : memref<400x128xf32, #tpu.memory_space<vmem>>, vector<400x128xf32>,
    %get3A_43 = arith.constant 0 : index
    %get3A_44 = arith.constant 0 : index
    %get3A_45 = vector.load %arg9[%get3A_43, %get3A_44] : memref<128x128xf32, #tpu.memory_space<vmem>>, vector<128x128xf32>
    %dot_general3A_46 = arith.constant dense<0.000000e+00> : vector<400x128xf32>
    %dot_general3A_47 = tpu.matmul %add3A_21, %get3A_45, %dot_general3A_46 {dimension_numbers = #tpu.dot_dimension_numbers<[1], [0], [0], [1], [0, 0, 1, 1], [], []>, transpose_lhs_hint = false} : vector<400x128xf32>, vector<128x128xf32>, vector<400x128xf32> -> vector<400x128xf32>
    %swap3A_48 = arith.constant 0 : index
    %swap3A_49 = arith.constant 0 : index
    %swap3A_50 = vector.load %arg17[%swap3A_48, %swap3A_49] : memref<400x128xf32, #tpu.memory_space<vmem>>, vector<400x128xf32>
    tpu.vector_store %arg17[%swap3A_48, %swap3A_49], %dot_general3A_47 {strides = array<i32>} : memref<400x128xf32, #tpu.memory_space<vmem>>, vector<400x128xf32>,
    %get3A_51 = arith.constant 0 : index
    %get3A_52 = arith.constant 0 : index
    %get3A_53 = vector.load %arg10[%get3A_51, %get3A_52] : memref<128x128xf32, #tpu.memory_space<vmem>>, vector<128x128xf32>
    %dot_general3A_54 = arith.constant dense<0.000000e+00> : vector<400x128xf32>
    %dot_general3A_55 = tpu.matmul %add3A_21, %get3A_53, %dot_general3A_54 {dimension_numbers = #tpu.dot_dimension_numbers<[1], [0], [0], [1], [0, 0, 1, 1], [], []>, transpose_lhs_hint = false} : vector<400x128xf32>, vector<128x128xf32>, vector<400x128xf32> -> vector<400x128xf32>
    %swap3A_56 = arith.constant 0 : index
    %swap3A_57 = arith.constant 0 : index
    %swap3A_58 = vector.load %arg18[%swap3A_56, %swap3A_57] : memref<400x128xf32, #tpu.memory_space<vmem>>, vector<400x128xf32>
    tpu.vector_store %arg18[%swap3A_56, %swap3A_57], %dot_general3A_55 {strides = array<i32>} : memref<400x128xf32, #tpu.memory_space<vmem>>, vector<400x128xf32>,
    %get3A_59 = arith.constant 0 : index
    %get3A_60 = arith.constant 0 : index
    %get3A_61 = vector.load %arg11[%get3A_59, %get3A_60] : memref<128x128xf32, #tpu.memory_space<vmem>>, vector<128x128xf32>
    %dot_general3A_62 = arith.constant dense<0.000000e+00> : vector<400x128xf32>
    %dot_general3A_63 = tpu.matmul %add3A_8, %get3A_61, %dot_general3A_62 {dimension_numbers = #tpu.dot_dimension_numbers<[1], [0], [0], [1], [0, 0, 1, 1], [], []>, transpose_lhs_hint = false} : vector<400x128xf32>, vector<128x128xf32>, vector<400x128xf32> -> vector<400x128xf32>
    %swap3A_64 = arith.constant 0 : index
    %swap3A_65 = arith.constant 0 : index
    %swap3A_66 = vector.load %arg19[%swap3A_64, %swap3A_65] : memref<400x128xf32, #tpu.memory_space<vmem>>, vector<400x128xf32>
    tpu.vector_store %arg19[%swap3A_64, %swap3A_65], %dot_general3A_63 {strides = array<i32>} : memref<400x128xf32, #tpu.memory_space<vmem>>, vector<400x128xf32>,
    %get3A_67 = arith.constant 0 : index
    %get3A_68 = arith.constant 0 : index
    %get3A_69 = vector.load %arg12[%get3A_67, %get3A_68] : memref<128x128xf32, #tpu.memory_space<vmem>>, vector<128x128xf32>
    %dot_general3A_70 = arith.constant dense<0.000000e+00> : vector<400x128xf32>
    %dot_general3A_71 = tpu.matmul %add3A_8, %get3A_69, %dot_general3A_70 {dimension_numbers = #tpu.dot_dimension_numbers<[1], [0], [0], [1], [0, 0, 1, 1], [], []>, transpose_lhs_hint = false} : vector<400x128xf32>, vector<128x128xf32>, vector<400x128xf32> -> vector<400x128xf32>
    %swap3A_72 = arith.constant 0 : index
    %swap3A_73 = arith.constant 0 : index
    %swap3A_74 = vector.load %arg20[%swap3A_72, %swap3A_73] : memref<400x128xf32, #tpu.memory_space<vmem>>, vector<400x128xf32>
    tpu.vector_store %arg20[%swap3A_72, %swap3A_73], %dot_general3A_71 {strides = array<i32>} : memref<400x128xf32, #tpu.memory_space<vmem>>, vector<400x128xf32>,
    return
  }
  func.func @transform_0(%arg0: i32) -> (i32, i32) {
    %c0_i32 = arith.constant 0 : i32
    %c0_i32_0 = arith.constant 0 : i32
    return %arg0, %c0_i32 : i32, i32
  }
  func.func @transform_1(%arg0: i32) -> (i32, i32) {
    %c0_i32 = arith.constant 0 : i32
    %c0_i32_0 = arith.constant 0 : i32
    return %arg0, %c0_i32 : i32, i32
  }
  func.func @transform_2(%arg0: i32) -> (i32, i32) {
    %c0_i32 = arith.constant 0 : i32
    %c0_i32_0 = arith.constant 0 : i32
    %c0_i32_1 = arith.constant 0 : i32
    return %c0_i32, %c0_i32_0 : i32, i32
  }
  func.func @transform_3(%arg0: i32) -> i32 {
    %c0_i32 = arith.constant 0 : i32
    %c0_i32_0 = arith.constant 0 : i32
    return %c0_i32 : i32
  }
  func.func @transform_4(%arg0: i32) -> (i32, i32) {
    %c0_i32 = arith.constant 0 : i32
    %c0_i32_0 = arith.constant 0 : i32
    %c0_i32_1 = arith.constant 0 : i32
    return %c0_i32, %c0_i32_0 : i32, i32
  }
  func.func @transform_5(%arg0: i32) -> i32 {
    %c0_i32 = arith.constant 0 : i32
    %c0_i32_0 = arith.constant 0 : i32
    return %c0_i32 : i32
  }
  func.func @transform_6(%arg0: i32) -> (i32, i32) {
    %c0_i32 = arith.constant 0 : i32
    %c0_i32_0 = arith.constant 0 : i32
    %c0_i32_1 = arith.constant 0 : i32
    return %c0_i32, %c0_i32_0 : i32, i32
  }
  func.func @transform_7(%arg0: i32) -> (i32, i32) {
    %c0_i32 = arith.constant 0 : i32
    %c0_i32_0 = arith.constant 0 : i32
    %c0_i32_1 = arith.constant 0 : i32
    return %c0_i32, %c0_i32_0 : i32, i32
  }
  func.func @transform_8(%arg0: i32) -> (i32, i32) {
    %c0_i32 = arith.constant 0 : i32
    %c0_i32_0 = arith.constant 0 : i32
    %c0_i32_1 = arith.constant 0 : i32
    return %c0_i32, %c0_i32_0 : i32, i32
  }
  func.func @transform_9(%arg0: i32) -> (i32, i32) {
    %c0_i32 = arith.constant 0 : i32
    %c0_i32_0 = arith.constant 0 : i32
    %c0_i32_1 = arith.constant 0 : i32
    return %c0_i32, %c0_i32_0 : i32, i32
  }
  func.func @transform_10(%arg0: i32) -> (i32, i32) {
    %c0_i32 = arith.constant 0 : i32
    %c0_i32_0 = arith.constant 0 : i32
    %c0_i32_1 = arith.constant 0 : i32
    return %c0_i32, %c0_i32_0 : i32, i32
  }
  func.func @transform_11(%arg0: i32) -> (i32, i32) {
    %c0_i32 = arith.constant 0 : i32
    %c0_i32_0 = arith.constant 0 : i32
    %c0_i32_1 = arith.constant 0 : i32
    return %c0_i32, %c0_i32_0 : i32, i32
  }
  func.func @transform_12(%arg0: i32) -> (i32, i32) {
    %c0_i32 = arith.constant 0 : i32
    %c0_i32_0 = arith.constant 0 : i32
    return %arg0, %c0_i32 : i32, i32
  }
  func.func @transform_13(%arg0: i32) -> (i32, i32) {
    %c0_i32 = arith.constant 0 : i32
    %c0_i32_0 = arith.constant 0 : i32
    return %arg0, %c0_i32 : i32, i32
  }
  func.func @transform_14(%arg0: i32) -> (i32, i32) {
    %c0_i32 = arith.constant 0 : i32
    %c0_i32_0 = arith.constant 0 : i32
    return %arg0, %c0_i32 : i32, i32
  }
  func.func @transform_15(%arg0: i32) -> (i32, i32) {
    %c0_i32 = arith.constant 0 : i32
    %c0_i32_0 = arith.constant 0 : i32
    return %arg0, %c0_i32 : i32, i32
  }
  func.func @transform_16(%arg0: i32) -> (i32, i32) {
    %c0_i32 = arith.constant 0 : i32
    %c0_i32_0 = arith.constant 0 : i32
    return %arg0, %c0_i32 : i32, i32
  }
  func.func @transform_17(%arg0: i32) -> (i32, i32) {
    %c0_i32 = arith.constant 0 : i32
    %c0_i32_0 = arith.constant 0 : i32
    return %arg0, %c0_i32 : i32, i32
  }
  func.func @transform_18(%arg0: i32) -> (i32, i32) {
    %c0_i32 = arith.constant 0 : i32
    %c0_i32_0 = arith.constant 0 : i32
    return %arg0, %c0_i32 : i32, i32
  }
  func.func @transform_19(%arg0: i32) -> (i32, i32) {
    %c0_i32 = arith.constant 0 : i32
    %c0_i32_0 = arith.constant 0 : i32
    return %arg0, %c0_i32 : i32, i32
  }
}

module attributes {stable_mosaic.version = 14 : i64} {
  func.func @_tc_mid_body(%arg0: i32, %arg1: memref<400x128xf32, #tpu.memory_space<vmem>>, %arg2: memref<400x128xf32, #tpu.memory_space<vmem>>, %arg3: memref<2x400x128xf32, #tpu.memory_space<vmem>>, %arg4: memref<2x400x16xf32, #tpu.memory_space<vmem>>, %arg5: memref<2x400x128xf32, #tpu.memory_space<vmem>>, %arg6: memref<2x400x16xf32, #tpu.memory_space<vmem>>, %arg7: memref<128xf32, #tpu.memory_space<vmem>>, %arg8: memref<128xf32, #tpu.memory_space<vmem>>, %arg9: memref<128x128xf32, #tpu.memory_space<vmem>>, %arg10: memref<128x128xf32, #tpu.memory_space<vmem>>, %arg11: memref<128x128xf32, #tpu.memory_space<vmem>>, %arg12: memref<400x128xf32, #tpu.memory_space<vmem>>, %arg13: memref<400x128xf32, #tpu.memory_space<vmem>>, %arg14: memref<400x128xf32, #tpu.memory_space<vmem>>, %arg15: memref<400x128xf32, #tpu.memory_space<vmem>>) attributes {dimension_semantics = [#tpu.dimension_semantics<arbitrary>], iteration_bounds = array<i64: 25>, scalar_prefetch = 0 : i64, scratch_operands = 0 : i64, tpu.core_type = #tpu.core_type<tc>, window_params = [{transform_indices = @transform_0, window_bounds = array<i64: 400, 128>}, {transform_indices = @transform_1, window_bounds = array<i64: 400, 128>}, {transform_indices = @transform_2, window_bounds = array<i64: 2, 400, 128>}, {transform_indices = @transform_3, window_bounds = array<i64: 2, 400, 16>}, {transform_indices = @transform_4, window_bounds = array<i64: 2, 400, 128>}, {transform_indices = @transform_5, window_bounds = array<i64: 2, 400, 16>}, {pipeline_mode = #tpu.pipeline_mode<synchronous>, transform_indices = @transform_6, window_bounds = array<i64: 128>}, {pipeline_mode = #tpu.pipeline_mode<synchronous>, transform_indices = @transform_7, window_bounds = array<i64: 128>}, {pipeline_mode = #tpu.pipeline_mode<synchronous>, transform_indices = @transform_8, window_bounds = array<i64: 128, 128>}, {pipeline_mode = #tpu.pipeline_mode<synchronous>, transform_indices = @transform_9, window_bounds = array<i64: 128, 128>}, {pipeline_mode = #tpu.pipeline_mode<synchronous>, transform_indices = @transform_10, window_bounds = array<i64: 128, 128>}, {transform_indices = @transform_11, window_bounds = array<i64: 400, 128>}, {transform_indices = @transform_12, window_bounds = array<i64: 400, 128>}, {transform_indices = @transform_13, window_bounds = array<i64: 400, 128>}, {transform_indices = @transform_14, window_bounds = array<i64: 400, 128>}]} {
    %get3A = arith.constant 0 : index
    %get3A_0 = arith.constant 0 : index
    %get3A_1 = vector.load %arg1[%get3A, %get3A_0] : memref<400x128xf32, #tpu.memory_space<vmem>>, vector<400x128xf32>
    %get3A_2 = arith.constant 0 : index
    %get3A_3 = arith.constant 0 : index
    %get3A_4 = vector.load %arg2[%get3A_2, %get3A_3] : memref<400x128xf32, #tpu.memory_space<vmem>>, vector<400x128xf32>
    %get3A_5 = arith.constant 0 : index
    %get3A_6 = arith.constant 0 : index
    %get3A_7 = arith.constant 0 : index
    %get3A_8 = vector.load %arg3[%get3A_5, %get3A_6, %get3A_7] : memref<2x400x128xf32, #tpu.memory_space<vmem>>, vector<2x400x128xf32>
    %get3A_9 = arith.constant 0 : index
    %get3A_10 = arith.constant 0 : index
    %get3A_11 = arith.constant 0 : index
    %get3A_12 = vector.load %arg4[%get3A_9, %get3A_10, %get3A_11] : memref<2x400x16xf32, #tpu.memory_space<vmem>>, vector<2x400x16xf32>
    %get3A_13 = arith.constant 0 : index
    %get3A_14 = vector.load %arg7[%get3A_13] : memref<128xf32, #tpu.memory_space<vmem>>, vector<128xf32>
    %iota3A = tpu.iota {dimensions = array<i32: 0>} : vector<128x8xi32>
    %jit3A = arith.constant 16 : i32
    %div3A = vector.broadcast %jit3A : i32 to vector<128x8xi32>
    %div3A_15 = arith.divsi %iota3A, %div3A : vector<128x8xi32>
    %sign3A = arith.constant 0 : i32
    %sign3A_16 = vector.broadcast %sign3A : i32 to vector<128x8xi32>
    %sign3A_17 = arith.cmpi sgt, %iota3A, %sign3A_16 : vector<128x8xi32>
    %sign3A_18 = arith.extui %sign3A_17 : vector<128x8xi1> to vector<128x8xi32>
    %sign3A_19 = arith.constant 0 : i32
    %sign3A_20 = vector.broadcast %sign3A_19 : i32 to vector<128x8xi32>
    %sign3A_21 = arith.cmpi slt, %iota3A, %sign3A_20 : vector<128x8xi32>
    %sign3A_22 = arith.extui %sign3A_21 : vector<128x8xi1> to vector<128x8xi32>
    %sign3A_23 = arith.subi %sign3A_18, %sign3A_22 : vector<128x8xi32>
    %sign3A_24 = arith.constant 0 : i32
    %sign3A_25 = arith.cmpi sgt, %jit3A, %sign3A_24 : i32
    %sign3A_26 = arith.extui %sign3A_25 : i1 to i32
    %sign3A_27 = arith.constant 0 : i32
    %sign3A_28 = arith.cmpi slt, %jit3A, %sign3A_27 : i32
    %sign3A_29 = arith.extui %sign3A_28 : i1 to i32
    %sign3A_30 = arith.subi %sign3A_26, %sign3A_29 : i32
    %ne3A = vector.broadcast %sign3A_30 : i32 to vector<128x8xi32>
    %ne3A_31 = arith.cmpi ne, %sign3A_23, %ne3A : vector<128x8xi32>
    %rem3A = vector.broadcast %jit3A : i32 to vector<128x8xi32>
    %rem3A_32 = arith.remsi %iota3A, %rem3A : vector<128x8xi32>
    %ne3A_33 = arith.constant 0 : i32
    %ne3A_34 = vector.broadcast %ne3A_33 : i32 to vector<128x8xi32>
    %ne3A_35 = arith.cmpi ne, %rem3A_32, %ne3A_34 : vector<128x8xi32>
    %and3A = arith.andi %ne3A_31, %ne3A_35 : vector<128x8xi1>
    %sub3A = arith.constant 1 : i32
    %sub3A_36 = vector.broadcast %sub3A : i32 to vector<128x8xi32>
    %sub3A_37 = arith.subi %div3A_15, %sub3A_36 : vector<128x8xi32>
    %select_n3A = arith.select %and3A, %sub3A_37, %div3A_15 : vector<128x8xi1>, vector<128x8xi32>
    %iota3A_38 = tpu.iota {dimensions = array<i32: 1>} : vector<128x8xi32>
    %eq3A = arith.cmpi eq, %select_n3A, %iota3A_38 : vector<128x8xi32>
    %convert_element_type3A = arith.extui %eq3A : vector<128x8xi1> to vector<128x8xi32>
    %convert_element_type3A_39 = arith.sitofp %convert_element_type3A : vector<128x8xi32> to vector<128x8xf32>
    %slice3A = vector.extract_strided_slice %get3A_8 {offsets = [0, 0, 0], sizes = [1, 400, 128], strides = [1, 1, 1]} : vector<2x400x128xf32> to vector<1x400x128xf32>
    %squeeze3A = vector.shape_cast %slice3A : vector<1x400x128xf32> to vector<400x128xf32>
    %slice3A_40 = vector.extract_strided_slice %get3A_8 {offsets = [1, 0, 0], sizes = [1, 400, 128], strides = [1, 1, 1]} : vector<2x400x128xf32> to vector<1x400x128xf32>
    %squeeze3A_41 = vector.shape_cast %slice3A_40 : vector<1x400x128xf32> to vector<400x128xf32>
    %add3A = arith.addf %squeeze3A, %squeeze3A_41 : vector<400x128xf32>
    %slice3A_42 = vector.extract_strided_slice %get3A_12 {offsets = [0, 0, 0], sizes = [1, 400, 8], strides = [1, 1, 1]} : vector<2x400x16xf32> to vector<1x400x8xf32>
    %squeeze3A_43 = vector.shape_cast %slice3A_42 : vector<1x400x8xf32> to vector<400x8xf32>
    %slice3A_44 = vector.extract_strided_slice %get3A_12 {offsets = [1, 0, 0], sizes = [1, 400, 8], strides = [1, 1, 1]} : vector<2x400x16xf32> to vector<1x400x8xf32>
    %squeeze3A_45 = vector.shape_cast %slice3A_44 : vector<1x400x8xf32> to vector<400x8xf32>
    %add3A_46 = arith.addf %squeeze3A_43, %squeeze3A_45 : vector<400x8xf32>
    %transpose3A = tpu.transpose %convert_element_type3A_39, [1, 0] : vector<128x8xf32> -> vector<8x128xf32>
    %dot_general3A = arith.constant dense<0.000000e+00> : vector<400x128xf32>
    %dot_general3A_47 = tpu.matmul %add3A_46, %transpose3A, %dot_general3A {dimension_numbers = #tpu.dot_dimension_numbers<[1], [0], [0], [1], [0, 0, 1, 1], [], []>, transpose_lhs_hint = false} : vector<400x8xf32>, vector<8x128xf32>, vector<400x128xf32> -> vector<400x128xf32>
    %add3A_48 = arith.constant 9.99999971E-10 : f32
    %add3A_49 = vector.broadcast %add3A_48 : f32 to vector<400x128xf32>
    %add3A_50 = arith.addf %dot_general3A_47, %add3A_49 : vector<400x128xf32>
    %div3A_51 = arith.divf %add3A, %add3A_50 : vector<400x128xf32>
    %broadcast_in_dim3A = vector.shape_cast %get3A_14 : vector<128xf32> to vector<1x128xf32>
    %add3A_52 = vector.broadcast %broadcast_in_dim3A : vector<1x128xf32> to vector<400x128xf32>
    %add3A_53 = arith.addf %div3A_51, %add3A_52 : vector<400x128xf32>
    %max3A = arith.constant 0.000000e+00 : f32
    %max3A_54 = vector.broadcast %max3A : f32 to vector<400x128xf32>
    %max3A_55 = arith.maximumf %add3A_53, %max3A_54 : vector<400x128xf32>
    %get3A_56 = arith.constant 0 : index
    %get3A_57 = arith.constant 0 : index
    %get3A_58 = arith.constant 0 : index
    %get3A_59 = vector.load %arg5[%get3A_56, %get3A_57, %get3A_58] : memref<2x400x128xf32, #tpu.memory_space<vmem>>, vector<2x400x128xf32>
    %get3A_60 = arith.constant 0 : index
    %get3A_61 = arith.constant 0 : index
    %get3A_62 = arith.constant 0 : index
    %get3A_63 = vector.load %arg6[%get3A_60, %get3A_61, %get3A_62] : memref<2x400x16xf32, #tpu.memory_space<vmem>>, vector<2x400x16xf32>
    %get3A_64 = arith.constant 0 : index
    %get3A_65 = vector.load %arg8[%get3A_64] : memref<128xf32, #tpu.memory_space<vmem>>, vector<128xf32>
    %iota3A_66 = tpu.iota {dimensions = array<i32: 0>} : vector<128x8xi32>
    %jit3A_67 = arith.constant 16 : i32
    %div3A_68 = vector.broadcast %jit3A_67 : i32 to vector<128x8xi32>
    %div3A_69 = arith.divsi %iota3A_66, %div3A_68 : vector<128x8xi32>
    %sign3A_70 = arith.constant 0 : i32
    %sign3A_71 = vector.broadcast %sign3A_70 : i32 to vector<128x8xi32>
    %sign3A_72 = arith.cmpi sgt, %iota3A_66, %sign3A_71 : vector<128x8xi32>
    %sign3A_73 = arith.extui %sign3A_72 : vector<128x8xi1> to vector<128x8xi32>
    %sign3A_74 = arith.constant 0 : i32
    %sign3A_75 = vector.broadcast %sign3A_74 : i32 to vector<128x8xi32>
    %sign3A_76 = arith.cmpi slt, %iota3A_66, %sign3A_75 : vector<128x8xi32>
    %sign3A_77 = arith.extui %sign3A_76 : vector<128x8xi1> to vector<128x8xi32>
    %sign3A_78 = arith.subi %sign3A_73, %sign3A_77 : vector<128x8xi32>
    %sign3A_79 = arith.constant 0 : i32
    %sign3A_80 = arith.cmpi sgt, %jit3A_67, %sign3A_79 : i32
    %sign3A_81 = arith.extui %sign3A_80 : i1 to i32
    %sign3A_82 = arith.constant 0 : i32
    %sign3A_83 = arith.cmpi slt, %jit3A_67, %sign3A_82 : i32
    %sign3A_84 = arith.extui %sign3A_83 : i1 to i32
    %sign3A_85 = arith.subi %sign3A_81, %sign3A_84 : i32
    %ne3A_86 = vector.broadcast %sign3A_85 : i32 to vector<128x8xi32>
    %ne3A_87 = arith.cmpi ne, %sign3A_78, %ne3A_86 : vector<128x8xi32>
    %rem3A_88 = vector.broadcast %jit3A_67 : i32 to vector<128x8xi32>
    %rem3A_89 = arith.remsi %iota3A_66, %rem3A_88 : vector<128x8xi32>
    %ne3A_90 = arith.constant 0 : i32
    %ne3A_91 = vector.broadcast %ne3A_90 : i32 to vector<128x8xi32>
    %ne3A_92 = arith.cmpi ne, %rem3A_89, %ne3A_91 : vector<128x8xi32>
    %and3A_93 = arith.andi %ne3A_87, %ne3A_92 : vector<128x8xi1>
    %sub3A_94 = arith.constant 1 : i32
    %sub3A_95 = vector.broadcast %sub3A_94 : i32 to vector<128x8xi32>
    %sub3A_96 = arith.subi %div3A_69, %sub3A_95 : vector<128x8xi32>
    %select_n3A_97 = arith.select %and3A_93, %sub3A_96, %div3A_69 : vector<128x8xi1>, vector<128x8xi32>
    %iota3A_98 = tpu.iota {dimensions = array<i32: 1>} : vector<128x8xi32>
    %eq3A_99 = arith.cmpi eq, %select_n3A_97, %iota3A_98 : vector<128x8xi32>
    %convert_element_type3A_100 = arith.extui %eq3A_99 : vector<128x8xi1> to vector<128x8xi32>
    %convert_element_type3A_101 = arith.sitofp %convert_element_type3A_100 : vector<128x8xi32> to vector<128x8xf32>
    %slice3A_102 = vector.extract_strided_slice %get3A_59 {offsets = [0, 0, 0], sizes = [1, 400, 128], strides = [1, 1, 1]} : vector<2x400x128xf32> to vector<1x400x128xf32>
    %squeeze3A_103 = vector.shape_cast %slice3A_102 : vector<1x400x128xf32> to vector<400x128xf32>
    %slice3A_104 = vector.extract_strided_slice %get3A_59 {offsets = [1, 0, 0], sizes = [1, 400, 128], strides = [1, 1, 1]} : vector<2x400x128xf32> to vector<1x400x128xf32>
    %squeeze3A_105 = vector.shape_cast %slice3A_104 : vector<1x400x128xf32> to vector<400x128xf32>
    %add3A_106 = arith.addf %squeeze3A_103, %squeeze3A_105 : vector<400x128xf32>
    %slice3A_107 = vector.extract_strided_slice %get3A_63 {offsets = [0, 0, 0], sizes = [1, 400, 8], strides = [1, 1, 1]} : vector<2x400x16xf32> to vector<1x400x8xf32>
    %squeeze3A_108 = vector.shape_cast %slice3A_107 : vector<1x400x8xf32> to vector<400x8xf32>
    %slice3A_109 = vector.extract_strided_slice %get3A_63 {offsets = [1, 0, 0], sizes = [1, 400, 8], strides = [1, 1, 1]} : vector<2x400x16xf32> to vector<1x400x8xf32>
    %squeeze3A_110 = vector.shape_cast %slice3A_109 : vector<1x400x8xf32> to vector<400x8xf32>
    %add3A_111 = arith.addf %squeeze3A_108, %squeeze3A_110 : vector<400x8xf32>
    %transpose3A_112 = tpu.transpose %convert_element_type3A_101, [1, 0] : vector<128x8xf32> -> vector<8x128xf32>
    %dot_general3A_113 = arith.constant dense<0.000000e+00> : vector<400x128xf32>
    %dot_general3A_114 = tpu.matmul %add3A_111, %transpose3A_112, %dot_general3A_113 {dimension_numbers = #tpu.dot_dimension_numbers<[1], [0], [0], [1], [0, 0, 1, 1], [], []>, transpose_lhs_hint = false} : vector<400x8xf32>, vector<8x128xf32>, vector<400x128xf32> -> vector<400x128xf32>
    %add3A_115 = arith.constant 9.99999971E-10 : f32
    %add3A_116 = vector.broadcast %add3A_115 : f32 to vector<400x128xf32>
    %add3A_117 = arith.addf %dot_general3A_114, %add3A_116 : vector<400x128xf32>
    %div3A_118 = arith.divf %add3A_106, %add3A_117 : vector<400x128xf32>
    %broadcast_in_dim3A_119 = vector.shape_cast %get3A_65 : vector<128xf32> to vector<1x128xf32>
    %add3A_120 = vector.broadcast %broadcast_in_dim3A_119 : vector<1x128xf32> to vector<400x128xf32>
    %add3A_121 = arith.addf %div3A_118, %add3A_120 : vector<400x128xf32>
    %max3A_122 = arith.constant 0.000000e+00 : f32
    %max3A_123 = vector.broadcast %max3A_122 : f32 to vector<400x128xf32>
    %max3A_124 = arith.maximumf %add3A_121, %max3A_123 : vector<400x128xf32>
    %swap3A = arith.constant 0 : index
    %swap3A_125 = arith.constant 0 : index
    %swap3A_126 = vector.load %arg12[%swap3A, %swap3A_125] : memref<400x128xf32, #tpu.memory_space<vmem>>, vector<400x128xf32>
    tpu.vector_store %arg12[%swap3A, %swap3A_125], %max3A_55 {strides = array<i32>} : memref<400x128xf32, #tpu.memory_space<vmem>>, vector<400x128xf32>,
    %add3A_127 = arith.addf %get3A_1, %max3A_55 : vector<400x128xf32>
    %mul3A = arith.constant 5.000000e-01 : f32
    %mul3A_128 = vector.broadcast %mul3A : f32 to vector<400x128xf32>
    %mul3A_129 = arith.mulf %add3A_127, %mul3A_128 : vector<400x128xf32>
    %add3A_130 = arith.addf %get3A_4, %max3A_124 : vector<400x128xf32>
    %mul3A_131 = arith.constant 5.000000e-01 : f32
    %mul3A_132 = vector.broadcast %mul3A_131 : f32 to vector<400x128xf32>
    %mul3A_133 = arith.mulf %add3A_130, %mul3A_132 : vector<400x128xf32>
    %get3A_134 = arith.constant 0 : index
    %get3A_135 = arith.constant 0 : index
    %get3A_136 = vector.load %arg9[%get3A_134, %get3A_135] : memref<128x128xf32, #tpu.memory_space<vmem>>, vector<128x128xf32>
    %dot_general3A_137 = arith.constant dense<0.000000e+00> : vector<400x128xf32>
    %dot_general3A_138 = tpu.matmul %mul3A_129, %get3A_136, %dot_general3A_137 {dimension_numbers = #tpu.dot_dimension_numbers<[1], [0], [0], [1], [0, 0, 1, 1], [], []>, transpose_lhs_hint = false} : vector<400x128xf32>, vector<128x128xf32>, vector<400x128xf32> -> vector<400x128xf32>
    %swap3A_139 = arith.constant 0 : index
    %swap3A_140 = arith.constant 0 : index
    %swap3A_141 = vector.load %arg13[%swap3A_139, %swap3A_140] : memref<400x128xf32, #tpu.memory_space<vmem>>, vector<400x128xf32>
    tpu.vector_store %arg13[%swap3A_139, %swap3A_140], %dot_general3A_138 {strides = array<i32>} : memref<400x128xf32, #tpu.memory_space<vmem>>, vector<400x128xf32>,
    %get3A_142 = arith.constant 0 : index
    %get3A_143 = arith.constant 0 : index
    %get3A_144 = vector.load %arg10[%get3A_142, %get3A_143] : memref<128x128xf32, #tpu.memory_space<vmem>>, vector<128x128xf32>
    %dot_general3A_145 = arith.constant dense<0.000000e+00> : vector<400x128xf32>
    %dot_general3A_146 = tpu.matmul %mul3A_133, %get3A_144, %dot_general3A_145 {dimension_numbers = #tpu.dot_dimension_numbers<[1], [0], [0], [1], [0, 0, 1, 1], [], []>, transpose_lhs_hint = false} : vector<400x128xf32>, vector<128x128xf32>, vector<400x128xf32> -> vector<400x128xf32>
    %swap3A_147 = arith.constant 0 : index
    %swap3A_148 = arith.constant 0 : index
    %swap3A_149 = vector.load %arg14[%swap3A_147, %swap3A_148] : memref<400x128xf32, #tpu.memory_space<vmem>>, vector<400x128xf32>
    tpu.vector_store %arg14[%swap3A_147, %swap3A_148], %dot_general3A_146 {strides = array<i32>} : memref<400x128xf32, #tpu.memory_space<vmem>>, vector<400x128xf32>,
    %get3A_150 = arith.constant 0 : index
    %get3A_151 = arith.constant 0 : index
    %get3A_152 = vector.load %arg11[%get3A_150, %get3A_151] : memref<128x128xf32, #tpu.memory_space<vmem>>, vector<128x128xf32>
    %dot_general3A_153 = arith.constant dense<0.000000e+00> : vector<400x128xf32>
    %dot_general3A_154 = tpu.matmul %mul3A_133, %get3A_152, %dot_general3A_153 {dimension_numbers = #tpu.dot_dimension_numbers<[1], [0], [0], [1], [0, 0, 1, 1], [], []>, transpose_lhs_hint = false} : vector<400x128xf32>, vector<128x128xf32>, vector<400x128xf32> -> vector<400x128xf32>
    %swap3A_155 = arith.constant 0 : index
    %swap3A_156 = arith.constant 0 : index
    %swap3A_157 = vector.load %arg15[%swap3A_155, %swap3A_156] : memref<400x128xf32, #tpu.memory_space<vmem>>, vector<400x128xf32>
    tpu.vector_store %arg15[%swap3A_155, %swap3A_156], %dot_general3A_154 {strides = array<i32>} : memref<400x128xf32, #tpu.memory_space<vmem>>, vector<400x128xf32>,
    return
  }
  func.func @transform_0(%arg0: i32) -> (i32, i32) {
    %c0_i32 = arith.constant 0 : i32
    %c0_i32_0 = arith.constant 0 : i32
    return %arg0, %c0_i32 : i32, i32
  }
  func.func @transform_1(%arg0: i32) -> (i32, i32) {
    %c0_i32 = arith.constant 0 : i32
    %c0_i32_0 = arith.constant 0 : i32
    return %arg0, %c0_i32 : i32, i32
  }
  func.func @transform_2(%arg0: i32) -> (i32, i32, i32) {
    %c0_i32 = arith.constant 0 : i32
    %c0_i32_0 = arith.constant 0 : i32
    %c0_i32_1 = arith.constant 0 : i32
    return %c0_i32, %arg0, %c0_i32_0 : i32, i32, i32
  }
  func.func @transform_3(%arg0: i32) -> (i32, i32, i32) {
    %c0_i32 = arith.constant 0 : i32
    %c0_i32_0 = arith.constant 0 : i32
    %c0_i32_1 = arith.constant 0 : i32
    return %c0_i32, %arg0, %c0_i32_0 : i32, i32, i32
  }
  func.func @transform_4(%arg0: i32) -> (i32, i32, i32) {
    %c0_i32 = arith.constant 0 : i32
    %c0_i32_0 = arith.constant 0 : i32
    %c0_i32_1 = arith.constant 0 : i32
    return %c0_i32, %arg0, %c0_i32_0 : i32, i32, i32
  }
  func.func @transform_5(%arg0: i32) -> (i32, i32, i32) {
    %c0_i32 = arith.constant 0 : i32
    %c0_i32_0 = arith.constant 0 : i32
    %c0_i32_1 = arith.constant 0 : i32
    return %c0_i32, %arg0, %c0_i32_0 : i32, i32, i32
  }
  func.func @transform_6(%arg0: i32) -> i32 {
    %c0_i32 = arith.constant 0 : i32
    %c0_i32_0 = arith.constant 0 : i32
    return %c0_i32 : i32
  }
  func.func @transform_7(%arg0: i32) -> i32 {
    %c0_i32 = arith.constant 0 : i32
    %c0_i32_0 = arith.constant 0 : i32
    return %c0_i32 : i32
  }
  func.func @transform_8(%arg0: i32) -> (i32, i32) {
    %c0_i32 = arith.constant 0 : i32
    %c0_i32_0 = arith.constant 0 : i32
    %c0_i32_1 = arith.constant 0 : i32
    return %c0_i32, %c0_i32_0 : i32, i32
  }
  func.func @transform_9(%arg0: i32) -> (i32, i32) {
    %c0_i32 = arith.constant 0 : i32
    %c0_i32_0 = arith.constant 0 : i32
    %c0_i32_1 = arith.constant 0 : i32
    return %c0_i32, %c0_i32_0 : i32, i32
  }
  func.func @transform_10(%arg0: i32) -> (i32, i32) {
    %c0_i32 = arith.constant 0 : i32
    %c0_i32_0 = arith.constant 0 : i32
    %c0_i32_1 = arith.constant 0 : i32
    return %c0_i32, %c0_i32_0 : i32, i32
  }
  func.func @transform_11(%arg0: i32) -> (i32, i32) {
    %c0_i32 = arith.constant 0 : i32
    %c0_i32_0 = arith.constant 0 : i32
    return %arg0, %c0_i32 : i32, i32
  }
  func.func @transform_12(%arg0: i32) -> (i32, i32) {
    %c0_i32 = arith.constant 0 : i32
    %c0_i32_0 = arith.constant 0 : i32
    return %arg0, %c0_i32 : i32, i32
  }
  func.func @transform_13(%arg0: i32) -> (i32, i32) {
    %c0_i32 = arith.constant 0 : i32
    %c0_i32_0 = arith.constant 0 : i32
    return %arg0, %c0_i32 : i32, i32
  }
  func.func @transform_14(%arg0: i32) -> (i32, i32) {
    %c0_i32 = arith.constant 0 : i32
    %c0_i32_0 = arith.constant 0 : i32
    return %arg0, %c0_i32 : i32, i32
  }
}

module attributes {stable_mosaic.version = 14 : i64} {
  func.func @_tc_head_body(%arg0: i32, %arg1: memref<400x128xf32, #tpu.memory_space<vmem>>, %arg2: memref<400x128xf32, #tpu.memory_space<vmem>>, %arg3: memref<2x400x128xf32, #tpu.memory_space<vmem>>, %arg4: memref<2x400x16xf32, #tpu.memory_space<vmem>>, %arg5: memref<128xf32, #tpu.memory_space<vmem>>, %arg6: memref<128x128xf32, #tpu.memory_space<vmem>>, %arg7: memref<128x128xf32, #tpu.memory_space<vmem>>, %arg8: memref<128x128xf32, #tpu.memory_space<vmem>>, %arg9: memref<128x128xf32, #tpu.memory_space<vmem>>, %arg10: memref<128x128xf32, #tpu.memory_space<vmem>>, %arg11: memref<128x128xf32, #tpu.memory_space<vmem>>, %arg12: memref<128xf32, #tpu.memory_space<vmem>>, %arg13: memref<128xf32, #tpu.memory_space<vmem>>, %arg14: memref<128xf32, #tpu.memory_space<vmem>>, %arg15: memref<128xf32, #tpu.memory_space<vmem>>, %arg16: memref<128xf32, #tpu.memory_space<vmem>>, %arg17: memref<128xf32, #tpu.memory_space<vmem>>, %arg18: memref<128x2048xf32, #tpu.memory_space<vmem>>, %arg19: memref<2048xf32, #tpu.memory_space<vmem>>, %arg20: memref<2048x128xf32, #tpu.memory_space<vmem>>, %arg21: memref<128xf32, #tpu.memory_space<vmem>>, %arg22: memref<128x64xf32, #tpu.memory_space<vmem>>, %arg23: memref<64xf32, #tpu.memory_space<vmem>>, %arg24: memref<400x64xf32, #tpu.memory_space<vmem>>) attributes {dimension_semantics = [#tpu.dimension_semantics<arbitrary>], iteration_bounds = array<i64: 25>, scalar_prefetch = 0 : i64, scratch_operands = 0 : i64, tpu.core_type = #tpu.core_type<tc>, window_params = [{transform_indices = @transform_0, window_bounds = array<i64: 400, 128>}, {transform_indices = @transform_1, window_bounds = array<i64: 400, 128>}, {transform_indices = @transform_2, window_bounds = array<i64: 2, 400, 128>}, {transform_indices = @transform_3, window_bounds = array<i64: 2, 400, 16>}, {pipeline_mode = #tpu.pipeline_mode<synchronous>, transform_indices = @transform_4, window_bounds = array<i64: 128>}, {pipeline_mode = #tpu.pipeline_mode<synchronous>, transform_indices = @transform_5, window_bounds = array<i64: 128, 128>}, {pipeline_mode = #tpu.pipeline_mode<synchronous>, transform_indices = @transform_6, window_bounds = array<i64: 128, 128>}, {pipeline_mode = #tpu.pipeline_mode<synchronous>, transform_indices = @transform_7, window_bounds = array<i64: 128, 128>}, {pipeline_mode = #tpu.pipeline_mode<synchronous>, transform_indices = @transform_8, window_bounds = array<i64: 128, 128>}, {pipeline_mode = #tpu.pipeline_mode<synchronous>, transform_indices = @transform_9, window_bounds = array<i64: 128, 128>}, {pipeline_mode = #tpu.pipeline_mode<synchronous>, transform_indices = @transform_10, window_bounds = array<i64: 128, 128>}, {pipeline_mode = #tpu.pipeline_mode<synchronous>, transform_indices = @transform_11, window_bounds = array<i64: 128>}, {pipeline_mode = #tpu.pipeline_mode<synchronous>, transform_indices = @transform_12, window_bounds = array<i64: 128>}, {pipeline_mode = #tpu.pipeline_mode<synchronous>, transform_indices = @transform_13, window_bounds = array<i64: 128>}, {pipeline_mode = #tpu.pipeline_mode<synchronous>, transform_indices = @transform_14, window_bounds = array<i64: 128>}, {pipeline_mode = #tpu.pipeline_mode<synchronous>, transform_indices = @transform_15, window_bounds = array<i64: 128>}, {pipeline_mode = #tpu.pipeline_mode<synchronous>, transform_indices = @transform_16, window_bounds = array<i64: 128>}, {pipeline_mode = #tpu.pipeline_mode<synchronous>, transform_indices = @transform_17, window_bounds = array<i64: 128, 2048>}, {pipeline_mode = #tpu.pipeline_mode<synchronous>, transform_indices = @transform_18, window_bounds = array<i64: 2048>}, {pipeline_mode = #tpu.pipeline_mode<synchronous>, transform_indices = @transform_19, window_bounds = array<i64: 2048, 128>}, {pipeline_mode = #tpu.pipeline_mode<synchronous>, transform_indices = @transform_20, window_bounds = array<i64: 128>}, {pipeline_mode = #tpu.pipeline_mode<synchronous>, transform_indices = @transform_21, window_bounds = array<i64: 128, 64>}, {pipeline_mode = #tpu.pipeline_mode<synchronous>, transform_indices = @transform_22, window_bounds = array<i64: 64>}, {transform_indices = @transform_23, window_bounds = array<i64: 400, 64>}]} {
    %iota3A = tpu.iota {dimensions = array<i32: 0>} : vector<128x8xi32>
    %jit3A = arith.constant 16 : i32
    %div3A = vector.broadcast %jit3A : i32 to vector<128x8xi32>
    %div3A_0 = arith.divsi %iota3A, %div3A : vector<128x8xi32>
    %sign3A = arith.constant 0 : i32
    %sign3A_1 = vector.broadcast %sign3A : i32 to vector<128x8xi32>
    %sign3A_2 = arith.cmpi sgt, %iota3A, %sign3A_1 : vector<128x8xi32>
    %sign3A_3 = arith.extui %sign3A_2 : vector<128x8xi1> to vector<128x8xi32>
    %sign3A_4 = arith.constant 0 : i32
    %sign3A_5 = vector.broadcast %sign3A_4 : i32 to vector<128x8xi32>
    %sign3A_6 = arith.cmpi slt, %iota3A, %sign3A_5 : vector<128x8xi32>
    %sign3A_7 = arith.extui %sign3A_6 : vector<128x8xi1> to vector<128x8xi32>
    %sign3A_8 = arith.subi %sign3A_3, %sign3A_7 : vector<128x8xi32>
    %sign3A_9 = arith.constant 0 : i32
    %sign3A_10 = arith.cmpi sgt, %jit3A, %sign3A_9 : i32
    %sign3A_11 = arith.extui %sign3A_10 : i1 to i32
    %sign3A_12 = arith.constant 0 : i32
    %sign3A_13 = arith.cmpi slt, %jit3A, %sign3A_12 : i32
    %sign3A_14 = arith.extui %sign3A_13 : i1 to i32
    %sign3A_15 = arith.subi %sign3A_11, %sign3A_14 : i32
    %ne3A = vector.broadcast %sign3A_15 : i32 to vector<128x8xi32>
    %ne3A_16 = arith.cmpi ne, %sign3A_8, %ne3A : vector<128x8xi32>
    %rem3A = vector.broadcast %jit3A : i32 to vector<128x8xi32>
    %rem3A_17 = arith.remsi %iota3A, %rem3A : vector<128x8xi32>
    %ne3A_18 = arith.constant 0 : i32
    %ne3A_19 = vector.broadcast %ne3A_18 : i32 to vector<128x8xi32>
    %ne3A_20 = arith.cmpi ne, %rem3A_17, %ne3A_19 : vector<128x8xi32>
    %and3A = arith.andi %ne3A_16, %ne3A_20 : vector<128x8xi1>
    %sub3A = arith.constant 1 : i32
    %sub3A_21 = vector.broadcast %sub3A : i32 to vector<128x8xi32>
    %sub3A_22 = arith.subi %div3A_0, %sub3A_21 : vector<128x8xi32>
    %select_n3A = arith.select %and3A, %sub3A_22, %div3A_0 : vector<128x8xi1>, vector<128x8xi32>
    %iota3A_23 = tpu.iota {dimensions = array<i32: 1>} : vector<128x8xi32>
    %eq3A = arith.cmpi eq, %select_n3A, %iota3A_23 : vector<128x8xi32>
    %convert_element_type3A = arith.extui %eq3A : vector<128x8xi1> to vector<128x8xi32>
    %convert_element_type3A_24 = arith.sitofp %convert_element_type3A : vector<128x8xi32> to vector<128x8xf32>
    %get3A = arith.constant 0 : index
    %get3A_25 = arith.constant 0 : index
    %get3A_26 = vector.load %arg1[%get3A, %get3A_25] : memref<400x128xf32, #tpu.memory_space<vmem>>, vector<400x128xf32>
    %get3A_27 = arith.constant 0 : index
    %get3A_28 = arith.constant 0 : index
    %get3A_29 = vector.load %arg2[%get3A_27, %get3A_28] : memref<400x128xf32, #tpu.memory_space<vmem>>, vector<400x128xf32>
    %get3A_30 = arith.constant 0 : index
    %get3A_31 = arith.constant 0 : index
    %get3A_32 = arith.constant 0 : index
    %get3A_33 = vector.load %arg3[%get3A_30, %get3A_31, %get3A_32] : memref<2x400x128xf32, #tpu.memory_space<vmem>>, vector<2x400x128xf32>
    %get3A_34 = arith.constant 0 : index
    %get3A_35 = arith.constant 0 : index
    %get3A_36 = arith.constant 0 : index
    %get3A_37 = vector.load %arg4[%get3A_34, %get3A_35, %get3A_36] : memref<2x400x16xf32, #tpu.memory_space<vmem>>, vector<2x400x16xf32>
    %get3A_38 = arith.constant 0 : index
    %get3A_39 = vector.load %arg5[%get3A_38] : memref<128xf32, #tpu.memory_space<vmem>>, vector<128xf32>
    %iota3A_40 = tpu.iota {dimensions = array<i32: 0>} : vector<128x8xi32>
    %jit3A_41 = arith.constant 16 : i32
    %div3A_42 = vector.broadcast %jit3A_41 : i32 to vector<128x8xi32>
    %div3A_43 = arith.divsi %iota3A_40, %div3A_42 : vector<128x8xi32>
    %sign3A_44 = arith.constant 0 : i32
    %sign3A_45 = vector.broadcast %sign3A_44 : i32 to vector<128x8xi32>
    %sign3A_46 = arith.cmpi sgt, %iota3A_40, %sign3A_45 : vector<128x8xi32>
    %sign3A_47 = arith.extui %sign3A_46 : vector<128x8xi1> to vector<128x8xi32>
    %sign3A_48 = arith.constant 0 : i32
    %sign3A_49 = vector.broadcast %sign3A_48 : i32 to vector<128x8xi32>
    %sign3A_50 = arith.cmpi slt, %iota3A_40, %sign3A_49 : vector<128x8xi32>
    %sign3A_51 = arith.extui %sign3A_50 : vector<128x8xi1> to vector<128x8xi32>
    %sign3A_52 = arith.subi %sign3A_47, %sign3A_51 : vector<128x8xi32>
    %sign3A_53 = arith.constant 0 : i32
    %sign3A_54 = arith.cmpi sgt, %jit3A_41, %sign3A_53 : i32
    %sign3A_55 = arith.extui %sign3A_54 : i1 to i32
    %sign3A_56 = arith.constant 0 : i32
    %sign3A_57 = arith.cmpi slt, %jit3A_41, %sign3A_56 : i32
    %sign3A_58 = arith.extui %sign3A_57 : i1 to i32
    %sign3A_59 = arith.subi %sign3A_55, %sign3A_58 : i32
    %ne3A_60 = vector.broadcast %sign3A_59 : i32 to vector<128x8xi32>
    %ne3A_61 = arith.cmpi ne, %sign3A_52, %ne3A_60 : vector<128x8xi32>
    %rem3A_62 = vector.broadcast %jit3A_41 : i32 to vector<128x8xi32>
    %rem3A_63 = arith.remsi %iota3A_40, %rem3A_62 : vector<128x8xi32>
    %ne3A_64 = arith.constant 0 : i32
    %ne3A_65 = vector.broadcast %ne3A_64 : i32 to vector<128x8xi32>
    %ne3A_66 = arith.cmpi ne, %rem3A_63, %ne3A_65 : vector<128x8xi32>
    %and3A_67 = arith.andi %ne3A_61, %ne3A_66 : vector<128x8xi1>
    %sub3A_68 = arith.constant 1 : i32
    %sub3A_69 = vector.broadcast %sub3A_68 : i32 to vector<128x8xi32>
    %sub3A_70 = arith.subi %div3A_43, %sub3A_69 : vector<128x8xi32>
    %select_n3A_71 = arith.select %and3A_67, %sub3A_70, %div3A_43 : vector<128x8xi1>, vector<128x8xi32>
    %iota3A_72 = tpu.iota {dimensions = array<i32: 1>} : vector<128x8xi32>
    %eq3A_73 = arith.cmpi eq, %select_n3A_71, %iota3A_72 : vector<128x8xi32>
    %convert_element_type3A_74 = arith.extui %eq3A_73 : vector<128x8xi1> to vector<128x8xi32>
    %convert_element_type3A_75 = arith.sitofp %convert_element_type3A_74 : vector<128x8xi32> to vector<128x8xf32>
    %slice3A = vector.extract_strided_slice %get3A_33 {offsets = [0, 0, 0], sizes = [1, 400, 128], strides = [1, 1, 1]} : vector<2x400x128xf32> to vector<1x400x128xf32>
    %squeeze3A = vector.shape_cast %slice3A : vector<1x400x128xf32> to vector<400x128xf32>
    %slice3A_76 = vector.extract_strided_slice %get3A_33 {offsets = [1, 0, 0], sizes = [1, 400, 128], strides = [1, 1, 1]} : vector<2x400x128xf32> to vector<1x400x128xf32>
    %squeeze3A_77 = vector.shape_cast %slice3A_76 : vector<1x400x128xf32> to vector<400x128xf32>
    %add3A = arith.addf %squeeze3A, %squeeze3A_77 : vector<400x128xf32>
    %slice3A_78 = vector.extract_strided_slice %get3A_37 {offsets = [0, 0, 0], sizes = [1, 400, 8], strides = [1, 1, 1]} : vector<2x400x16xf32> to vector<1x400x8xf32>
    %squeeze3A_79 = vector.shape_cast %slice3A_78 : vector<1x400x8xf32> to vector<400x8xf32>
    %slice3A_80 = vector.extract_strided_slice %get3A_37 {offsets = [1, 0, 0], sizes = [1, 400, 8], strides = [1, 1, 1]} : vector<2x400x16xf32> to vector<1x400x8xf32>
    %squeeze3A_81 = vector.shape_cast %slice3A_80 : vector<1x400x8xf32> to vector<400x8xf32>
    %add3A_82 = arith.addf %squeeze3A_79, %squeeze3A_81 : vector<400x8xf32>
    %transpose3A = tpu.transpose %convert_element_type3A_75, [1, 0] : vector<128x8xf32> -> vector<8x128xf32>
    %dot_general3A = arith.constant dense<0.000000e+00> : vector<400x128xf32>
    %dot_general3A_83 = tpu.matmul %add3A_82, %transpose3A, %dot_general3A {dimension_numbers = #tpu.dot_dimension_numbers<[1], [0], [0], [1], [0, 0, 1, 1], [], []>, transpose_lhs_hint = false} : vector<400x8xf32>, vector<8x128xf32>, vector<400x128xf32> -> vector<400x128xf32>
    %add3A_84 = arith.constant 9.99999971E-10 : f32
    %add3A_85 = vector.broadcast %add3A_84 : f32 to vector<400x128xf32>
    %add3A_86 = arith.addf %dot_general3A_83, %add3A_85 : vector<400x128xf32>
    %div3A_87 = arith.divf %add3A, %add3A_86 : vector<400x128xf32>
    %broadcast_in_dim3A = vector.shape_cast %get3A_39 : vector<128xf32> to vector<1x128xf32>
    %add3A_88 = vector.broadcast %broadcast_in_dim3A : vector<1x128xf32> to vector<400x128xf32>
    %add3A_89 = arith.addf %div3A_87, %add3A_88 : vector<400x128xf32>
    %max3A = arith.constant 0.000000e+00 : f32
    %max3A_90 = vector.broadcast %max3A : f32 to vector<400x128xf32>
    %max3A_91 = arith.maximumf %add3A_89, %max3A_90 : vector<400x128xf32>
    %get3A_92 = arith.constant 0 : index
    %get3A_93 = arith.constant 0 : index
    %get3A_94 = vector.load %arg6[%get3A_92, %get3A_93] : memref<128x128xf32, #tpu.memory_space<vmem>>, vector<128x128xf32>
    %dot_general3A_95 = arith.constant dense<0.000000e+00> : vector<400x128xf32>
    %dot_general3A_96 = tpu.matmul %get3A_26, %get3A_94, %dot_general3A_95 {dimension_numbers = #tpu.dot_dimension_numbers<[1], [0], [0], [1], [0, 0, 1, 1], [], []>, transpose_lhs_hint = false} : vector<400x128xf32>, vector<128x128xf32>, vector<400x128xf32> -> vector<400x128xf32>
    %get3A_97 = arith.constant 0 : index
    %get3A_98 = arith.constant 0 : index
    %get3A_99 = vector.load %arg7[%get3A_97, %get3A_98] : memref<128x128xf32, #tpu.memory_space<vmem>>, vector<128x128xf32>
    %dot_general3A_100 = arith.constant dense<0.000000e+00> : vector<400x128xf32>
    %dot_general3A_101 = tpu.matmul %dot_general3A_96, %get3A_99, %dot_general3A_100 {dimension_numbers = #tpu.dot_dimension_numbers<[1], [0], [0], [1], [0, 0, 1, 1], [], []>, transpose_lhs_hint = false} : vector<400x128xf32>, vector<128x128xf32>, vector<400x128xf32> -> vector<400x128xf32>
    %add3A_102 = arith.addf %get3A_26, %dot_general3A_101 : vector<400x128xf32>
    %get3A_103 = arith.constant 0 : index
    %get3A_104 = vector.load %arg12[%get3A_103] : memref<128xf32, #tpu.memory_space<vmem>>, vector<128xf32>
    %get3A_105 = arith.constant 0 : index
    %get3A_106 = vector.load %arg13[%get3A_105] : memref<128xf32, #tpu.memory_space<vmem>>, vector<128xf32>
    %reduce_sum3A = arith.constant dense<0.000000e+00> : vector<400xf32>
    %reduce_sum3A_107 = vector.multi_reduction <add>, %add3A_102, %reduce_sum3A [1] : vector<400x128xf32> to vector<400xf32>
    %broadcast_in_dim3A_108 = vector.shape_cast %reduce_sum3A_107 : vector<400xf32> to vector<400x1xf32>
    %div3A_109 = arith.constant 1.280000e+02 : f32
    %div3A_110 = vector.broadcast %div3A_109 : f32 to vector<400x1xf32>
    %div3A_111 = arith.divf %broadcast_in_dim3A_108, %div3A_110 : vector<400x1xf32>
    %sub3A_112 = vector.broadcast %div3A_111 : vector<400x1xf32> to vector<400x128xf32>
    %sub3A_113 = arith.subf %add3A_102, %sub3A_112 : vector<400x128xf32>
    %integer_pow3A = arith.mulf %sub3A_113, %sub3A_113 : vector<400x128xf32>
    %reduce_sum3A_114 = arith.constant dense<0.000000e+00> : vector<400xf32>
    %reduce_sum3A_115 = vector.multi_reduction <add>, %integer_pow3A, %reduce_sum3A_114 [1] : vector<400x128xf32> to vector<400xf32>
    %broadcast_in_dim3A_116 = vector.shape_cast %reduce_sum3A_115 : vector<400xf32> to vector<400x1xf32>
    %div3A_117 = arith.constant 1.280000e+02 : f32
    %div3A_118 = vector.broadcast %div3A_117 : f32 to vector<400x1xf32>
    %div3A_119 = arith.divf %broadcast_in_dim3A_116, %div3A_118 : vector<400x1xf32>
    %sub3A_120 = vector.broadcast %div3A_111 : vector<400x1xf32> to vector<400x128xf32>
    %sub3A_121 = arith.subf %add3A_102, %sub3A_120 : vector<400x128xf32>
    %add3A_122 = arith.constant 9.99999974E-6 : f32
    %add3A_123 = vector.broadcast %add3A_122 : f32 to vector<400x1xf32>
    %add3A_124 = arith.addf %div3A_119, %add3A_123 : vector<400x1xf32>
    %sqrt3A = math.sqrt %add3A_124 : vector<400x1xf32>
    %div3A_125 = vector.broadcast %sqrt3A : vector<400x1xf32> to vector<400x128xf32>
    %div3A_126 = arith.divf %sub3A_121, %div3A_125 : vector<400x128xf32>
    %broadcast_in_dim3A_127 = vector.shape_cast %get3A_104 : vector<128xf32> to vector<1x128xf32>
    %mul3A = vector.broadcast %broadcast_in_dim3A_127 : vector<1x128xf32> to vector<400x128xf32>
    %mul3A_128 = arith.mulf %div3A_126, %mul3A : vector<400x128xf32>
    %broadcast_in_dim3A_129 = vector.shape_cast %get3A_106 : vector<128xf32> to vector<1x128xf32>
    %add3A_130 = vector.broadcast %broadcast_in_dim3A_129 : vector<1x128xf32> to vector<400x128xf32>
    %add3A_131 = arith.addf %mul3A_128, %add3A_130 : vector<400x128xf32>
    %get3A_132 = arith.constant 0 : index
    %get3A_133 = arith.constant 0 : index
    %get3A_134 = vector.load %arg8[%get3A_132, %get3A_133] : memref<128x128xf32, #tpu.memory_space<vmem>>, vector<128x128xf32>
    %dot_general3A_135 = arith.constant dense<0.000000e+00> : vector<400x128xf32>
    %dot_general3A_136 = tpu.matmul %add3A_131, %get3A_134, %dot_general3A_135 {dimension_numbers = #tpu.dot_dimension_numbers<[1], [0], [0], [1], [0, 0, 1, 1], [], []>, transpose_lhs_hint = false} : vector<400x128xf32>, vector<128x128xf32>, vector<400x128xf32> -> vector<400x128xf32>
    %get3A_137 = arith.constant 0 : index
    %get3A_138 = arith.constant 0 : index
    %get3A_139 = vector.load %arg9[%get3A_137, %get3A_138] : memref<128x128xf32, #tpu.memory_space<vmem>>, vector<128x128xf32>
    %dot_general3A_140 = arith.constant dense<0.000000e+00> : vector<400x128xf32>
    %dot_general3A_141 = tpu.matmul %get3A_26, %get3A_139, %dot_general3A_140 {dimension_numbers = #tpu.dot_dimension_numbers<[1], [0], [0], [1], [0, 0, 1, 1], [], []>, transpose_lhs_hint = false} : vector<400x128xf32>, vector<128x128xf32>, vector<400x128xf32> -> vector<400x128xf32>
    %get3A_142 = arith.constant 0 : index
    %get3A_143 = arith.constant 0 : index
    %get3A_144 = vector.load %arg10[%get3A_142, %get3A_143] : memref<128x128xf32, #tpu.memory_space<vmem>>, vector<128x128xf32>
    %dot_general3A_145 = arith.constant dense<0.000000e+00> : vector<400x128xf32>
    %dot_general3A_146 = tpu.matmul %get3A_26, %get3A_144, %dot_general3A_145 {dimension_numbers = #tpu.dot_dimension_numbers<[1], [0], [0], [1], [0, 0, 1, 1], [], []>, transpose_lhs_hint = false} : vector<400x128xf32>, vector<128x128xf32>, vector<400x128xf32> -> vector<400x128xf32>
    %mul3A_147 = arith.mulf %dot_general3A_136, %dot_general3A_141 : vector<400x128xf32>
    %dot_general3A_148 = arith.constant dense<0.000000e+00> : vector<400x8xf32>
    %dot_general3A_149 = tpu.matmul %mul3A_147, %convert_element_type3A_24, %dot_general3A_148 {dimension_numbers = #tpu.dot_dimension_numbers<[1], [0], [0], [1], [0, 0, 1, 1], [], []>, transpose_lhs_hint = false} : vector<400x128xf32>, vector<128x8xf32>, vector<400x8xf32> -> vector<400x8xf32>
    %mul3A_150 = arith.constant 2.500000e-01 : f32
    %mul3A_151 = vector.broadcast %mul3A_150 : f32 to vector<400x8xf32>
    %mul3A_152 = arith.mulf %dot_general3A_149, %mul3A_151 : vector<400x8xf32>
    %get3A_153 = arith.constant 0 : index
    %get3A_154 = arith.constant 0 : index
    %get3A_155 = vector.load %arg9[%get3A_153, %get3A_154] : memref<128x128xf32, #tpu.memory_space<vmem>>, vector<128x128xf32>
    %dot_general3A_156 = arith.constant dense<0.000000e+00> : vector<400x128xf32>
    %dot_general3A_157 = tpu.matmul %get3A_29, %get3A_155, %dot_general3A_156 {dimension_numbers = #tpu.dot_dimension_numbers<[1], [0], [0], [1], [0, 0, 1, 1], [], []>, transpose_lhs_hint = false} : vector<400x128xf32>, vector<128x128xf32>, vector<400x128xf32> -> vector<400x128xf32>
    %get3A_158 = arith.constant 0 : index
    %get3A_159 = arith.constant 0 : index
    %get3A_160 = vector.load %arg10[%get3A_158, %get3A_159] : memref<128x128xf32, #tpu.memory_space<vmem>>, vector<128x128xf32>
    %dot_general3A_161 = arith.constant dense<0.000000e+00> : vector<400x128xf32>
    %dot_general3A_162 = tpu.matmul %get3A_29, %get3A_160, %dot_general3A_161 {dimension_numbers = #tpu.dot_dimension_numbers<[1], [0], [0], [1], [0, 0, 1, 1], [], []>, transpose_lhs_hint = false} : vector<400x128xf32>, vector<128x128xf32>, vector<400x128xf32> -> vector<400x128xf32>
    %mul3A_163 = arith.mulf %dot_general3A_136, %dot_general3A_157 : vector<400x128xf32>
    %dot_general3A_164 = arith.constant dense<0.000000e+00> : vector<400x8xf32>
    %dot_general3A_165 = tpu.matmul %mul3A_163, %convert_element_type3A_24, %dot_general3A_164 {dimension_numbers = #tpu.dot_dimension_numbers<[1], [0], [0], [1], [0, 0, 1, 1], [], []>, transpose_lhs_hint = false} : vector<400x128xf32>, vector<128x8xf32>, vector<400x8xf32> -> vector<400x8xf32>
    %mul3A_166 = arith.constant 2.500000e-01 : f32
    %mul3A_167 = vector.broadcast %mul3A_166 : f32 to vector<400x8xf32>
    %mul3A_168 = arith.mulf %dot_general3A_165, %mul3A_167 : vector<400x8xf32>
    %get3A_169 = arith.constant 0 : index
    %get3A_170 = arith.constant 0 : index
    %get3A_171 = vector.load %arg9[%get3A_169, %get3A_170] : memref<128x128xf32, #tpu.memory_space<vmem>>, vector<128x128xf32>
    %dot_general3A_172 = arith.constant dense<0.000000e+00> : vector<400x128xf32>
    %dot_general3A_173 = tpu.matmul %max3A_91, %get3A_171, %dot_general3A_172 {dimension_numbers = #tpu.dot_dimension_numbers<[1], [0], [0], [1], [0, 0, 1, 1], [], []>, transpose_lhs_hint = false} : vector<400x128xf32>, vector<128x128xf32>, vector<400x128xf32> -> vector<400x128xf32>
    %get3A_174 = arith.constant 0 : index
    %get3A_175 = arith.constant 0 : index
    %get3A_176 = vector.load %arg10[%get3A_174, %get3A_175] : memref<128x128xf32, #tpu.memory_space<vmem>>, vector<128x128xf32>
    %dot_general3A_177 = arith.constant dense<0.000000e+00> : vector<400x128xf32>
    %dot_general3A_178 = tpu.matmul %max3A_91, %get3A_176, %dot_general3A_177 {dimension_numbers = #tpu.dot_dimension_numbers<[1], [0], [0], [1], [0, 0, 1, 1], [], []>, transpose_lhs_hint = false} : vector<400x128xf32>, vector<128x128xf32>, vector<400x128xf32> -> vector<400x128xf32>
    %mul3A_179 = arith.mulf %dot_general3A_136, %dot_general3A_173 : vector<400x128xf32>
    %dot_general3A_180 = arith.constant dense<0.000000e+00> : vector<400x8xf32>
    %dot_general3A_181 = tpu.matmul %mul3A_179, %convert_element_type3A_24, %dot_general3A_180 {dimension_numbers = #tpu.dot_dimension_numbers<[1], [0], [0], [1], [0, 0, 1, 1], [], []>, transpose_lhs_hint = false} : vector<400x128xf32>, vector<128x8xf32>, vector<400x8xf32> -> vector<400x8xf32>
    %mul3A_182 = arith.constant 2.500000e-01 : f32
    %mul3A_183 = vector.broadcast %mul3A_182 : f32 to vector<400x8xf32>
    %mul3A_184 = arith.mulf %dot_general3A_181, %mul3A_183 : vector<400x8xf32>
    %max3A_185 = arith.maximumf %mul3A_168, %mul3A_184 : vector<400x8xf32>
    %max3A_186 = arith.maximumf %mul3A_152, %max3A_185 : vector<400x8xf32>
    %sub3A_187 = arith.subf %mul3A_152, %max3A_186 : vector<400x8xf32>
    %exp3A = math.exp %sub3A_187 : vector<400x8xf32>
    %sub3A_188 = arith.subf %mul3A_168, %max3A_186 : vector<400x8xf32>
    %exp3A_189 = math.exp %sub3A_188 : vector<400x8xf32>
    %sub3A_190 = arith.subf %mul3A_184, %max3A_186 : vector<400x8xf32>
    %exp3A_191 = math.exp %sub3A_190 : vector<400x8xf32>
    %add3A_192 = arith.addf %exp3A, %exp3A_189 : vector<400x8xf32>
    %add3A_193 = arith.addf %add3A_192, %exp3A_191 : vector<400x8xf32>
    %div3A_194 = arith.divf %exp3A, %add3A_193 : vector<400x8xf32>
    %transpose3A_195 = tpu.transpose %convert_element_type3A_24, [1, 0] : vector<128x8xf32> -> vector<8x128xf32>
    %dot_general3A_196 = arith.constant dense<0.000000e+00> : vector<400x128xf32>
    %dot_general3A_197 = tpu.matmul %div3A_194, %transpose3A_195, %dot_general3A_196 {dimension_numbers = #tpu.dot_dimension_numbers<[1], [0], [0], [1], [0, 0, 1, 1], [], []>, transpose_lhs_hint = false} : vector<400x8xf32>, vector<8x128xf32>, vector<400x128xf32> -> vector<400x128xf32>
    %mul3A_198 = arith.mulf %dot_general3A_197, %dot_general3A_146 : vector<400x128xf32>
    %add3A_199 = arith.constant 0.000000e+00 : f32
    %add3A_200 = vector.broadcast %add3A_199 : f32 to vector<400x128xf32>
    %add3A_201 = arith.addf %add3A_200, %mul3A_198 : vector<400x128xf32>
    %div3A_202 = arith.divf %exp3A_189, %add3A_193 : vector<400x8xf32>
    %transpose3A_203 = tpu.transpose %convert_element_type3A_24, [1, 0] : vector<128x8xf32> -> vector<8x128xf32>
    %dot_general3A_204 = arith.constant dense<0.000000e+00> : vector<400x128xf32>
    %dot_general3A_205 = tpu.matmul %div3A_202, %transpose3A_203, %dot_general3A_204 {dimension_numbers = #tpu.dot_dimension_numbers<[1], [0], [0], [1], [0, 0, 1, 1], [], []>, transpose_lhs_hint = false} : vector<400x8xf32>, vector<8x128xf32>, vector<400x128xf32> -> vector<400x128xf32>
    %mul3A_206 = arith.mulf %dot_general3A_205, %dot_general3A_162 : vector<400x128xf32>
    %add3A_207 = arith.addf %add3A_201, %mul3A_206 : vector<400x128xf32>
    %div3A_208 = arith.divf %exp3A_191, %add3A_193 : vector<400x8xf32>
    %transpose3A_209 = tpu.transpose %convert_element_type3A_24, [1, 0] : vector<128x8xf32> -> vector<8x128xf32>
    %dot_general3A_210 = arith.constant dense<0.000000e+00> : vector<400x128xf32>
    %dot_general3A_211 = tpu.matmul %div3A_208, %transpose3A_209, %dot_general3A_210 {dimension_numbers = #tpu.dot_dimension_numbers<[1], [0], [0], [1], [0, 0, 1, 1], [], []>, transpose_lhs_hint = false} : vector<400x8xf32>, vector<8x128xf32>, vector<400x128xf32> -> vector<400x128xf32>
    %mul3A_212 = arith.mulf %dot_general3A_211, %dot_general3A_178 : vector<400x128xf32>
    %add3A_213 = arith.addf %add3A_207, %mul3A_212 : vector<400x128xf32>
    %get3A_214 = arith.constant 0 : index
    %get3A_215 = arith.constant 0 : index
    %get3A_216 = vector.load %arg11[%get3A_214, %get3A_215] : memref<128x128xf32, #tpu.memory_space<vmem>>, vector<128x128xf32>
    %dot_general3A_217 = arith.constant dense<0.000000e+00> : vector<400x128xf32>
    %dot_general3A_218 = tpu.matmul %add3A_213, %get3A_216, %dot_general3A_217 {dimension_numbers = #tpu.dot_dimension_numbers<[1], [0], [0], [1], [0, 0, 1, 1], [], []>, transpose_lhs_hint = false} : vector<400x128xf32>, vector<128x128xf32>, vector<400x128xf32> -> vector<400x128xf32>
    %add3A_219 = arith.addf %add3A_131, %dot_general3A_218 : vector<400x128xf32>
    %get3A_220 = arith.constant 0 : index
    %get3A_221 = vector.load %arg14[%get3A_220] : memref<128xf32, #tpu.memory_space<vmem>>, vector<128xf32>
    %get3A_222 = arith.constant 0 : index
    %get3A_223 = vector.load %arg15[%get3A_222] : memref<128xf32, #tpu.memory_space<vmem>>, vector<128xf32>
    %reduce_sum3A_224 = arith.constant dense<0.000000e+00> : vector<400xf32>
    %reduce_sum3A_225 = vector.multi_reduction <add>, %add3A_219, %reduce_sum3A_224 [1] : vector<400x128xf32> to vector<400xf32>
    %broadcast_in_dim3A_226 = vector.shape_cast %reduce_sum3A_225 : vector<400xf32> to vector<400x1xf32>
    %div3A_227 = arith.constant 1.280000e+02 : f32
    %div3A_228 = vector.broadcast %div3A_227 : f32 to vector<400x1xf32>
    %div3A_229 = arith.divf %broadcast_in_dim3A_226, %div3A_228 : vector<400x1xf32>
    %sub3A_230 = vector.broadcast %div3A_229 : vector<400x1xf32> to vector<400x128xf32>
    %sub3A_231 = arith.subf %add3A_219, %sub3A_230 : vector<400x128xf32>
    %integer_pow3A_232 = arith.mulf %sub3A_231, %sub3A_231 : vector<400x128xf32>
    %reduce_sum3A_233 = arith.constant dense<0.000000e+00> : vector<400xf32>
    %reduce_sum3A_234 = vector.multi_reduction <add>, %integer_pow3A_232, %reduce_sum3A_233 [1] : vector<400x128xf32> to vector<400xf32>
    %broadcast_in_dim3A_235 = vector.shape_cast %reduce_sum3A_234 : vector<400xf32> to vector<400x1xf32>
    %div3A_236 = arith.constant 1.280000e+02 : f32
    %div3A_237 = vector.broadcast %div3A_236 : f32 to vector<400x1xf32>
    %div3A_238 = arith.divf %broadcast_in_dim3A_235, %div3A_237 : vector<400x1xf32>
    %sub3A_239 = vector.broadcast %div3A_229 : vector<400x1xf32> to vector<400x128xf32>
    %sub3A_240 = arith.subf %add3A_219, %sub3A_239 : vector<400x128xf32>
    %add3A_241 = arith.constant 9.99999974E-6 : f32
    %add3A_242 = vector.broadcast %add3A_241 : f32 to vector<400x1xf32>
    %add3A_243 = arith.addf %div3A_238, %add3A_242 : vector<400x1xf32>
    %sqrt3A_244 = math.sqrt %add3A_243 : vector<400x1xf32>
    %div3A_245 = vector.broadcast %sqrt3A_244 : vector<400x1xf32> to vector<400x128xf32>
    %div3A_246 = arith.divf %sub3A_240, %div3A_245 : vector<400x128xf32>
    %broadcast_in_dim3A_247 = vector.shape_cast %get3A_221 : vector<128xf32> to vector<1x128xf32>
    %mul3A_248 = vector.broadcast %broadcast_in_dim3A_247 : vector<1x128xf32> to vector<400x128xf32>
    %mul3A_249 = arith.mulf %div3A_246, %mul3A_248 : vector<400x128xf32>
    %broadcast_in_dim3A_250 = vector.shape_cast %get3A_223 : vector<128xf32> to vector<1x128xf32>
    %add3A_251 = vector.broadcast %broadcast_in_dim3A_250 : vector<1x128xf32> to vector<400x128xf32>
    %add3A_252 = arith.addf %mul3A_249, %add3A_251 : vector<400x128xf32>
    %get3A_253 = arith.constant 0 : index
    %get3A_254 = arith.constant 0 : index
    %get3A_255 = vector.load %arg18[%get3A_253, %get3A_254] : memref<128x2048xf32, #tpu.memory_space<vmem>>, vector<128x2048xf32>
    %dot_general3A_256 = arith.constant dense<0.000000e+00> : vector<400x2048xf32>
    %dot_general3A_257 = tpu.matmul %add3A_252, %get3A_255, %dot_general3A_256 {dimension_numbers = #tpu.dot_dimension_numbers<[1], [0], [0], [1], [0, 0, 1, 1], [], []>, transpose_lhs_hint = false} : vector<400x128xf32>, vector<128x2048xf32>, vector<400x2048xf32> -> vector<400x2048xf32>
    %get3A_258 = arith.constant 0 : index
    %get3A_259 = vector.load %arg19[%get3A_258] : memref<2048xf32, #tpu.memory_space<vmem>>, vector<2048xf32>
    %broadcast_in_dim3A_260 = vector.shape_cast %get3A_259 : vector<2048xf32> to vector<1x2048xf32>
    %add3A_261 = vector.broadcast %broadcast_in_dim3A_260 : vector<1x2048xf32> to vector<400x2048xf32>
    %add3A_262 = arith.addf %dot_general3A_257, %add3A_261 : vector<400x2048xf32>
    %max3A_263 = arith.constant 0.000000e+00 : f32
    %max3A_264 = vector.broadcast %max3A_263 : f32 to vector<400x2048xf32>
    %max3A_265 = arith.maximumf %add3A_262, %max3A_264 : vector<400x2048xf32>
    %get3A_266 = arith.constant 0 : index
    %get3A_267 = arith.constant 0 : index
    %get3A_268 = vector.load %arg20[%get3A_266, %get3A_267] : memref<2048x128xf32, #tpu.memory_space<vmem>>, vector<2048x128xf32>
    %dot_general3A_269 = arith.constant dense<0.000000e+00> : vector<400x128xf32>
    %dot_general3A_270 = tpu.matmul %max3A_265, %get3A_268, %dot_general3A_269 {dimension_numbers = #tpu.dot_dimension_numbers<[1], [0], [0], [1], [0, 0, 1, 1], [], []>, transpose_lhs_hint = false} : vector<400x2048xf32>, vector<2048x128xf32>, vector<400x128xf32> -> vector<400x128xf32>
    %get3A_271 = arith.constant 0 : index
    %get3A_272 = vector.load %arg21[%get3A_271] : memref<128xf32, #tpu.memory_space<vmem>>, vector<128xf32>
    %broadcast_in_dim3A_273 = vector.shape_cast %get3A_272 : vector<128xf32> to vector<1x128xf32>
    %add3A_274 = vector.broadcast %broadcast_in_dim3A_273 : vector<1x128xf32> to vector<400x128xf32>
    %add3A_275 = arith.addf %dot_general3A_270, %add3A_274 : vector<400x128xf32>
    %add3A_276 = arith.addf %add3A_252, %add3A_275 : vector<400x128xf32>
    %get3A_277 = arith.constant 0 : index
    %get3A_278 = vector.load %arg16[%get3A_277] : memref<128xf32, #tpu.memory_space<vmem>>, vector<128xf32>
    %get3A_279 = arith.constant 0 : index
    %get3A_280 = vector.load %arg17[%get3A_279] : memref<128xf32, #tpu.memory_space<vmem>>, vector<128xf32>
    %reduce_sum3A_281 = arith.constant dense<0.000000e+00> : vector<400xf32>
    %reduce_sum3A_282 = vector.multi_reduction <add>, %add3A_276, %reduce_sum3A_281 [1] : vector<400x128xf32> to vector<400xf32>
    %broadcast_in_dim3A_283 = vector.shape_cast %reduce_sum3A_282 : vector<400xf32> to vector<400x1xf32>
    %div3A_284 = arith.constant 1.280000e+02 : f32
    %div3A_285 = vector.broadcast %div3A_284 : f32 to vector<400x1xf32>
    %div3A_286 = arith.divf %broadcast_in_dim3A_283, %div3A_285 : vector<400x1xf32>
    %sub3A_287 = vector.broadcast %div3A_286 : vector<400x1xf32> to vector<400x128xf32>
    %sub3A_288 = arith.subf %add3A_276, %sub3A_287 : vector<400x128xf32>
    %integer_pow3A_289 = arith.mulf %sub3A_288, %sub3A_288 : vector<400x128xf32>
    %reduce_sum3A_290 = arith.constant dense<0.000000e+00> : vector<400xf32>
    %reduce_sum3A_291 = vector.multi_reduction <add>, %integer_pow3A_289, %reduce_sum3A_290 [1] : vector<400x128xf32> to vector<400xf32>
    %broadcast_in_dim3A_292 = vector.shape_cast %reduce_sum3A_291 : vector<400xf32> to vector<400x1xf32>
    %div3A_293 = arith.constant 1.280000e+02 : f32
    %div3A_294 = vector.broadcast %div3A_293 : f32 to vector<400x1xf32>
    %div3A_295 = arith.divf %broadcast_in_dim3A_292, %div3A_294 : vector<400x1xf32>
    %sub3A_296 = vector.broadcast %div3A_286 : vector<400x1xf32> to vector<400x128xf32>
    %sub3A_297 = arith.subf %add3A_276, %sub3A_296 : vector<400x128xf32>
    %add3A_298 = arith.constant 9.99999974E-6 : f32
    %add3A_299 = vector.broadcast %add3A_298 : f32 to vector<400x1xf32>
    %add3A_300 = arith.addf %div3A_295, %add3A_299 : vector<400x1xf32>
    %sqrt3A_301 = math.sqrt %add3A_300 : vector<400x1xf32>
    %div3A_302 = vector.broadcast %sqrt3A_301 : vector<400x1xf32> to vector<400x128xf32>
    %div3A_303 = arith.divf %sub3A_297, %div3A_302 : vector<400x128xf32>
    %broadcast_in_dim3A_304 = vector.shape_cast %get3A_278 : vector<128xf32> to vector<1x128xf32>
    %mul3A_305 = vector.broadcast %broadcast_in_dim3A_304 : vector<1x128xf32> to vector<400x128xf32>
    %mul3A_306 = arith.mulf %div3A_303, %mul3A_305 : vector<400x128xf32>
    %broadcast_in_dim3A_307 = vector.shape_cast %get3A_280 : vector<128xf32> to vector<1x128xf32>
    %add3A_308 = vector.broadcast %broadcast_in_dim3A_307 : vector<1x128xf32> to vector<400x128xf32>
    %add3A_309 = arith.addf %mul3A_306, %add3A_308 : vector<400x128xf32>
    %get3A_310 = arith.constant 0 : index
    %get3A_311 = arith.constant 0 : index
    %get3A_312 = vector.load %arg22[%get3A_310, %get3A_311] : memref<128x64xf32, #tpu.memory_space<vmem>>, vector<128x64xf32>
    %dot_general3A_313 = arith.constant dense<0.000000e+00> : vector<400x64xf32>
    %dot_general3A_314 = tpu.matmul %add3A_309, %get3A_312, %dot_general3A_313 {dimension_numbers = #tpu.dot_dimension_numbers<[1], [0], [0], [1], [0, 0, 1, 1], [], []>, transpose_lhs_hint = false} : vector<400x128xf32>, vector<128x64xf32>, vector<400x64xf32> -> vector<400x64xf32>
    %get3A_315 = arith.constant 0 : index
    %get3A_316 = vector.load %arg23[%get3A_315] : memref<64xf32, #tpu.memory_space<vmem>>, vector<64xf32>
    %broadcast_in_dim3A_317 = vector.shape_cast %get3A_316 : vector<64xf32> to vector<1x64xf32>
    %add3A_318 = vector.broadcast %broadcast_in_dim3A_317 : vector<1x64xf32> to vector<400x64xf32>
    %add3A_319 = arith.addf %dot_general3A_314, %add3A_318 : vector<400x64xf32>
    %swap3A = arith.constant 0 : index
    %swap3A_320 = arith.constant 0 : index
    %swap3A_321 = vector.load %arg24[%swap3A, %swap3A_320] : memref<400x64xf32, #tpu.memory_space<vmem>>, vector<400x64xf32>
    tpu.vector_store %arg24[%swap3A, %swap3A_320], %add3A_319 {strides = array<i32>} : memref<400x64xf32, #tpu.memory_space<vmem>>, vector<400x64xf32>,
    return
  }
  func.func @transform_0(%arg0: i32) -> (i32, i32) {
    %c0_i32 = arith.constant 0 : i32
    %c0_i32_0 = arith.constant 0 : i32
    return %arg0, %c0_i32 : i32, i32
  }
  func.func @transform_1(%arg0: i32) -> (i32, i32) {
    %c0_i32 = arith.constant 0 : i32
    %c0_i32_0 = arith.constant 0 : i32
    return %arg0, %c0_i32 : i32, i32
  }
  func.func @transform_2(%arg0: i32) -> (i32, i32, i32) {
    %c0_i32 = arith.constant 0 : i32
    %c0_i32_0 = arith.constant 0 : i32
    %c0_i32_1 = arith.constant 0 : i32
    return %c0_i32, %arg0, %c0_i32_0 : i32, i32, i32
  }
  func.func @transform_3(%arg0: i32) -> (i32, i32, i32) {
    %c0_i32 = arith.constant 0 : i32
    %c0_i32_0 = arith.constant 0 : i32
    %c0_i32_1 = arith.constant 0 : i32
    return %c0_i32, %arg0, %c0_i32_0 : i32, i32, i32
  }
  func.func @transform_4(%arg0: i32) -> i32 {
    %c0_i32 = arith.constant 0 : i32
    %c0_i32_0 = arith.constant 0 : i32
    return %c0_i32 : i32
  }
  func.func @transform_5(%arg0: i32) -> (i32, i32) {
    %c0_i32 = arith.constant 0 : i32
    %c0_i32_0 = arith.constant 0 : i32
    %c0_i32_1 = arith.constant 0 : i32
    return %c0_i32, %c0_i32_0 : i32, i32
  }
  func.func @transform_6(%arg0: i32) -> (i32, i32) {
    %c0_i32 = arith.constant 0 : i32
    %c0_i32_0 = arith.constant 0 : i32
    %c0_i32_1 = arith.constant 0 : i32
    return %c0_i32, %c0_i32_0 : i32, i32
  }
  func.func @transform_7(%arg0: i32) -> (i32, i32) {
    %c0_i32 = arith.constant 0 : i32
    %c0_i32_0 = arith.constant 0 : i32
    %c0_i32_1 = arith.constant 0 : i32
    return %c0_i32, %c0_i32_0 : i32, i32
  }
  func.func @transform_8(%arg0: i32) -> (i32, i32) {
    %c0_i32 = arith.constant 0 : i32
    %c0_i32_0 = arith.constant 0 : i32
    %c0_i32_1 = arith.constant 0 : i32
    return %c0_i32, %c0_i32_0 : i32, i32
  }
  func.func @transform_9(%arg0: i32) -> (i32, i32) {
    %c0_i32 = arith.constant 0 : i32
    %c0_i32_0 = arith.constant 0 : i32
    %c0_i32_1 = arith.constant 0 : i32
    return %c0_i32, %c0_i32_0 : i32, i32
  }
  func.func @transform_10(%arg0: i32) -> (i32, i32) {
    %c0_i32 = arith.constant 0 : i32
    %c0_i32_0 = arith.constant 0 : i32
    %c0_i32_1 = arith.constant 0 : i32
    return %c0_i32, %c0_i32_0 : i32, i32
  }
  func.func @transform_11(%arg0: i32) -> i32 {
    %c0_i32 = arith.constant 0 : i32
    %c0_i32_0 = arith.constant 0 : i32
    return %c0_i32 : i32
  }
  func.func @transform_12(%arg0: i32) -> i32 {
    %c0_i32 = arith.constant 0 : i32
    %c0_i32_0 = arith.constant 0 : i32
    return %c0_i32 : i32
  }
  func.func @transform_13(%arg0: i32) -> i32 {
    %c0_i32 = arith.constant 0 : i32
    %c0_i32_0 = arith.constant 0 : i32
    return %c0_i32 : i32
  }
  func.func @transform_14(%arg0: i32) -> i32 {
    %c0_i32 = arith.constant 0 : i32
    %c0_i32_0 = arith.constant 0 : i32
    return %c0_i32 : i32
  }
  func.func @transform_15(%arg0: i32) -> i32 {
    %c0_i32 = arith.constant 0 : i32
    %c0_i32_0 = arith.constant 0 : i32
    return %c0_i32 : i32
  }
  func.func @transform_16(%arg0: i32) -> i32 {
    %c0_i32 = arith.constant 0 : i32
    %c0_i32_0 = arith.constant 0 : i32
    return %c0_i32 : i32
  }
  func.func @transform_17(%arg0: i32) -> (i32, i32) {
    %c0_i32 = arith.constant 0 : i32
    %c0_i32_0 = arith.constant 0 : i32
    %c0_i32_1 = arith.constant 0 : i32
    return %c0_i32, %c0_i32_0 : i32, i32
  }
  func.func @transform_18(%arg0: i32) -> i32 {
    %c0_i32 = arith.constant 0 : i32
    %c0_i32_0 = arith.constant 0 : i32
    return %c0_i32 : i32
  }
  func.func @transform_19(%arg0: i32) -> (i32, i32) {
    %c0_i32 = arith.constant 0 : i32
    %c0_i32_0 = arith.constant 0 : i32
    %c0_i32_1 = arith.constant 0 : i32
    return %c0_i32, %c0_i32_0 : i32, i32
  }
  func.func @transform_20(%arg0: i32) -> i32 {
    %c0_i32 = arith.constant 0 : i32
    %c0_i32_0 = arith.constant 0 : i32
    return %c0_i32 : i32
  }
  func.func @transform_21(%arg0: i32) -> (i32, i32) {
    %c0_i32 = arith.constant 0 : i32
    %c0_i32_0 = arith.constant 0 : i32
    %c0_i32_1 = arith.constant 0 : i32
    return %c0_i32, %c0_i32_0 : i32, i32
  }
  func.func @transform_22(%arg0: i32) -> i32 {
    %c0_i32 = arith.constant 0 : i32
    %c0_i32_0 = arith.constant 0 : i32
    return %c0_i32 : i32
  }
  func.func @transform_23(%arg0: i32) -> (i32, i32) {
    %c0_i32 = arith.constant 0 : i32
    %c0_i32_0 = arith.constant 0 : i32
    return %arg0, %c0_i32 : i32, i32
  }
}

</mosaic_0001>

<sc_bundles>
// kernel: scatter_offload_async_start.1
scs
__scs_entry_jumppad:
0x0: {  	(pc) =	sbr.rel $0x88, $3  }
0x1: {  	(tag) =	ssettag $0x0;
	lr =	simm.s32 $0x1  }
0x2: {  	[smem:$0x3F7C] =	sst lr;
	_ =	strace $0xD0000000  }
0x3: {  	_ = 	snop  }
0x4: {  	_ = 	snop  }
0x5: {  	_ = 	snop  }
0x6: {  	_ = 	snop  }
0x7: {  	_ = 	snop  }
__scs_overlays_trampoline_lowered:
0x8: {  	[smem:$0x3F8B] =	sst s0  }
0x9: {  	[smem:$0x3F8C] =	sst s1  }
0xa: {  	[smem:$0x3F8D] =	sst s2  }
0xb: {  	[smem:$0x3F8E] =	sst s3  }
0xc: {  	[smem:$0x3F8F] =	sst s4  }
0xd: {  	[smem:$0x3F90] =	sst s5  }
0xe: {  	[smem:$0x3F91] =	sst s6  }
0xf: {  	[smem:$0x3F92] =	sst s7  }
0x10: {  	[smem:$0x3F93] =	sst s8  }
0x11: {  	[smem:$0x3F94] =	sst s9;
	s0 =	simm.s32 @!p0 $0x0  }
0x12: {  	s1 =	sld [smem:$0x3F7A];
	s0 =	simm.s32 @p0 $0x1  }
0x13: {  	[smem:$0x3F95] =	sst s0;
	s0 =	simm.s32 @!p1 $0x0  }
0x14: {  	s2 =	sld [smem:$0x3F79];
	s0 =	simm.s32 @p1 $0x1  }
0x15: {  	[smem:$0x3F96] =	sst s0;
	s0 =	simm.s32 @!p2 $0x0  }
0x16: {  	s3 =	sld [smem:$0x3FDB];
	s0 =	simm.s32 @p2 $0x1  }
0x17: {  	s4 =	simm.s32 $0x1BF5;
	[smem:$0x3F98] =	sst s0  }
0x18: {  	s0 =	sld [smem:$0x3F7B];
	_ =	swait.ge [sflag:s4], $0x0  }
0x19: {  	s7 =	sld [smem:$0x3F7C]  }
0x1a: {  	s8 =	sadd.s32 $0xFFFFE003, lr  }
0x1b: {  	s9 =	sadd.s32 $0xFFFFFEF7, lr;
	s5 =	simm.s32 $0xFFFFFFFF;
	p2 =	slt.u32 s8, $0xFFFFF086  }
0x1c: {  	p1 =	slt.u32 s9, $0xF7A;
	s5 =	simm.s32 @!p2 $0x0  }
0x1d: {  	s5 =	simm.s32 @p1 $0x1;
	p0 =	seq.s32 s7, s2  }
0x1e: {  	s7 =	smul.u32 @!p0 $0xF7A, s2;
	p2 =	seq.s32 @!p0 s5, $0x0  }
0x1f: {  	s9 =	smul.u32 $0xF7A, s1;
	s8 =	simm.s32 @!p0 $0x1BF5;
	p2 =	por !p2, p0  }
0x20: {  	[sflag:s8] =	ssyncset.s32 @!p0 $0xFFFFF086;
	s6 =	sadd.s32 @!p0 s3, s7;
	s7 =	simm.s32 @!p0 $0x108  }
0x21: {  	s3 =	sadd.s32 s3, s9;
	s6 =	sadd.s32 @!p0 $0x88, s6;
	s7 =	simm.s32 @p2 $0x1082  }
0x22: {  	[simem:s7], [sflag:s8] =	dma.local @!p0 [hbm:s6], $0xF7A  }
0x23: {  	s9 =	sor.u32 $0xD0000000, s2;
	s6 =	simm.s32 $0x108;
	_ =	swait.ge @!p0 [sflag:s8], $0x0  }
0x24: {  	s3 =	sadd.s32 $0x88, s3;
	s6 =	simm.s32 @!p1 $0x1082;
	[sflag:s4] =	ssyncset.s32 $0xFFFFF086  }
0x25: {  	[simem:s6], [sflag:s4] =	dma.local [hbm:s3], $0xF7A  }
0x26: {  	[smem:$0x3F7C] =	sst s1;
	(tag) =	ssettag s2;
	_ =	strace s9  }
0x27: {  	s1 =	sld [smem:$0x3F8C]  }
0x28: {  	s2 =	sld [smem:$0x3F8D]  }
0x29: {  	s4 =	sld [smem:$0x3F8F]  }
0x2a: {  	p0 =	seq.s32 s5, $0x0;
	s5 =	sld [smem:$0x3F90]  }
0x2b: {  	s6 =	sld [smem:$0x3F91]  }
0x2c: {  	s7 =	sld [smem:$0x3F92]  }
0x2d: {  	s3 =	simm.s32 $0x108;
	s8 =	sld [smem:$0x3F93]  }
0x2e: {  	s3 =	simm.s32 @!p0 $0x1082;
	s9 =	sld [smem:$0x3F94]  }
0x2f: {  	lr =	sadd.s32 s0, s3;
	s0 =	sld [smem:$0x3F8B]  }
0x30: {  	s3 =	sld [smem:$0x3F8E]  }
0x31: {  	[smem:$0x3F97] =	sst s10  }
0x32: {  	s10 =	sld [smem:$0x3F95];
	_ =	sdelay $0x3  }
0x33: {  	p0 =	seq.s32 s10, $0x1;
	s10 =	sld [smem:$0x3F97];
	_ =	sdelay $0x3  }
0x34: {  	[smem:$0x3F97] =	sst s10  }
0x35: {  	s10 =	sld [smem:$0x3F96];
	_ =	sdelay $0x3  }
0x36: {  	p1 =	seq.s32 s10, $0x1;
	s10 =	sld [smem:$0x3F97];
	_ =	sdelay $0x3  }
0x37: {  	[smem:$0x3F97] =	sst s10  }
0x38: {  	s10 =	sld [smem:$0x3F98]  }
0x39: {  	_ = 	snop;
	(pc) =	sbr.ind lr, $3  }
0x3a: {  	_ = 	snop  }
0x3b: {  	_ = 	snop  }
0x3c: {  	p2 =	seq.s32 s10, $0x1;
	s10 =	sld [smem:$0x3F97]  }
0x3d: {  	_ =	shalt  }
0x3e: {  	_ =	shalt  }
0x3f: {  	_ =	shalt  }
0x40: {  	_ =	shalt  }
0x41: {  	_ =	shalt  }
0x42: {  	_ =	shalt  }
0x43: {  	_ =	shalt  }
0x44: {  	_ =	shalt  }
0x45: {  	_ =	shalt  }
0x46: {  	_ =	shalt  }
0x47: {  	_ =	shalt  }
0x48: {  	_ =	shalt  }
0x49: {  	_ =	shalt  }
0x4a: {  	_ =	shalt  }
0x4b: {  	_ =	shalt  }
0x4c: {  	_ =	shalt  }
0x4d: {  	_ =	shalt  }
0x4e: {  	_ =	shalt  }
0x4f: {  	_ =	shalt  }
0x50: {  	_ =	shalt  }
0x51: {  	_ =	shalt  }
0x52: {  	_ =	shalt  }
0x53: {  	_ =	shalt  }
0x54: {  	_ =	shalt  }
0x55: {  	_ =	shalt  }
0x56: {  	_ =	shalt  }
0x57: {  	_ =	shalt  }
0x58: {  	_ =	shalt  }
0x59: {  	_ =	shalt  }
0x5a: {  	_ =	shalt  }
0x5b: {  	_ =	shalt  }
0x5c: {  	_ =	shalt  }
0x5d: {  	_ =	shalt  }
0x5e: {  	_ =	shalt  }
0x5f: {  	_ =	shalt  }
0x60: {  	_ =	shalt  }
0x61: {  	_ =	shalt  }
0x62: {  	_ =	shalt  }
0x63: {  	_ =	shalt  }
0x64: {  	_ =	shalt  }
0x65: {  	_ =	shalt  }
0x66: {  	_ =	shalt  }
0x67: {  	_ =	shalt  }
0x68: {  	_ =	shalt  }
0x69: {  	_ =	shalt  }
0x6a: {  	_ =	shalt  }
0x6b: {  	_ =	shalt  }
0x6c: {  	_ =	shalt  }
0x6d: {  	_ =	shalt  }
0x6e: {  	_ =	shalt  }
0x6f: {  	_ =	shalt  }
0x70: {  	_ =	shalt  }
0x71: {  	_ =	shalt  }
0x72: {  	_ =	shalt  }
0x73: {  	_ =	shalt  }
0x74: {  	_ =	shalt  }
0x75: {  	_ =	shalt  }
0x76: {  	_ =	shalt  }
0x77: {  	_ =	shalt  }
0x78: {  	_ =	shalt  }
0x79: {  	_ =	shalt  }
0x7a: {  	_ =	shalt  }
0x7b: {  	_ =	shalt  }
0x7c: {  	_ =	shalt  }
0x7d: {  	_ =	shalt  }
0x7e: {  	_ =	shalt  }
0x7f: {  	_ =	shalt  }
0x80: {  	_ =	shalt  }
0x81: {  	_ =	shalt  }
0x82: {  	_ =	shalt  }
0x83: {  	_ =	shalt  }
0x84: {  	_ =	shalt  }
0x85: {  	_ =	shalt  }
0x86: {  	_ =	shalt  }
0x87: {  	_ =	shalt  }
.Lfunc_end0:
.L_simem_size_0:
called_computation.1_lowered:
.L_overlay_start_0:
0x88: {  	s2 =	sld [smem:$0x3FD9]  }
0x89: {  	s3 =	sld [smem:$0x3FFE];
	_ =	sdelay $0x1  }
0x8a: {  	s1 =	srdreg.scid  }
0x8b: {  	s0 =	sand.u32 $0x1, s1  }
0x8c: {  	s12 =	sshll.u32 s0, $0xA;
	s2 =	sadd.s32 s3, s2  }
0x8d: {  	s2 =	sadd.s32 s2, s12  }
0x8e: {  	[smem:$0x3FA3] =	sst s2  }
0x8f: {  	_ = 	snop  }
0x90: {  	(tm) =	ssettm $0x1  }
0x91: {  	s13 =	sld [smem:$0x3FFB];
	_ =	sdelay $0x3  }
0x92: {  	_ =	strace s13  }
0x93: {  	s2 =	sld [smem:$0x3FFC];
	_ =	sdelay $0x3  }
0x94: {  	_ =	strace s2  }
0x95: {  	s2 =	sld [smem:$0x3FFD];
	_ =	sdelay $0x3  }
0x96: {  	_ =	strace s2  }
0x97: {  	_ =	strace $0x8FFFFFFF  }
0x98: {  	s14 =	sld [smem:$0x3FDB];
	_ =	sdelay $0x1  }
0x99: {  	s15 =	simm.s32 $_scs_section_size  }
0x9a: {  	s4 =	simm.s32 $_size__tile_overlayer_lowered;
	s5 =	simm.s32 $_tile_overlayer_lowered  }
0x9b: {  	s19 =	simm.s32 $0x1BFF;
	s17 =	sshll.u32 s5, $0x1;
	s6 =	sadd.s32 s15, s14  }
0x9c: {  	s20 =	simm.s32 $0x0;
	s16 =	sshll.u32 s4, $0x1;
	s18 =	sadd.s32 s17, s6  }
0x9d: {  	[timem:s20], [sflag:s19] =	dma.local [hbm:s18], s16  }
0x9e: {  	_ =	swait.ge [sflag:s19], s16  }
0x9f: {  	s3 =	ssub.s32 $0x0, s16;
	[sflag:s19] =	ssyncset.done $0x0  }
0xa0: {  	[sflag:s19] =	ssyncadd.s32 s3;
	_ =	sdelay $0x1  }
0xa1: {  	s21 =	simm.s32 $0x1B8B  }
0xa2: {  	_ =	swait.ge [sflag:s21], $0x1  }
0xa3: {  	[sflag:s21] =	ssyncset.done $0x0  }
0xa4: {  	[sflag:s21] =	ssyncadd.s32 $0xFFFFFFFF  }
0xa5: {  	s3 =	sld [smem:$0x0]  }
0xa6: {  	s4 =	sand.u32 $0xFFFFFFFE, s1  }
0xa7: {  	p0 =	sne.s32 s1, s4  }
0xa8: {  	s4 =	sshll.u32 @p0 s4, $0xE  }
0xa9: {  	s5 =	sadd.s32 @p0 $0x11B8D, s4;
	s7 =	sshll.u32 @p0 s3, $0x11  }
0xaa: {  	s5 =	sor.u32 @p0 s7, s5  }
0xab: {  	[sflag:s5] =	ssyncadd.remote.s32 @p0 $0x1;
	_ =	sdelay $0x1  }
0xac: {  	s5 =	simm.s32 @p0 $0x1B8D  }
0xad: {  	_ =	swait.eq @p0 [sflag:s5], $0x1  }
0xae: {  	[sflag:s5] =	ssyncadd.s32 @p0 $0xFFFFFFFF  }
0xaf: {  	s7 =	sshll.u32 @!p0 s1, $0xE  }
0xb0: {  	s7 =	sor.u32 @!p0 $0x4000, s7;
	s5 =	simm.s32 @!p0 $0x1B8D  }
0xb1: {  	s9 =	sshll.u32 @!p0 s3, $0x11;
	s8 =	sadd.s32 @!p0 $0x11B8D, s7;
	_ =	swait.eq @!p0 [sflag:s5], $0x1  }
0xb2: {  	[sflag:s5] =	ssyncadd.s32 @!p0 $0xFFFFFFFF;
	s5 =	sor.u32 @!p0 s9, s8  }
0xb3: {  	s23 =	simm.s32 $0x1B8E;
	s22 =	sld [smem:$0x3FFE];
	[sflag:s5] =	ssyncadd.remote.s32 @!p0 $0x1  }
0xb4: {  	s24 =	simm.s32 $execute0_lowered;
	[smem:$0x3FD2] =	sst s23  }
0xb5: {  	s8 =	sshll.u32 s24, $0x1;
	_ =	strace $0x8000004C;
	[dreg:$0x1] =	wrdreg $0xFFFFFFFF  }
0xb6: {  	s25 =	simm.s32 $_size_execute0_lowered;
	s8 =	sadd.s32 s6, s8;
	[dreg:$0x0] =	wrdreg $0x0  }
0xb7: {  	s9 =	sshll.u32 s25, $0x1;
	[dreg:$0x2] =	wrdreg s8  }
0xb8: {  	[dreg:$0x3] =	wrdreg s9  }
0xb9: {  	[dreg:$0x4] =	wrdreg $0xC0  }
0xba: {  	s26 =	simm.s32 $execute1_lowered;
	_ =	task [dreg:s20], $0x5FFFF  }
0xbb: {  	s8 =	sshll.u32 s26, $0x1;
	[dreg:$0x1] =	wrdreg $0xFFFFFFFF  }
0xbc: {  	s6 =	sadd.s32 s6, s8;
	[dreg:$0x0] =	wrdreg $0x60  }
0xbd: {  	[dreg:$0x2] =	wrdreg s6  }
0xbe: {  	[dreg:$0x3] =	wrdreg s22  }
0xbf: {  	[dreg:$0x4] =	wrdreg $0xB  }
0xc0: {  	_ =	task.clear_ibuf [dreg:s20], $0x5FFFF;
	_ =	strace $0x9000004C  }
0xc1: {  	s28 =	simm.s32 $0xB;
	_ =	strace $0x8000004E  }
0xc2: {  	_ =	swait.ge [sflag:s28], $0x1  }
0xc3: {  	[sflag:s28] =	ssyncadd.s32 $0xFFFFFFFF  }
0xc4: {  	_ =	strace $0x9000004E  }
0xc5: {  	s6 =	sld [smem:$0x0];
	_ =	sdelay $0x3  }
0xc6: {  	s4 =	sadd.s32 @p0 $0x11BF3, s4;
	s8 =	sshll.u32 @p0 s6, $0x11  }
0xc7: {  	s4 =	sor.u32 @p0 s8, s4  }
0xc8: {  	[sflag:s4] =	ssyncadd.remote.s32 @p0 $0x1;
	_ =	sdelay $0x1  }
0xc9: {  	s4 =	simm.s32 @p0 $0x1BF3  }
0xca: {  	_ =	swait.eq @p0 [sflag:s4], $0x1  }
0xcb: {  	[sflag:s4] =	ssyncadd.s32 @p0 $0xFFFFFFFF;
	_ =	sdelay $0x1  }
0xcc: {  	s4 =	simm.s32 @!p0 $0x1BF3  }
0xcd: {  	s7 =	sadd.s32 @!p0 $0x11BF3, s7;
	s6 =	sshll.u32 @!p0 s6, $0x11;
	_ =	swait.eq @!p0 [sflag:s4], $0x1  }
0xce: {  	[sflag:s4] =	ssyncadd.s32 @!p0 $0xFFFFFFFF;
	s4 =	sor.u32 @!p0 s6, s7  }
0xcf: {  	[sflag:s4] =	ssyncadd.remote.s32 @!p0 $0x1  }
0xd0: {  	_ =	strace $0x8000004F;
	[dreg:$0x1] =	wrdreg $0xFFFFFFFF  }
0xd1: {  	[dreg:$0x0] =	wrdreg $0x2030  }
0xd2: {  	[dreg:$0x2] =	wrdreg s22  }
0xd3: {  	[dreg:$0x3] =	wrdreg s1  }
0xd4: {  	[dreg:$0x4] =	wrdreg s3  }
0xd5: {  	[dreg:$0x5] =	wrdreg $0xC  }
0xd6: {  	_ =	task.clear_ibuf [dreg:s20], $0x6FFFF;
	_ =	strace $0x9000004F  }
0xd7: {  	s29 =	simm.s32 $0xC;
	_ =	strace $0x80000051  }
0xd8: {  	_ =	swait.ge [sflag:s29], $0x1  }
0xd9: {  	[sflag:s29] =	ssyncadd.s32 $0xFFFFFFFF  }
0xda: {  	_ =	strace $0x90000051  }
0xdb: {  	_ =	sfence  }
0xdc: {  	s30 =	sld [smem:$0x0];
	_ =	sdelay $0x2  }
0xdd: {  	s31 =	sshll.u32 s1, $0xD;
	s1 =	sshrl.u32 s1, $0x2  }
0xde: {  	s4 =	sand.u32 $0x4000, s31;
	s1 =	sadd.s32 s1, s30  }
0xdf: {  	s0 =	sor.u32 s4, s0;
	s1 =	sshll.u32 s1, $0x11  }
0xe0: {  	s0 =	sor.u32 s1, s0  }
0xe1: {  	s0 =	sadd.s32 $0x8F2B, s0  }
0xe2: {  	[sflag:s0] =	ssyncadd.remote.s32 $0x1  }
0xe3: {  	_ =	sfence.sel $0xFFFF  }
0xe4: {  	[dreg:$0x0] =	wrdreg $0xFFFFFFFF;
	(pc) =	sbr.abs _section_cstart, $3  }
0xe5: {  	[dreg:$0x1] =	wrdreg $0xFFFFFFFF  }
0xe6: {  	_ =	task.clear_ibuf [dreg:s20], $0x2FFFF;
	_ =	strace $0x9FFFFFFF  }
0xe7: {  	(tm) =	ssettm $0x7FFFFFFF  }
tec
execute0_lowered:
.L_overlay_start_1:
0x0: {  	(tag) =	ssettag $0x1  }
0x1: {  	s2 =	rddreg [dreg:$0x0]  }
0x2: {  	s7 =	rddreg [dreg:$0x1]  }
0x3: {  	s0 =	rddreg [dreg:$0x2]  }
0x4: {  	s3 =	stileid.u32;
	[bflag:$0x3] =	sbarrier.arrive $0xFFFF;
	s1 =	simm.s32 $_size_execute1_lowered  }
0x5: {  	s29 =	srdreg.scid;
	s9 =	simm.s32 $0x2;
	p0 =	sne.s32 s3, $0x0  }
0x6: {  	s1 =	sshll.u32 s1, $0x1;
	s4 =	simm.s32 @!p0 $0x1C3F;
	s5 =	simm.s32 @!p0 $0x4060  }
0x7: {  	[timem:s5], [sflag:s4] =	dma.local @!p0 [hbm:s2], s1  }
0x8: {  	s13 =	simm.s32 $0x0;
	s10 =	simm.s32 $0x80;
	s2 =	sshll.u32 s29, $0x9  }
0x9: {  	s12 =	simm.s32 $0x0;
	s3 =	sshll.u32 s3, $0xA;
	s2 =	sand.u32 $0x200, s2  }
0xa: {  	s11 =	simm.s32 $0x0;
	_ =	strace $0x8000004D;
	s2 =	sor.u32 s3, s2  }
0xb: {  	s3 =	sshll.u32 s2, $0x4;
	p1 =	slt.u32 s2, $0x2710;
	s31 =	smax.u32 s2, $0x2510  }
0xc: {  	s5 =	ssub.s32 $0x2710, s2;
	s4 =	sadd.s32 $0xFFFD8F00, s3;
	s6 =	sshll.u32 s31, $0x7  }
0xd: {  	s4 =	smov.u32 @p1 s3;
	s3 =	simm.s32 $0x1;
	p1 =	sgt.s32 s5, $0x0  }
0xe: {  	s6 =	ssub.s32 $0x138800, s6;
	s8 =	sadd.s32 s4, s7;
	[sflag:s3] =	ssyncpa.u1 $0x0  }
.Ltmp0:
0xf: {  	s5 =	simm.s32 @!p1 $0x0;
	s4 =	simm.s32 $0x1;
	(pc) =	sbr.rel .LBB2_1-.Ltmp0, $4  }
0x10: {  	s6 =	sshrl.u32 s6, $0x2;
	s7 =	sadd.s32 $0x83800, s7;
	s30 =	sand.u32 $0x3F10, s5  }
0x11: {  	s5 =	simm.s32 $0x3;
	[sflag:s9] =	ssyncpa.u1 $0x0;
	p1 =	sne.s32 s30, $0x0  }
0x12: {  	s4 =	simm.s32 @!p1 $0x0;
	s5 =	simm.s32 @!p1 $0x2;
	p1 =	sgt.u32 s2, $0x270F  }
0x13: {  	s8 =	sadd.s32 $0x35400, s8;
	s9 =	simm.s32 $0x20;
	s6 =	simm.s32 @p1 $0x0  }
.LBB2_5:
0x14: {  	_ =	sdelay $0x3  }
0x15: {  	[tilespmem:v1+s16+$0x0 ss:$0x1] =	vst.idx.msk $0xffff, v2  }
.LBB2_6:
0x16: {  	s16 =	smulhi.u32 $0xD1B71759, s12;
	_ =	sdelay $0x1  }
0x17: {  	s16 =	sshrl.u32 s16, $0xD  }
0x18: {  	s16 =	smul.u32 $0x2710, s16;
	_ =	sdelay $0x1  }
0x19: {  	s16 =	ssub.s32 s12, s16  }
0x1a: {  	s16 =	sshll.u32 s16, $0x4  }
0x1b: {  	s16 =	sadd.s32 s7, s16  }
0x1c: {  	[hbm4b:s16+s9] =	stream.strided.scatter [tilespmem:s15], [sflag:$0x2], s14, s10, s9, $0x38;
	[tilespmem:$0x10000] =	vst v63  }
.LBB2_7:
0x1d: {  	p1 =	slt.u32 s11, $0x2  }
0x1e: {  	p2 =	sgt.s32 @!p1 s13, $0x2510  }
0x1f: {  	p2 =	por !p2, p1  }
0x20: {  	p3 =	sgt.s32 @!p1 s13, $0x270F;
	s13 =	simm.s32 @p2 $0x2510  }
0x21: {  	s13 =	sshll.u32 @!p1 s13, $0x7  }
0x22: {  	s13 =	ssub.s32 @!p1 $0x138800, s13  }
0x23: {  	s11 =	sadd.s32 $0x1, s11;
	p2 =	por !p3, p1;
	s13 =	sshrl.u32 @!p1 s13, $0x2  }
0x24: {  	s13 =	simm.s32 @!p2 $0x0;
	p2 =	sne.s32 s11, s5  }
.Ltmp1:
0x25: {  	_ = 	snop;
	(pc) =	sbr.rel @!p2 .LBB2_8-.Ltmp1, $4  }
0x26: {  	s14 =	simm.s32 @!p1 $0x2  }
0x27: {  	_ =	swait.ge @!p1 [sflag:s14], s13  }
0x28: {  	s15 =	ssub.s32 @!p1 $0x0, s13;
	[sflag:s14] =	ssyncset.done @!p1 $0x0  }
0x29: {  	s13 =	smov.u32 s12;
	s12 =	smov.u32 s2;
	[sflag:s14] =	ssyncadd.s32 @!p1 s15  }
.LBB2_1:
0x2a: {  	p1 =	sge.u32 s11, s4;
	s31 =	sadd.s32 $0xFFFFFFFF, s11  }
0x2b: {  	s14 =	simm.s32 @!p1 $0x20;
	s15 =	simm.s32 @!p1 $0x80;
	s16 =	simm.s32 @!p1 $0x4000  }
0x2c: {  	[tilespmem:s16], [sflag:$0x1] =	stream.strided.gather @!p1 [hbm4b:s8+s14], s6, s15, s14, $0x38;
	[tilespmem:$0x10000] =	vst v63  }
0x2d: {  	p1 =	sge.u32 s31, s4  }
.Ltmp2:
0x2e: {  	_ = 	snop;
	(pc) =	sbr.rel @p1 .LBB2_7-.Ltmp2, $1  }
0x2f: {  	_ =	sdelay $0x3  }
0x30: {  	p1 =	sgt.s32 s12, $0x2510;
	s14 =	smov.u32 s12  }
0x31: {  	s14 =	simm.s32 @!p1 $0x2510  }
0x32: {  	s14 =	sshll.u32 s14, $0x7  }
0x33: {  	s14 =	ssub.s32 $0x138800, s14  }
0x34: {  	p1 =	sgt.u32 s12, $0x270F;
	s14 =	sshrl.u32 s14, $0x2  }
0x35: {  	s15 =	smov.u32 s12;
	s14 =	simm.s32 @p1 $0x0;
	p1 =	slt.s32 s12, $0x2510  }
0x36: {  	s15 =	simm.s32 @!p1 $0x2510  }
0x37: {  	s16 =	ssub.s32 s15, s12  }
0x38: {  	p1 =	slt.s32 s16, $0xFFFFFE01  }
.Ltmp3:
0x39: {  	_ = 	snop;
	(pc) =	sbr.rel @p1 .LBB2_6-.Ltmp3, $4  }
0x3a: {  	_ = 	snop  }
0x3b: {  	s17 =	sshll.u32 s11, $0xE;
	_ =	swait.ge [sflag:s3], s14  }
0x3c: {  	s17 =	sand.u32 $0x4000, s17;
	s18 =	ssub.s32 $0x0, s14;
	[sflag:s3] =	ssyncset.done $0x0  }
0x3d: {  	s15 =	sor.u32 $0x8000, s17;
	[sflag:s3] =	ssyncadd.s32 s18  }
0x3e: {  	v0 =	vmov s17;
	_ =	sdelay $0x1  }
0x3f: {  	s30 =	sadd.s32 $0x200, s16  }
0x40: {  	s31 =	simm.s32 $0x0;
	p1 =	sne.s32 s30, $0x1  }
.Ltmp4:
0x41: {  	s16 =	sand.u32 $0x3FE0, s31;
	(pc) =	sbr.rel @!p1 .LBB2_5-.Ltmp4, $2  }
0x42: {  	v1 =	vmov s15;
	v2 =	vld.idx.msk [tilespmem:v0+s16+$0x0 ss:$0x1], $0xffff;
	_ =	sdelay $0x2  }
0x43: {  	s18 =	simm.s32 $0x20;
	s17 =	sadd.s32 $0xFFFFFFFF, s30  }
.LBB2_4:
0x44: {  	s19 =	sand.u32 $0x3FE0, s18;
	p1 =	sne.s32 s17, $0x1;
	s17 =	sadd.s32 $0xFFFFFFFF, s17  }
.Ltmp5:
0x45: {  	[tilespmem:v1+s16+$0x0 ss:$0x1] =	vst.idx.msk $0xffff, v2;
	v2 =	vld.idx.msk [tilespmem:v0+s19+$0x0 ss:$0x1], $0xffff;
	s16 =	smov.u32 s19;
	(pc) =	sbr.rel @p1 .LBB2_4-.Ltmp5, $2  }
0x46: {  	_ =	sdelay $0x2  }
0x47: {  	s18 =	sadd.s32 $0x20, s18  }
.Ltmp6:
0x48: {  	_ = 	snop;
	(pc) =	sbr.rel .LBB2_5-.Ltmp6, $1  }
0x49: {  	_ =	sdelay $0x3  }
.LBB2_8:
0x4a: {  	_ =	sfence.sel $0x180000  }
0x4b: {  	s2 =	simm.s32 $0x1;
	[bflag:$0x0] =	sbarrier.arrive $0xFFFF  }
0x4c: {  	s31 =	simm.s32 $0x2;
	[sflag:s2] =	ssyncpa.u1 $0x1  }
0x4d: {  	[sflag:s31] =	ssyncpa.u1 $0x1  }
0x4e: {  	_ =	strace $0x9000004D  }
0x4f: {  	s0 =	sadd.s32 @!p0 $0x100000, s0;
	[bflag:$0x2] =	sbarrier.arrive $0xFFFF  }
0x50: {  	[sflag:s0] =	ssyncadd.tile.s32 @!p0 $0x1;
	s0 =	simm.s32 @!p0 $0x3F  }
0x51: {  	_ =	swait.ge @!p0 [sflag:s0], s1  }
0x52: {  	s1 =	ssub.s32 @!p0 $0x0, s1;
	[sflag:s0] =	ssyncset.done @!p0 $0x0  }
0x53: {  	[sflag:s0] =	ssyncadd.s32 @!p0 s1  }
0x54: {  	[bflag:$0x3] =	sbarrier.arrive $0xFFFF  }
0x55: {  	_ =	shalt  }
.Lfunc_end2:
execute1_lowered:
.L_overlay_start_2:
0x56: {  	(tag) =	ssettag $0x2  }
0x57: {  	s11 =	rddreg [dreg:$0x0]  }
0x58: {  	s2 =	rddreg [dreg:$0x1];
	_ =	strace $0x80000050;
	s12 =	simm.s32 $0x1  }
0x59: {  	v0 =	vimm.s32 $0x0;
	[sflag:s12] =	ssyncpa.u1 $0x0  }
0x5a: {  	[tilespmem:$0x28] =	vst v0  }
0x5b: {  	[tilespmem:$0x38] =	vst v0  }
0x5c: {  	[tilespmem:$0x48] =	vst v0  }
0x5d: {  	[tilespmem:$0x58] =	vst v0  }
0x5e: {  	[tilespmem:$0x68] =	vst v0  }
0x5f: {  	[tilespmem:$0x78] =	vst v0  }
0x60: {  	[tilespmem:$0x88] =	vst v0  }
0x61: {  	[tilespmem:$0x98] =	vst v0  }
0x62: {  	[tilespmem:$0xA8] =	vst v0  }
0x63: {  	[tilespmem:$0xB8] =	vst v0  }
0x64: {  	[tilespmem:$0xC8] =	vst v0  }
0x65: {  	[tilespmem:$0xD8] =	vst v0  }
0x66: {  	[tilespmem:$0xE8] =	vst v0  }
0x67: {  	[tilespmem:$0xF8] =	vst v0  }
0x68: {  	[tilespmem:$0x108] =	vst v0  }
0x69: {  	[tilespmem:$0x118] =	vst v0  }
0x6a: {  	[tilespmem:$0x128] =	vst v0  }
0x6b: {  	[tilespmem:$0x138] =	vst v0  }
0x6c: {  	[tilespmem:$0x148] =	vst v0  }
0x6d: {  	[tilespmem:$0x158] =	vst v0  }
0x6e: {  	[tilespmem:$0x168] =	vst v0  }
0x6f: {  	[tilespmem:$0x178] =	vst v0  }
0x70: {  	[tilespmem:$0x188] =	vst v0  }
0x71: {  	[tilespmem:$0x198] =	vst v0  }
0x72: {  	[tilespmem:$0x1A8] =	vst v0  }
0x73: {  	[tilespmem:$0x1B8] =	vst v0  }
0x74: {  	[tilespmem:$0x1C8] =	vst v0  }
0x75: {  	[tilespmem:$0x1D8] =	vst v0  }
0x76: {  	[tilespmem:$0x1E8] =	vst v0  }
0x77: {  	[tilespmem:$0x1F8] =	vst v0  }
0x78: {  	[tilespmem:$0x208] =	vst v0  }
0x79: {  	[tilespmem:$0x218] =	vst v0  }
0x7a: {  	[tilespmem:$0x228] =	vst v0  }
0x7b: {  	[tilespmem:$0x238] =	vst v0  }
0x7c: {  	[tilespmem:$0x248] =	vst v0  }
0x7d: {  	[tilespmem:$0x258] =	vst v0  }
0x7e: {  	[tilespmem:$0x268] =	vst v0  }
0x7f: {  	[tilespmem:$0x278] =	vst v0  }
0x80: {  	[tilespmem:$0x288] =	vst v0  }
0x81: {  	[tilespmem:$0x298] =	vst v0  }
0x82: {  	[tilespmem:$0x2A8] =	vst v0  }
0x83: {  	[tilespmem:$0x2B8] =	vst v0  }
0x84: {  	[tilespmem:$0x2C8] =	vst v0  }
0x85: {  	[tilespmem:$0x2D8] =	vst v0  }
0x86: {  	[tilespmem:$0x2E8] =	vst v0  }
0x87: {  	[tilespmem:$0x2F8] =	vst v0  }
0x88: {  	[tilespmem:$0x308] =	vst v0  }
0x89: {  	[tilespmem:$0x318] =	vst v0  }
0x8a: {  	[tilespmem:$0x328] =	vst v0  }
0x8b: {  	[tilespmem:$0x338] =	vst v0  }
0x8c: {  	[tilespmem:$0x348] =	vst v0  }
0x8d: {  	[tilespmem:$0x358] =	vst v0  }
0x8e: {  	[tilespmem:$0x368] =	vst v0  }
0x8f: {  	[tilespmem:$0x378] =	vst v0  }
0x90: {  	[tilespmem:$0x388] =	vst v0  }
0x91: {  	[tilespmem:$0x398] =	vst v0  }
0x92: {  	[tilespmem:$0x3A8] =	vst v0  }
0x93: {  	[tilespmem:$0x3B8] =	vst v0  }
0x94: {  	[tilespmem:$0x3C8] =	vst v0  }
0x95: {  	[tilespmem:$0x3D8] =	vst v0  }
0x96: {  	[tilespmem:$0x3E8] =	vst v0  }
0x97: {  	[tilespmem:$0x3F8] =	vst v0  }
0x98: {  	[tilespmem:$0x408] =	vst v0  }
0x99: {  	[tilespmem:$0x418] =	vst v0  }
0x9a: {  	[tilespmem:$0x428] =	vst v0  }
0x9b: {  	[tilespmem:$0x438] =	vst v0  }
0x9c: {  	[tilespmem:$0x448] =	vst v0  }
0x9d: {  	[tilespmem:$0x458] =	vst v0  }
0x9e: {  	[tilespmem:$0x468] =	vst v0  }
0x9f: {  	[tilespmem:$0x478] =	vst v0  }
0xa0: {  	[tilespmem:$0x488] =	vst v0  }
0xa1: {  	[tilespmem:$0x498] =	vst v0  }
0xa2: {  	[tilespmem:$0x4A8] =	vst v0  }
0xa3: {  	[tilespmem:$0x4B8] =	vst v0  }
0xa4: {  	[tilespmem:$0x4C8] =	vst v0  }
0xa5: {  	[tilespmem:$0x4D8] =	vst v0  }
0xa6: {  	[tilespmem:$0x4E8] =	vst v0  }
0xa7: {  	[tilespmem:$0x4F8] =	vst v0  }
0xa8: {  	[tilespmem:$0x508] =	vst v0  }
0xa9: {  	[tilespmem:$0x518] =	vst v0  }
0xaa: {  	[tilespmem:$0x528] =	vst v0  }
0xab: {  	[tilespmem:$0x538] =	vst v0  }
0xac: {  	[tilespmem:$0x548] =	vst v0  }
0xad: {  	[tilespmem:$0x558] =	vst v0  }
0xae: {  	[tilespmem:$0x568] =	vst v0  }
0xaf: {  	[tilespmem:$0x578] =	vst v0  }
0xb0: {  	[tilespmem:$0x588] =	vst v0  }
0xb1: {  	[tilespmem:$0x598] =	vst v0  }
0xb2: {  	[tilespmem:$0x5A8] =	vst v0  }
0xb3: {  	[tilespmem:$0x5B8] =	vst v0  }
0xb4: {  	[tilespmem:$0x5C8] =	vst v0  }
0xb5: {  	[tilespmem:$0x5D8] =	vst v0  }
0xb6: {  	[tilespmem:$0x5E8] =	vst v0  }
0xb7: {  	[tilespmem:$0x5F8] =	vst v0  }
0xb8: {  	[tilespmem:$0x608] =	vst v0  }
0xb9: {  	[tilespmem:$0x618] =	vst v0  }
0xba: {  	[tilespmem:$0x628] =	vst v0  }
0xbb: {  	[tilespmem:$0x638] =	vst v0  }
0xbc: {  	[tilespmem:$0x648] =	vst v0  }
0xbd: {  	[tilespmem:$0x658] =	vst v0  }
0xbe: {  	[tilespmem:$0x668] =	vst v0  }
0xbf: {  	[tilespmem:$0x678] =	vst v0  }
0xc0: {  	[tilespmem:$0x688] =	vst v0  }
0xc1: {  	[tilespmem:$0x698] =	vst v0  }
0xc2: {  	[tilespmem:$0x6A8] =	vst v0  }
0xc3: {  	[tilespmem:$0x6B8] =	vst v0  }
0xc4: {  	[tilespmem:$0x6C8] =	vst v0  }
0xc5: {  	[tilespmem:$0x6D8] =	vst v0  }
0xc6: {  	[tilespmem:$0x6E8] =	vst v0  }
0xc7: {  	[tilespmem:$0x6F8] =	vst v0  }
0xc8: {  	[tilespmem:$0x708] =	vst v0  }
0xc9: {  	[tilespmem:$0x718] =	vst v0  }
0xca: {  	[tilespmem:$0x728] =	vst v0  }
0xcb: {  	[tilespmem:$0x738] =	vst v0  }
0xcc: {  	[tilespmem:$0x748] =	vst v0  }
0xcd: {  	[tilespmem:$0x758] =	vst v0  }
0xce: {  	[tilespmem:$0x768] =	vst v0  }
0xcf: {  	[tilespmem:$0x778] =	vst v0  }
0xd0: {  	[tilespmem:$0x788] =	vst v0  }
0xd1: {  	[tilespmem:$0x798] =	vst v0  }
0xd2: {  	[tilespmem:$0x7A8] =	vst v0  }
0xd3: {  	[tilespmem:$0x7B8] =	vst v0  }
0xd4: {  	[tilespmem:$0x7C8] =	vst v0  }
0xd5: {  	[tilespmem:$0x7D8] =	vst v0  }
0xd6: {  	[tilespmem:$0x7E8] =	vst v0  }
0xd7: {  	[tilespmem:$0x7F8] =	vst v0  }
0xd8: {  	[tilespmem:$0x808] =	vst v0  }
0xd9: {  	[tilespmem:$0x818] =	vst v0  }
0xda: {  	[tilespmem:$0x828] =	vst v0  }
0xdb: {  	[tilespmem:$0x838] =	vst v0  }
0xdc: {  	[tilespmem:$0x848] =	vst v0  }
0xdd: {  	[tilespmem:$0x858] =	vst v0  }
0xde: {  	[tilespmem:$0x868] =	vst v0  }
0xdf: {  	[tilespmem:$0x878] =	vst v0  }
0xe0: {  	[tilespmem:$0x888] =	vst v0  }
0xe1: {  	[tilespmem:$0x898] =	vst v0  }
0xe2: {  	[tilespmem:$0x8A8] =	vst v0  }
0xe3: {  	[tilespmem:$0x8B8] =	vst v0  }
0xe4: {  	[tilespmem:$0x8C8] =	vst v0  }
0xe5: {  	[tilespmem:$0x8D8] =	vst v0  }
0xe6: {  	[tilespmem:$0x8E8] =	vst v0  }
0xe7: {  	[tilespmem:$0x8F8] =	vst v0  }
0xe8: {  	[tilespmem:$0x908] =	vst v0  }
0xe9: {  	[tilespmem:$0x918] =	vst v0  }
0xea: {  	[tilespmem:$0x928] =	vst v0  }
0xeb: {  	[tilespmem:$0x938] =	vst v0  }
0xec: {  	[tilespmem:$0x948] =	vst v0  }
0xed: {  	[tilespmem:$0x958] =	vst v0  }
0xee: {  	[tilespmem:$0x968] =	vst v0  }
0xef: {  	[tilespmem:$0x978] =	vst v0  }
0xf0: {  	[tilespmem:$0x988] =	vst v0  }
0xf1: {  	[tilespmem:$0x998] =	vst v0  }
0xf2: {  	[tilespmem:$0x9A8] =	vst v0  }
0xf3: {  	[tilespmem:$0x9B8] =	vst v0  }
0xf4: {  	[tilespmem:$0x9C8] =	vst v0  }
0xf5: {  	[tilespmem:$0x9D8] =	vst v0  }
0xf6: {  	[tilespmem:$0x9E8] =	vst v0  }
0xf7: {  	[tilespmem:$0x9F8] =	vst v0  }
0xf8: {  	[tilespmem:$0xA08] =	vst v0  }
0xf9: {  	[tilespmem:$0xA18] =	vst v0  }
0xfa: {  	[tilespmem:$0xA28] =	vst v0  }
0xfb: {  	[tilespmem:$0xA38] =	vst v0  }
0xfc: {  	[tilespmem:$0xA48] =	vst v0  }
0xfd: {  	[tilespmem:$0xA58] =	vst v0  }
0xfe: {  	[tilespmem:$0xA68] =	vst v0  }
0xff: {  	[tilespmem:$0xA78] =	vst v0  }
0x100: {  	[tilespmem:$0xA88] =	vst v0  }
0x101: {  	[tilespmem:$0xA98] =	vst v0  }
0x102: {  	[tilespmem:$0xAA8] =	vst v0  }
0x103: {  	[tilespmem:$0xAB8] =	vst v0  }
0x104: {  	[tilespmem:$0xAC8] =	vst v0  }
0x105: {  	[tilespmem:$0xAD8] =	vst v0  }
0x106: {  	[tilespmem:$0xAE8] =	vst v0  }
0x107: {  	[tilespmem:$0xAF8] =	vst v0  }
0x108: {  	[tilespmem:$0xB08] =	vst v0  }
0x109: {  	[tilespmem:$0xB18] =	vst v0  }
0x10a: {  	[tilespmem:$0xB28] =	vst v0  }
0x10b: {  	[tilespmem:$0xB38] =	vst v0  }
0x10c: {  	[tilespmem:$0xB48] =	vst v0  }
0x10d: {  	[tilespmem:$0xB58] =	vst v0  }
0x10e: {  	[tilespmem:$0xB68] =	vst v0  }
0x10f: {  	[tilespmem:$0xB78] =	vst v0  }
0x110: {  	[tilespmem:$0xB88] =	vst v0  }
0x111: {  	[tilespmem:$0xB98] =	vst v0  }
0x112: {  	[tilespmem:$0xBA8] =	vst v0  }
0x113: {  	[tilespmem:$0xBB8] =	vst v0  }
0x114: {  	[tilespmem:$0xBC8] =	vst v0  }
0x115: {  	[tilespmem:$0xBD8] =	vst v0  }
0x116: {  	[tilespmem:$0xBE8] =	vst v0  }
0x117: {  	[tilespmem:$0xBF8] =	vst v0  }
0x118: {  	[tilespmem:$0xC08] =	vst v0  }
0x119: {  	[tilespmem:$0xC18] =	vst v0  }
0x11a: {  	[tilespmem:$0xC28] =	vst v0  }
0x11b: {  	[tilespmem:$0xC38] =	vst v0  }
0x11c: {  	[tilespmem:$0xC48] =	vst v0  }
0x11d: {  	[tilespmem:$0xC58] =	vst v0  }
0x11e: {  	[tilespmem:$0xC68] =	vst v0  }
0x11f: {  	[tilespmem:$0xC78] =	vst v0  }
0x120: {  	[tilespmem:$0xC88] =	vst v0  }
0x121: {  	[tilespmem:$0xC98] =	vst v0  }
0x122: {  	[tilespmem:$0xCA8] =	vst v0  }
0x123: {  	[tilespmem:$0xCB8] =	vst v0  }
0x124: {  	[tilespmem:$0xCC8] =	vst v0  }
0x125: {  	[tilespmem:$0xCD8] =	vst v0  }
0x126: {  	[tilespmem:$0xCE8] =	vst v0  }
0x127: {  	[tilespmem:$0xCF8] =	vst v0  }
0x128: {  	[tilespmem:$0xD08] =	vst v0  }
0x129: {  	[tilespmem:$0xD18] =	vst v0  }
0x12a: {  	[tilespmem:$0xD28] =	vst v0  }
0x12b: {  	[tilespmem:$0xD38] =	vst v0  }
0x12c: {  	[tilespmem:$0xD48] =	vst v0  }
0x12d: {  	[tilespmem:$0xD58] =	vst v0  }
0x12e: {  	[tilespmem:$0xD68] =	vst v0  }
0x12f: {  	[tilespmem:$0xD78] =	vst v0  }
0x130: {  	[tilespmem:$0xD88] =	vst v0  }
0x131: {  	[tilespmem:$0xD98] =	vst v0  }
0x132: {  	[tilespmem:$0xDA8] =	vst v0  }
0x133: {  	[tilespmem:$0xDB8] =	vst v0  }
0x134: {  	[tilespmem:$0xDC8] =	vst v0  }
0x135: {  	[tilespmem:$0xDD8] =	vst v0  }
0x136: {  	[tilespmem:$0xDE8] =	vst v0  }
0x137: {  	[tilespmem:$0xDF8] =	vst v0  }
0x138: {  	[tilespmem:$0xE08] =	vst v0  }
0x139: {  	[tilespmem:$0xE18] =	vst v0  }
0x13a: {  	[tilespmem:$0xE28] =	vst v0  }
0x13b: {  	[tilespmem:$0xE38] =	vst v0  }
0x13c: {  	[tilespmem:$0xE48] =	vst v0  }
0x13d: {  	[tilespmem:$0xE58] =	vst v0  }
0x13e: {  	[tilespmem:$0xE68] =	vst v0  }
0x13f: {  	[tilespmem:$0xE78] =	vst v0  }
0x140: {  	[tilespmem:$0xE88] =	vst v0  }
0x141: {  	[tilespmem:$0xE98] =	vst v0  }
0x142: {  	[tilespmem:$0xEA8] =	vst v0  }
0x143: {  	[tilespmem:$0xEB8] =	vst v0  }
0x144: {  	[tilespmem:$0xEC8] =	vst v0  }
0x145: {  	[tilespmem:$0xED8] =	vst v0  }
0x146: {  	[tilespmem:$0xEE8] =	vst v0  }
0x147: {  	[tilespmem:$0xEF8] =	vst v0  }
0x148: {  	[tilespmem:$0xF08] =	vst v0  }
0x149: {  	[tilespmem:$0xF18] =	vst v0  }
0x14a: {  	[tilespmem:$0xF28] =	vst v0  }
0x14b: {  	[tilespmem:$0xF38] =	vst v0  }
0x14c: {  	[tilespmem:$0xF48] =	vst v0  }
0x14d: {  	[tilespmem:$0xF58] =	vst v0  }
0x14e: {  	[tilespmem:$0xF68] =	vst v0  }
0x14f: {  	[tilespmem:$0xF78] =	vst v0  }
0x150: {  	[tilespmem:$0xF88] =	vst v0  }
0x151: {  	[tilespmem:$0xF98] =	vst v0  }
0x152: {  	[tilespmem:$0xFA8] =	vst v0  }
0x153: {  	[tilespmem:$0xFB8] =	vst v0  }
0x154: {  	[tilespmem:$0xFC8] =	vst v0  }
0x155: {  	[tilespmem:$0xFD8] =	vst v0  }
0x156: {  	[tilespmem:$0xFE8] =	vst v0  }
0x157: {  	[tilespmem:$0xFF8] =	vst v0  }
0x158: {  	[tilespmem:$0x1028] =	vst v0  }
0x159: {  	[tilespmem:$0x10E8] =	vst v0  }
0x15a: {  	[tilespmem:$0x1068] =	vst v0  }
0x15b: {  	[tilespmem:$0x1B28] =	vst v0  }
0x15c: {  	[tilespmem:$0x1B18] =	vst v0  }
0x15d: {  	[tilespmem:$0x1B08] =	vst v0  }
0x15e: {  	[tilespmem:$0x1AF8] =	vst v0  }
0x15f: {  	[tilespmem:$0x1AE8] =	vst v0  }
0x160: {  	[tilespmem:$0x1AD8] =	vst v0  }
0x161: {  	[tilespmem:$0x1AC8] =	vst v0  }
0x162: {  	[tilespmem:$0x1AB8] =	vst v0  }
0x163: {  	[tilespmem:$0x1AA8] =	vst v0  }
0x164: {  	[tilespmem:$0x1A98] =	vst v0  }
0x165: {  	[tilespmem:$0x1A88] =	vst v0  }
0x166: {  	[tilespmem:$0x1A78] =	vst v0  }
0x167: {  	[tilespmem:$0x1A68] =	vst v0  }
0x168: {  	[tilespmem:$0x1A58] =	vst v0  }
0x169: {  	[tilespmem:$0x1A48] =	vst v0  }
0x16a: {  	[tilespmem:$0x1A38] =	vst v0  }
0x16b: {  	[tilespmem:$0x1A28] =	vst v0  }
0x16c: {  	[tilespmem:$0x1A18] =	vst v0  }
0x16d: {  	[tilespmem:$0x1A08] =	vst v0  }
0x16e: {  	[tilespmem:$0x19F8] =	vst v0  }
0x16f: {  	[tilespmem:$0x19E8] =	vst v0  }
0x170: {  	[tilespmem:$0x19D8] =	vst v0  }
0x171: {  	[tilespmem:$0x19C8] =	vst v0  }
0x172: {  	[tilespmem:$0x19B8] =	vst v0  }
0x173: {  	[tilespmem:$0x19A8] =	vst v0  }
0x174: {  	[tilespmem:$0x1998] =	vst v0  }
0x175: {  	[tilespmem:$0x1988] =	vst v0  }
0x176: {  	[tilespmem:$0x1978] =	vst v0  }
0x177: {  	[tilespmem:$0x1968] =	vst v0  }
0x178: {  	[tilespmem:$0x1958] =	vst v0  }
0x179: {  	[tilespmem:$0x1948] =	vst v0  }
0x17a: {  	[tilespmem:$0x1938] =	vst v0  }
0x17b: {  	[tilespmem:$0x1928] =	vst v0  }
0x17c: {  	[tilespmem:$0x1918] =	vst v0  }
0x17d: {  	[tilespmem:$0x1908] =	vst v0  }
0x17e: {  	[tilespmem:$0x18F8] =	vst v0  }
0x17f: {  	[tilespmem:$0x18E8] =	vst v0  }
0x180: {  	[tilespmem:$0x18D8] =	vst v0  }
0x181: {  	[tilespmem:$0x18C8] =	vst v0  }
0x182: {  	[tilespmem:$0x18B8] =	vst v0  }
0x183: {  	[tilespmem:$0x18A8] =	vst v0  }
0x184: {  	[tilespmem:$0x1898] =	vst v0  }
0x185: {  	[tilespmem:$0x1888] =	vst v0  }
0x186: {  	[tilespmem:$0x1878] =	vst v0  }
0x187: {  	[tilespmem:$0x1868] =	vst v0  }
0x188: {  	[tilespmem:$0x1858] =	vst v0  }
0x189: {  	[tilespmem:$0x1848] =	vst v0  }
0x18a: {  	[tilespmem:$0x1838] =	vst v0  }
0x18b: {  	[tilespmem:$0x1828] =	vst v0  }
0x18c: {  	[tilespmem:$0x1818] =	vst v0  }
0x18d: {  	[tilespmem:$0x1808] =	vst v0  }
0x18e: {  	[tilespmem:$0x17F8] =	vst v0  }
0x18f: {  	[tilespmem:$0x17E8] =	vst v0  }
0x190: {  	[tilespmem:$0x17D8] =	vst v0  }
0x191: {  	[tilespmem:$0x17C8] =	vst v0  }
0x192: {  	[tilespmem:$0x17B8] =	vst v0  }
0x193: {  	[tilespmem:$0x17A8] =	vst v0  }
0x194: {  	[tilespmem:$0x1798] =	vst v0  }
0x195: {  	[tilespmem:$0x1788] =	vst v0  }
0x196: {  	[tilespmem:$0x1778] =	vst v0  }
0x197: {  	[tilespmem:$0x1768] =	vst v0  }
0x198: {  	[tilespmem:$0x1758] =	vst v0  }
0x199: {  	[tilespmem:$0x1748] =	vst v0  }
0x19a: {  	[tilespmem:$0x1738] =	vst v0  }
0x19b: {  	[tilespmem:$0x1728] =	vst v0  }
0x19c: {  	[tilespmem:$0x1718] =	vst v0  }
0x19d: {  	[tilespmem:$0x1708] =	vst v0  }
0x19e: {  	[tilespmem:$0x16F8] =	vst v0  }
0x19f: {  	[tilespmem:$0x16E8] =	vst v0  }
0x1a0: {  	[tilespmem:$0x16D8] =	vst v0  }
0x1a1: {  	[tilespmem:$0x16C8] =	vst v0  }
0x1a2: {  	[tilespmem:$0x16B8] =	vst v0  }
0x1a3: {  	[tilespmem:$0x16A8] =	vst v0  }
0x1a4: {  	[tilespmem:$0x1698] =	vst v0  }
0x1a5: {  	[tilespmem:$0x1688] =	vst v0  }
0x1a6: {  	[tilespmem:$0x1678] =	vst v0  }
0x1a7: {  	[tilespmem:$0x1668] =	vst v0  }
0x1a8: {  	[tilespmem:$0x1658] =	vst v0  }
0x1a9: {  	[tilespmem:$0x1648] =	vst v0  }
0x1aa: {  	[tilespmem:$0x1638] =	vst v0  }
0x1ab: {  	[tilespmem:$0x1628] =	vst v0  }
0x1ac: {  	[tilespmem:$0x1618] =	vst v0  }
0x1ad: {  	[tilespmem:$0x1608] =	vst v0  }
0x1ae: {  	[tilespmem:$0x15F8] =	vst v0  }
0x1af: {  	[tilespmem:$0x15E8] =	vst v0  }
0x1b0: {  	[tilespmem:$0x15D8] =	vst v0  }
0x1b1: {  	[tilespmem:$0x15C8] =	vst v0  }
0x1b2: {  	[tilespmem:$0x15B8] =	vst v0  }
0x1b3: {  	[tilespmem:$0x15A8] =	vst v0  }
0x1b4: {  	[tilespmem:$0x1598] =	vst v0  }
0x1b5: {  	[tilespmem:$0x1588] =	vst v0  }
0x1b6: {  	[tilespmem:$0x1578] =	vst v0  }
0x1b7: {  	[tilespmem:$0x1568] =	vst v0  }
0x1b8: {  	[tilespmem:$0x1558] =	vst v0  }
0x1b9: {  	[tilespmem:$0x1548] =	vst v0  }
0x1ba: {  	[tilespmem:$0x1538] =	vst v0  }
0x1bb: {  	[tilespmem:$0x1528] =	vst v0  }
0x1bc: {  	[tilespmem:$0x1518] =	vst v0  }
0x1bd: {  	[tilespmem:$0x1508] =	vst v0  }
0x1be: {  	[tilespmem:$0x14F8] =	vst v0  }
0x1bf: {  	[tilespmem:$0x14E8] =	vst v0  }
0x1c0: {  	[tilespmem:$0x14D8] =	vst v0  }
0x1c1: {  	[tilespmem:$0x14C8] =	vst v0  }
0x1c2: {  	[tilespmem:$0x14B8] =	vst v0  }
0x1c3: {  	[tilespmem:$0x14A8] =	vst v0  }
0x1c4: {  	[tilespmem:$0x1498] =	vst v0  }
0x1c5: {  	[tilespmem:$0x1488] =	vst v0  }
0x1c6: {  	[tilespmem:$0x1478] =	vst v0  }
0x1c7: {  	[tilespmem:$0x1468] =	vst v0  }
0x1c8: {  	[tilespmem:$0x1458] =	vst v0  }
0x1c9: {  	[tilespmem:$0x1448] =	vst v0  }
0x1ca: {  	[tilespmem:$0x1438] =	vst v0  }
0x1cb: {  	[tilespmem:$0x1428] =	vst v0  }
0x1cc: {  	[tilespmem:$0x1418] =	vst v0  }
0x1cd: {  	[tilespmem:$0x1408] =	vst v0  }
0x1ce: {  	[tilespmem:$0x13F8] =	vst v0  }
0x1cf: {  	[tilespmem:$0x13E8] =	vst v0  }
0x1d0: {  	[tilespmem:$0x13D8] =	vst v0  }
0x1d1: {  	[tilespmem:$0x13C8] =	vst v0  }
0x1d2: {  	[tilespmem:$0x13B8] =	vst v0  }
0x1d3: {  	[tilespmem:$0x13A8] =	vst v0  }
0x1d4: {  	[tilespmem:$0x1398] =	vst v0  }
0x1d5: {  	[tilespmem:$0x1388] =	vst v0  }
0x1d6: {  	[tilespmem:$0x1378] =	vst v0  }
0x1d7: {  	[tilespmem:$0x1368] =	vst v0  }
0x1d8: {  	[tilespmem:$0x1358] =	vst v0  }
0x1d9: {  	[tilespmem:$0x1348] =	vst v0  }
0x1da: {  	[tilespmem:$0x1338] =	vst v0  }
0x1db: {  	[tilespmem:$0x1328] =	vst v0  }
0x1dc: {  	[tilespmem:$0x1318] =	vst v0  }
0x1dd: {  	[tilespmem:$0x1308] =	vst v0  }
0x1de: {  	[tilespmem:$0x12F8] =	vst v0  }
0x1df: {  	[tilespmem:$0x12E8] =	vst v0  }
0x1e0: {  	[tilespmem:$0x12D8] =	vst v0  }
0x1e1: {  	[tilespmem:$0x12C8] =	vst v0  }
0x1e2: {  	[tilespmem:$0x12B8] =	vst v0  }
0x1e3: {  	[tilespmem:$0x12A8] =	vst v0  }
0x1e4: {  	[tilespmem:$0x1298] =	vst v0  }
0x1e5: {  	[tilespmem:$0x1288] =	vst v0  }
0x1e6: {  	[tilespmem:$0x1278] =	vst v0  }
0x1e7: {  	[tilespmem:$0x1268] =	vst v0  }
0x1e8: {  	[tilespmem:$0x1258] =	vst v0  }
0x1e9: {  	[tilespmem:$0x1248] =	vst v0  }
0x1ea: {  	[tilespmem:$0x1238] =	vst v0  }
0x1eb: {  	[tilespmem:$0x1228] =	vst v0  }
0x1ec: {  	[tilespmem:$0x1218] =	vst v0  }
0x1ed: {  	[tilespmem:$0x1208] =	vst v0  }
0x1ee: {  	[tilespmem:$0x11F8] =	vst v0  }
0x1ef: {  	[tilespmem:$0x11E8] =	vst v0  }
0x1f0: {  	[tilespmem:$0x11D8] =	vst v0  }
0x1f1: {  	[tilespmem:$0x11C8] =	vst v0  }
0x1f2: {  	[tilespmem:$0x11B8] =	vst v0  }
0x1f3: {  	[tilespmem:$0x11A8] =	vst v0  }
0x1f4: {  	[tilespmem:$0x1198] =	vst v0  }
0x1f5: {  	[tilespmem:$0x1188] =	vst v0  }
0x1f6: {  	[tilespmem:$0x1178] =	vst v0  }
0x1f7: {  	[tilespmem:$0x1168] =	vst v0  }
0x1f8: {  	[tilespmem:$0x1158] =	vst v0  }
0x1f9: {  	[tilespmem:$0x1148] =	vst v0  }
0x1fa: {  	[tilespmem:$0x1138] =	vst v0  }
0x1fb: {  	[tilespmem:$0x1128] =	vst v0  }
0x1fc: {  	[tilespmem:$0x1118] =	vst v0  }
0x1fd: {  	s4 =	stileid.u32;
	[tilespmem:$0x1108] =	vst v0  }
0x1fe: {  	s0 =	smul.u32 $0x17, s4;
	[tilespmem:$0x10F8] =	vst v0  }
0x1ff: {  	s1 =	smin.u32 s4, $0x3;
	[tilespmem:$0x10C8] =	vst v0  }
0x200: {  	[tilespmem:$0x10D8] =	vst v0;
	s0 =	sadd.s32 s1, s0  }
0x201: {  	p0 =	slt.u32 s4, $0x3;
	[tilespmem:$0x10B8] =	vst v0;
	s1 =	simm.s32 $0x2880;
	s6 =	smul.u32 $0x1B0, s0  }
0x202: {  	s1 =	simm.s32 @!p0 $0x26D0;
	[tilespmem:$0x1038] =	vst v0  }
0x203: {  	[tilespmem:$0x10A8] =	vst v0;
	s0 =	sadd.s32 s1, s6  }
0x204: {  	s3 =	simm.s32 $0x2;
	s8 =	simm.s32 $0x9;
	[tilespmem:$0x1098] =	vst v0;
	s7 =	smin.u32 s0, $0x27100  }
0x205: {  	s10 =	simm.s32 $0xA;
	s30 =	simm.s32 $0xB;
	[tilespmem:$0x1088] =	vst v0;
	s0 =	ssub.s32 s7, s6  }
0x206: {  	s16 =	simm.s32 $0x0;
	p4 =	por $0x0, $0x0;
	[tilespmem:$0x1078] =	vst v0;
	p0 =	sgt.s32 s0, $0x0  }
0x207: {  	s17 =	simm.s32 $0xC;
	s21 =	simm.s32 $0x0;
	[tilespmem:$0x1058] =	vst v0;
	s0 =	simm.s32 @!p0 $0x0  }
0x208: {  	s18 =	simm.s32 $0x0;
	s2 =	sand.u32 $0x1, s2;
	[tilespmem:$0x1048] =	vst v0;
	s29 =	smulhi.u32 $0x4BDA12F7, s0  }
0x209: {  	s20 =	simm.s32 $0x0;
	s31 =	sshll.u32 s4, $0x5;
	[tilespmem:$0x1018] =	vst v0;
	[dreg:$0x5] =	wrdreg s2  }
0x20a: {  	s2 =	smul.u32 $0x4E20, s2;
	[tilespmem:$0x1008] =	vst v0;
	[sflag:s3] =	ssyncpa.u1 $0x0;
	s1 =	sshrl.u32 s29, $0x7  }
0x20b: {  	v0 =	vimm.s32 $0xFFFFFFFF;
	s3 =	sadd.s32 $0x83800, s11;
	[dreg:$0x4] =	wrdreg s31;
	s5 =	smul.u32 $0x1B0, s1  }
.Ltmp7:
0x20c: {  	[tilespmem:$0x3648] =	vst v0;
	[sflag:s8] =	ssyncpa.u1 $0x0;
	s2 =	sadd.s32 s2, s11;
	(pc) =	sbr.rel .LBB3_1-.Ltmp7, $4  }
0x20d: {  	[sflag:s10] =	ssyncpa.u1 $0x0;
	s11 =	sadd.s32 $0xA4B3000, s11;
	p0 =	sne.s32 s0, s5  }
0x20e: {  	[sflag:s30] =	ssyncpa.u1 $0x0;
	s14 =	sadd.s32 $0x2B600, s2;
	s12 =	simm.s32 @!p0 $0x0  }
0x20f: {  	s15 =	sadd.s32 $0x3E00, s2;
	s19 =	smov.u32 s6;
	s12 =	sadd.s32 s12, s1  }
0x210: {  	v0 =	vlaneseq.u32;
	[dreg:$0x6] =	wrdreg s6;
	p0 =	por $0x1, $0x1;
	s4 =	sadd.s32 $0x1, s12  }
.LBB3_18:
0x211: {  	s0 =	simm.s32 $0x2  }
0x212: {  	_ =	swait.ge [sflag:s0], $0x0  }
0x213: {  	[sflag:s0] =	ssyncset.done $0x0;
	s0 =	simm.s32 $0x0  }
.LBB3_19:
0x214: {  	_ =	swait.ge [sflag:s17], s0  }
0x215: {  	s31 =	ssub.s32 $0x0, s0;
	v1 =	vmov s23;
	vm0 =	veq.s32 v0, $0x0;
	[sflag:s17] =	ssyncset.done $0x0  }
0x216: {  	vm15 =	veq.s32 v0, $0x2;
	v1 =	vsel vm0, s28, v1;
	[sflag:s17] =	ssyncadd.s32 s31  }
0x217: {  	v1 =	vsel vm15, s21, v1;
	[sflag:s17] =	ssyncpa.u1 $0x1  }
0x218: {  	[tilespmem:$0x3648] =	vst v1  }
.LBB3_20:
0x219: {  	s0 =	sadd.s32 $0x1B0, s19  }
0x21a: {  	s1 =	smov.u32 s6;
	p1 =	slt.s32 s0, s7  }
0x21b: {  	s1 =	smov.u32 @p1 s0;
	p1 =	sne.s32 s20, s4  }
.Ltmp8:
0x21c: {  	_ = 	snop;
	(pc) =	sbr.rel @!p1 .LBB3_21-.Ltmp8, $4  }
0x21d: {  	_ = 	snop  }
0x21e: {  	s21 =	smov.u32 s18  }
0x21f: {  	s31 =	sadd.s32 $0x1, s20;
	s18 =	smov.u32 s19;
	p0 =	por !p0, !p0  }
0x220: {  	p4 =	por !p4, !p4;
	s20 =	smov.u32 s31;
	s19 =	smov.u32 s1  }
.LBB3_1:
0x221: {  	p2 =	sge.u32 s20, s12  }
0x222: {  	s0 =	smulhi.u32 @!p2 $0xAAAAAAAB, s20  }
0x223: {  	s1 =	smov.u32 s19;
	p3 =	sgt.s32 @!p2 s19, $0x26F50  }
0x224: {  	s2 =	sshra.s32 @!p2 s19, $0x1F;
	p3 =	por !p3, p2;
	s0 =	sshrl.u32 @!p2 s0, $0x1  }
0x225: {  	s2 =	sand.u32 @!p2 s2, s19;
	s1 =	simm.s32 @p3 $0x26F50;
	s0 =	smul.u32 @!p2 $0x3, s0  }
0x226: {  	s1 =	ssub.s32 @!p2 s1, s2  }
0x227: {  	s23 =	sadd.s32 $0xFFFFFFFF, s20;
	s1 =	sadd.s32 @!p2 $0xFFFD90B0, s1;
	s0 =	ssub.s32 @!p2 s20, s0  }
0x228: {  	s2 =	sshll.u32 @!p2 s1, $0x2;
	p3 =	sgt.s32 @!p2 s1, $0x1AF;
	s0 =	smul.u32 @!p2 $0x6C0, s0  }
0x229: {  	s5 =	sand.u32 @!p2 $0x7, s19;
	s1 =	ssub.s32 @!p2 $0x6C0, s2;
	p3 =	por !p3, p2  }
0x22a: {  	s2 =	sshrl.u32 @!p2 s19, $0x3;
	s1 =	sshrl.u32 @!p2 s1, $0x2;
	s0 =	sshrl.u32 @!p2 s0, $0x2  }
0x22b: {  	s2 =	sadd.s32 @!p2 s2, s14;
	s1 =	simm.s32 @!p3 $0x0;
	s0 =	sadd.s32 @!p2 $0x3888, s0  }
0x22c: {  	[tilespmem:s0], [sflag:$0xA] =	stream.linear.gather @!p2 [hbm4b:s2+s5], s1, $0x38;
	[tilespmem:$0x1F0F8] =	vst v63  }
0x22d: {  	p2 =	sge.u32 s23, s12  }
0x22e: {  	p3 =	sgt.s32 @!p2 s18, $0x26F50  }
0x22f: {  	s0 =	smov.u32 s18;
	s1 =	sshra.s32 @!p2 s18, $0x1F;
	p3 =	por !p3, p2  }
0x230: {  	s1 =	sand.u32 @!p2 s1, s18;
	s0 =	simm.s32 @p3 $0x26F50  }
0x231: {  	s0 =	ssub.s32 @!p2 s0, s1  }
0x232: {  	s0 =	sadd.s32 @!p2 $0xFFFD90B0, s0  }
0x233: {  	s1 =	sshll.u32 @!p2 s0, $0x2  }
0x234: {  	p3 =	sgt.s32 @!p2 s0, $0x1AF;
	s0 =	ssub.s32 @!p2 $0x6C0, s1  }
0x235: {  	s22 =	ssub.s32 @!p2 $0x27100, s18;
	p3 =	por !p3, p2;
	s0 =	sshrl.u32 @!p2 s0, $0x2  }
0x236: {  	s1 =	sand.u32 @!p2 $0x1, s23;
	s0 =	simm.s32 @!p3 $0x0;
	p3 =	slt.s32 @!p2 s22, $0x1  }
0x237: {  	s2 =	simm.s32 @!p2 $0xA;
	s1 =	smul.u32 @!p2 $0x6C0, s1;
	p3 =	por p2, p3  }
.Ltmp9:
0x238: {  	_ =	swait.ge @!p2 [sflag:s2], s0;
	(pc) =	sbr.rel @p3 .LBB3_7-.Ltmp9, $4  }
0x239: {  	s5 =	ssub.s32 @!p2 $0x0, s0;
	[sflag:s2] =	ssyncset.done @!p2 $0x0  }
0x23a: {  	s1 =	sshrl.u32 @!p2 s1, $0x2;
	[sflag:s2] =	ssyncadd.s32 @!p2 s5;
	s2 =	sshrl.u32 @!p2 s18, $0x3  }
0x23b: {  	s1 =	sadd.s32 @!p2 $0x3D98, s1;
	s5 =	sand.u32 @!p2 $0x7, s18;
	s2 =	sadd.s32 @!p2 s2, s15  }
0x23c: {  	[tilespmem:s1], [sflag:$0xB] =	stream.linear.gather @!p2 [hbm4b:s2+s5], s0, $0x38;
	[tilespmem:$0x1F0F8] =	vst v63  }
0x23d: {  	s0 =	smulhi.u32 $0xAAAAAAAB, s23;
	_ =	sdelay $0x1  }
0x23e: {  	s0 =	sshrl.u32 s0, $0x1  }
0x23f: {  	s0 =	smul.u32 $0x3, s0;
	_ =	sdelay $0x1  }
0x240: {  	s0 =	ssub.s32 s23, s0  }
0x241: {  	s1 =	simm.s32 $0x1;
	s0 =	smul.u32 $0x6C0, s0  }
.Ltmp10:
0x242: {  	s1 =	simm.s32 @!p0 $0x0;
	(pc) =	sbr.rel .LBB3_4-.Ltmp10, $4  }
0x243: {  	s1 =	smul.u32 $0x36000, s1  }
0x244: {  	p3 =	slt.s32 @!p2 s22, $0x1B0;
	s0 =	sshrl.u32 s0, $0x2  }
0x245: {  	p2 =	por !p3, p2;
	s1 =	sshrl.u32 s1, $0x2;
	s0 =	sadd.s32 $0x3888, s0  }
0x246: {  	s24 =	simm.s32 $0x0;
	s22 =	simm.s32 @p2 $0x1B0;
	s23 =	sadd.s32 $0x40F8, s1;
	v1 =	vmov s0  }
.LBB3_3:
0x247: {  	p2 =	sge.s32 s24, s22  }
.Ltmp11:
0x248: {  	_ = 	snop;
	(pc) =	sbr.rel @p2 .LBB3_7-.Ltmp11, $2  }
0x249: {  	_ =	sdelay $0x2  }
0x24a: {  	s23 =	sadd.s32 $0x800, s23  }
.LBB3_4:
0x24b: {  	p2 =	sle.s32 s22, s24  }
.Ltmp12:
0x24c: {  	_ = 	snop;
	(pc) =	sbr.rel @p2 .LBB3_3-.Ltmp12, $2  }
0x24d: {  	_ =	sdelay $0x2  }
0x24e: {  	s0 =	smov.u32 s24;
	s24 =	sadd.s32 $0x10, s24  }
0x24f: {  	s1 =	ssub.s32 s22, s0  }
0x250: {  	p2 =	slt.s32 s1, $0x10  }
0x251: {  	s1 =	simm.s32 @!p2 $0x10  }
0x252: {  	v2 =	vmov s1  }
0x253: {  	vm0 =	vgt.s32 v2, v0;
	_ =	sdelay $0x5  }
0x254: {  	v2 =	vld.idx.msk [tilespmem:v1+s0+$0x0 ss:$0x1], vm0;
	_ =	sdelay $0x2  }
0x255: {  	p2 =	slt.s32 s24, s22;
	s1 =	smov.u32 s22  }
0x256: {  	s2 =	smov.u32 s23;
	s25 =	simm.s32 $0x0;
	s1 =	smov.u32 @p2 s24  }
.LBB3_6:
0x257: {  	(v2sf) =	vpush v2, s25;
	_ =	sdelay $0xc  }
0x258: {  	s25 =	sadd.s32 $0x1, s25  }
0x259: {  	s31 =	sadd.s32 s25, s0  }
0x25a: {  	p2 =	slt.s32 s31, s1;
	s5 =	spop (v2sf)  }
.Ltmp13:
0x25b: {  	s5 =	sshll.u32 s5, $0x4;
	(pc) =	sbr.rel @p2 .LBB3_6-.Ltmp13, $4  }
0x25c: {  	s5 =	sand.u32 $0x1FFFFFF0, s5  }
0x25d: {  	s5 =	sadd.s32 s11, s5  }
0x25e: {  	[tilespmem:s2], [sflag:$0x9] =	stream.linear.gather [hbm4b:s5+s16], $0x8, $0x38;
	[tilespmem:$0x1F0F8] =	vst v63  }
0x25f: {  	s2 =	sadd.s32 $0x80, s2  }
.Ltmp14:
0x260: {  	_ = 	snop;
	(pc) =	sbr.rel .LBB3_3-.Ltmp14, $1  }
0x261: {  	_ =	sdelay $0x3  }
.LBB3_7:
0x262: {  	p2 =	slt.u32 s20, $0x2  }
.Ltmp15:
0x263: {  	_ = 	snop;
	(pc) =	sbr.rel @p2 .LBB3_20-.Ltmp15, $1  }
0x264: {  	_ =	sdelay $0x3  }
0x265: {  	p2 =	sgt.s32 s21, $0x26F50  }
0x266: {  	s0 =	smov.u32 s21;
	s1 =	sshra.s32 s21, $0x1F;
	s2 =	ssub.s32 $0x27100, s21  }
0x267: {  	s0 =	simm.s32 @!p2 $0x26F50;
	s1 =	sand.u32 s1, s21;
	p2 =	slt.s32 s2, $0x1B0  }
0x268: {  	s0 =	ssub.s32 s0, s1;
	s2 =	simm.s32 @!p2 $0x1B0  }
0x269: {  	s0 =	sadd.s32 $0xFFFD90B0, s0;
	s24 =	sshll.u32 s2, $0x3  }
0x26a: {  	s28 =	simm.s32 $0x9;
	s25 =	sshll.u32 s0, $0x2;
	s1 =	sand.u32 $0x3FFFFFF8, s24  }
0x26b: {  	p2 =	sgt.s32 s0, $0x1AF;
	s26 =	ssub.s32 $0x6C0, s25;
	_ =	swait.ge [sflag:s28], s1  }
0x26c: {  	s1 =	ssub.s32 $0x0, s1;
	[sflag:s28] =	ssyncset.done $0x0;
	s0 =	sshrl.u32 s26, $0x2  }
0x26d: {  	s30 =	simm.s32 $0xB;
	[sflag:s28] =	ssyncadd.s32 s1;
	s0 =	simm.s32 @p2 $0x0  }
0x26e: {  	_ =	swait.ge [sflag:s30], s0  }
0x26f: {  	s0 =	ssub.s32 $0x0, s0;
	[sflag:s30] =	ssyncset.done $0x0  }
0x270: {  	[sflag:s30] =	ssyncadd.s32 s0  }
0x271: {  	v1 =	vld [tilespmem:$0x3648];
	_ =	sdelay $0x4  }
0x272: {  	(v2sf) =	vpush v1, $0x0  }
0x273: {  	(v2sf) =	vpush v1, $0x1  }
0x274: {  	(v2sf) =	vpush v1, $0x2;
	_ =	sdelay $0x3  }
0x275: {  	s0 =	sadd.s32 $0x1B0, s21  }
0x276: {  	s1 =	ssub.s32 $0x4E200, s21;
	p2 =	slt.s32 s7, s0  }
0x277: {  	s0 =	smov.u32 @p2 s7;
	p2 =	sgt.s32 s1, $0x0  }
0x278: {  	s25 =	ssub.s32 s0, s21;
	s1 =	simm.s32 @!p2 $0x0  }
0x279: {  	p2 =	slt.s32 s1, s25  }
0x27a: {  	s25 =	smov.u32 @p2 s1  }
0x27b: {  	s24 =	simm.s32 $0x1;
	p2 =	slt.s32 s25, $0x1  }
.Ltmp16:
0x27c: {  	s24 =	simm.s32 @!p4 $0x0;
	(pc) =	sbr.rel @p2 .LBB3_12-.Ltmp16, $4  }
0x27d: {  	s31 =	smul.u32 $0x6C0, s24  }
0x27e: {  	s26 =	spop (v2sf)  }
0x27f: {  	s0 =	sshrl.u32 s31, $0x2;
	s29 =	spop (v2sf)  }
0x280: {  	s22 =	sadd.s32 $0x3D98, s0;
	s21 =	spop (v2sf)  }
0x281: {  	s0 =	smin.u32 s25, $0x10  }
0x282: {  	v1 =	vmov s0  }
0x283: {  	p3 =	sgt.s32 s25, $0x10;
	vm1 =	vgt.u32 v1, v0  }
.Ltmp17:
0x284: {  	_ = 	snop;
	(pc) =	sbr.rel @!p3 .LBB3_11-.Ltmp17, $2  }
0x285: {  	_ =	sdelay $0x2  }
0x286: {  	s23 =	simm.s32 $0x10;
	s28 =	sadd.s32 $0xFFFFFFF0, s25;
	s0 =	smov.u32 s22;
	vm0 =	vmmov vm1  }
.LBB3_10:
0x287: {  	s1 =	smin.u32 s28, $0x10;
	s23 =	sadd.s32 $0x10, s23;
	v1 =	vld.msk [tilespmem:s0+$0x0 ss:$0x1], vm1  }
0x288: {  	v2 =	vmov s1;
	p3 =	slt.s32 s23, s25  }
0x289: {  	vm1 =	vgt.u32 v2, v0  }
.Ltmp18:
0x28a: {  	(pc) =	sbr.rel @p3 .LBB3_10-.Ltmp18, $3  }
0x28b: {  	_ =	sdelay $0x1  }
0x28c: {  	v1 =	vshll.u32 v1, $0x4  }
0x28d: {  	s28 =	sadd.s32 $0xFFFFFFF0, s28;
	[tilespmem:s0+$0x0] =	vst.msk vm0, v1;
	s0 =	sadd.s32 $0x10, s0;
	vm0 =	vmmov vm1  }
.LBB3_11:
0x28e: {  	_ =	sdelay $0x4  }
0x28f: {  	v1 =	vld.msk [tilespmem:s0+$0x0 ss:$0x1], vm1;
	_ =	sdelay $0x4  }
0x290: {  	v1 =	vshll.u32 v1, $0x4  }
0x291: {  	[tilespmem:s0+$0x0] =	vst.msk vm0, v1  }
.LBB3_12:
0x292: {  	s0 =	sand.u32 $0x1, s20  }
0x293: {  	s0 =	smul.u32 $0x1B0, s0  }
0x294: {  	p3 =	sne.s32 s29, $0xFFFFFFFF  }
0x295: {  	v1 =	vld.msk @!p3 [tilespmem:s0+$0x3D98], $0x1;
	_ =	sdelay $0x4  }
0x296: {  	(v2sf) =	vpush @!p3 v1, $0x0;
	_ =	sdelay $0xc  }
.Ltmp19:
0x297: {  	_ = 	snop;
	(pc) =	sbr.rel @p2 .LBB3_18-.Ltmp19, $4  }
0x298: {  	_ = 	snop  }
0x299: {  	s28 =	spop @!p3 (v2sf)  }
0x29a: {  	s21 =	simm.s32 @!p3 $0x0;
	s23 =	smov.u32 s28  }
0x29b: {  	[sflag:s17] =	ssyncpa.u1 $0x0;
	s28 =	smov.u32 @p3 s26;
	s23 =	smov.u32 @p3 s29  }
0x29c: {  	v1 =	vld.msk [tilespmem:s22+$0x0], $0x1;
	_ =	sdelay $0x4  }
0x29d: {  	(v2sf) =	vpush v1, $0x0;
	_ =	sdelay $0xe  }
0x29e: {  	s0 =	simm.s32 @!p4 $0x0;
	s26 =	smul.u32 $0x36000, s24;
	s31 =	spop (v2sf)  }
0x29f: {  	s29 =	ssub.s32 $0x0, s25;
	s0 =	simm.s32 @p4 $0x1;
	p2 =	seq.s32 s28, s31  }
0x2a0: {  	s1 =	smov.u32 s28;
	[smem:$0x7FD] =	sst s0;
	p3 =	sgt.s32 @!p2 s28, $0x0  }
0x2a1: {  	s0 =	sshrl.u32 s26, $0x2;
	s26 =	sadd.s32 $0x1, s29;
	p3 =	por !p3, p2  }
0x2a2: {  	s1 =	simm.s32 @p3 $0x0;
	p3 =	seq.s32 s26, $0x0  }
.Ltmp20:
0x2a3: {  	_ = 	snop;
	(pc) =	sbr.rel @p3 .LBB3_15-.Ltmp20, $4  }
0x2a4: {  	s6 =	smov.u32 s4;
	s25 =	simm.s32 $0x0  }
0x2a5: {  	s24 =	sadd.s32 $0x40F8, s0;
	s0 =	simm.s32 @!p2 $0x1;
	s2 =	smin.u32 @!p2 s1, $0x270FF  }
0x2a6: {  	s30 =	sadd.s32 $0x1, s22;
	s0 =	smov.u32 @p2 s25;
	s5 =	sand.u32 @!p2 $0x3FFF8, s2  }
0x2a7: {  	s1 =	simm.s32 @!p2 $0x1B38;
	s2 =	sand.u32 @!p2 $0x7, s2;
	s5 =	sadd.s32 @!p2 s3, s5  }
.LBB3_14:
0x2a8: {  	s4 =	smov.u32 s0  }
0x2a9: {  	[tilespmem:s1], [sflag:$0x2] =	stream.linear.gather @!p2 [hbm4b:s5+s2], $0x8, $0x38;
	[tilespmem:$0x1F0F8] =	vst v63  }
0x2aa: {  	s26 =	sadd.s32 $0x1, s26;
	s2 =	smov.u32 s31;
	v1 =	vld.msk [tilespmem:s30+$0x0], $0x1  }
0x2ab: {  	p3 =	seq.s32 s26, $0x0;
	_ =	sdelay $0x3  }
0x2ac: {  	(v2sf) =	vpush v1, $0x0;
	_ =	sdelay $0xe  }
0x2ad: {  	s31 =	spop (v2sf)  }
0x2ae: {  	p2 =	seq.s32 s2, s31  }
0x2af: {  	p4 =	sgt.s32 @!p2 s2, $0x0;
	s1 =	sshll.u32 @!p2 s0, $0x6;
	s0 =	sadd.s32 @!p2 $0x1, s0  }
.Ltmp21:
0x2b0: {  	p4 =	por !p4, p2;
	s1 =	sshra.s32 @!p2 s1, $0x2;
	(pc) =	sbr.rel @!p3 .LBB3_14-.Ltmp21, $4  }
0x2b1: {  	s0 =	smov.u32 @p2 s4;
	s2 =	simm.s32 @p4 $0x0;
	s1 =	sadd.s32 @!p2 $0x1B38, s1  }
0x2b2: {  	s2 =	smin.u32 @!p2 s2, $0x270FF  }
0x2b3: {  	s4 =	sand.u32 @!p2 $0x3FFF8, s2;
	s2 =	sand.u32 @!p2 $0x7, s2  }
0x2b4: {  	s30 =	sadd.s32 $0x1, s30;
	s5 =	sadd.s32 @!p2 s3, s4  }
.LBB3_15:
0x2b5: {  	[tilespmem:s1], [sflag:$0x2] =	stream.linear.gather @!p2 [hbm4b:s5+s2], $0x8, $0x38;
	[tilespmem:$0x1F0F8] =	vst v63  }
0x2b6: {  	s0 =	sshll.u32 s0, $0x3  }
0x2b7: {  	s31 =	simm.s32 $0x2;
	s0 =	sand.u32 $0x3FFFFFF8, s0  }
0x2b8: {  	_ =	swait.ge [sflag:s31], s0  }
0x2b9: {  	s0 =	ssub.s32 $0x0, s0;
	[sflag:s31] =	ssyncset.done $0x0  }
0x2ba: {  	[sflag:s31] =	ssyncadd.s32 s0  }
0x2bb: {  	v1 =	vld.msk [tilespmem:s22+$0x0], $0x1;
	_ =	sdelay $0x4  }
0x2bc: {  	(v2sf) =	vpush v1, $0x0;
	_ =	sdelay $0xe  }
0x2bd: {  	s26 =	spop (v2sf)  }
0x2be: {  	p2 =	sne.s32 s28, s26  }
0x2bf: {  	p4 =	sne.s32 @p2 s28, s23  }
0x2c0: {  	p3 =	por !p4, !p2  }
0x2c1: {  	s0 =	simm.s32 @!p3 $0x0  }
0x2c2: {  	v1 =	vld.msk @!p3 [tilespmem:s0+$0x1B38], $0xff  }
0x2c3: {  	p5 =	sgt.u32 @!p3 s28, $0x270FF  }
0x2c4: {  	s1 =	sshll.u32 @!p3 s21, $0x6;
	p6 =	por @p2 p5, !p4  }
0x2c5: {  	s1 =	sshra.s32 @!p3 s1, $0x2;
	p1 =	por p6, !p2;
	p6 =	por p4, !p2  }
0x2c6: {  	s2 =	sadd.s32 @!p3 $0x28, s1;
	s4 =	sand.u32 @!p1 $0x3FFF8, s28;
	s5 =	sshll.u32 @!p6 s21, $0x6  }
0x2c7: {  	s28 =	sand.u32 @!p1 $0x7, s28;
	[tilespmem:s1+$0x28] =	vst.add.f32.msk @!p3 $0xff, v1;
	s1 =	sadd.s32 @!p1 s3, s4;
	s4 =	sshra.s32 @!p6 s5, $0x2  }
0x2c8: {  	[hbm4b:s1+s28] =	stream.linear.scatter @!p1 [tilespmem:s2], [sflag:$0xC], $0x8, $0x38;
	[tilespmem:$0x1F0F8] =	vst v63  }
0x2c9: {  	s0 =	rddreg [dreg:$0x4];
	s1 =	sadd.s32 @!p6 $0x28, s4;
	s2 =	simm.s32 @!p6 $0x1  }
0x2ca: {  	[spmem:s0] =	stream.linear.scatter @!p6 [tilespmem:s1], [sflag:$0x1], $0x8, $0x38;
	[tilespmem:$0x1F0F8] =	vst v63  }
0x2cb: {  	s0 =	sadd.s32 @p2 $0x1, s21;
	_ =	swait.ge @!p6 [sflag:s2], $0x8  }
0x2cc: {  	s1 =	sshrl.u32 @p2 s0, $0x4;
	[sflag:s2] =	ssyncset.done @!p6 $0x0  }
0x2cd: {  	s1 =	smulhi.u32 @p2 $0x97B425F, s1;
	[sflag:s2] =	ssyncadd.s32 @!p6 $0xFFFFFFF8  }
0x2ce: {  	s28 =	sadd.s32 $0x1, s29;
	v1 =	vld.msk @p2 [tilespmem:s24+$0x0], $0xff  }
0x2cf: {  	p1 =	por @p2 !p5, !p4;
	p4 =	seq.s32 s28, $0x0;
	s1 =	smul.u32 @p2 $0x1B0, s1  }
.Ltmp22:
0x2d0: {  	p1 =	por !p1, !p2;
	s2 =	simm.s32 @!p3 $0x0;
	(pc) =	sbr.rel @p4 .LBB3_17-.Ltmp22, $4  }
0x2d1: {  	s4 =	sshll.u32 @!p2 s21, $0x6;
	s2 =	simm.s32 @!p1 $0x20;
	s0 =	ssub.s32 @p2 s0, s1  }
0x2d2: {  	s29 =	simm.s32 $0x0;
	s2 =	sadd.s32 @!p3 $0x0, s2;
	s5 =	sshll.u32 @p2 s0, $0x4  }
0x2d3: {  	s30 =	sshra.s32 @!p2 s4, $0x2;
	s1 =	simm.s32 @p2 $0x1;
	s2 =	smov.u32 @p3 s25;
	[tilespmem:s5+$0x28] =	vst.msk @p2 $0xff, v1  }
0x2d4: {  	s21 =	smov.u32 @p2 s0;
	s29 =	smov.u32 @p2 s2;
	s25 =	smov.u32 @p2 s1;
	v1 =	vld.msk @!p2 [tilespmem:s24+$0x0], $0xff  }
.LBB3_16:
0x2d5: {  	_ =	sdelay $0x3  }
0x2d6: {  	s22 =	sadd.s32 $0x1, s22;
	[tilespmem:s30+$0x28] =	vst.add.f32.msk @!p2 $0xff, v1  }
0x2d7: {  	v1 =	vld.msk [tilespmem:s22+$0x0], $0x1;
	_ =	sdelay $0x4  }
0x2d8: {  	(v2sf) =	vpush v1, $0x0;
	_ =	sdelay $0xe  }
0x2d9: {  	s0 =	smov.u32 s26;
	s26 =	spop (v2sf)  }
0x2da: {  	p2 =	sne.s32 s0, s26  }
0x2db: {  	p5 =	sne.s32 @p2 s0, s23  }
0x2dc: {  	s4 =	sshll.u32 @!p2 s21, $0x6;
	p4 =	por !p5, !p2  }
0x2dd: {  	s30 =	sshra.s32 @!p2 s4, $0x2;
	s4 =	sshll.u32 @!p4 s25, $0x6  }
0x2de: {  	s4 =	sshra.s32 @!p4 s4, $0x2  }
0x2df: {  	p1 =	sgt.u32 @!p4 s0, $0x270FF;
	v1 =	vld.msk @!p4 [tilespmem:s4+$0x1B38], $0xff  }
0x2e0: {  	s31 =	sshll.u32 @!p4 s21, $0x6;
	p6 =	por @p2 p1, !p5;
	p1 =	por @p2 !p1, !p5  }
0x2e1: {  	s8 =	simm.s32 @!p4 $0x0;
	s31 =	sshra.s32 @!p4 s31, $0x2;
	p1 =	por !p1, !p2  }
0x2e2: {  	p5 =	por p5, !p2;
	s8 =	simm.s32 @!p1 $0x20;
	p1 =	por p6, !p2  }
0x2e3: {  	s4 =	sadd.s32 @!p4 $0x28, s31;
	s13 =	sshll.u32 @!p5 s21, $0x6;
	s10 =	sand.u32 @!p1 $0x3FFF8, s0  }
0x2e4: {  	s13 =	sshra.s32 @!p5 s13, $0x2;
	s0 =	sand.u32 @!p1 $0x7, s0;
	s10 =	sadd.s32 @!p1 s3, s10;
	[tilespmem:s31+$0x28] =	vst.add.f32.msk @!p4 $0xff, v1  }
0x2e5: {  	[hbm4b:s10+s0] =	stream.linear.scatter @!p1 [tilespmem:s4], [sflag:$0xC], $0x8, $0x38;
	[tilespmem:$0x1F0F8] =	vst v63  }
0x2e6: {  	s1 =	rddreg [dreg:$0x4];
	s0 =	sadd.s32 @!p5 $0x28, s13;
	s4 =	simm.s32 @!p5 $0x1  }
0x2e7: {  	[spmem:s1] =	stream.linear.scatter @!p5 [tilespmem:s0], [sflag:$0x1], $0x8, $0x38;
	[tilespmem:$0x1F0F8] =	vst v63  }
0x2e8: {  	s2 =	sadd.s32 @p2 $0x1, s21;
	_ =	swait.ge @!p5 [sflag:s4], $0x8  }
0x2e9: {  	s5 =	sshrl.u32 @p2 s2, $0x4;
	[sflag:s4] =	ssyncset.done @!p5 $0x0  }
0x2ea: {  	s24 =	sadd.s32 $0x80, s24;
	s5 =	smulhi.u32 @p2 $0x97B425F, s5;
	[sflag:s4] =	ssyncadd.s32 @!p5 $0xFFFFFFF8  }
0x2eb: {  	s28 =	sadd.s32 $0x1, s28;
	v1 =	vld.msk @p2 [tilespmem:s24+$0x0], $0xff  }
0x2ec: {  	p3 =	seq.s32 s28, $0x0;
	s5 =	smul.u32 @p2 $0x1B0, s5  }
.Ltmp23:
0x2ed: {  	_ = 	snop;
	(pc) =	sbr.rel @!p3 .LBB3_16-.Ltmp23, $4  }
0x2ee: {  	s2 =	ssub.s32 @p2 s2, s5  }
0x2ef: {  	s8 =	sadd.s32 @!p4 s8, s29;
	s5 =	sshll.u32 @p2 s2, $0x4  }
0x2f0: {  	s9 =	sadd.s32 @p2 $0x1, s25;
	s8 =	smov.u32 @p4 s29;
	[tilespmem:s5+$0x28] =	vst.msk @p2 $0xff, v1  }
0x2f1: {  	s25 =	smov.u32 @p2 s9;
	s21 =	smov.u32 @p2 s2;
	s29 =	smov.u32 @p2 s8;
	v1 =	vld.msk @!p2 [tilespmem:s24+$0x0], $0xff  }
.LBB3_17:
.Ltmp24:
0x2f2: {  	_ = 	snop;
	(pc) =	sbr.rel .LBB3_19-.Ltmp24, $3  }
0x2f3: {  	s1 =	sld [smem:$0x7FD];
	_ =	sdelay $0x1  }
0x2f4: {  	s0 =	sshrl.u32 s29, $0x2;
	s28 =	smov.u32 s26  }
0x2f5: {  	s4 =	smov.u32 s6;
	s6 =	rddreg [dreg:$0x6];
	p4 =	seq.s32 s1, $0x1;
	[tilespmem:s30+$0x28] =	vst.add.f32.msk @!p2 $0xff, v1  }
.LBB3_21:
0x2f6: {  	_ =	sfence.sel $0x180000  }
0x2f7: {  	s0 =	simm.s32 $0x9;
	[bflag:$0x0] =	sbarrier.arrive $0xFFFF  }
0x2f8: {  	s24 =	simm.s32 $0xA;
	[sflag:s0] =	ssyncpa.u1 $0x1  }
0x2f9: {  	s25 =	simm.s32 $0xB;
	[sflag:s24] =	ssyncpa.u1 $0x1  }
0x2fa: {  	s26 =	simm.s32 $0x2;
	[sflag:s25] =	ssyncpa.u1 $0x1  }
0x2fb: {  	[sflag:s26] =	ssyncpa.u1 $0x1  }
0x2fc: {  	v0 =	vld [tilespmem:$0x3648];
	_ =	sdelay $0x4  }
0x2fd: {  	(v2sf) =	vpush v0, $0x0  }
0x2fe: {  	(v2sf) =	vpush v0, $0x1;
	_ =	sdelay $0x1  }
0x2ff: {  	(v2sf) =	vpush v0, $0x2;
	_ =	sdelay $0xb  }
0x300: {  	s0 =	spop (v2sf)  }
0x301: {  	s1 =	spop (v2sf)  }
0x302: {  	s2 =	smov.u32 s0;
	p0 =	sne.s32 s0, s1  }
0x303: {  	s4 =	spop (v2sf);
	s2 =	simm.s32 @!p0 $0xFFFFFFFF  }
0x304: {  	v2 =	vimm.s32 $0x1;
	v3 =	vlaneseq.u32;
	p0 =	seq.s32 s4, $0xFFFFFFFF;
	v1 =	vmov s2  }
0x305: {  	s16 =	stileid.u32;
	v0 =	vperm.xlane v0, v2;
	p1 =	sne.s32 @!p0 s0, s1;
	v1 =	vperm.xlane v1, v3  }
0x306: {  	vm0 =	vcmask $0x3F04;
	s6 =	simm.s32 $0x3648;
	s0 =	simm.s32 @!p0 $0x1;
	p1 =	por !p1, p0  }
0x307: {  	s2 =	sshll.u32 s16, $0x1;
	s1 =	sshll.u32 @!p0 s4, $0x6;
	s0 =	simm.s32 @p1 $0x0;
	v0 =	vsel vm0, v1, v0  }
0x308: {  	s5 =	sor.u32 $0x200, s2;
	s1 =	sshra.s32 @!p0 s1, $0x2;
	s0 =	sor.u32 @!p0 s0, s2;
	[tilespmem:$0x3648] =	vst v0  }
0x309: {  	[spmem:s5] =	stream.linear.scatter [tilespmem:s6], [sflag:$0x1], $0x2, $0x38;
	[tilespmem:$0x1F0F8] =	vst v63  }
0x30a: {  	s1 =	sadd.s32 @!p0 $0x28, s1;
	s0 =	sshll.u32 @!p0 s0, $0x4  }
0x30b: {  	[spmem:s0] =	stream.linear.scatter @!p0 [tilespmem:s1], [sflag:$0x1], $0x10, $0x38;
	[tilespmem:$0x1F0F8] =	vst v63  }
0x30c: {  	s0 =	simm.s32 @!p0 $0x12  }
0x30d: {  	s28 =	simm.s32 $0x1;
	s0 =	simm.s32 @p0 $0x2  }
0x30e: {  	_ =	swait.ge [sflag:s28], s0  }
0x30f: {  	s0 =	ssub.s32 $0x0, s0;
	[sflag:s28] =	ssyncset.done $0x0  }
0x310: {  	p0 =	sne.s32 s16, $0x0;
	[sflag:s28] =	ssyncadd.s32 s0  }
.Ltmp25:
0x311: {  	_ =	sfence.stream.spmem;
	(pc) =	sbr.rel @p0 .LBB3_38-.Ltmp25, $4  }
0x312: {  	s29 =	simm.s32 $0x3;
	[bflag:$0x0] =	sbarrier.arrive $0xFFFF  }
0x313: {  	s30 =	simm.s32 $0x4;
	[sflag:s29] =	ssyncpa.u1 $0x1  }
0x314: {  	s31 =	simm.s32 $0x3C;
	[sflag:s30] =	ssyncpa.u1 $0x1  }
0x315: {  	s17 =	rddreg [dreg:$0x5];
	[sflag:s31] =	ssyncpa.u1 $0x1  }
0x316: {  	_ =	sfence.stream.spmem;
	s0 =	simm.s32 $0x5  }
0x317: {  	s1 =	simm.s32 $0x200;
	s2 =	simm.s32 $0x3658;
	[sflag:s0] =	ssyncpa.u1 $0x0  }
0x318: {  	[tilespmem:s2], [sflag:$0x5] =	stream.linear.gather [spmem:s1], $0x20, $0x38;
	[tilespmem:$0x1F0F8] =	vst v63  }
0x319: {  	s26 =	simm.s32 $0x0;
	s28 =	simm.s32 $0x3678  }
0x31a: {  	[tilespmem:s28], [sflag:$0x5] =	stream.linear.gather [spmem:s26], $0x200, $0x38;
	[tilespmem:$0x1F0F8] =	vst v63  }
0x31b: {  	_ =	swait.ge [sflag:s0], $0x220  }
0x31c: {  	[sflag:s0] =	ssyncset.done $0x0  }
0x31d: {  	s29 =	simm.s32 $0x0;
	[sflag:s0] =	ssyncadd.s32 $0xFFFFFDE0  }
0x31e: {  	v0 =	vld.msk [tilespmem:s29+$0x3658], $0x1;
	_ =	sdelay $0x1  }
0x31f: {  	s30 =	simm.s32 $0x1  }
0x320: {  	v1 =	vld.msk [tilespmem:s30+$0x3658], $0x1;
	_ =	sdelay $0x1  }
0x321: {  	(v2sf) =	vpush v0, $0x0;
	_ =	sdelay $0x2  }
0x322: {  	(v2sf) =	vpush v1, $0x0;
	_ =	sdelay $0x2  }
0x323: {  	s31 =	simm.s32 $0x2  }
0x324: {  	v0 =	vld.msk [tilespmem:s31+$0x3658], $0x1;
	_ =	sdelay $0x2  }
0x325: {  	s6 =	simm.s32 $0xFFFFFFFF;
	s1 =	simm.s32 $0xFFFFFFFF;
	s0 =	simm.s32 $0xC  }
.LBB3_23:
0x326: {  	s2 =	smov.u32 s6;
	s4 =	smov.u32 s1  }
0x327: {  	s1 =	sshra.s32 s0, $0x2;
	p1 =	sne.s32 s0, $0x7C;
	s0 =	sadd.s32 $0x4, s0;
	(v2sf) =	vpush v0, $0x0  }
0x328: {  	v0 =	vld.msk [tilespmem:s1+$0x3658], $0x1  }
.Ltmp26:
0x329: {  	(pc) =	sbr.rel @p1 .LBB3_23-.Ltmp26, $4  }
0x32a: {  	s6 =	spop (v2sf)  }
0x32b: {  	p2 =	sne.s32 s4, $0xFFFFFFFF;
	s1 =	smov.u32 s6  }
0x32c: {  	p3 =	seq.s32 s6, $0xFFFFFFFF;
	s1 =	smov.u32 @p2 s4  }
0x32d: {  	s6 =	smov.u32 @p3 s2;
	s1 =	smov.u32 @p3 s4  }
0x32e: {  	(v2sf) =	vpush v0, $0x0;
	_ =	sdelay $0x8  }
0x32f: {  	s0 =	spop (v2sf)  }
0x330: {  	p1 =	sne.s32 s1, $0xFFFFFFFF;
	s2 =	smov.u32 s0  }
0x331: {  	s9 =	simm.s32 $0x6;
	p2 =	seq.s32 s0, $0xFFFFFFFF;
	s2 =	smov.u32 @p1 s1  }
0x332: {  	s10 =	simm.s32 $0x3638;
	s2 =	smov.u32 @p2 s1;
	s1 =	spop (v2sf)  }
0x333: {  	s0 =	smov.u32 @p2 s6;
	p1 =	sne.s32 s2, $0xFFFFFFFF;
	s4 =	smov.u32 s1  }
.Ltmp27:
0x334: {  	p2 =	seq.s32 s1, $0xFFFFFFFF;
	s4 =	smov.u32 @p1 s2;
	(pc) =	sbr.rel .LBB3_25-.Ltmp27, $4  }
0x335: {  	s11 =	simm.s32 $0x0;
	s4 =	smov.u32 @p2 s2;
	s7 =	spop (v2sf)  }
0x336: {  	[sflag:s9] =	ssyncpa.u1 $0x0;
	p1 =	sne.s32 s4, $0xFFFFFFFF;
	s8 =	smov.u32 s7  }
0x337: {  	s1 =	smov.u32 @p2 s0;
	p2 =	seq.s32 s7, $0xFFFFFFFF;
	s8 =	smov.u32 @p1 s4  }
0x338: {  	s6 =	simm.s32 $0x0;
	s7 =	smov.u32 @p2 s1;
	s8 =	smov.u32 @p2 s4  }
.LBB3_30:
0x339: {  	p1 =	sgt.u32 s12, $0x270FF  }
0x33a: {  	p2 =	seq.s32 @!p1 s12, s8  }
0x33b: {  	p1 =	por p1, p2  }
0x33c: {  	p2 =	sne.s32 @!p1 s12, s7  }
0x33d: {  	p1 =	por p1, !p2  }
0x33e: {  	s0 =	sshll.u32 @p1 s11, $0x6  }
0x33f: {  	s0 =	sand.u32 @!p1 $0x3FFF8, s12  }
0x340: {  	s1 =	sand.u32 @!p1 $0x7, s12;
	s0 =	sadd.s32 @!p1 s3, s0  }
0x341: {  	[tilespmem:s10], [sflag:$0x6] =	stream.linear.gather @!p1 [hbm4b:s0+s1], $0x8, $0x38;
	[tilespmem:$0x1F0F8] =	vst v63  }
0x342: {  	_ =	swait.ge @!p1 [sflag:s9], $0x8  }
0x343: {  	[sflag:s9] =	ssyncset.done @!p1 $0x0  }
0x344: {  	[sflag:s9] =	ssyncadd.s32 @!p1 $0xFFFFFFF8  }
0x345: {  	v1 =	vld @!p1 [tilespmem:$0x3638];
	_ =	sdelay $0x2  }
0x346: {  	s0 =	sshll.u32 @!p1 s11, $0x6  }
0x347: {  	s1 =	sshrl.u32 @!p1 s0, $0x2  }
0x348: {  	[tilespmem:s1+$0x3678] =	vst.add.f32.msk @!p1 $0xffff, v1  }
0x349: {  	s0 =	sshrl.u32 s0, $0x2;
	[tilespmem:s6+$0x3658] =	vst.msk $0x1, v0  }
0x34a: {  	v0 =	vld [tilespmem:s0+$0x3678];
	_ =	sdelay $0x2  }
0x34b: {  	s31 =	sshll.u32 s6, $0x6  }
0x34c: {  	s0 =	sshra.s32 s31, $0x2  }
0x34d: {  	s6 =	sadd.s32 $0x1, s6;
	[tilespmem:s0+$0x3678] =	vst v0  }
.LBB3_32:
0x34e: {  	s11 =	sadd.s32 $0x1, s11  }
0x34f: {  	p1 =	sne.s32 s11, $0x20  }
.Ltmp28:
0x350: {  	_ = 	snop;
	(pc) =	sbr.rel @!p1 .LBB3_33-.Ltmp28, $1  }
0x351: {  	_ =	sdelay $0x3  }
.LBB3_25:
0x352: {  	v0 =	vld.msk [tilespmem:s11+$0x3658], $0x1;
	_ =	sdelay $0x4  }
0x353: {  	(v2sf) =	vpush v0, $0x0;
	_ =	sdelay $0xe  }
0x354: {  	s12 =	spop (v2sf)  }
0x355: {  	p1 =	seq.s32 s12, $0xFFFFFFFF  }
.Ltmp29:
0x356: {  	_ = 	snop;
	(pc) =	sbr.rel @p1 .LBB3_32-.Ltmp29, $1  }
0x357: {  	_ =	sdelay $0x3  }
0x358: {  	p1 =	slt.s32 s6, $0x1  }
.Ltmp30:
0x359: {  	_ = 	snop;
	(pc) =	sbr.rel @p1 .LBB3_30-.Ltmp30, $1  }
0x35a: {  	_ =	sdelay $0x3  }
0x35b: {  	s13 =	simm.s32 $0x3658;
	p1 =	por $0x0, $0x0  }
0x35c: {  	v1 =	vld.msk @!p1 [tilespmem:s13+$0x0], $0x1;
	_ =	sdelay $0x4  }
0x35d: {  	(v2sf) =	vpush @!p1 v1, $0x0;
	_ =	sdelay $0xd  }
0x35e: {  	p3 =	sne.s32 s6, $0x1  }
.Ltmp31:
0x35f: {  	s0 =	spop @!p1 (v2sf);
	(pc) =	sbr.rel @!p3 .LBB3_29-.Ltmp31, $4  }
0x360: {  	p2 =	seq.s32 @!p1 s12, s0  }
0x361: {  	s14 =	simm.s32 $0x0;
	p2 =	por !p2, p1  }
0x362: {  	s0 =	simm.s32 $0xFFFFFFFF;
	s14 =	simm.s32 @p2 $0xFFFFFFFF  }
0x363: {  	s15 =	simm.s32 $0x1;
	s14 =	smov.u32 @p1 s0  }
.LBB3_28:
0x364: {  	s0 =	smov.u32 s14;
	p1 =	sne.s32 s14, $0xFFFFFFFF  }
0x365: {  	s13 =	sadd.s32 $0x1, s13;
	s14 =	smov.u32 s15;
	s15 =	sadd.s32 $0x1, s15  }
0x366: {  	p2 =	sne.s32 s6, s15;
	v1 =	vld.msk @!p1 [tilespmem:s13+$0x0], $0x1;
	_ =	sdelay $0x4  }
0x367: {  	(v2sf) =	vpush @!p1 v1, $0x0;
	_ =	sdelay $0xe  }
.Ltmp32:
0x368: {  	s1 =	spop @!p1 (v2sf);
	(pc) =	sbr.rel @p2 .LBB3_28-.Ltmp32, $4  }
0x369: {  	p3 =	seq.s32 @!p1 s12, s1  }
0x36a: {  	p3 =	por !p3, p1  }
0x36b: {  	s14 =	simm.s32 @p3 $0xFFFFFFFF  }
0x36c: {  	s14 =	smov.u32 @p1 s0  }
.LBB3_29:
0x36d: {  	p1 =	sne.s32 s14, $0xFFFFFFFF  }
.Ltmp33:
0x36e: {  	_ = 	snop;
	(pc) =	sbr.rel @!p1 .LBB3_30-.Ltmp33, $1  }
0x36f: {  	_ =	sdelay $0x3  }
0x370: {  	s0 =	sshll.u32 s11, $0x4  }
0x371: {  	s0 =	sand.u32 $0x3FFFFFF0, s0  }
0x372: {  	v0 =	vld [tilespmem:s0+$0x3678]  }
.Ltmp34:
0x373: {  	_ = 	snop;
	(pc) =	sbr.rel .LBB3_32-.Ltmp34, $4  }
0x374: {  	_ = 	snop  }
0x375: {  	s31 =	sshll.u32 s14, $0x6  }
0x376: {  	s0 =	sshra.s32 s31, $0x2  }
0x377: {  	[tilespmem:s0+$0x3678] =	vst.add.f32.msk $0xffff, v0  }
.LBB3_33:
0x378: {  	s0 =	simm.s32 $0x6;
	p1 =	seq.s32 s6, $0x0  }
0x379: {  	[sflag:s0] =	ssyncpa.u1 $0x1;
	v0 =	vimm.s32 @p1 $0xFFFFFFFF  }
0x37a: {  	s9 =	sadd.s32 $0xFFFFFFFF, s6;
	[tilespmem:$0x3878] =	vst @p1 v0  }
0x37b: {  	v0 =	vld.msk @!p1 [tilespmem:s9+$0x3658], $0x1;
	_ =	sdelay $0x1  }
0x37c: {  	v1 =	vld.msk @!p1 [tilespmem:$0x3658], $0x1;
	_ =	sdelay $0x2  }
0x37d: {  	p2 =	seq.s32 @!p1 s9, $0x0;
	v0 =	vbroadcast @!p1 v0, $0x0  }
0x37e: {  	vm0 =	vmmov @!p1 $0x1;
	p2 =	por !p2, p1  }
0x37f: {  	v1 =	vnsel @!p1 vm0, $0xFFFFFFFF, v1;
	vm0 =	vcmask @!p1 $0x308;
	v0 =	vpsel !p2, $0xFFFFFFFF, v0  }
0x380: {  	p2 =	sne.s32 @!p1 s8, s7;
	v0 =	vsel @!p1 vm0, v1, v0  }
0x381: {  	s0 =	simm.s32 @!p1 $0x3678;
	s1 =	simm.s32 @!p1 $0x0;
	p3 =	por !p2, p1;
	[tilespmem:$0x3878] =	vst @!p1 v0  }
0x382: {  	[spmem:s1] =	stream.linear.scatter @!p1 [tilespmem:s0], [sflag:$0x1], $0x10, $0x38;
	[tilespmem:$0x1F0F8] =	vst v63  }
0x383: {  	s0 =	sshll.u32 @!p3 s9, $0x6  }
0x384: {  	s0 =	sshra.s32 @!p3 s0, $0x2  }
0x385: {  	s1 =	simm.s32 @!p3 $0x10;
	s0 =	sadd.s32 @!p3 $0x3678, s0  }
0x386: {  	[spmem:s1] =	stream.linear.scatter @!p3 [tilespmem:s0], [sflag:$0x1], $0x10, $0x38;
	[tilespmem:$0x1F0F8] =	vst v63  }
0x387: {  	s0 =	simm.s32 @!p3 $0x1  }
0x388: {  	_ =	swait.ge @!p3 [sflag:s0], $0x20  }
0x389: {  	p1 =	por p2, p1;
	[sflag:s0] =	ssyncset.done @!p3 $0x0  }
0x38a: {  	[sflag:s0] =	ssyncadd.s32 @!p3 $0xFFFFFFE0;
	s0 =	simm.s32 @!p1 $0x1  }
0x38b: {  	_ =	swait.ge @!p1 [sflag:s0], $0x10  }
0x38c: {  	s29 =	simm.s32 $0x3878;
	[sflag:s0] =	ssyncset.done @!p1 $0x0  }
0x38d: {  	s30 =	simm.s32 $0x200;
	s31 =	simm.s32 $0x1;
	[sflag:s0] =	ssyncadd.s32 @!p1 $0xFFFFFFF0  }
0x38e: {  	[spmem:s30] =	stream.linear.scatter [tilespmem:s29], [sflag:$0x1], $0x10, $0x38;
	[tilespmem:$0x1F0F8] =	vst v63  }
0x38f: {  	_ =	swait.ge [sflag:s31], $0x10  }
0x390: {  	[sflag:s31] =	ssyncset.done $0x0  }
0x391: {  	p1 =	seq.s32 s17, $0x0;
	s8 =	rddreg [dreg:$0x1];
	[sflag:s31] =	ssyncadd.s32 $0xFFFFFFF0  }
0x392: {  	s1 =	sshll.u32 @p1 s8, $0xE;
	s7 =	rddreg [dreg:$0x2]  }
0x393: {  	s0 =	sadd.s32 @p1 $0x15C3C, s1;
	s1 =	sshll.u32 @p1 s7, $0x11  }
0x394: {  	_ =	sfence.stream.spmem;
	s0 =	sor.u32 @p1 s1, s0  }
0x395: {  	[sflag:s0] =	ssyncadd.remote.s32 @p1 $0x1;
	s0 =	simm.s32 @p1 $0x4  }
0x396: {  	s2 =	simm.s32 @!p1 $0x3C;
	s1 =	sand.u32 $0xFFFFFFFE, s8;
	_ =	swait.ge @p1 [sflag:s0], $0x6  }
0x397: {  	s4 =	simm.s32 @!p1 $0x0;
	s1 =	sadd.s32 @!p1 $0x4, s1;
	[sflag:s0] =	ssyncset.done @p1 $0x0  }
0x398: {  	s5 =	simm.s32 @!p1 $0x20;
	[sflag:s0] =	ssyncadd.s32 @p1 $0xFFFFFFFA;
	s0 =	sshll.u32 @!p1 s1, $0x1A  }
0x399: {  	s1 =	sshll.u32 @!p1 s1, $0xD;
	s0 =	sor.u32 @!p1 s0, s7;
	_ =	swait.eq @!p1 [sflag:s2], $0x1  }
0x39a: {  	s1 =	sor.u32 @!p1 $0x1C04, s1;
	s2 =	simm.s32 @!p1 $0x1C03;
	s0 =	sor.u32 @!p1 $0x80004000, s0  }
0x39b: {  	[spmem:s5], [sflag:s1] =	dma.general @!p1 [spmem:s4], [sflag:s2], length:$0x4, [dreg:$0x0], stride_count:$0x0, ici_dest:s0, dma_misc:DstOpCode:WRITE  }
0x39c: {  	p2 =	slt.s32 s9, $0x2;
	s4 =	simm.s32 @!p1 $0x40;
	s5 =	simm.s32 @!p1 $0x42  }
0x39d: {  	[spmem:s5], [sflag:s1] =	dma.general @!p1 [spmem:s4], [sflag:s2], length:$0x2, [dreg:$0x0], stride_count:$0x0, ici_dest:s0, dma_misc:DstOpCode:WRITE  }
.Ltmp35:
0x39e: {  	s0 =	simm.s32 @!p1 $0x3;
	(pc) =	sbr.rel @p2 .LBB3_37-.Ltmp35, $4  }
0x39f: {  	s1 =	sshll.u32 @!p1 s8, $0xE;
	_ =	swait.ge @!p1 [sflag:s0], $0x6  }
0x3a0: {  	s2 =	sshll.u32 @!p1 s7, $0x11;
	s1 =	sadd.s32 @!p1 $0x11C3C, s1;
	[sflag:s0] =	ssyncset.done @!p1 $0x0  }
0x3a1: {  	[sflag:s0] =	ssyncadd.s32 @!p1 $0xFFFFFFFA;
	s0 =	sor.u32 @!p1 s2, s1  }
0x3a2: {  	[sflag:s0] =	ssyncadd.remote.s32 @!p1 $0xFFFFFFFF;
	s0 =	simm.s32 $0x0  }
0x3a3: {  	s0 =	simm.s32 $0x3659  }
0x3a4: {  	v0 =	vld.msk [tilespmem:s0+$0x0], $0x1;
	_ =	sdelay $0x4  }
0x3a5: {  	(v2sf) =	vpush v0, $0x0;
	_ =	sdelay $0xd  }
0x3a6: {  	s2 =	sadd.s32 $0xFFFFFFFE, s6  }
0x3a7: {  	s2 =	sadd.s32 $0xFFFFFFFF, s2;
	s0 =	spop (v2sf)  }
0x3a8: {  	p2 =	sne.s32 s2, $0x0;
	p1 =	sgt.u32 s0, $0x270FF  }
.Ltmp36:
0x3a9: {  	s4 =	sand.u32 @!p1 $0x3FFF8, s0;
	(pc) =	sbr.rel @!p2 .LBB3_36-.Ltmp36, $4  }
0x3aa: {  	s1 =	simm.s32 $0x3688;
	s0 =	sand.u32 @!p1 $0x7, s0;
	s4 =	sadd.s32 @!p1 s3, s4  }
0x3ab: {  	[hbm4b:s4+s0] =	stream.linear.scatter @!p1 [tilespmem:s1], [sflag:$0x5], $0x8, $0x38;
	[tilespmem:$0x1F0F8] =	vst v63  }
0x3ac: {  	s0 =	simm.s32 $0x0  }
0x3ad: {  	s6 =	simm.s32 $0x0;
	s7 =	simm.s32 $0x365A;
	s0 =	simm.s32 @!p1 $0x20  }
.LBB3_35:
0x3ae: {  	v0 =	vld.msk [tilespmem:s7+$0x0], $0x1;
	s2 =	sadd.s32 $0xFFFFFFFF, s2;
	s6 =	sadd.s32 s6, s0  }
0x3af: {  	p1 =	sne.s32 s2, $0x0;
	_ =	sdelay $0x3  }
0x3b0: {  	(v2sf) =	vpush v0, $0x0;
	_ =	sdelay $0xe  }
.Ltmp37:
0x3b1: {  	s4 =	spop (v2sf);
	(pc) =	sbr.rel @p1 .LBB3_35-.Ltmp37, $4  }
0x3b2: {  	s0 =	simm.s32 $0x0;
	p2 =	sgt.u32 s4, $0x270FF  }
0x3b3: {  	s1 =	sadd.s32 $0x10, s1;
	s0 =	simm.s32 @!p2 $0x20;
	s5 =	sand.u32 @!p2 $0x3FFF8, s4  }
0x3b4: {  	s7 =	sadd.s32 $0x1, s7;
	s4 =	sand.u32 @!p2 $0x7, s4;
	s5 =	sadd.s32 @!p2 s3, s5  }
0x3b5: {  	[hbm4b:s5+s4] =	stream.linear.scatter @!p2 [tilespmem:s1], [sflag:$0x5], $0x8, $0x38;
	[tilespmem:$0x1F0F8] =	vst v63  }
.LBB3_36:
0x3b6: {  	s0 =	sadd.s32 s6, s0  }
0x3b7: {  	s0 =	sshrl.u32 s0, $0x2  }
.LBB3_37:
0x3b8: {  	s1 =	simm.s32 $0x5  }
0x3b9: {  	_ =	swait.ge [sflag:s1], s0  }
0x3ba: {  	s31 =	ssub.s32 $0x0, s0;
	[sflag:s1] =	ssyncset.done $0x0  }
0x3bb: {  	[sflag:s1] =	ssyncadd.s32 s31  }
0x3bc: {  	[sflag:s1] =	ssyncpa.u1 $0x1  }
.LBB3_38:
0x3bd: {  	s0 =	sor.u32 s17, s16  }
0x3be: {  	p1 =	sne.s32 s0, $0x0  }
.Ltmp38:
0x3bf: {  	_ = 	snop;
	(pc) =	sbr.rel @p1 .LBB3_53-.Ltmp38, $3  }
0x3c0: {  	_ =	sdelay $0x1  }
0x3c1: {  	[bflag:$0x0] =	sbarrier.arrive $0xFFFF  }
0x3c2: {  	_ =	sfence  }
0x3c3: {  	s0 =	simm.s32 $0x7  }
0x3c4: {  	s1 =	simm.s32 $0x200;
	s2 =	simm.s32 $0x3658;
	[sflag:s0] =	ssyncpa.u1 $0x0  }
0x3c5: {  	[tilespmem:s2], [sflag:$0x7] =	stream.linear.gather [spmem:s1], $0x20, $0x38;
	[tilespmem:$0x1F0F8] =	vst v63  }
0x3c6: {  	s30 =	simm.s32 $0x3678;
	s1 =	simm.s32 $0x0  }
0x3c7: {  	[tilespmem:s30], [sflag:$0x7] =	stream.linear.gather [spmem:s1], $0x200, $0x38;
	[tilespmem:$0x1F0F8] =	vst v63  }
.Ltmp39:
0x3c8: {  	_ = 	snop;
	(pc) =	sbr.rel .LBB3_40-.Ltmp39, $4  }
0x3c9: {  	_ =	swait.ge [sflag:s0], $0x220  }
0x3ca: {  	[sflag:s0] =	ssyncset.done $0x0  }
0x3cb: {  	s31 =	simm.s32 $0x8;
	[sflag:s0] =	ssyncadd.s32 $0xFFFFFDE0  }
0x3cc: {  	s2 =	simm.s32 $0x0;
	[sflag:s31] =	ssyncpa.u1 $0x0  }
.LBB3_45:
0x3cd: {  	p1 =	slt.u32 s4, $0x27100  }
0x3ce: {  	s0 =	sand.u32 @p1 $0x3FFF8, s4  }
0x3cf: {  	s4 =	sand.u32 @p1 $0x7, s4;
	s5 =	simm.s32 @p1 $0x3638;
	s0 =	sadd.s32 @p1 s3, s0  }
0x3d0: {  	[tilespmem:s5], [sflag:$0x8] =	stream.linear.gather @p1 [hbm4b:s0+s4], $0x8, $0x38;
	[tilespmem:$0x1F0F8] =	vst v63  }
0x3d1: {  	s0 =	simm.s32 @p1 $0x8  }
0x3d2: {  	_ =	swait.ge @p1 [sflag:s0], $0x8  }
0x3d3: {  	[sflag:s0] =	ssyncset.done @p1 $0x0  }
0x3d4: {  	[sflag:s0] =	ssyncadd.s32 @p1 $0xFFFFFFF8  }
0x3d5: {  	v1 =	vld @p1 [tilespmem:$0x3638];
	_ =	sdelay $0x2  }
0x3d6: {  	s0 =	sshll.u32 @p1 s2, $0x6  }
0x3d7: {  	s5 =	sshll.u32 @!p1 s2, $0x6;
	s4 =	sshrl.u32 @p1 s0, $0x2  }
0x3d8: {  	s5 =	smov.u32 @p1 s0;
	[tilespmem:s4+$0x3678] =	vst.add.f32.msk @p1 $0xffff, v1  }
0x3d9: {  	s0 =	sshrl.u32 s5, $0x2;
	[tilespmem:s1+$0x3658] =	vst.msk $0x1, v0  }
0x3da: {  	v0 =	vld [tilespmem:s0+$0x3678];
	_ =	sdelay $0x2  }
0x3db: {  	s31 =	sshll.u32 s1, $0x6  }
0x3dc: {  	s0 =	sshra.s32 s31, $0x2  }
0x3dd: {  	s1 =	sadd.s32 $0x1, s1;
	[tilespmem:s0+$0x3678] =	vst v0  }
.LBB3_47:
0x3de: {  	s2 =	sadd.s32 $0x1, s2  }
0x3df: {  	p1 =	sne.s32 s2, $0x20  }
.Ltmp40:
0x3e0: {  	_ = 	snop;
	(pc) =	sbr.rel @!p1 .LBB3_48-.Ltmp40, $1  }
0x3e1: {  	_ =	sdelay $0x3  }
.LBB3_40:
0x3e2: {  	v0 =	vld.msk [tilespmem:s2+$0x3658], $0x1;
	_ =	sdelay $0x4  }
0x3e3: {  	(v2sf) =	vpush v0, $0x0;
	_ =	sdelay $0xe  }
0x3e4: {  	s4 =	spop (v2sf)  }
0x3e5: {  	p1 =	seq.s32 s4, $0xFFFFFFFF  }
.Ltmp41:
0x3e6: {  	_ = 	snop;
	(pc) =	sbr.rel @p1 .LBB3_47-.Ltmp41, $1  }
0x3e7: {  	_ =	sdelay $0x3  }
0x3e8: {  	p1 =	slt.s32 s1, $0x1  }
.Ltmp42:
0x3e9: {  	_ = 	snop;
	(pc) =	sbr.rel @p1 .LBB3_45-.Ltmp42, $1  }
0x3ea: {  	_ =	sdelay $0x3  }
0x3eb: {  	s5 =	simm.s32 $0x3658;
	p1 =	por $0x0, $0x0  }
0x3ec: {  	v1 =	vld.msk @!p1 [tilespmem:s5+$0x0], $0x1;
	_ =	sdelay $0x4  }
0x3ed: {  	(v2sf) =	vpush @!p1 v1, $0x0;
	_ =	sdelay $0xd  }
0x3ee: {  	p3 =	sne.s32 s1, $0x1  }
.Ltmp43:
0x3ef: {  	s0 =	spop @!p1 (v2sf);
	(pc) =	sbr.rel @!p3 .LBB3_44-.Ltmp43, $4  }
0x3f0: {  	p2 =	seq.s32 @!p1 s4, s0  }
0x3f1: {  	s6 =	simm.s32 $0x0;
	p2 =	por !p2, p1  }
0x3f2: {  	s0 =	simm.s32 $0xFFFFFFFF;
	s6 =	simm.s32 @p2 $0xFFFFFFFF  }
0x3f3: {  	s7 =	simm.s32 $0x1;
	s6 =	smov.u32 @p1 s0  }
.LBB3_43:
0x3f4: {  	s0 =	smov.u32 s6;
	p1 =	sne.s32 s6, $0xFFFFFFFF  }
0x3f5: {  	s5 =	sadd.s32 $0x1, s5;
	s6 =	smov.u32 s7;
	s7 =	sadd.s32 $0x1, s7  }
0x3f6: {  	p2 =	sne.s32 s1, s7;
	v1 =	vld.msk @!p1 [tilespmem:s5+$0x0], $0x1;
	_ =	sdelay $0x4  }
0x3f7: {  	(v2sf) =	vpush @!p1 v1, $0x0;
	_ =	sdelay $0xe  }
.Ltmp44:
0x3f8: {  	s8 =	spop @!p1 (v2sf);
	(pc) =	sbr.rel @p2 .LBB3_43-.Ltmp44, $4  }
0x3f9: {  	p3 =	seq.s32 @!p1 s4, s8  }
0x3fa: {  	p3 =	por !p3, p1  }
0x3fb: {  	s6 =	simm.s32 @p3 $0xFFFFFFFF  }
0x3fc: {  	s6 =	smov.u32 @p1 s0  }
.LBB3_44:
0x3fd: {  	p1 =	sne.s32 s6, $0xFFFFFFFF  }
.Ltmp45:
0x3fe: {  	_ = 	snop;
	(pc) =	sbr.rel @!p1 .LBB3_45-.Ltmp45, $1  }
0x3ff: {  	_ =	sdelay $0x3  }
0x400: {  	s0 =	sshll.u32 s2, $0x4  }
0x401: {  	s0 =	sand.u32 $0x3FFFFFF0, s0  }
0x402: {  	v0 =	vld [tilespmem:s0+$0x3678]  }
.Ltmp46:
0x403: {  	_ = 	snop;
	(pc) =	sbr.rel .LBB3_47-.Ltmp46, $4  }
0x404: {  	_ = 	snop  }
0x405: {  	s31 =	sshll.u32 s6, $0x6  }
0x406: {  	s0 =	sshra.s32 s31, $0x2  }
0x407: {  	[tilespmem:s0+$0x3678] =	vst.add.f32.msk $0xffff, v0  }
.LBB3_48:
0x408: {  	p1 =	slt.s32 s1, $0x1  }
.Ltmp47:
0x409: {  	_ = 	snop;
	(pc) =	sbr.rel @p1 .LBB3_52-.Ltmp47, $3  }
0x40a: {  	_ =	sdelay $0x1  }
0x40b: {  	s0 =	simm.s32 $0x8  }
0x40c: {  	s2 =	simm.s32 $0x0;
	[sflag:s0] =	ssyncpa.u1 $0x1  }
0x40d: {  	s0 =	simm.s32 $0x3658  }
0x40e: {  	v0 =	vld.msk [tilespmem:s0+$0x0], $0x1;
	_ =	sdelay $0x4  }
0x40f: {  	(v2sf) =	vpush v0, $0x0;
	_ =	sdelay $0xe  }
0x410: {  	s1 =	sadd.s32 $0xFFFFFFFF, s1;
	s0 =	spop (v2sf)  }
0x411: {  	p2 =	sne.s32 s1, $0x0;
	p1 =	sgt.u32 s0, $0x270FF  }
.Ltmp48:
0x412: {  	s5 =	sand.u32 @!p1 $0x3FFF8, s0;
	(pc) =	sbr.rel @!p2 .LBB3_51-.Ltmp48, $4  }
0x413: {  	s4 =	simm.s32 $0x3678;
	s0 =	sand.u32 @!p1 $0x7, s0;
	s5 =	sadd.s32 @!p1 s3, s5  }
0x414: {  	[hbm4b:s5+s0] =	stream.linear.scatter @!p1 [tilespmem:s4], [sflag:$0x7], $0x8, $0x38;
	[tilespmem:$0x1F0F8] =	vst v63  }
0x415: {  	s0 =	simm.s32 $0x0  }
0x416: {  	s5 =	simm.s32 $0x3659;
	s0 =	simm.s32 @!p1 $0x20  }
.LBB3_50:
0x417: {  	v0 =	vld.msk [tilespmem:s5+$0x0], $0x1;
	s1 =	sadd.s32 $0xFFFFFFFF, s1;
	s2 =	sadd.s32 s2, s0  }
0x418: {  	p1 =	sne.s32 s1, $0x0;
	_ =	sdelay $0x3  }
0x419: {  	(v2sf) =	vpush v0, $0x0;
	_ =	sdelay $0xe  }
.Ltmp49:
0x41a: {  	s6 =	spop (v2sf);
	(pc) =	sbr.rel @p1 .LBB3_50-.Ltmp49, $4  }
0x41b: {  	s0 =	simm.s32 $0x0;
	p2 =	sgt.u32 s6, $0x270FF  }
0x41c: {  	s4 =	sadd.s32 $0x10, s4;
	s0 =	simm.s32 @!p2 $0x20;
	s7 =	sand.u32 @!p2 $0x3FFF8, s6  }
0x41d: {  	s5 =	sadd.s32 $0x1, s5;
	s6 =	sand.u32 @!p2 $0x7, s6;
	s7 =	sadd.s32 @!p2 s3, s7  }
0x41e: {  	[hbm4b:s7+s6] =	stream.linear.scatter @!p2 [tilespmem:s4], [sflag:$0x7], $0x8, $0x38;
	[tilespmem:$0x1F0F8] =	vst v63  }
.LBB3_51:
0x41f: {  	s0 =	sadd.s32 s2, s0  }
0x420: {  	s2 =	sshrl.u32 s0, $0x2  }
.LBB3_52:
0x421: {  	s0 =	simm.s32 $0x7  }
0x422: {  	_ =	swait.ge [sflag:s0], s2  }
0x423: {  	s1 =	ssub.s32 $0x0, s2;
	[sflag:s0] =	ssyncset.done $0x0  }
0x424: {  	[sflag:s0] =	ssyncadd.s32 s1  }
0x425: {  	[sflag:s0] =	ssyncpa.u1 $0x1  }
.LBB3_53:
0x426: {  	_ =	sfence;
	s0 =	simm.s32 $0x1  }
0x427: {  	[sflag:s0] =	ssyncpa.u1 $0x1  }
0x428: {  	_ =	strace $0x90000050  }
0x429: {  	[bflag:$0x2] =	sbarrier.arrive $0xFFFF  }
0x42a: {  	s0 =	rddreg [dreg:$0x3]  }
0x42b: {  	s0 =	sadd.s32 @!p0 $0x100000, s0  }
0x42c: {  	[sflag:s0] =	ssyncadd.tile.s32 @!p0 $0x1;
	_ =	shalt  }
.Lfunc_end3:
_tile_overlayer_lowered:
.L_overlay_start_3:
0x42d: {  	(tag) =	ssettag $0x3  }
0x42e: {  	s0 =	rddreg [dreg:$0x0];
	s2 =	stileid.u32  }
0x42f: {  	s1 =	rddreg [dreg:$0x1];
	p0 =	sne.s32 s2, $0x0  }
0x430: {  	s3 =	rddreg [dreg:$0x2];
	[bflag:$0x3] =	sbarrier.arrive $0xFFFF;
	s2 =	simm.s32 @!p0 $0x1C01  }
0x431: {  	[timem:s3], [sflag:s2] =	dma.local @!p0 [hbm:s0], s1  }
0x432: {  	s0 =	simm.s32 @!p0 $0x1  }
0x433: {  	_ =	swait.ge @!p0 [sflag:s0], s1  }
0x434: {  	s1 =	ssub.s32 @!p0 $0x0, s1;
	[sflag:s0] =	ssyncset.done @!p0 $0x0  }
0x435: {  	[sflag:s0] =	ssyncadd.s32 @!p0 s1  }
0x436: {  	[bflag:$0x3] =	sbarrier.arrive $0xFFFF  }
0x437: {  	_ =	shalt  }

// kernel: scatter_offload_async_start.2
scs
__scs_entry_jumppad:
0x0: {  	(pc) =	sbr.rel $0x88, $3  }
0x1: {  	(tag) =	ssettag $0x0;
	lr =	simm.s32 $0x1  }
0x2: {  	[smem:$0x3F7C] =	sst lr;
	_ =	strace $0xD0000000  }
0x3: {  	_ = 	snop  }
0x4: {  	_ = 	snop  }
0x5: {  	_ = 	snop  }
0x6: {  	_ = 	snop  }
0x7: {  	_ = 	snop  }
__scs_overlays_trampoline_lowered:
0x8: {  	[smem:$0x3F8B] =	sst s0  }
0x9: {  	[smem:$0x3F8C] =	sst s1  }
0xa: {  	[smem:$0x3F8D] =	sst s2  }
0xb: {  	[smem:$0x3F8E] =	sst s3  }
0xc: {  	[smem:$0x3F8F] =	sst s4  }
0xd: {  	[smem:$0x3F90] =	sst s5  }
0xe: {  	[smem:$0x3F91] =	sst s6  }
0xf: {  	[smem:$0x3F92] =	sst s7  }
0x10: {  	[smem:$0x3F93] =	sst s8  }
0x11: {  	[smem:$0x3F94] =	sst s9;
	s0 =	simm.s32 @!p0 $0x0  }
0x12: {  	s1 =	sld [smem:$0x3F7A];
	s0 =	simm.s32 @p0 $0x1  }
0x13: {  	[smem:$0x3F95] =	sst s0;
	s0 =	simm.s32 @!p1 $0x0  }
0x14: {  	s2 =	sld [smem:$0x3F79];
	s0 =	simm.s32 @p1 $0x1  }
0x15: {  	[smem:$0x3F96] =	sst s0;
	s0 =	simm.s32 @!p2 $0x0  }
0x16: {  	s3 =	sld [smem:$0x3FDB];
	s0 =	simm.s32 @p2 $0x1  }
0x17: {  	s4 =	simm.s32 $0x1BF5;
	[smem:$0x3F98] =	sst s0  }
0x18: {  	s0 =	sld [smem:$0x3F7B];
	_ =	swait.ge [sflag:s4], $0x0  }
0x19: {  	s7 =	sld [smem:$0x3F7C]  }
0x1a: {  	s8 =	sadd.s32 $0xFFFFE003, lr  }
0x1b: {  	s9 =	sadd.s32 $0xFFFFFEF7, lr;
	s5 =	simm.s32 $0xFFFFFFFF;
	p2 =	slt.u32 s8, $0xFFFFF086  }
0x1c: {  	p1 =	slt.u32 s9, $0xF7A;
	s5 =	simm.s32 @!p2 $0x0  }
0x1d: {  	s5 =	simm.s32 @p1 $0x1;
	p0 =	seq.s32 s7, s2  }
0x1e: {  	s7 =	smul.u32 @!p0 $0xF7A, s2;
	p2 =	seq.s32 @!p0 s5, $0x0  }
0x1f: {  	s9 =	smul.u32 $0xF7A, s1;
	s8 =	simm.s32 @!p0 $0x1BF5;
	p2 =	por !p2, p0  }
0x20: {  	[sflag:s8] =	ssyncset.s32 @!p0 $0xFFFFF086;
	s6 =	sadd.s32 @!p0 s3, s7;
	s7 =	simm.s32 @!p0 $0x108  }
0x21: {  	s3 =	sadd.s32 s3, s9;
	s6 =	sadd.s32 @!p0 $0x88, s6;
	s7 =	simm.s32 @p2 $0x1082  }
0x22: {  	[simem:s7], [sflag:s8] =	dma.local @!p0 [hbm:s6], $0xF7A  }
0x23: {  	s9 =	sor.u32 $0xD0000000, s2;
	s6 =	simm.s32 $0x108;
	_ =	swait.ge @!p0 [sflag:s8], $0x0  }
0x24: {  	s3 =	sadd.s32 $0x88, s3;
	s6 =	simm.s32 @!p1 $0x1082;
	[sflag:s4] =	ssyncset.s32 $0xFFFFF086  }
0x25: {  	[simem:s6], [sflag:s4] =	dma.local [hbm:s3], $0xF7A  }
0x26: {  	[smem:$0x3F7C] =	sst s1;
	(tag) =	ssettag s2;
	_ =	strace s9  }
0x27: {  	s1 =	sld [smem:$0x3F8C]  }
0x28: {  	s2 =	sld [smem:$0x3F8D]  }
0x29: {  	s4 =	sld [smem:$0x3F8F]  }
0x2a: {  	p0 =	seq.s32 s5, $0x0;
	s5 =	sld [smem:$0x3F90]  }
0x2b: {  	s6 =	sld [smem:$0x3F91]  }
0x2c: {  	s7 =	sld [smem:$0x3F92]  }
0x2d: {  	s3 =	simm.s32 $0x108;
	s8 =	sld [smem:$0x3F93]  }
0x2e: {  	s3 =	simm.s32 @!p0 $0x1082;
	s9 =	sld [smem:$0x3F94]  }
0x2f: {  	lr =	sadd.s32 s0, s3;
	s0 =	sld [smem:$0x3F8B]  }
0x30: {  	s3 =	sld [smem:$0x3F8E]  }
0x31: {  	[smem:$0x3F97] =	sst s10  }
0x32: {  	s10 =	sld [smem:$0x3F95];
	_ =	sdelay $0x3  }
0x33: {  	p0 =	seq.s32 s10, $0x1;
	s10 =	sld [smem:$0x3F97];
	_ =	sdelay $0x3  }
0x34: {  	[smem:$0x3F97] =	sst s10  }
0x35: {  	s10 =	sld [smem:$0x3F96];
	_ =	sdelay $0x3  }
0x36: {  	p1 =	seq.s32 s10, $0x1;
	s10 =	sld [smem:$0x3F97];
	_ =	sdelay $0x3  }
0x37: {  	[smem:$0x3F97] =	sst s10  }
0x38: {  	s10 =	sld [smem:$0x3F98]  }
0x39: {  	_ = 	snop;
	(pc) =	sbr.ind lr, $3  }
0x3a: {  	_ = 	snop  }
0x3b: {  	_ = 	snop  }
0x3c: {  	p2 =	seq.s32 s10, $0x1;
	s10 =	sld [smem:$0x3F97]  }
0x3d: {  	_ =	shalt  }
0x3e: {  	_ =	shalt  }
0x3f: {  	_ =	shalt  }
0x40: {  	_ =	shalt  }
0x41: {  	_ =	shalt  }
0x42: {  	_ =	shalt  }
0x43: {  	_ =	shalt  }
0x44: {  	_ =	shalt  }
0x45: {  	_ =	shalt  }
0x46: {  	_ =	shalt  }
0x47: {  	_ =	shalt  }
0x48: {  	_ =	shalt  }
0x49: {  	_ =	shalt  }
0x4a: {  	_ =	shalt  }
0x4b: {  	_ =	shalt  }
0x4c: {  	_ =	shalt  }
0x4d: {  	_ =	shalt  }
0x4e: {  	_ =	shalt  }
0x4f: {  	_ =	shalt  }
0x50: {  	_ =	shalt  }
0x51: {  	_ =	shalt  }
0x52: {  	_ =	shalt  }
0x53: {  	_ =	shalt  }
0x54: {  	_ =	shalt  }
0x55: {  	_ =	shalt  }
0x56: {  	_ =	shalt  }
0x57: {  	_ =	shalt  }
0x58: {  	_ =	shalt  }
0x59: {  	_ =	shalt  }
0x5a: {  	_ =	shalt  }
0x5b: {  	_ =	shalt  }
0x5c: {  	_ =	shalt  }
0x5d: {  	_ =	shalt  }
0x5e: {  	_ =	shalt  }
0x5f: {  	_ =	shalt  }
0x60: {  	_ =	shalt  }
0x61: {  	_ =	shalt  }
0x62: {  	_ =	shalt  }
0x63: {  	_ =	shalt  }
0x64: {  	_ =	shalt  }
0x65: {  	_ =	shalt  }
0x66: {  	_ =	shalt  }
0x67: {  	_ =	shalt  }
0x68: {  	_ =	shalt  }
0x69: {  	_ =	shalt  }
0x6a: {  	_ =	shalt  }
0x6b: {  	_ =	shalt  }
0x6c: {  	_ =	shalt  }
0x6d: {  	_ =	shalt  }
0x6e: {  	_ =	shalt  }
0x6f: {  	_ =	shalt  }
0x70: {  	_ =	shalt  }
0x71: {  	_ =	shalt  }
0x72: {  	_ =	shalt  }
0x73: {  	_ =	shalt  }
0x74: {  	_ =	shalt  }
0x75: {  	_ =	shalt  }
0x76: {  	_ =	shalt  }
0x77: {  	_ =	shalt  }
0x78: {  	_ =	shalt  }
0x79: {  	_ =	shalt  }
0x7a: {  	_ =	shalt  }
0x7b: {  	_ =	shalt  }
0x7c: {  	_ =	shalt  }
0x7d: {  	_ =	shalt  }
0x7e: {  	_ =	shalt  }
0x7f: {  	_ =	shalt  }
0x80: {  	_ =	shalt  }
0x81: {  	_ =	shalt  }
0x82: {  	_ =	shalt  }
0x83: {  	_ =	shalt  }
0x84: {  	_ =	shalt  }
0x85: {  	_ =	shalt  }
0x86: {  	_ =	shalt  }
0x87: {  	_ =	shalt  }
.Lfunc_end0:
.L_simem_size_0:
called_computation.2_lowered:
.L_overlay_start_0:
0x88: {  	s2 =	sld [smem:$0x3FD9]  }
0x89: {  	s3 =	sld [smem:$0x3FFE];
	_ =	sdelay $0x1  }
0x8a: {  	s1 =	srdreg.scid  }
0x8b: {  	s0 =	sand.u32 $0x1, s1  }
0x8c: {  	s15 =	sshll.u32 s0, $0xA;
	s2 =	sadd.s32 s3, s2  }
0x8d: {  	s2 =	sadd.s32 s2, s15  }
0x8e: {  	[smem:$0x3FA3] =	sst s2  }
0x8f: {  	_ = 	snop  }
0x90: {  	(tm) =	ssettm $0x1  }
0x91: {  	s16 =	sld [smem:$0x3FFB];
	_ =	sdelay $0x3  }
0x92: {  	_ =	strace s16  }
0x93: {  	s2 =	sld [smem:$0x3FFC];
	_ =	sdelay $0x3  }
0x94: {  	_ =	strace s2  }
0x95: {  	s2 =	sld [smem:$0x3FFD];
	_ =	sdelay $0x3  }
0x96: {  	_ =	strace s2  }
0x97: {  	_ =	strace $0x8FFFFFFF  }
0x98: {  	s17 =	sld [smem:$0x3FDB];
	_ =	sdelay $0x1  }
0x99: {  	s18 =	simm.s32 $_scs_section_size  }
0x9a: {  	s4 =	simm.s32 $_size__tile_overlayer_lowered;
	s5 =	simm.s32 $_tile_overlayer_lowered  }
0x9b: {  	s21 =	simm.s32 $0x1BFF;
	s20 =	sshll.u32 s5, $0x1;
	s2 =	sadd.s32 s18, s17  }
0x9c: {  	s6 =	simm.s32 $0x0;
	s19 =	sshll.u32 s4, $0x1;
	s4 =	sadd.s32 s20, s2  }
0x9d: {  	[timem:s6], [sflag:s21] =	dma.local [hbm:s4], s19  }
0x9e: {  	_ =	swait.ge [sflag:s21], s19  }
0x9f: {  	s3 =	ssub.s32 $0x0, s19;
	[sflag:s21] =	ssyncset.done $0x0  }
0xa0: {  	[sflag:s21] =	ssyncadd.s32 s3;
	_ =	sdelay $0x1  }
0xa1: {  	s22 =	simm.s32 $0x1B8B  }
0xa2: {  	_ =	swait.ge [sflag:s22], $0x1  }
0xa3: {  	[sflag:s22] =	ssyncset.done $0x0  }
0xa4: {  	s23 =	sld [smem:$0x3FFE];
	[sflag:s22] =	ssyncadd.s32 $0xFFFFFFFF  }
0xa5: {  	s25 =	simm.s32 $0x1B8E;
	s24 =	sld [smem:$0x0]  }
0xa6: {  	s26 =	simm.s32 $execute0_lowered;
	[smem:$0x3FD2] =	sst s25  }
0xa7: {  	s5 =	sshll.u32 s26, $0x1;
	_ =	strace $0x80000052;
	[dreg:$0x1] =	wrdreg $0xFFFFFFFF  }
0xa8: {  	s28 =	simm.s32 $_size_execute0_lowered;
	s2 =	sadd.s32 s2, s5;
	[dreg:$0x0] =	wrdreg $0x0  }
0xa9: {  	s5 =	sshll.u32 s28, $0x1;
	[dreg:$0x2] =	wrdreg s2  }
0xaa: {  	[dreg:$0x3] =	wrdreg s5  }
0xab: {  	[dreg:$0x4] =	wrdreg $0xC0  }
0xac: {  	_ =	task [dreg:s6], $0x5FFFF  }
0xad: {  	[dreg:$0x1] =	wrdreg $0xFFFFFFFF  }
0xae: {  	[dreg:$0x0] =	wrdreg $0x60  }
0xaf: {  	[dreg:$0x2] =	wrdreg s23  }
0xb0: {  	[dreg:$0x3] =	wrdreg s1  }
0xb1: {  	[dreg:$0x4] =	wrdreg s24  }
0xb2: {  	[dreg:$0x5] =	wrdreg $0x9  }
0xb3: {  	_ =	task.clear_ibuf [dreg:s6], $0x6FFFF;
	_ =	strace $0x90000052  }
0xb4: {  	s29 =	simm.s32 $0x9;
	_ =	strace $0x80000054  }
0xb5: {  	_ =	swait.ge [sflag:s29], $0x1  }
0xb6: {  	[sflag:s29] =	ssyncadd.s32 $0xFFFFFFFF  }
0xb7: {  	_ =	strace $0x90000054  }
0xb8: {  	_ =	sfence  }
0xb9: {  	s30 =	sld [smem:$0x0];
	_ =	sdelay $0x2  }
0xba: {  	s31 =	sshll.u32 s1, $0xD;
	s1 =	sshrl.u32 s1, $0x2  }
0xbb: {  	s3 =	sand.u32 $0x4000, s31;
	s1 =	sadd.s32 s1, s30  }
0xbc: {  	s0 =	sor.u32 s3, s0;
	s1 =	sshll.u32 s1, $0x11  }
0xbd: {  	s0 =	sor.u32 s1, s0  }
0xbe: {  	s0 =	sadd.s32 $0x8F2B, s0  }
0xbf: {  	[sflag:s0] =	ssyncadd.remote.s32 $0x1  }
0xc0: {  	_ =	sfence.sel $0xFFFF  }
0xc1: {  	[dreg:$0x0] =	wrdreg $0xFFFFFFFF;
	(pc) =	sbr.abs _section_cstart, $3  }
0xc2: {  	[dreg:$0x1] =	wrdreg $0xFFFFFFFF  }
0xc3: {  	_ =	task.clear_ibuf [dreg:s6], $0x2FFFF;
	_ =	strace $0x9FFFFFFF  }
0xc4: {  	(tm) =	ssettm $0x7FFFFFFF  }
0xc5: {  	_ =	shalt  }
tec
execute0_lowered:
.L_overlay_start_1:
0x0: {  	(tag) =	ssettag $0x1  }
0x1: {  	s11 =	rddreg [dreg:$0x0]  }
0x2: {  	s2 =	rddreg [dreg:$0x1];
	_ =	strace $0x80000053;
	s12 =	simm.s32 $0x1  }
0x3: {  	v0 =	vimm.s32 $0x0;
	[sflag:s12] =	ssyncpa.u1 $0x0  }
0x4: {  	[tilespmem:$0x28] =	vst v0  }
0x5: {  	[tilespmem:$0x38] =	vst v0  }
0x6: {  	[tilespmem:$0x48] =	vst v0  }
0x7: {  	[tilespmem:$0x58] =	vst v0  }
0x8: {  	[tilespmem:$0x68] =	vst v0  }
0x9: {  	[tilespmem:$0x78] =	vst v0  }
0xa: {  	[tilespmem:$0x88] =	vst v0  }
0xb: {  	[tilespmem:$0x98] =	vst v0  }
0xc: {  	[tilespmem:$0xA8] =	vst v0  }
0xd: {  	[tilespmem:$0xB8] =	vst v0  }
0xe: {  	[tilespmem:$0xC8] =	vst v0  }
0xf: {  	[tilespmem:$0xD8] =	vst v0  }
0x10: {  	[tilespmem:$0xE8] =	vst v0  }
0x11: {  	[tilespmem:$0xF8] =	vst v0  }
0x12: {  	[tilespmem:$0x108] =	vst v0  }
0x13: {  	[tilespmem:$0x118] =	vst v0  }
0x14: {  	[tilespmem:$0x128] =	vst v0  }
0x15: {  	[tilespmem:$0x138] =	vst v0  }
0x16: {  	[tilespmem:$0x148] =	vst v0  }
0x17: {  	[tilespmem:$0x158] =	vst v0  }
0x18: {  	[tilespmem:$0x168] =	vst v0  }
0x19: {  	[tilespmem:$0x178] =	vst v0  }
0x1a: {  	[tilespmem:$0x188] =	vst v0  }
0x1b: {  	[tilespmem:$0x198] =	vst v0  }
0x1c: {  	[tilespmem:$0x1A8] =	vst v0  }
0x1d: {  	[tilespmem:$0x1B8] =	vst v0  }
0x1e: {  	[tilespmem:$0x1C8] =	vst v0  }
0x1f: {  	[tilespmem:$0x1D8] =	vst v0  }
0x20: {  	[tilespmem:$0x1E8] =	vst v0  }
0x21: {  	[tilespmem:$0x1F8] =	vst v0  }
0x22: {  	[tilespmem:$0x208] =	vst v0  }
0x23: {  	[tilespmem:$0x218] =	vst v0  }
0x24: {  	[tilespmem:$0x228] =	vst v0  }
0x25: {  	[tilespmem:$0x238] =	vst v0  }
0x26: {  	[tilespmem:$0x248] =	vst v0  }
0x27: {  	[tilespmem:$0x258] =	vst v0  }
0x28: {  	[tilespmem:$0x268] =	vst v0  }
0x29: {  	[tilespmem:$0x278] =	vst v0  }
0x2a: {  	[tilespmem:$0x288] =	vst v0  }
0x2b: {  	[tilespmem:$0x298] =	vst v0  }
0x2c: {  	[tilespmem:$0x2A8] =	vst v0  }
0x2d: {  	[tilespmem:$0x2B8] =	vst v0  }
0x2e: {  	[tilespmem:$0x2C8] =	vst v0  }
0x2f: {  	[tilespmem:$0x2D8] =	vst v0  }
0x30: {  	[tilespmem:$0x2E8] =	vst v0  }
0x31: {  	[tilespmem:$0x2F8] =	vst v0  }
0x32: {  	[tilespmem:$0x308] =	vst v0  }
0x33: {  	[tilespmem:$0x318] =	vst v0  }
0x34: {  	[tilespmem:$0x328] =	vst v0  }
0x35: {  	[tilespmem:$0x338] =	vst v0  }
0x36: {  	[tilespmem:$0x348] =	vst v0  }
0x37: {  	[tilespmem:$0x358] =	vst v0  }
0x38: {  	[tilespmem:$0x368] =	vst v0  }
0x39: {  	[tilespmem:$0x378] =	vst v0  }
0x3a: {  	[tilespmem:$0x388] =	vst v0  }
0x3b: {  	[tilespmem:$0x398] =	vst v0  }
0x3c: {  	[tilespmem:$0x3A8] =	vst v0  }
0x3d: {  	[tilespmem:$0x3B8] =	vst v0  }
0x3e: {  	[tilespmem:$0x3C8] =	vst v0  }
0x3f: {  	[tilespmem:$0x3D8] =	vst v0  }
0x40: {  	[tilespmem:$0x3E8] =	vst v0  }
0x41: {  	[tilespmem:$0x3F8] =	vst v0  }
0x42: {  	[tilespmem:$0x408] =	vst v0  }
0x43: {  	[tilespmem:$0x418] =	vst v0  }
0x44: {  	[tilespmem:$0x428] =	vst v0  }
0x45: {  	[tilespmem:$0x438] =	vst v0  }
0x46: {  	[tilespmem:$0x448] =	vst v0  }
0x47: {  	[tilespmem:$0x458] =	vst v0  }
0x48: {  	[tilespmem:$0x468] =	vst v0  }
0x49: {  	[tilespmem:$0x478] =	vst v0  }
0x4a: {  	[tilespmem:$0x488] =	vst v0  }
0x4b: {  	[tilespmem:$0x498] =	vst v0  }
0x4c: {  	[tilespmem:$0x4A8] =	vst v0  }
0x4d: {  	[tilespmem:$0x4B8] =	vst v0  }
0x4e: {  	[tilespmem:$0x4C8] =	vst v0  }
0x4f: {  	[tilespmem:$0x4D8] =	vst v0  }
0x50: {  	[tilespmem:$0x4E8] =	vst v0  }
0x51: {  	[tilespmem:$0x4F8] =	vst v0  }
0x52: {  	[tilespmem:$0x508] =	vst v0  }
0x53: {  	[tilespmem:$0x518] =	vst v0  }
0x54: {  	[tilespmem:$0x528] =	vst v0  }
0x55: {  	[tilespmem:$0x538] =	vst v0  }
0x56: {  	[tilespmem:$0x548] =	vst v0  }
0x57: {  	[tilespmem:$0x558] =	vst v0  }
0x58: {  	[tilespmem:$0x568] =	vst v0  }
0x59: {  	[tilespmem:$0x578] =	vst v0  }
0x5a: {  	[tilespmem:$0x588] =	vst v0  }
0x5b: {  	[tilespmem:$0x598] =	vst v0  }
0x5c: {  	[tilespmem:$0x5A8] =	vst v0  }
0x5d: {  	[tilespmem:$0x5B8] =	vst v0  }
0x5e: {  	[tilespmem:$0x5C8] =	vst v0  }
0x5f: {  	[tilespmem:$0x5D8] =	vst v0  }
0x60: {  	[tilespmem:$0x5E8] =	vst v0  }
0x61: {  	[tilespmem:$0x5F8] =	vst v0  }
0x62: {  	[tilespmem:$0x608] =	vst v0  }
0x63: {  	[tilespmem:$0x618] =	vst v0  }
0x64: {  	[tilespmem:$0x628] =	vst v0  }
0x65: {  	[tilespmem:$0x638] =	vst v0  }
0x66: {  	[tilespmem:$0x648] =	vst v0  }
0x67: {  	[tilespmem:$0x658] =	vst v0  }
0x68: {  	[tilespmem:$0x668] =	vst v0  }
0x69: {  	[tilespmem:$0x678] =	vst v0  }
0x6a: {  	[tilespmem:$0x688] =	vst v0  }
0x6b: {  	[tilespmem:$0x698] =	vst v0  }
0x6c: {  	[tilespmem:$0x6A8] =	vst v0  }
0x6d: {  	[tilespmem:$0x6B8] =	vst v0  }
0x6e: {  	[tilespmem:$0x6C8] =	vst v0  }
0x6f: {  	[tilespmem:$0x6D8] =	vst v0  }
0x70: {  	[tilespmem:$0x6E8] =	vst v0  }
0x71: {  	[tilespmem:$0x6F8] =	vst v0  }
0x72: {  	[tilespmem:$0x708] =	vst v0  }
0x73: {  	[tilespmem:$0x718] =	vst v0  }
0x74: {  	[tilespmem:$0x728] =	vst v0  }
0x75: {  	[tilespmem:$0x738] =	vst v0  }
0x76: {  	[tilespmem:$0x748] =	vst v0  }
0x77: {  	[tilespmem:$0x758] =	vst v0  }
0x78: {  	[tilespmem:$0x768] =	vst v0  }
0x79: {  	[tilespmem:$0x778] =	vst v0  }
0x7a: {  	[tilespmem:$0x788] =	vst v0  }
0x7b: {  	[tilespmem:$0x798] =	vst v0  }
0x7c: {  	[tilespmem:$0x7A8] =	vst v0  }
0x7d: {  	[tilespmem:$0x7B8] =	vst v0  }
0x7e: {  	[tilespmem:$0x7C8] =	vst v0  }
0x7f: {  	[tilespmem:$0x7D8] =	vst v0  }
0x80: {  	[tilespmem:$0x7E8] =	vst v0  }
0x81: {  	[tilespmem:$0x7F8] =	vst v0  }
0x82: {  	[tilespmem:$0x808] =	vst v0  }
0x83: {  	[tilespmem:$0x818] =	vst v0  }
0x84: {  	[tilespmem:$0x828] =	vst v0  }
0x85: {  	[tilespmem:$0x838] =	vst v0  }
0x86: {  	[tilespmem:$0x848] =	vst v0  }
0x87: {  	[tilespmem:$0x858] =	vst v0  }
0x88: {  	[tilespmem:$0x868] =	vst v0  }
0x89: {  	[tilespmem:$0x878] =	vst v0  }
0x8a: {  	[tilespmem:$0x888] =	vst v0  }
0x8b: {  	[tilespmem:$0x898] =	vst v0  }
0x8c: {  	[tilespmem:$0x8A8] =	vst v0  }
0x8d: {  	[tilespmem:$0x8B8] =	vst v0  }
0x8e: {  	[tilespmem:$0x8C8] =	vst v0  }
0x8f: {  	[tilespmem:$0x8D8] =	vst v0  }
0x90: {  	[tilespmem:$0x8E8] =	vst v0  }
0x91: {  	[tilespmem:$0x8F8] =	vst v0  }
0x92: {  	[tilespmem:$0x908] =	vst v0  }
0x93: {  	[tilespmem:$0x918] =	vst v0  }
0x94: {  	[tilespmem:$0x928] =	vst v0  }
0x95: {  	[tilespmem:$0x938] =	vst v0  }
0x96: {  	[tilespmem:$0x948] =	vst v0  }
0x97: {  	[tilespmem:$0x958] =	vst v0  }
0x98: {  	[tilespmem:$0x968] =	vst v0  }
0x99: {  	[tilespmem:$0x978] =	vst v0  }
0x9a: {  	[tilespmem:$0x988] =	vst v0  }
0x9b: {  	[tilespmem:$0x998] =	vst v0  }
0x9c: {  	[tilespmem:$0x9A8] =	vst v0  }
0x9d: {  	[tilespmem:$0x9B8] =	vst v0  }
0x9e: {  	[tilespmem:$0x9C8] =	vst v0  }
0x9f: {  	[tilespmem:$0x9D8] =	vst v0  }
0xa0: {  	[tilespmem:$0x9E8] =	vst v0  }
0xa1: {  	[tilespmem:$0x9F8] =	vst v0  }
0xa2: {  	[tilespmem:$0xA08] =	vst v0  }
0xa3: {  	[tilespmem:$0xA18] =	vst v0  }
0xa4: {  	[tilespmem:$0xA28] =	vst v0  }
0xa5: {  	[tilespmem:$0xA38] =	vst v0  }
0xa6: {  	[tilespmem:$0xA48] =	vst v0  }
0xa7: {  	[tilespmem:$0xA58] =	vst v0  }
0xa8: {  	[tilespmem:$0xA68] =	vst v0  }
0xa9: {  	[tilespmem:$0xA78] =	vst v0  }
0xaa: {  	[tilespmem:$0xA88] =	vst v0  }
0xab: {  	[tilespmem:$0xA98] =	vst v0  }
0xac: {  	[tilespmem:$0xAA8] =	vst v0  }
0xad: {  	[tilespmem:$0xAB8] =	vst v0  }
0xae: {  	[tilespmem:$0xAC8] =	vst v0  }
0xaf: {  	[tilespmem:$0xAD8] =	vst v0  }
0xb0: {  	[tilespmem:$0xAE8] =	vst v0  }
0xb1: {  	[tilespmem:$0xAF8] =	vst v0  }
0xb2: {  	[tilespmem:$0xB08] =	vst v0  }
0xb3: {  	[tilespmem:$0xB18] =	vst v0  }
0xb4: {  	[tilespmem:$0xB28] =	vst v0  }
0xb5: {  	[tilespmem:$0xB38] =	vst v0  }
0xb6: {  	[tilespmem:$0xB48] =	vst v0  }
0xb7: {  	[tilespmem:$0xB58] =	vst v0  }
0xb8: {  	[tilespmem:$0xB68] =	vst v0  }
0xb9: {  	[tilespmem:$0xB78] =	vst v0  }
0xba: {  	[tilespmem:$0xB88] =	vst v0  }
0xbb: {  	[tilespmem:$0xB98] =	vst v0  }
0xbc: {  	[tilespmem:$0xBA8] =	vst v0  }
0xbd: {  	[tilespmem:$0xBB8] =	vst v0  }
0xbe: {  	[tilespmem:$0xBC8] =	vst v0  }
0xbf: {  	[tilespmem:$0xBD8] =	vst v0  }
0xc0: {  	[tilespmem:$0xBE8] =	vst v0  }
0xc1: {  	[tilespmem:$0xBF8] =	vst v0  }
0xc2: {  	[tilespmem:$0xC08] =	vst v0  }
0xc3: {  	[tilespmem:$0xC18] =	vst v0  }
0xc4: {  	[tilespmem:$0xC28] =	vst v0  }
0xc5: {  	[tilespmem:$0xC38] =	vst v0  }
0xc6: {  	[tilespmem:$0xC48] =	vst v0  }
0xc7: {  	[tilespmem:$0xC58] =	vst v0  }
0xc8: {  	[tilespmem:$0xC68] =	vst v0  }
0xc9: {  	[tilespmem:$0xC78] =	vst v0  }
0xca: {  	[tilespmem:$0xC88] =	vst v0  }
0xcb: {  	[tilespmem:$0xC98] =	vst v0  }
0xcc: {  	[tilespmem:$0xCA8] =	vst v0  }
0xcd: {  	[tilespmem:$0xCB8] =	vst v0  }
0xce: {  	[tilespmem:$0xCC8] =	vst v0  }
0xcf: {  	[tilespmem:$0xCD8] =	vst v0  }
0xd0: {  	[tilespmem:$0xCE8] =	vst v0  }
0xd1: {  	[tilespmem:$0xCF8] =	vst v0  }
0xd2: {  	[tilespmem:$0xD08] =	vst v0  }
0xd3: {  	[tilespmem:$0xD18] =	vst v0  }
0xd4: {  	[tilespmem:$0xD28] =	vst v0  }
0xd5: {  	[tilespmem:$0xD38] =	vst v0  }
0xd6: {  	[tilespmem:$0xD48] =	vst v0  }
0xd7: {  	[tilespmem:$0xD58] =	vst v0  }
0xd8: {  	[tilespmem:$0xD68] =	vst v0  }
0xd9: {  	[tilespmem:$0xD78] =	vst v0  }
0xda: {  	[tilespmem:$0xD88] =	vst v0  }
0xdb: {  	[tilespmem:$0xD98] =	vst v0  }
0xdc: {  	[tilespmem:$0xDA8] =	vst v0  }
0xdd: {  	[tilespmem:$0xDB8] =	vst v0  }
0xde: {  	[tilespmem:$0xDC8] =	vst v0  }
0xdf: {  	[tilespmem:$0xDD8] =	vst v0  }
0xe0: {  	[tilespmem:$0xDE8] =	vst v0  }
0xe1: {  	[tilespmem:$0xDF8] =	vst v0  }
0xe2: {  	[tilespmem:$0xE08] =	vst v0  }
0xe3: {  	[tilespmem:$0xE18] =	vst v0  }
0xe4: {  	[tilespmem:$0xE28] =	vst v0  }
0xe5: {  	[tilespmem:$0xE38] =	vst v0  }
0xe6: {  	[tilespmem:$0xE48] =	vst v0  }
0xe7: {  	[tilespmem:$0xE58] =	vst v0  }
0xe8: {  	[tilespmem:$0xE68] =	vst v0  }
0xe9: {  	[tilespmem:$0xE78] =	vst v0  }
0xea: {  	[tilespmem:$0xE88] =	vst v0  }
0xeb: {  	[tilespmem:$0xE98] =	vst v0  }
0xec: {  	[tilespmem:$0xEA8] =	vst v0  }
0xed: {  	[tilespmem:$0xEB8] =	vst v0  }
0xee: {  	[tilespmem:$0xEC8] =	vst v0  }
0xef: {  	[tilespmem:$0xED8] =	vst v0  }
0xf0: {  	[tilespmem:$0xEE8] =	vst v0  }
0xf1: {  	[tilespmem:$0xEF8] =	vst v0  }
0xf2: {  	[tilespmem:$0xF08] =	vst v0  }
0xf3: {  	[tilespmem:$0xF18] =	vst v0  }
0xf4: {  	[tilespmem:$0xF28] =	vst v0  }
0xf5: {  	[tilespmem:$0xF38] =	vst v0  }
0xf6: {  	[tilespmem:$0xF48] =	vst v0  }
0xf7: {  	[tilespmem:$0xF58] =	vst v0  }
0xf8: {  	[tilespmem:$0xF68] =	vst v0  }
0xf9: {  	[tilespmem:$0xF78] =	vst v0  }
0xfa: {  	[tilespmem:$0xF88] =	vst v0  }
0xfb: {  	[tilespmem:$0xF98] =	vst v0  }
0xfc: {  	[tilespmem:$0xFA8] =	vst v0  }
0xfd: {  	[tilespmem:$0xFB8] =	vst v0  }
0xfe: {  	[tilespmem:$0xFC8] =	vst v0  }
0xff: {  	[tilespmem:$0xFD8] =	vst v0  }
0x100: {  	[tilespmem:$0xFE8] =	vst v0  }
0x101: {  	[tilespmem:$0xFF8] =	vst v0  }
0x102: {  	[tilespmem:$0x1028] =	vst v0  }
0x103: {  	[tilespmem:$0x10E8] =	vst v0  }
0x104: {  	[tilespmem:$0x1068] =	vst v0  }
0x105: {  	[tilespmem:$0x1B28] =	vst v0  }
0x106: {  	[tilespmem:$0x1B18] =	vst v0  }
0x107: {  	[tilespmem:$0x1B08] =	vst v0  }
0x108: {  	[tilespmem:$0x1AF8] =	vst v0  }
0x109: {  	[tilespmem:$0x1AE8] =	vst v0  }
0x10a: {  	[tilespmem:$0x1AD8] =	vst v0  }
0x10b: {  	[tilespmem:$0x1AC8] =	vst v0  }
0x10c: {  	[tilespmem:$0x1AB8] =	vst v0  }
0x10d: {  	[tilespmem:$0x1AA8] =	vst v0  }
0x10e: {  	[tilespmem:$0x1A98] =	vst v0  }
0x10f: {  	[tilespmem:$0x1A88] =	vst v0  }
0x110: {  	[tilespmem:$0x1A78] =	vst v0  }
0x111: {  	[tilespmem:$0x1A68] =	vst v0  }
0x112: {  	[tilespmem:$0x1A58] =	vst v0  }
0x113: {  	[tilespmem:$0x1A48] =	vst v0  }
0x114: {  	[tilespmem:$0x1A38] =	vst v0  }
0x115: {  	[tilespmem:$0x1A28] =	vst v0  }
0x116: {  	[tilespmem:$0x1A18] =	vst v0  }
0x117: {  	[tilespmem:$0x1A08] =	vst v0  }
0x118: {  	[tilespmem:$0x19F8] =	vst v0  }
0x119: {  	[tilespmem:$0x19E8] =	vst v0  }
0x11a: {  	[tilespmem:$0x19D8] =	vst v0  }
0x11b: {  	[tilespmem:$0x19C8] =	vst v0  }
0x11c: {  	[tilespmem:$0x19B8] =	vst v0  }
0x11d: {  	[tilespmem:$0x19A8] =	vst v0  }
0x11e: {  	[tilespmem:$0x1998] =	vst v0  }
0x11f: {  	[tilespmem:$0x1988] =	vst v0  }
0x120: {  	[tilespmem:$0x1978] =	vst v0  }
0x121: {  	[tilespmem:$0x1968] =	vst v0  }
0x122: {  	[tilespmem:$0x1958] =	vst v0  }
0x123: {  	[tilespmem:$0x1948] =	vst v0  }
0x124: {  	[tilespmem:$0x1938] =	vst v0  }
0x125: {  	[tilespmem:$0x1928] =	vst v0  }
0x126: {  	[tilespmem:$0x1918] =	vst v0  }
0x127: {  	[tilespmem:$0x1908] =	vst v0  }
0x128: {  	[tilespmem:$0x18F8] =	vst v0  }
0x129: {  	[tilespmem:$0x18E8] =	vst v0  }
0x12a: {  	[tilespmem:$0x18D8] =	vst v0  }
0x12b: {  	[tilespmem:$0x18C8] =	vst v0  }
0x12c: {  	[tilespmem:$0x18B8] =	vst v0  }
0x12d: {  	[tilespmem:$0x18A8] =	vst v0  }
0x12e: {  	[tilespmem:$0x1898] =	vst v0  }
0x12f: {  	[tilespmem:$0x1888] =	vst v0  }
0x130: {  	[tilespmem:$0x1878] =	vst v0  }
0x131: {  	[tilespmem:$0x1868] =	vst v0  }
0x132: {  	[tilespmem:$0x1858] =	vst v0  }
0x133: {  	[tilespmem:$0x1848] =	vst v0  }
0x134: {  	[tilespmem:$0x1838] =	vst v0  }
0x135: {  	[tilespmem:$0x1828] =	vst v0  }
0x136: {  	[tilespmem:$0x1818] =	vst v0  }
0x137: {  	[tilespmem:$0x1808] =	vst v0  }
0x138: {  	[tilespmem:$0x17F8] =	vst v0  }
0x139: {  	[tilespmem:$0x17E8] =	vst v0  }
0x13a: {  	[tilespmem:$0x17D8] =	vst v0  }
0x13b: {  	[tilespmem:$0x17C8] =	vst v0  }
0x13c: {  	[tilespmem:$0x17B8] =	vst v0  }
0x13d: {  	[tilespmem:$0x17A8] =	vst v0  }
0x13e: {  	[tilespmem:$0x1798] =	vst v0  }
0x13f: {  	[tilespmem:$0x1788] =	vst v0  }
0x140: {  	[tilespmem:$0x1778] =	vst v0  }
0x141: {  	[tilespmem:$0x1768] =	vst v0  }
0x142: {  	[tilespmem:$0x1758] =	vst v0  }
0x143: {  	[tilespmem:$0x1748] =	vst v0  }
0x144: {  	[tilespmem:$0x1738] =	vst v0  }
0x145: {  	[tilespmem:$0x1728] =	vst v0  }
0x146: {  	[tilespmem:$0x1718] =	vst v0  }
0x147: {  	[tilespmem:$0x1708] =	vst v0  }
0x148: {  	[tilespmem:$0x16F8] =	vst v0  }
0x149: {  	[tilespmem:$0x16E8] =	vst v0  }
0x14a: {  	[tilespmem:$0x16D8] =	vst v0  }
0x14b: {  	[tilespmem:$0x16C8] =	vst v0  }
0x14c: {  	[tilespmem:$0x16B8] =	vst v0  }
0x14d: {  	[tilespmem:$0x16A8] =	vst v0  }
0x14e: {  	[tilespmem:$0x1698] =	vst v0  }
0x14f: {  	[tilespmem:$0x1688] =	vst v0  }
0x150: {  	[tilespmem:$0x1678] =	vst v0  }
0x151: {  	[tilespmem:$0x1668] =	vst v0  }
0x152: {  	[tilespmem:$0x1658] =	vst v0  }
0x153: {  	[tilespmem:$0x1648] =	vst v0  }
0x154: {  	[tilespmem:$0x1638] =	vst v0  }
0x155: {  	[tilespmem:$0x1628] =	vst v0  }
0x156: {  	[tilespmem:$0x1618] =	vst v0  }
0x157: {  	[tilespmem:$0x1608] =	vst v0  }
0x158: {  	[tilespmem:$0x15F8] =	vst v0  }
0x159: {  	[tilespmem:$0x15E8] =	vst v0  }
0x15a: {  	[tilespmem:$0x15D8] =	vst v0  }
0x15b: {  	[tilespmem:$0x15C8] =	vst v0  }
0x15c: {  	[tilespmem:$0x15B8] =	vst v0  }
0x15d: {  	[tilespmem:$0x15A8] =	vst v0  }
0x15e: {  	[tilespmem:$0x1598] =	vst v0  }
0x15f: {  	[tilespmem:$0x1588] =	vst v0  }
0x160: {  	[tilespmem:$0x1578] =	vst v0  }
0x161: {  	[tilespmem:$0x1568] =	vst v0  }
0x162: {  	[tilespmem:$0x1558] =	vst v0  }
0x163: {  	[tilespmem:$0x1548] =	vst v0  }
0x164: {  	[tilespmem:$0x1538] =	vst v0  }
0x165: {  	[tilespmem:$0x1528] =	vst v0  }
0x166: {  	[tilespmem:$0x1518] =	vst v0  }
0x167: {  	[tilespmem:$0x1508] =	vst v0  }
0x168: {  	[tilespmem:$0x14F8] =	vst v0  }
0x169: {  	[tilespmem:$0x14E8] =	vst v0  }
0x16a: {  	[tilespmem:$0x14D8] =	vst v0  }
0x16b: {  	[tilespmem:$0x14C8] =	vst v0  }
0x16c: {  	[tilespmem:$0x14B8] =	vst v0  }
0x16d: {  	[tilespmem:$0x14A8] =	vst v0  }
0x16e: {  	[tilespmem:$0x1498] =	vst v0  }
0x16f: {  	[tilespmem:$0x1488] =	vst v0  }
0x170: {  	[tilespmem:$0x1478] =	vst v0  }
0x171: {  	[tilespmem:$0x1468] =	vst v0  }
0x172: {  	[tilespmem:$0x1458] =	vst v0  }
0x173: {  	[tilespmem:$0x1448] =	vst v0  }
0x174: {  	[tilespmem:$0x1438] =	vst v0  }
0x175: {  	[tilespmem:$0x1428] =	vst v0  }
0x176: {  	[tilespmem:$0x1418] =	vst v0  }
0x177: {  	[tilespmem:$0x1408] =	vst v0  }
0x178: {  	[tilespmem:$0x13F8] =	vst v0  }
0x179: {  	[tilespmem:$0x13E8] =	vst v0  }
0x17a: {  	[tilespmem:$0x13D8] =	vst v0  }
0x17b: {  	[tilespmem:$0x13C8] =	vst v0  }
0x17c: {  	[tilespmem:$0x13B8] =	vst v0  }
0x17d: {  	[tilespmem:$0x13A8] =	vst v0  }
0x17e: {  	[tilespmem:$0x1398] =	vst v0  }
0x17f: {  	[tilespmem:$0x1388] =	vst v0  }
0x180: {  	[tilespmem:$0x1378] =	vst v0  }
0x181: {  	[tilespmem:$0x1368] =	vst v0  }
0x182: {  	[tilespmem:$0x1358] =	vst v0  }
0x183: {  	[tilespmem:$0x1348] =	vst v0  }
0x184: {  	[tilespmem:$0x1338] =	vst v0  }
0x185: {  	[tilespmem:$0x1328] =	vst v0  }
0x186: {  	[tilespmem:$0x1318] =	vst v0  }
0x187: {  	[tilespmem:$0x1308] =	vst v0  }
0x188: {  	[tilespmem:$0x12F8] =	vst v0  }
0x189: {  	[tilespmem:$0x12E8] =	vst v0  }
0x18a: {  	[tilespmem:$0x12D8] =	vst v0  }
0x18b: {  	[tilespmem:$0x12C8] =	vst v0  }
0x18c: {  	[tilespmem:$0x12B8] =	vst v0  }
0x18d: {  	[tilespmem:$0x12A8] =	vst v0  }
0x18e: {  	[tilespmem:$0x1298] =	vst v0  }
0x18f: {  	[tilespmem:$0x1288] =	vst v0  }
0x190: {  	[tilespmem:$0x1278] =	vst v0  }
0x191: {  	[tilespmem:$0x1268] =	vst v0  }
0x192: {  	[tilespmem:$0x1258] =	vst v0  }
0x193: {  	[tilespmem:$0x1248] =	vst v0  }
0x194: {  	[tilespmem:$0x1238] =	vst v0  }
0x195: {  	[tilespmem:$0x1228] =	vst v0  }
0x196: {  	[tilespmem:$0x1218] =	vst v0  }
0x197: {  	[tilespmem:$0x1208] =	vst v0  }
0x198: {  	[tilespmem:$0x11F8] =	vst v0  }
0x199: {  	[tilespmem:$0x11E8] =	vst v0  }
0x19a: {  	[tilespmem:$0x11D8] =	vst v0  }
0x19b: {  	[tilespmem:$0x11C8] =	vst v0  }
0x19c: {  	[tilespmem:$0x11B8] =	vst v0  }
0x19d: {  	[tilespmem:$0x11A8] =	vst v0  }
0x19e: {  	[tilespmem:$0x1198] =	vst v0  }
0x19f: {  	[tilespmem:$0x1188] =	vst v0  }
0x1a0: {  	[tilespmem:$0x1178] =	vst v0  }
0x1a1: {  	[tilespmem:$0x1168] =	vst v0  }
0x1a2: {  	[tilespmem:$0x1158] =	vst v0  }
0x1a3: {  	[tilespmem:$0x1148] =	vst v0  }
0x1a4: {  	[tilespmem:$0x1138] =	vst v0  }
0x1a5: {  	[tilespmem:$0x1128] =	vst v0  }
0x1a6: {  	[tilespmem:$0x1118] =	vst v0  }
0x1a7: {  	s4 =	stileid.u32;
	[tilespmem:$0x1108] =	vst v0  }
0x1a8: {  	s0 =	smul.u32 $0x17, s4;
	[tilespmem:$0x10F8] =	vst v0  }
0x1a9: {  	s1 =	smin.u32 s4, $0x3;
	[tilespmem:$0x10C8] =	vst v0  }
0x1aa: {  	[tilespmem:$0x10D8] =	vst v0;
	s0 =	sadd.s32 s1, s0  }
0x1ab: {  	p0 =	slt.u32 s4, $0x3;
	[tilespmem:$0x10B8] =	vst v0;
	s1 =	simm.s32 $0x2880;
	s6 =	smul.u32 $0x1B0, s0  }
0x1ac: {  	s1 =	simm.s32 @!p0 $0x26D0;
	[tilespmem:$0x1038] =	vst v0  }
0x1ad: {  	[tilespmem:$0x10A8] =	vst v0;
	s0 =	sadd.s32 s1, s6  }
0x1ae: {  	s3 =	simm.s32 $0x2;
	s8 =	simm.s32 $0x9;
	[tilespmem:$0x1098] =	vst v0;
	s7 =	smin.u32 s0, $0x27100  }
0x1af: {  	s10 =	simm.s32 $0xA;
	s30 =	simm.s32 $0xB;
	[tilespmem:$0x1088] =	vst v0;
	s0 =	ssub.s32 s7, s6  }
0x1b0: {  	s16 =	simm.s32 $0x0;
	p4 =	por $0x0, $0x0;
	[tilespmem:$0x1078] =	vst v0;
	p0 =	sgt.s32 s0, $0x0  }
0x1b1: {  	s17 =	simm.s32 $0xC;
	s21 =	simm.s32 $0x0;
	[tilespmem:$0x1058] =	vst v0;
	s0 =	simm.s32 @!p0 $0x0  }
0x1b2: {  	s18 =	simm.s32 $0x0;
	s2 =	sand.u32 $0x1, s2;
	[tilespmem:$0x1048] =	vst v0;
	s29 =	smulhi.u32 $0x4BDA12F7, s0  }
0x1b3: {  	s20 =	simm.s32 $0x0;
	s31 =	sshll.u32 s4, $0x5;
	[tilespmem:$0x1018] =	vst v0;
	[dreg:$0x5] =	wrdreg s2  }
0x1b4: {  	s2 =	smul.u32 $0x4E20, s2;
	[tilespmem:$0x1008] =	vst v0;
	[sflag:s3] =	ssyncpa.u1 $0x0;
	s1 =	sshrl.u32 s29, $0x7  }
0x1b5: {  	v0 =	vimm.s32 $0xFFFFFFFF;
	s3 =	sadd.s32 $0x35400, s11;
	[dreg:$0x4] =	wrdreg s31;
	s5 =	smul.u32 $0x1B0, s1  }
.Ltmp0:
0x1b6: {  	[tilespmem:$0x3648] =	vst v0;
	[sflag:s8] =	ssyncpa.u1 $0x0;
	s2 =	sadd.s32 s2, s11;
	(pc) =	sbr.rel .LBB2_1-.Ltmp0, $4  }
0x1b7: {  	[sflag:s10] =	ssyncpa.u1 $0x0;
	s11 =	sadd.s32 $0x51B1000, s11;
	p0 =	sne.s32 s0, s5  }
0x1b8: {  	[sflag:s30] =	ssyncpa.u1 $0x0;
	s14 =	sadd.s32 $0x21800, s2;
	s12 =	simm.s32 @!p0 $0x0  }
0x1b9: {  	s15 =	sadd.s32 $0xDC00, s2;
	s19 =	smov.u32 s6;
	s12 =	sadd.s32 s12, s1  }
0x1ba: {  	v0 =	vlaneseq.u32;
	[dreg:$0x6] =	wrdreg s6;
	p0 =	por $0x1, $0x1;
	s4 =	sadd.s32 $0x1, s12  }
.LBB2_18:
0x1bb: {  	s0 =	simm.s32 $0x2  }
0x1bc: {  	_ =	swait.ge [sflag:s0], $0x0  }
0x1bd: {  	[sflag:s0] =	ssyncset.done $0x0;
	s0 =	simm.s32 $0x0  }
.LBB2_19:
0x1be: {  	_ =	swait.ge [sflag:s17], s0  }
0x1bf: {  	s31 =	ssub.s32 $0x0, s0;
	v1 =	vmov s23;
	vm0 =	veq.s32 v0, $0x0;
	[sflag:s17] =	ssyncset.done $0x0  }
0x1c0: {  	vm15 =	veq.s32 v0, $0x2;
	v1 =	vsel vm0, s28, v1;
	[sflag:s17] =	ssyncadd.s32 s31  }
0x1c1: {  	v1 =	vsel vm15, s21, v1;
	[sflag:s17] =	ssyncpa.u1 $0x1  }
0x1c2: {  	[tilespmem:$0x3648] =	vst v1  }
.LBB2_20:
0x1c3: {  	s0 =	sadd.s32 $0x1B0, s19  }
0x1c4: {  	s1 =	smov.u32 s6;
	p1 =	slt.s32 s0, s7  }
0x1c5: {  	s1 =	smov.u32 @p1 s0;
	p1 =	sne.s32 s20, s4  }
.Ltmp1:
0x1c6: {  	_ = 	snop;
	(pc) =	sbr.rel @!p1 .LBB2_21-.Ltmp1, $4  }
0x1c7: {  	_ = 	snop  }
0x1c8: {  	s21 =	smov.u32 s18  }
0x1c9: {  	s31 =	sadd.s32 $0x1, s20;
	s18 =	smov.u32 s19;
	p0 =	por !p0, !p0  }
0x1ca: {  	p4 =	por !p4, !p4;
	s20 =	smov.u32 s31;
	s19 =	smov.u32 s1  }
.LBB2_1:
0x1cb: {  	p2 =	sge.u32 s20, s12  }
0x1cc: {  	s0 =	smulhi.u32 @!p2 $0xAAAAAAAB, s20  }
0x1cd: {  	s1 =	smov.u32 s19;
	p3 =	sgt.s32 @!p2 s19, $0x26F50  }
0x1ce: {  	s2 =	sshra.s32 @!p2 s19, $0x1F;
	p3 =	por !p3, p2;
	s0 =	sshrl.u32 @!p2 s0, $0x1  }
0x1cf: {  	s2 =	sand.u32 @!p2 s2, s19;
	s1 =	simm.s32 @p3 $0x26F50;
	s0 =	smul.u32 @!p2 $0x3, s0  }
0x1d0: {  	s1 =	ssub.s32 @!p2 s1, s2  }
0x1d1: {  	s23 =	sadd.s32 $0xFFFFFFFF, s20;
	s1 =	sadd.s32 @!p2 $0xFFFD90B0, s1;
	s0 =	ssub.s32 @!p2 s20, s0  }
0x1d2: {  	s2 =	sshll.u32 @!p2 s1, $0x2;
	p3 =	sgt.s32 @!p2 s1, $0x1AF;
	s0 =	smul.u32 @!p2 $0x6C0, s0  }
0x1d3: {  	s5 =	sand.u32 @!p2 $0x7, s19;
	s1 =	ssub.s32 @!p2 $0x6C0, s2;
	p3 =	por !p3, p2  }
0x1d4: {  	s2 =	sshrl.u32 @!p2 s19, $0x3;
	s1 =	sshrl.u32 @!p2 s1, $0x2;
	s0 =	sshrl.u32 @!p2 s0, $0x2  }
0x1d5: {  	s2 =	sadd.s32 @!p2 s2, s14;
	s1 =	simm.s32 @!p3 $0x0;
	s0 =	sadd.s32 @!p2 $0x3888, s0  }
0x1d6: {  	[tilespmem:s0], [sflag:$0xA] =	stream.linear.gather @!p2 [hbm4b:s2+s5], s1, $0x38;
	[tilespmem:$0x1F0F8] =	vst v63  }
0x1d7: {  	p2 =	sge.u32 s23, s12  }
0x1d8: {  	p3 =	sgt.s32 @!p2 s18, $0x26F50  }
0x1d9: {  	s0 =	smov.u32 s18;
	s1 =	sshra.s32 @!p2 s18, $0x1F;
	p3 =	por !p3, p2  }
0x1da: {  	s1 =	sand.u32 @!p2 s1, s18;
	s0 =	simm.s32 @p3 $0x26F50  }
0x1db: {  	s0 =	ssub.s32 @!p2 s0, s1  }
0x1dc: {  	s0 =	sadd.s32 @!p2 $0xFFFD90B0, s0  }
0x1dd: {  	s1 =	sshll.u32 @!p2 s0, $0x2  }
0x1de: {  	p3 =	sgt.s32 @!p2 s0, $0x1AF;
	s0 =	ssub.s32 @!p2 $0x6C0, s1  }
0x1df: {  	s22 =	ssub.s32 @!p2 $0x27100, s18;
	p3 =	por !p3, p2;
	s0 =	sshrl.u32 @!p2 s0, $0x2  }
0x1e0: {  	s1 =	sand.u32 @!p2 $0x1, s23;
	s0 =	simm.s32 @!p3 $0x0;
	p3 =	slt.s32 @!p2 s22, $0x1  }
0x1e1: {  	s2 =	simm.s32 @!p2 $0xA;
	s1 =	smul.u32 @!p2 $0x6C0, s1;
	p3 =	por p2, p3  }
.Ltmp2:
0x1e2: {  	_ =	swait.ge @!p2 [sflag:s2], s0;
	(pc) =	sbr.rel @p3 .LBB2_7-.Ltmp2, $4  }
0x1e3: {  	s5 =	ssub.s32 @!p2 $0x0, s0;
	[sflag:s2] =	ssyncset.done @!p2 $0x0  }
0x1e4: {  	s1 =	sshrl.u32 @!p2 s1, $0x2;
	[sflag:s2] =	ssyncadd.s32 @!p2 s5;
	s2 =	sshrl.u32 @!p2 s18, $0x3  }
0x1e5: {  	s1 =	sadd.s32 @!p2 $0x3D98, s1;
	s5 =	sand.u32 @!p2 $0x7, s18;
	s2 =	sadd.s32 @!p2 s2, s15  }
0x1e6: {  	[tilespmem:s1], [sflag:$0xB] =	stream.linear.gather @!p2 [hbm4b:s2+s5], s0, $0x38;
	[tilespmem:$0x1F0F8] =	vst v63  }
0x1e7: {  	s0 =	smulhi.u32 $0xAAAAAAAB, s23;
	_ =	sdelay $0x1  }
0x1e8: {  	s0 =	sshrl.u32 s0, $0x1  }
0x1e9: {  	s0 =	smul.u32 $0x3, s0;
	_ =	sdelay $0x1  }
0x1ea: {  	s0 =	ssub.s32 s23, s0  }
0x1eb: {  	s1 =	simm.s32 $0x1;
	s0 =	smul.u32 $0x6C0, s0  }
.Ltmp3:
0x1ec: {  	s1 =	simm.s32 @!p0 $0x0;
	(pc) =	sbr.rel .LBB2_4-.Ltmp3, $4  }
0x1ed: {  	s1 =	smul.u32 $0x36000, s1  }
0x1ee: {  	p3 =	slt.s32 @!p2 s22, $0x1B0;
	s0 =	sshrl.u32 s0, $0x2  }
0x1ef: {  	p2 =	por !p3, p2;
	s1 =	sshrl.u32 s1, $0x2;
	s0 =	sadd.s32 $0x3888, s0  }
0x1f0: {  	s24 =	simm.s32 $0x0;
	s22 =	simm.s32 @p2 $0x1B0;
	s23 =	sadd.s32 $0x40F8, s1;
	v1 =	vmov s0  }
.LBB2_3:
0x1f1: {  	p2 =	sge.s32 s24, s22  }
.Ltmp4:
0x1f2: {  	_ = 	snop;
	(pc) =	sbr.rel @p2 .LBB2_7-.Ltmp4, $2  }
0x1f3: {  	_ =	sdelay $0x2  }
0x1f4: {  	s23 =	sadd.s32 $0x800, s23  }
.LBB2_4:
0x1f5: {  	p2 =	sle.s32 s22, s24  }
.Ltmp5:
0x1f6: {  	_ = 	snop;
	(pc) =	sbr.rel @p2 .LBB2_3-.Ltmp5, $2  }
0x1f7: {  	_ =	sdelay $0x2  }
0x1f8: {  	s0 =	smov.u32 s24;
	s24 =	sadd.s32 $0x10, s24  }
0x1f9: {  	s1 =	ssub.s32 s22, s0  }
0x1fa: {  	p2 =	slt.s32 s1, $0x10  }
0x1fb: {  	s1 =	simm.s32 @!p2 $0x10  }
0x1fc: {  	v2 =	vmov s1  }
0x1fd: {  	vm0 =	vgt.s32 v2, v0;
	_ =	sdelay $0x5  }
0x1fe: {  	v2 =	vld.idx.msk [tilespmem:v1+s0+$0x0 ss:$0x1], vm0;
	_ =	sdelay $0x2  }
0x1ff: {  	p2 =	slt.s32 s24, s22;
	s1 =	smov.u32 s22  }
0x200: {  	s2 =	smov.u32 s23;
	s25 =	simm.s32 $0x0;
	s1 =	smov.u32 @p2 s24  }
.LBB2_6:
0x201: {  	(v2sf) =	vpush v2, s25;
	_ =	sdelay $0xc  }
0x202: {  	s25 =	sadd.s32 $0x1, s25  }
0x203: {  	s31 =	sadd.s32 s25, s0  }
0x204: {  	p2 =	slt.s32 s31, s1;
	s5 =	spop (v2sf)  }
.Ltmp6:
0x205: {  	s5 =	sshll.u32 s5, $0x4;
	(pc) =	sbr.rel @p2 .LBB2_6-.Ltmp6, $4  }
0x206: {  	s5 =	sand.u32 $0x1FFFFFF0, s5  }
0x207: {  	s5 =	sadd.s32 s11, s5  }
0x208: {  	[tilespmem:s2], [sflag:$0x9] =	stream.linear.gather [hbm4b:s5+s16], $0x8, $0x38;
	[tilespmem:$0x1F0F8] =	vst v63  }
0x209: {  	s2 =	sadd.s32 $0x80, s2  }
.Ltmp7:
0x20a: {  	_ = 	snop;
	(pc) =	sbr.rel .LBB2_3-.Ltmp7, $1  }
0x20b: {  	_ =	sdelay $0x3  }
.LBB2_7:
0x20c: {  	p2 =	slt.u32 s20, $0x2  }
.Ltmp8:
0x20d: {  	_ = 	snop;
	(pc) =	sbr.rel @p2 .LBB2_20-.Ltmp8, $1  }
0x20e: {  	_ =	sdelay $0x3  }
0x20f: {  	p2 =	sgt.s32 s21, $0x26F50  }
0x210: {  	s0 =	smov.u32 s21;
	s1 =	sshra.s32 s21, $0x1F;
	s2 =	ssub.s32 $0x27100, s21  }
0x211: {  	s0 =	simm.s32 @!p2 $0x26F50;
	s1 =	sand.u32 s1, s21;
	p2 =	slt.s32 s2, $0x1B0  }
0x212: {  	s0 =	ssub.s32 s0, s1;
	s2 =	simm.s32 @!p2 $0x1B0  }
0x213: {  	s0 =	sadd.s32 $0xFFFD90B0, s0;
	s24 =	sshll.u32 s2, $0x3  }
0x214: {  	s28 =	simm.s32 $0x9;
	s25 =	sshll.u32 s0, $0x2;
	s1 =	sand.u32 $0x3FFFFFF8, s24  }
0x215: {  	p2 =	sgt.s32 s0, $0x1AF;
	s26 =	ssub.s32 $0x6C0, s25;
	_ =	swait.ge [sflag:s28], s1  }
0x216: {  	s1 =	ssub.s32 $0x0, s1;
	[sflag:s28] =	ssyncset.done $0x0;
	s0 =	sshrl.u32 s26, $0x2  }
0x217: {  	s30 =	simm.s32 $0xB;
	[sflag:s28] =	ssyncadd.s32 s1;
	s0 =	simm.s32 @p2 $0x0  }
0x218: {  	_ =	swait.ge [sflag:s30], s0  }
0x219: {  	s0 =	ssub.s32 $0x0, s0;
	[sflag:s30] =	ssyncset.done $0x0  }
0x21a: {  	[sflag:s30] =	ssyncadd.s32 s0  }
0x21b: {  	v1 =	vld [tilespmem:$0x3648];
	_ =	sdelay $0x4  }
0x21c: {  	(v2sf) =	vpush v1, $0x0  }
0x21d: {  	(v2sf) =	vpush v1, $0x1  }
0x21e: {  	(v2sf) =	vpush v1, $0x2;
	_ =	sdelay $0x3  }
0x21f: {  	s0 =	sadd.s32 $0x1B0, s21  }
0x220: {  	s1 =	ssub.s32 $0x4E200, s21;
	p2 =	slt.s32 s7, s0  }
0x221: {  	s0 =	smov.u32 @p2 s7;
	p2 =	sgt.s32 s1, $0x0  }
0x222: {  	s25 =	ssub.s32 s0, s21;
	s1 =	simm.s32 @!p2 $0x0  }
0x223: {  	p2 =	slt.s32 s1, s25  }
0x224: {  	s25 =	smov.u32 @p2 s1  }
0x225: {  	s24 =	simm.s32 $0x1;
	p2 =	slt.s32 s25, $0x1  }
.Ltmp9:
0x226: {  	s24 =	simm.s32 @!p4 $0x0;
	(pc) =	sbr.rel @p2 .LBB2_12-.Ltmp9, $4  }
0x227: {  	s31 =	smul.u32 $0x6C0, s24  }
0x228: {  	s26 =	spop (v2sf)  }
0x229: {  	s0 =	sshrl.u32 s31, $0x2;
	s29 =	spop (v2sf)  }
0x22a: {  	s22 =	sadd.s32 $0x3D98, s0;
	s21 =	spop (v2sf)  }
0x22b: {  	s0 =	smin.u32 s25, $0x10  }
0x22c: {  	v1 =	vmov s0  }
0x22d: {  	p3 =	sgt.s32 s25, $0x10;
	vm1 =	vgt.u32 v1, v0  }
.Ltmp10:
0x22e: {  	_ = 	snop;
	(pc) =	sbr.rel @!p3 .LBB2_11-.Ltmp10, $2  }
0x22f: {  	_ =	sdelay $0x2  }
0x230: {  	s23 =	simm.s32 $0x10;
	s28 =	sadd.s32 $0xFFFFFFF0, s25;
	s0 =	smov.u32 s22;
	vm0 =	vmmov vm1  }
.LBB2_10:
0x231: {  	s1 =	smin.u32 s28, $0x10;
	s23 =	sadd.s32 $0x10, s23;
	v1 =	vld.msk [tilespmem:s0+$0x0 ss:$0x1], vm1  }
0x232: {  	v2 =	vmov s1;
	p3 =	slt.s32 s23, s25  }
0x233: {  	vm1 =	vgt.u32 v2, v0  }
.Ltmp11:
0x234: {  	(pc) =	sbr.rel @p3 .LBB2_10-.Ltmp11, $3  }
0x235: {  	_ =	sdelay $0x1  }
0x236: {  	v1 =	vshll.u32 v1, $0x4  }
0x237: {  	s28 =	sadd.s32 $0xFFFFFFF0, s28;
	[tilespmem:s0+$0x0] =	vst.msk vm0, v1;
	s0 =	sadd.s32 $0x10, s0;
	vm0 =	vmmov vm1  }
.LBB2_11:
0x238: {  	_ =	sdelay $0x4  }
0x239: {  	v1 =	vld.msk [tilespmem:s0+$0x0 ss:$0x1], vm1;
	_ =	sdelay $0x4  }
0x23a: {  	v1 =	vshll.u32 v1, $0x4  }
0x23b: {  	[tilespmem:s0+$0x0] =	vst.msk vm0, v1  }
.LBB2_12:
0x23c: {  	s0 =	sand.u32 $0x1, s20  }
0x23d: {  	s0 =	smul.u32 $0x1B0, s0  }
0x23e: {  	p3 =	sne.s32 s29, $0xFFFFFFFF  }
0x23f: {  	v1 =	vld.msk @!p3 [tilespmem:s0+$0x3D98], $0x1;
	_ =	sdelay $0x4  }
0x240: {  	(v2sf) =	vpush @!p3 v1, $0x0;
	_ =	sdelay $0xc  }
.Ltmp12:
0x241: {  	_ = 	snop;
	(pc) =	sbr.rel @p2 .LBB2_18-.Ltmp12, $4  }
0x242: {  	_ = 	snop  }
0x243: {  	s28 =	spop @!p3 (v2sf)  }
0x244: {  	s21 =	simm.s32 @!p3 $0x0;
	s23 =	smov.u32 s28  }
0x245: {  	[sflag:s17] =	ssyncpa.u1 $0x0;
	s28 =	smov.u32 @p3 s26;
	s23 =	smov.u32 @p3 s29  }
0x246: {  	v1 =	vld.msk [tilespmem:s22+$0x0], $0x1;
	_ =	sdelay $0x4  }
0x247: {  	(v2sf) =	vpush v1, $0x0;
	_ =	sdelay $0xe  }
0x248: {  	s0 =	simm.s32 @!p4 $0x0;
	s26 =	smul.u32 $0x36000, s24;
	s31 =	spop (v2sf)  }
0x249: {  	s29 =	ssub.s32 $0x0, s25;
	s0 =	simm.s32 @p4 $0x1;
	p2 =	seq.s32 s28, s31  }
0x24a: {  	s1 =	smov.u32 s28;
	[smem:$0x7FD] =	sst s0;
	p3 =	sgt.s32 @!p2 s28, $0x0  }
0x24b: {  	s0 =	sshrl.u32 s26, $0x2;
	s26 =	sadd.s32 $0x1, s29;
	p3 =	por !p3, p2  }
0x24c: {  	s1 =	simm.s32 @p3 $0x0;
	p3 =	seq.s32 s26, $0x0  }
.Ltmp13:
0x24d: {  	_ = 	snop;
	(pc) =	sbr.rel @p3 .LBB2_15-.Ltmp13, $4  }
0x24e: {  	s6 =	smov.u32 s4;
	s25 =	simm.s32 $0x0  }
0x24f: {  	s24 =	sadd.s32 $0x40F8, s0;
	s0 =	simm.s32 @!p2 $0x1;
	s2 =	smin.u32 @!p2 s1, $0x270FF  }
0x250: {  	s30 =	sadd.s32 $0x1, s22;
	s0 =	smov.u32 @p2 s25;
	s5 =	sand.u32 @!p2 $0x3FFF8, s2  }
0x251: {  	s1 =	simm.s32 @!p2 $0x1B38;
	s2 =	sand.u32 @!p2 $0x7, s2;
	s5 =	sadd.s32 @!p2 s3, s5  }
.LBB2_14:
0x252: {  	s4 =	smov.u32 s0  }
0x253: {  	[tilespmem:s1], [sflag:$0x2] =	stream.linear.gather @!p2 [hbm4b:s5+s2], $0x8, $0x38;
	[tilespmem:$0x1F0F8] =	vst v63  }
0x254: {  	s26 =	sadd.s32 $0x1, s26;
	s2 =	smov.u32 s31;
	v1 =	vld.msk [tilespmem:s30+$0x0], $0x1  }
0x255: {  	p3 =	seq.s32 s26, $0x0;
	_ =	sdelay $0x3  }
0x256: {  	(v2sf) =	vpush v1, $0x0;
	_ =	sdelay $0xe  }
0x257: {  	s31 =	spop (v2sf)  }
0x258: {  	p2 =	seq.s32 s2, s31  }
0x259: {  	p4 =	sgt.s32 @!p2 s2, $0x0;
	s1 =	sshll.u32 @!p2 s0, $0x6;
	s0 =	sadd.s32 @!p2 $0x1, s0  }
.Ltmp14:
0x25a: {  	p4 =	por !p4, p2;
	s1 =	sshra.s32 @!p2 s1, $0x2;
	(pc) =	sbr.rel @!p3 .LBB2_14-.Ltmp14, $4  }
0x25b: {  	s0 =	smov.u32 @p2 s4;
	s2 =	simm.s32 @p4 $0x0;
	s1 =	sadd.s32 @!p2 $0x1B38, s1  }
0x25c: {  	s2 =	smin.u32 @!p2 s2, $0x270FF  }
0x25d: {  	s4 =	sand.u32 @!p2 $0x3FFF8, s2;
	s2 =	sand.u32 @!p2 $0x7, s2  }
0x25e: {  	s30 =	sadd.s32 $0x1, s30;
	s5 =	sadd.s32 @!p2 s3, s4  }
.LBB2_15:
0x25f: {  	[tilespmem:s1], [sflag:$0x2] =	stream.linear.gather @!p2 [hbm4b:s5+s2], $0x8, $0x38;
	[tilespmem:$0x1F0F8] =	vst v63  }
0x260: {  	s0 =	sshll.u32 s0, $0x3  }
0x261: {  	s31 =	simm.s32 $0x2;
	s0 =	sand.u32 $0x3FFFFFF8, s0  }
0x262: {  	_ =	swait.ge [sflag:s31], s0  }
0x263: {  	s0 =	ssub.s32 $0x0, s0;
	[sflag:s31] =	ssyncset.done $0x0  }
0x264: {  	[sflag:s31] =	ssyncadd.s32 s0  }
0x265: {  	v1 =	vld.msk [tilespmem:s22+$0x0], $0x1;
	_ =	sdelay $0x4  }
0x266: {  	(v2sf) =	vpush v1, $0x0;
	_ =	sdelay $0xe  }
0x267: {  	s26 =	spop (v2sf)  }
0x268: {  	p2 =	sne.s32 s28, s26  }
0x269: {  	p4 =	sne.s32 @p2 s28, s23  }
0x26a: {  	p3 =	por !p4, !p2  }
0x26b: {  	s0 =	simm.s32 @!p3 $0x0  }
0x26c: {  	v1 =	vld.msk @!p3 [tilespmem:s0+$0x1B38], $0xff  }
0x26d: {  	p5 =	sgt.u32 @!p3 s28, $0x270FF  }
0x26e: {  	s1 =	sshll.u32 @!p3 s21, $0x6;
	p6 =	por @p2 p5, !p4  }
0x26f: {  	s1 =	sshra.s32 @!p3 s1, $0x2;
	p1 =	por p6, !p2;
	p6 =	por p4, !p2  }
0x270: {  	s2 =	sadd.s32 @!p3 $0x28, s1;
	s4 =	sand.u32 @!p1 $0x3FFF8, s28;
	s5 =	sshll.u32 @!p6 s21, $0x6  }
0x271: {  	s28 =	sand.u32 @!p1 $0x7, s28;
	[tilespmem:s1+$0x28] =	vst.add.f32.msk @!p3 $0xff, v1;
	s1 =	sadd.s32 @!p1 s3, s4;
	s4 =	sshra.s32 @!p6 s5, $0x2  }
0x272: {  	[hbm4b:s1+s28] =	stream.linear.scatter @!p1 [tilespmem:s2], [sflag:$0xC], $0x8, $0x38;
	[tilespmem:$0x1F0F8] =	vst v63  }
0x273: {  	s0 =	rddreg [dreg:$0x4];
	s1 =	sadd.s32 @!p6 $0x28, s4;
	s2 =	simm.s32 @!p6 $0x1  }
0x274: {  	[spmem:s0] =	stream.linear.scatter @!p6 [tilespmem:s1], [sflag:$0x1], $0x8, $0x38;
	[tilespmem:$0x1F0F8] =	vst v63  }
0x275: {  	s0 =	sadd.s32 @p2 $0x1, s21;
	_ =	swait.ge @!p6 [sflag:s2], $0x8  }
0x276: {  	s1 =	sshrl.u32 @p2 s0, $0x4;
	[sflag:s2] =	ssyncset.done @!p6 $0x0  }
0x277: {  	s1 =	smulhi.u32 @p2 $0x97B425F, s1;
	[sflag:s2] =	ssyncadd.s32 @!p6 $0xFFFFFFF8  }
0x278: {  	s28 =	sadd.s32 $0x1, s29;
	v1 =	vld.msk @p2 [tilespmem:s24+$0x0], $0xff  }
0x279: {  	p1 =	por @p2 !p5, !p4;
	p4 =	seq.s32 s28, $0x0;
	s1 =	smul.u32 @p2 $0x1B0, s1  }
.Ltmp15:
0x27a: {  	p1 =	por !p1, !p2;
	s2 =	simm.s32 @!p3 $0x0;
	(pc) =	sbr.rel @p4 .LBB2_17-.Ltmp15, $4  }
0x27b: {  	s4 =	sshll.u32 @!p2 s21, $0x6;
	s2 =	simm.s32 @!p1 $0x20;
	s0 =	ssub.s32 @p2 s0, s1  }
0x27c: {  	s29 =	simm.s32 $0x0;
	s2 =	sadd.s32 @!p3 $0x0, s2;
	s5 =	sshll.u32 @p2 s0, $0x4  }
0x27d: {  	s30 =	sshra.s32 @!p2 s4, $0x2;
	s1 =	simm.s32 @p2 $0x1;
	s2 =	smov.u32 @p3 s25;
	[tilespmem:s5+$0x28] =	vst.msk @p2 $0xff, v1  }
0x27e: {  	s21 =	smov.u32 @p2 s0;
	s29 =	smov.u32 @p2 s2;
	s25 =	smov.u32 @p2 s1;
	v1 =	vld.msk @!p2 [tilespmem:s24+$0x0], $0xff  }
.LBB2_16:
0x27f: {  	_ =	sdelay $0x3  }
0x280: {  	s22 =	sadd.s32 $0x1, s22;
	[tilespmem:s30+$0x28] =	vst.add.f32.msk @!p2 $0xff, v1  }
0x281: {  	v1 =	vld.msk [tilespmem:s22+$0x0], $0x1;
	_ =	sdelay $0x4  }
0x282: {  	(v2sf) =	vpush v1, $0x0;
	_ =	sdelay $0xe  }
0x283: {  	s0 =	smov.u32 s26;
	s26 =	spop (v2sf)  }
0x284: {  	p2 =	sne.s32 s0, s26  }
0x285: {  	p5 =	sne.s32 @p2 s0, s23  }
0x286: {  	s4 =	sshll.u32 @!p2 s21, $0x6;
	p4 =	por !p5, !p2  }
0x287: {  	s30 =	sshra.s32 @!p2 s4, $0x2;
	s4 =	sshll.u32 @!p4 s25, $0x6  }
0x288: {  	s4 =	sshra.s32 @!p4 s4, $0x2  }
0x289: {  	p1 =	sgt.u32 @!p4 s0, $0x270FF;
	v1 =	vld.msk @!p4 [tilespmem:s4+$0x1B38], $0xff  }
0x28a: {  	s31 =	sshll.u32 @!p4 s21, $0x6;
	p6 =	por @p2 p1, !p5;
	p1 =	por @p2 !p1, !p5  }
0x28b: {  	s8 =	simm.s32 @!p4 $0x0;
	s31 =	sshra.s32 @!p4 s31, $0x2;
	p1 =	por !p1, !p2  }
0x28c: {  	p5 =	por p5, !p2;
	s8 =	simm.s32 @!p1 $0x20;
	p1 =	por p6, !p2  }
0x28d: {  	s4 =	sadd.s32 @!p4 $0x28, s31;
	s13 =	sshll.u32 @!p5 s21, $0x6;
	s10 =	sand.u32 @!p1 $0x3FFF8, s0  }
0x28e: {  	s13 =	sshra.s32 @!p5 s13, $0x2;
	s0 =	sand.u32 @!p1 $0x7, s0;
	s10 =	sadd.s32 @!p1 s3, s10;
	[tilespmem:s31+$0x28] =	vst.add.f32.msk @!p4 $0xff, v1  }
0x28f: {  	[hbm4b:s10+s0] =	stream.linear.scatter @!p1 [tilespmem:s4], [sflag:$0xC], $0x8, $0x38;
	[tilespmem:$0x1F0F8] =	vst v63  }
0x290: {  	s1 =	rddreg [dreg:$0x4];
	s0 =	sadd.s32 @!p5 $0x28, s13;
	s4 =	simm.s32 @!p5 $0x1  }
0x291: {  	[spmem:s1] =	stream.linear.scatter @!p5 [tilespmem:s0], [sflag:$0x1], $0x8, $0x38;
	[tilespmem:$0x1F0F8] =	vst v63  }
0x292: {  	s2 =	sadd.s32 @p2 $0x1, s21;
	_ =	swait.ge @!p5 [sflag:s4], $0x8  }
0x293: {  	s5 =	sshrl.u32 @p2 s2, $0x4;
	[sflag:s4] =	ssyncset.done @!p5 $0x0  }
0x294: {  	s24 =	sadd.s32 $0x80, s24;
	s5 =	smulhi.u32 @p2 $0x97B425F, s5;
	[sflag:s4] =	ssyncadd.s32 @!p5 $0xFFFFFFF8  }
0x295: {  	s28 =	sadd.s32 $0x1, s28;
	v1 =	vld.msk @p2 [tilespmem:s24+$0x0], $0xff  }
0x296: {  	p3 =	seq.s32 s28, $0x0;
	s5 =	smul.u32 @p2 $0x1B0, s5  }
.Ltmp16:
0x297: {  	_ = 	snop;
	(pc) =	sbr.rel @!p3 .LBB2_16-.Ltmp16, $4  }
0x298: {  	s2 =	ssub.s32 @p2 s2, s5  }
0x299: {  	s8 =	sadd.s32 @!p4 s8, s29;
	s5 =	sshll.u32 @p2 s2, $0x4  }
0x29a: {  	s9 =	sadd.s32 @p2 $0x1, s25;
	s8 =	smov.u32 @p4 s29;
	[tilespmem:s5+$0x28] =	vst.msk @p2 $0xff, v1  }
0x29b: {  	s25 =	smov.u32 @p2 s9;
	s21 =	smov.u32 @p2 s2;
	s29 =	smov.u32 @p2 s8;
	v1 =	vld.msk @!p2 [tilespmem:s24+$0x0], $0xff  }
.LBB2_17:
.Ltmp17:
0x29c: {  	_ = 	snop;
	(pc) =	sbr.rel .LBB2_19-.Ltmp17, $3  }
0x29d: {  	s1 =	sld [smem:$0x7FD];
	_ =	sdelay $0x1  }
0x29e: {  	s0 =	sshrl.u32 s29, $0x2;
	s28 =	smov.u32 s26  }
0x29f: {  	s4 =	smov.u32 s6;
	s6 =	rddreg [dreg:$0x6];
	p4 =	seq.s32 s1, $0x1;
	[tilespmem:s30+$0x28] =	vst.add.f32.msk @!p2 $0xff, v1  }
.LBB2_21:
0x2a0: {  	_ =	sfence.sel $0x180000  }
0x2a1: {  	s0 =	simm.s32 $0x9;
	[bflag:$0x0] =	sbarrier.arrive $0xFFFF  }
0x2a2: {  	s24 =	simm.s32 $0xA;
	[sflag:s0] =	ssyncpa.u1 $0x1  }
0x2a3: {  	s25 =	simm.s32 $0xB;
	[sflag:s24] =	ssyncpa.u1 $0x1  }
0x2a4: {  	s26 =	simm.s32 $0x2;
	[sflag:s25] =	ssyncpa.u1 $0x1  }
0x2a5: {  	[sflag:s26] =	ssyncpa.u1 $0x1  }
0x2a6: {  	v0 =	vld [tilespmem:$0x3648];
	_ =	sdelay $0x4  }
0x2a7: {  	(v2sf) =	vpush v0, $0x0  }
0x2a8: {  	(v2sf) =	vpush v0, $0x1;
	_ =	sdelay $0x1  }
0x2a9: {  	(v2sf) =	vpush v0, $0x2;
	_ =	sdelay $0xb  }
0x2aa: {  	s0 =	spop (v2sf)  }
0x2ab: {  	s1 =	spop (v2sf)  }
0x2ac: {  	s2 =	smov.u32 s0;
	p0 =	sne.s32 s0, s1  }
0x2ad: {  	s4 =	spop (v2sf);
	s2 =	simm.s32 @!p0 $0xFFFFFFFF  }
0x2ae: {  	v2 =	vimm.s32 $0x1;
	v3 =	vlaneseq.u32;
	p0 =	seq.s32 s4, $0xFFFFFFFF;
	v1 =	vmov s2  }
0x2af: {  	s16 =	stileid.u32;
	v0 =	vperm.xlane v0, v2;
	p1 =	sne.s32 @!p0 s0, s1;
	v1 =	vperm.xlane v1, v3  }
0x2b0: {  	vm0 =	vcmask $0x3F04;
	s6 =	simm.s32 $0x3648;
	s0 =	simm.s32 @!p0 $0x1;
	p1 =	por !p1, p0  }
0x2b1: {  	s2 =	sshll.u32 s16, $0x1;
	s1 =	sshll.u32 @!p0 s4, $0x6;
	s0 =	simm.s32 @p1 $0x0;
	v0 =	vsel vm0, v1, v0  }
0x2b2: {  	s5 =	sor.u32 $0x200, s2;
	s1 =	sshra.s32 @!p0 s1, $0x2;
	s0 =	sor.u32 @!p0 s0, s2;
	[tilespmem:$0x3648] =	vst v0  }
0x2b3: {  	[spmem:s5] =	stream.linear.scatter [tilespmem:s6], [sflag:$0x1], $0x2, $0x38;
	[tilespmem:$0x1F0F8] =	vst v63  }
0x2b4: {  	s1 =	sadd.s32 @!p0 $0x28, s1;
	s0 =	sshll.u32 @!p0 s0, $0x4  }
0x2b5: {  	[spmem:s0] =	stream.linear.scatter @!p0 [tilespmem:s1], [sflag:$0x1], $0x10, $0x38;
	[tilespmem:$0x1F0F8] =	vst v63  }
0x2b6: {  	s0 =	simm.s32 @!p0 $0x12  }
0x2b7: {  	s28 =	simm.s32 $0x1;
	s0 =	simm.s32 @p0 $0x2  }
0x2b8: {  	_ =	swait.ge [sflag:s28], s0  }
0x2b9: {  	s0 =	ssub.s32 $0x0, s0;
	[sflag:s28] =	ssyncset.done $0x0  }
0x2ba: {  	p0 =	sne.s32 s16, $0x0;
	[sflag:s28] =	ssyncadd.s32 s0  }
.Ltmp18:
0x2bb: {  	_ =	sfence.stream.spmem;
	(pc) =	sbr.rel @p0 .LBB2_38-.Ltmp18, $4  }
0x2bc: {  	s29 =	simm.s32 $0x3;
	[bflag:$0x0] =	sbarrier.arrive $0xFFFF  }
0x2bd: {  	s30 =	simm.s32 $0x4;
	[sflag:s29] =	ssyncpa.u1 $0x1  }
0x2be: {  	s31 =	simm.s32 $0x3C;
	[sflag:s30] =	ssyncpa.u1 $0x1  }
0x2bf: {  	s17 =	rddreg [dreg:$0x5];
	[sflag:s31] =	ssyncpa.u1 $0x1  }
0x2c0: {  	_ =	sfence.stream.spmem;
	s0 =	simm.s32 $0x5  }
0x2c1: {  	s1 =	simm.s32 $0x200;
	s2 =	simm.s32 $0x3658;
	[sflag:s0] =	ssyncpa.u1 $0x0  }
0x2c2: {  	[tilespmem:s2], [sflag:$0x5] =	stream.linear.gather [spmem:s1], $0x20, $0x38;
	[tilespmem:$0x1F0F8] =	vst v63  }
0x2c3: {  	s26 =	simm.s32 $0x0;
	s28 =	simm.s32 $0x3678  }
0x2c4: {  	[tilespmem:s28], [sflag:$0x5] =	stream.linear.gather [spmem:s26], $0x200, $0x38;
	[tilespmem:$0x1F0F8] =	vst v63  }
0x2c5: {  	_ =	swait.ge [sflag:s0], $0x220  }
0x2c6: {  	[sflag:s0] =	ssyncset.done $0x0  }
0x2c7: {  	s29 =	simm.s32 $0x0;
	[sflag:s0] =	ssyncadd.s32 $0xFFFFFDE0  }
0x2c8: {  	v0 =	vld.msk [tilespmem:s29+$0x3658], $0x1;
	_ =	sdelay $0x1  }
0x2c9: {  	s30 =	simm.s32 $0x1  }
0x2ca: {  	v1 =	vld.msk [tilespmem:s30+$0x3658], $0x1;
	_ =	sdelay $0x1  }
0x2cb: {  	(v2sf) =	vpush v0, $0x0;
	_ =	sdelay $0x2  }
0x2cc: {  	(v2sf) =	vpush v1, $0x0;
	_ =	sdelay $0x2  }
0x2cd: {  	s31 =	simm.s32 $0x2  }
0x2ce: {  	v0 =	vld.msk [tilespmem:s31+$0x3658], $0x1;
	_ =	sdelay $0x2  }
0x2cf: {  	s6 =	simm.s32 $0xFFFFFFFF;
	s1 =	simm.s32 $0xFFFFFFFF;
	s0 =	simm.s32 $0xC  }
.LBB2_23:
0x2d0: {  	s2 =	smov.u32 s6;
	s4 =	smov.u32 s1  }
0x2d1: {  	s1 =	sshra.s32 s0, $0x2;
	p1 =	sne.s32 s0, $0x7C;
	s0 =	sadd.s32 $0x4, s0;
	(v2sf) =	vpush v0, $0x0  }
0x2d2: {  	v0 =	vld.msk [tilespmem:s1+$0x3658], $0x1  }
.Ltmp19:
0x2d3: {  	(pc) =	sbr.rel @p1 .LBB2_23-.Ltmp19, $4  }
0x2d4: {  	s6 =	spop (v2sf)  }
0x2d5: {  	p2 =	sne.s32 s4, $0xFFFFFFFF;
	s1 =	smov.u32 s6  }
0x2d6: {  	p3 =	seq.s32 s6, $0xFFFFFFFF;
	s1 =	smov.u32 @p2 s4  }
0x2d7: {  	s6 =	smov.u32 @p3 s2;
	s1 =	smov.u32 @p3 s4  }
0x2d8: {  	(v2sf) =	vpush v0, $0x0;
	_ =	sdelay $0x8  }
0x2d9: {  	s0 =	spop (v2sf)  }
0x2da: {  	p1 =	sne.s32 s1, $0xFFFFFFFF;
	s2 =	smov.u32 s0  }
0x2db: {  	s9 =	simm.s32 $0x6;
	p2 =	seq.s32 s0, $0xFFFFFFFF;
	s2 =	smov.u32 @p1 s1  }
0x2dc: {  	s10 =	simm.s32 $0x3638;
	s2 =	smov.u32 @p2 s1;
	s1 =	spop (v2sf)  }
0x2dd: {  	s0 =	smov.u32 @p2 s6;
	p1 =	sne.s32 s2, $0xFFFFFFFF;
	s4 =	smov.u32 s1  }
.Ltmp20:
0x2de: {  	p2 =	seq.s32 s1, $0xFFFFFFFF;
	s4 =	smov.u32 @p1 s2;
	(pc) =	sbr.rel .LBB2_25-.Ltmp20, $4  }
0x2df: {  	s11 =	simm.s32 $0x0;
	s4 =	smov.u32 @p2 s2;
	s7 =	spop (v2sf)  }
0x2e0: {  	[sflag:s9] =	ssyncpa.u1 $0x0;
	p1 =	sne.s32 s4, $0xFFFFFFFF;
	s8 =	smov.u32 s7  }
0x2e1: {  	s1 =	smov.u32 @p2 s0;
	p2 =	seq.s32 s7, $0xFFFFFFFF;
	s8 =	smov.u32 @p1 s4  }
0x2e2: {  	s6 =	simm.s32 $0x0;
	s7 =	smov.u32 @p2 s1;
	s8 =	smov.u32 @p2 s4  }
.LBB2_30:
0x2e3: {  	p1 =	sgt.u32 s12, $0x270FF  }
0x2e4: {  	p2 =	seq.s32 @!p1 s12, s8  }
0x2e5: {  	p1 =	por p1, p2  }
0x2e6: {  	p2 =	sne.s32 @!p1 s12, s7  }
0x2e7: {  	p1 =	por p1, !p2  }
0x2e8: {  	s0 =	sshll.u32 @p1 s11, $0x6  }
0x2e9: {  	s0 =	sand.u32 @!p1 $0x3FFF8, s12  }
0x2ea: {  	s1 =	sand.u32 @!p1 $0x7, s12;
	s0 =	sadd.s32 @!p1 s3, s0  }
0x2eb: {  	[tilespmem:s10], [sflag:$0x6] =	stream.linear.gather @!p1 [hbm4b:s0+s1], $0x8, $0x38;
	[tilespmem:$0x1F0F8] =	vst v63  }
0x2ec: {  	_ =	swait.ge @!p1 [sflag:s9], $0x8  }
0x2ed: {  	[sflag:s9] =	ssyncset.done @!p1 $0x0  }
0x2ee: {  	[sflag:s9] =	ssyncadd.s32 @!p1 $0xFFFFFFF8  }
0x2ef: {  	v1 =	vld @!p1 [tilespmem:$0x3638];
	_ =	sdelay $0x2  }
0x2f0: {  	s0 =	sshll.u32 @!p1 s11, $0x6  }
0x2f1: {  	s1 =	sshrl.u32 @!p1 s0, $0x2  }
0x2f2: {  	[tilespmem:s1+$0x3678] =	vst.add.f32.msk @!p1 $0xffff, v1  }
0x2f3: {  	s0 =	sshrl.u32 s0, $0x2;
	[tilespmem:s6+$0x3658] =	vst.msk $0x1, v0  }
0x2f4: {  	v0 =	vld [tilespmem:s0+$0x3678];
	_ =	sdelay $0x2  }
0x2f5: {  	s31 =	sshll.u32 s6, $0x6  }
0x2f6: {  	s0 =	sshra.s32 s31, $0x2  }
0x2f7: {  	s6 =	sadd.s32 $0x1, s6;
	[tilespmem:s0+$0x3678] =	vst v0  }
.LBB2_32:
0x2f8: {  	s11 =	sadd.s32 $0x1, s11  }
0x2f9: {  	p1 =	sne.s32 s11, $0x20  }
.Ltmp21:
0x2fa: {  	_ = 	snop;
	(pc) =	sbr.rel @!p1 .LBB2_33-.Ltmp21, $1  }
0x2fb: {  	_ =	sdelay $0x3  }
.LBB2_25:
0x2fc: {  	v0 =	vld.msk [tilespmem:s11+$0x3658], $0x1;
	_ =	sdelay $0x4  }
0x2fd: {  	(v2sf) =	vpush v0, $0x0;
	_ =	sdelay $0xe  }
0x2fe: {  	s12 =	spop (v2sf)  }
0x2ff: {  	p1 =	seq.s32 s12, $0xFFFFFFFF  }
.Ltmp22:
0x300: {  	_ = 	snop;
	(pc) =	sbr.rel @p1 .LBB2_32-.Ltmp22, $1  }
0x301: {  	_ =	sdelay $0x3  }
0x302: {  	p1 =	slt.s32 s6, $0x1  }
.Ltmp23:
0x303: {  	_ = 	snop;
	(pc) =	sbr.rel @p1 .LBB2_30-.Ltmp23, $1  }
0x304: {  	_ =	sdelay $0x3  }
0x305: {  	s13 =	simm.s32 $0x3658;
	p1 =	por $0x0, $0x0  }
0x306: {  	v1 =	vld.msk @!p1 [tilespmem:s13+$0x0], $0x1;
	_ =	sdelay $0x4  }
0x307: {  	(v2sf) =	vpush @!p1 v1, $0x0;
	_ =	sdelay $0xd  }
0x308: {  	p3 =	sne.s32 s6, $0x1  }
.Ltmp24:
0x309: {  	s0 =	spop @!p1 (v2sf);
	(pc) =	sbr.rel @!p3 .LBB2_29-.Ltmp24, $4  }
0x30a: {  	p2 =	seq.s32 @!p1 s12, s0  }
0x30b: {  	s14 =	simm.s32 $0x0;
	p2 =	por !p2, p1  }
0x30c: {  	s0 =	simm.s32 $0xFFFFFFFF;
	s14 =	simm.s32 @p2 $0xFFFFFFFF  }
0x30d: {  	s15 =	simm.s32 $0x1;
	s14 =	smov.u32 @p1 s0  }
.LBB2_28:
0x30e: {  	s0 =	smov.u32 s14;
	p1 =	sne.s32 s14, $0xFFFFFFFF  }
0x30f: {  	s13 =	sadd.s32 $0x1, s13;
	s14 =	smov.u32 s15;
	s15 =	sadd.s32 $0x1, s15  }
0x310: {  	p2 =	sne.s32 s6, s15;
	v1 =	vld.msk @!p1 [tilespmem:s13+$0x0], $0x1;
	_ =	sdelay $0x4  }
0x311: {  	(v2sf) =	vpush @!p1 v1, $0x0;
	_ =	sdelay $0xe  }
.Ltmp25:
0x312: {  	s1 =	spop @!p1 (v2sf);
	(pc) =	sbr.rel @p2 .LBB2_28-.Ltmp25, $4  }
0x313: {  	p3 =	seq.s32 @!p1 s12, s1  }
0x314: {  	p3 =	por !p3, p1  }
0x315: {  	s14 =	simm.s32 @p3 $0xFFFFFFFF  }
0x316: {  	s14 =	smov.u32 @p1 s0  }
.LBB2_29:
0x317: {  	p1 =	sne.s32 s14, $0xFFFFFFFF  }
.Ltmp26:
0x318: {  	_ = 	snop;
	(pc) =	sbr.rel @!p1 .LBB2_30-.Ltmp26, $1  }
0x319: {  	_ =	sdelay $0x3  }
0x31a: {  	s0 =	sshll.u32 s11, $0x4  }
0x31b: {  	s0 =	sand.u32 $0x3FFFFFF0, s0  }
0x31c: {  	v0 =	vld [tilespmem:s0+$0x3678]  }
.Ltmp27:
0x31d: {  	_ = 	snop;
	(pc) =	sbr.rel .LBB2_32-.Ltmp27, $4  }
0x31e: {  	_ = 	snop  }
0x31f: {  	s31 =	sshll.u32 s14, $0x6  }
0x320: {  	s0 =	sshra.s32 s31, $0x2  }
0x321: {  	[tilespmem:s0+$0x3678] =	vst.add.f32.msk $0xffff, v0  }
.LBB2_33:
0x322: {  	s0 =	simm.s32 $0x6;
	p1 =	seq.s32 s6, $0x0  }
0x323: {  	[sflag:s0] =	ssyncpa.u1 $0x1;
	v0 =	vimm.s32 @p1 $0xFFFFFFFF  }
0x324: {  	s9 =	sadd.s32 $0xFFFFFFFF, s6;
	[tilespmem:$0x3878] =	vst @p1 v0  }
0x325: {  	v0 =	vld.msk @!p1 [tilespmem:s9+$0x3658], $0x1;
	_ =	sdelay $0x1  }
0x326: {  	v1 =	vld.msk @!p1 [tilespmem:$0x3658], $0x1;
	_ =	sdelay $0x2  }
0x327: {  	p2 =	seq.s32 @!p1 s9, $0x0;
	v0 =	vbroadcast @!p1 v0, $0x0  }
0x328: {  	vm0 =	vmmov @!p1 $0x1;
	p2 =	por !p2, p1  }
0x329: {  	v1 =	vnsel @!p1 vm0, $0xFFFFFFFF, v1;
	vm0 =	vcmask @!p1 $0x308;
	v0 =	vpsel !p2, $0xFFFFFFFF, v0  }
0x32a: {  	p2 =	sne.s32 @!p1 s8, s7;
	v0 =	vsel @!p1 vm0, v1, v0  }
0x32b: {  	s0 =	simm.s32 @!p1 $0x3678;
	s1 =	simm.s32 @!p1 $0x0;
	p3 =	por !p2, p1;
	[tilespmem:$0x3878] =	vst @!p1 v0  }
0x32c: {  	[spmem:s1] =	stream.linear.scatter @!p1 [tilespmem:s0], [sflag:$0x1], $0x10, $0x38;
	[tilespmem:$0x1F0F8] =	vst v63  }
0x32d: {  	s0 =	sshll.u32 @!p3 s9, $0x6  }
0x32e: {  	s0 =	sshra.s32 @!p3 s0, $0x2  }
0x32f: {  	s1 =	simm.s32 @!p3 $0x10;
	s0 =	sadd.s32 @!p3 $0x3678, s0  }
0x330: {  	[spmem:s1] =	stream.linear.scatter @!p3 [tilespmem:s0], [sflag:$0x1], $0x10, $0x38;
	[tilespmem:$0x1F0F8] =	vst v63  }
0x331: {  	s0 =	simm.s32 @!p3 $0x1  }
0x332: {  	_ =	swait.ge @!p3 [sflag:s0], $0x20  }
0x333: {  	p1 =	por p2, p1;
	[sflag:s0] =	ssyncset.done @!p3 $0x0  }
0x334: {  	[sflag:s0] =	ssyncadd.s32 @!p3 $0xFFFFFFE0;
	s0 =	simm.s32 @!p1 $0x1  }
0x335: {  	_ =	swait.ge @!p1 [sflag:s0], $0x10  }
0x336: {  	s29 =	simm.s32 $0x3878;
	[sflag:s0] =	ssyncset.done @!p1 $0x0  }
0x337: {  	s30 =	simm.s32 $0x200;
	s31 =	simm.s32 $0x1;
	[sflag:s0] =	ssyncadd.s32 @!p1 $0xFFFFFFF0  }
0x338: {  	[spmem:s30] =	stream.linear.scatter [tilespmem:s29], [sflag:$0x1], $0x10, $0x38;
	[tilespmem:$0x1F0F8] =	vst v63  }
0x339: {  	_ =	swait.ge [sflag:s31], $0x10  }
0x33a: {  	[sflag:s31] =	ssyncset.done $0x0  }
0x33b: {  	p1 =	seq.s32 s17, $0x0;
	s8 =	rddreg [dreg:$0x1];
	[sflag:s31] =	ssyncadd.s32 $0xFFFFFFF0  }
0x33c: {  	s1 =	sshll.u32 @p1 s8, $0xE;
	s7 =	rddreg [dreg:$0x2]  }
0x33d: {  	s0 =	sadd.s32 @p1 $0x15C3C, s1;
	s1 =	sshll.u32 @p1 s7, $0x11  }
0x33e: {  	_ =	sfence.stream.spmem;
	s0 =	sor.u32 @p1 s1, s0  }
0x33f: {  	[sflag:s0] =	ssyncadd.remote.s32 @p1 $0x1;
	s0 =	simm.s32 @p1 $0x4  }
0x340: {  	s2 =	simm.s32 @!p1 $0x3C;
	s1 =	sand.u32 $0xFFFFFFFE, s8;
	_ =	swait.ge @p1 [sflag:s0], $0x6  }
0x341: {  	s4 =	simm.s32 @!p1 $0x0;
	s1 =	sadd.s32 @!p1 $0x4, s1;
	[sflag:s0] =	ssyncset.done @p1 $0x0  }
0x342: {  	s5 =	simm.s32 @!p1 $0x20;
	[sflag:s0] =	ssyncadd.s32 @p1 $0xFFFFFFFA;
	s0 =	sshll.u32 @!p1 s1, $0x1A  }
0x343: {  	s1 =	sshll.u32 @!p1 s1, $0xD;
	s0 =	sor.u32 @!p1 s0, s7;
	_ =	swait.eq @!p1 [sflag:s2], $0x1  }
0x344: {  	s1 =	sor.u32 @!p1 $0x1C04, s1;
	s2 =	simm.s32 @!p1 $0x1C03;
	s0 =	sor.u32 @!p1 $0x80004000, s0  }
0x345: {  	[spmem:s5], [sflag:s1] =	dma.general @!p1 [spmem:s4], [sflag:s2], length:$0x4, [dreg:$0x0], stride_count:$0x0, ici_dest:s0, dma_misc:DstOpCode:WRITE  }
0x346: {  	p2 =	slt.s32 s9, $0x2;
	s4 =	simm.s32 @!p1 $0x40;
	s5 =	simm.s32 @!p1 $0x42  }
0x347: {  	[spmem:s5], [sflag:s1] =	dma.general @!p1 [spmem:s4], [sflag:s2], length:$0x2, [dreg:$0x0], stride_count:$0x0, ici_dest:s0, dma_misc:DstOpCode:WRITE  }
.Ltmp28:
0x348: {  	s0 =	simm.s32 @!p1 $0x3;
	(pc) =	sbr.rel @p2 .LBB2_37-.Ltmp28, $4  }
0x349: {  	s1 =	sshll.u32 @!p1 s8, $0xE;
	_ =	swait.ge @!p1 [sflag:s0], $0x6  }
0x34a: {  	s2 =	sshll.u32 @!p1 s7, $0x11;
	s1 =	sadd.s32 @!p1 $0x11C3C, s1;
	[sflag:s0] =	ssyncset.done @!p1 $0x0  }
0x34b: {  	[sflag:s0] =	ssyncadd.s32 @!p1 $0xFFFFFFFA;
	s0 =	sor.u32 @!p1 s2, s1  }
0x34c: {  	[sflag:s0] =	ssyncadd.remote.s32 @!p1 $0xFFFFFFFF;
	s0 =	simm.s32 $0x0  }
0x34d: {  	s0 =	simm.s32 $0x3659  }
0x34e: {  	v0 =	vld.msk [tilespmem:s0+$0x0], $0x1;
	_ =	sdelay $0x4  }
0x34f: {  	(v2sf) =	vpush v0, $0x0;
	_ =	sdelay $0xd  }
0x350: {  	s2 =	sadd.s32 $0xFFFFFFFE, s6  }
0x351: {  	s2 =	sadd.s32 $0xFFFFFFFF, s2;
	s0 =	spop (v2sf)  }
0x352: {  	p2 =	sne.s32 s2, $0x0;
	p1 =	sgt.u32 s0, $0x270FF  }
.Ltmp29:
0x353: {  	s4 =	sand.u32 @!p1 $0x3FFF8, s0;
	(pc) =	sbr.rel @!p2 .LBB2_36-.Ltmp29, $4  }
0x354: {  	s1 =	simm.s32 $0x3688;
	s0 =	sand.u32 @!p1 $0x7, s0;
	s4 =	sadd.s32 @!p1 s3, s4  }
0x355: {  	[hbm4b:s4+s0] =	stream.linear.scatter @!p1 [tilespmem:s1], [sflag:$0x5], $0x8, $0x38;
	[tilespmem:$0x1F0F8] =	vst v63  }
0x356: {  	s0 =	simm.s32 $0x0  }
0x357: {  	s6 =	simm.s32 $0x0;
	s7 =	simm.s32 $0x365A;
	s0 =	simm.s32 @!p1 $0x20  }
.LBB2_35:
0x358: {  	v0 =	vld.msk [tilespmem:s7+$0x0], $0x1;
	s2 =	sadd.s32 $0xFFFFFFFF, s2;
	s6 =	sadd.s32 s6, s0  }
0x359: {  	p1 =	sne.s32 s2, $0x0;
	_ =	sdelay $0x3  }
0x35a: {  	(v2sf) =	vpush v0, $0x0;
	_ =	sdelay $0xe  }
.Ltmp30:
0x35b: {  	s4 =	spop (v2sf);
	(pc) =	sbr.rel @p1 .LBB2_35-.Ltmp30, $4  }
0x35c: {  	s0 =	simm.s32 $0x0;
	p2 =	sgt.u32 s4, $0x270FF  }
0x35d: {  	s1 =	sadd.s32 $0x10, s1;
	s0 =	simm.s32 @!p2 $0x20;
	s5 =	sand.u32 @!p2 $0x3FFF8, s4  }
0x35e: {  	s7 =	sadd.s32 $0x1, s7;
	s4 =	sand.u32 @!p2 $0x7, s4;
	s5 =	sadd.s32 @!p2 s3, s5  }
0x35f: {  	[hbm4b:s5+s4] =	stream.linear.scatter @!p2 [tilespmem:s1], [sflag:$0x5], $0x8, $0x38;
	[tilespmem:$0x1F0F8] =	vst v63  }
.LBB2_36:
0x360: {  	s0 =	sadd.s32 s6, s0  }
0x361: {  	s0 =	sshrl.u32 s0, $0x2  }
.LBB2_37:
0x362: {  	s1 =	simm.s32 $0x5  }
0x363: {  	_ =	swait.ge [sflag:s1], s0  }
0x364: {  	s31 =	ssub.s32 $0x0, s0;
	[sflag:s1] =	ssyncset.done $0x0  }
0x365: {  	[sflag:s1] =	ssyncadd.s32 s31  }
0x366: {  	[sflag:s1] =	ssyncpa.u1 $0x1  }
.LBB2_38:
0x367: {  	s0 =	sor.u32 s17, s16  }
0x368: {  	p1 =	sne.s32 s0, $0x0  }
.Ltmp31:
0x369: {  	_ = 	snop;
	(pc) =	sbr.rel @p1 .LBB2_53-.Ltmp31, $3  }
0x36a: {  	_ =	sdelay $0x1  }
0x36b: {  	[bflag:$0x0] =	sbarrier.arrive $0xFFFF  }
0x36c: {  	_ =	sfence  }
0x36d: {  	s0 =	simm.s32 $0x7  }
0x36e: {  	s1 =	simm.s32 $0x200;
	s2 =	simm.s32 $0x3658;
	[sflag:s0] =	ssyncpa.u1 $0x0  }
0x36f: {  	[tilespmem:s2], [sflag:$0x7] =	stream.linear.gather [spmem:s1], $0x20, $0x38;
	[tilespmem:$0x1F0F8] =	vst v63  }
0x370: {  	s30 =	simm.s32 $0x3678;
	s1 =	simm.s32 $0x0  }
0x371: {  	[tilespmem:s30], [sflag:$0x7] =	stream.linear.gather [spmem:s1], $0x200, $0x38;
	[tilespmem:$0x1F0F8] =	vst v63  }
.Ltmp32:
0x372: {  	_ = 	snop;
	(pc) =	sbr.rel .LBB2_40-.Ltmp32, $4  }
0x373: {  	_ =	swait.ge [sflag:s0], $0x220  }
0x374: {  	[sflag:s0] =	ssyncset.done $0x0  }
0x375: {  	s31 =	simm.s32 $0x8;
	[sflag:s0] =	ssyncadd.s32 $0xFFFFFDE0  }
0x376: {  	s2 =	simm.s32 $0x0;
	[sflag:s31] =	ssyncpa.u1 $0x0  }
.LBB2_45:
0x377: {  	p1 =	slt.u32 s4, $0x27100  }
0x378: {  	s0 =	sand.u32 @p1 $0x3FFF8, s4  }
0x379: {  	s4 =	sand.u32 @p1 $0x7, s4;
	s5 =	simm.s32 @p1 $0x3638;
	s0 =	sadd.s32 @p1 s3, s0  }
0x37a: {  	[tilespmem:s5], [sflag:$0x8] =	stream.linear.gather @p1 [hbm4b:s0+s4], $0x8, $0x38;
	[tilespmem:$0x1F0F8] =	vst v63  }
0x37b: {  	s0 =	simm.s32 @p1 $0x8  }
0x37c: {  	_ =	swait.ge @p1 [sflag:s0], $0x8  }
0x37d: {  	[sflag:s0] =	ssyncset.done @p1 $0x0  }
0x37e: {  	[sflag:s0] =	ssyncadd.s32 @p1 $0xFFFFFFF8  }
0x37f: {  	v1 =	vld @p1 [tilespmem:$0x3638];
	_ =	sdelay $0x2  }
0x380: {  	s0 =	sshll.u32 @p1 s2, $0x6  }
0x381: {  	s5 =	sshll.u32 @!p1 s2, $0x6;
	s4 =	sshrl.u32 @p1 s0, $0x2  }
0x382: {  	s5 =	smov.u32 @p1 s0;
	[tilespmem:s4+$0x3678] =	vst.add.f32.msk @p1 $0xffff, v1  }
0x383: {  	s0 =	sshrl.u32 s5, $0x2;
	[tilespmem:s1+$0x3658] =	vst.msk $0x1, v0  }
0x384: {  	v0 =	vld [tilespmem:s0+$0x3678];
	_ =	sdelay $0x2  }
0x385: {  	s31 =	sshll.u32 s1, $0x6  }
0x386: {  	s0 =	sshra.s32 s31, $0x2  }
0x387: {  	s1 =	sadd.s32 $0x1, s1;
	[tilespmem:s0+$0x3678] =	vst v0  }
.LBB2_47:
0x388: {  	s2 =	sadd.s32 $0x1, s2  }
0x389: {  	p1 =	sne.s32 s2, $0x20  }
.Ltmp33:
0x38a: {  	_ = 	snop;
	(pc) =	sbr.rel @!p1 .LBB2_48-.Ltmp33, $1  }
0x38b: {  	_ =	sdelay $0x3  }
.LBB2_40:
0x38c: {  	v0 =	vld.msk [tilespmem:s2+$0x3658], $0x1;
	_ =	sdelay $0x4  }
0x38d: {  	(v2sf) =	vpush v0, $0x0;
	_ =	sdelay $0xe  }
0x38e: {  	s4 =	spop (v2sf)  }
0x38f: {  	p1 =	seq.s32 s4, $0xFFFFFFFF  }
.Ltmp34:
0x390: {  	_ = 	snop;
	(pc) =	sbr.rel @p1 .LBB2_47-.Ltmp34, $1  }
0x391: {  	_ =	sdelay $0x3  }
0x392: {  	p1 =	slt.s32 s1, $0x1  }
.Ltmp35:
0x393: {  	_ = 	snop;
	(pc) =	sbr.rel @p1 .LBB2_45-.Ltmp35, $1  }
0x394: {  	_ =	sdelay $0x3  }
0x395: {  	s5 =	simm.s32 $0x3658;
	p1 =	por $0x0, $0x0  }
0x396: {  	v1 =	vld.msk @!p1 [tilespmem:s5+$0x0], $0x1;
	_ =	sdelay $0x4  }
0x397: {  	(v2sf) =	vpush @!p1 v1, $0x0;
	_ =	sdelay $0xd  }
0x398: {  	p3 =	sne.s32 s1, $0x1  }
.Ltmp36:
0x399: {  	s0 =	spop @!p1 (v2sf);
	(pc) =	sbr.rel @!p3 .LBB2_44-.Ltmp36, $4  }
0x39a: {  	p2 =	seq.s32 @!p1 s4, s0  }
0x39b: {  	s6 =	simm.s32 $0x0;
	p2 =	por !p2, p1  }
0x39c: {  	s0 =	simm.s32 $0xFFFFFFFF;
	s6 =	simm.s32 @p2 $0xFFFFFFFF  }
0x39d: {  	s7 =	simm.s32 $0x1;
	s6 =	smov.u32 @p1 s0  }
.LBB2_43:
0x39e: {  	s0 =	smov.u32 s6;
	p1 =	sne.s32 s6, $0xFFFFFFFF  }
0x39f: {  	s5 =	sadd.s32 $0x1, s5;
	s6 =	smov.u32 s7;
	s7 =	sadd.s32 $0x1, s7  }
0x3a0: {  	p2 =	sne.s32 s1, s7;
	v1 =	vld.msk @!p1 [tilespmem:s5+$0x0], $0x1;
	_ =	sdelay $0x4  }
0x3a1: {  	(v2sf) =	vpush @!p1 v1, $0x0;
	_ =	sdelay $0xe  }
.Ltmp37:
0x3a2: {  	s8 =	spop @!p1 (v2sf);
	(pc) =	sbr.rel @p2 .LBB2_43-.Ltmp37, $4  }
0x3a3: {  	p3 =	seq.s32 @!p1 s4, s8  }
0x3a4: {  	p3 =	por !p3, p1  }
0x3a5: {  	s6 =	simm.s32 @p3 $0xFFFFFFFF  }
0x3a6: {  	s6 =	smov.u32 @p1 s0  }
.LBB2_44:
0x3a7: {  	p1 =	sne.s32 s6, $0xFFFFFFFF  }
.Ltmp38:
0x3a8: {  	_ = 	snop;
	(pc) =	sbr.rel @!p1 .LBB2_45-.Ltmp38, $1  }
0x3a9: {  	_ =	sdelay $0x3  }
0x3aa: {  	s0 =	sshll.u32 s2, $0x4  }
0x3ab: {  	s0 =	sand.u32 $0x3FFFFFF0, s0  }
0x3ac: {  	v0 =	vld [tilespmem:s0+$0x3678]  }
.Ltmp39:
0x3ad: {  	_ = 	snop;
	(pc) =	sbr.rel .LBB2_47-.Ltmp39, $4  }
0x3ae: {  	_ = 	snop  }
0x3af: {  	s31 =	sshll.u32 s6, $0x6  }
0x3b0: {  	s0 =	sshra.s32 s31, $0x2  }
0x3b1: {  	[tilespmem:s0+$0x3678] =	vst.add.f32.msk $0xffff, v0  }
.LBB2_48:
0x3b2: {  	p1 =	slt.s32 s1, $0x1  }
.Ltmp40:
0x3b3: {  	_ = 	snop;
	(pc) =	sbr.rel @p1 .LBB2_52-.Ltmp40, $3  }
0x3b4: {  	_ =	sdelay $0x1  }
0x3b5: {  	s0 =	simm.s32 $0x8  }
0x3b6: {  	s2 =	simm.s32 $0x0;
	[sflag:s0] =	ssyncpa.u1 $0x1  }
0x3b7: {  	s0 =	simm.s32 $0x3658  }
0x3b8: {  	v0 =	vld.msk [tilespmem:s0+$0x0], $0x1;
	_ =	sdelay $0x4  }
0x3b9: {  	(v2sf) =	vpush v0, $0x0;
	_ =	sdelay $0xe  }
0x3ba: {  	s1 =	sadd.s32 $0xFFFFFFFF, s1;
	s0 =	spop (v2sf)  }
0x3bb: {  	p2 =	sne.s32 s1, $0x0;
	p1 =	sgt.u32 s0, $0x270FF  }
.Ltmp41:
0x3bc: {  	s5 =	sand.u32 @!p1 $0x3FFF8, s0;
	(pc) =	sbr.rel @!p2 .LBB2_51-.Ltmp41, $4  }
0x3bd: {  	s4 =	simm.s32 $0x3678;
	s0 =	sand.u32 @!p1 $0x7, s0;
	s5 =	sadd.s32 @!p1 s3, s5  }
0x3be: {  	[hbm4b:s5+s0] =	stream.linear.scatter @!p1 [tilespmem:s4], [sflag:$0x7], $0x8, $0x38;
	[tilespmem:$0x1F0F8] =	vst v63  }
0x3bf: {  	s0 =	simm.s32 $0x0  }
0x3c0: {  	s5 =	simm.s32 $0x3659;
	s0 =	simm.s32 @!p1 $0x20  }
.LBB2_50:
0x3c1: {  	v0 =	vld.msk [tilespmem:s5+$0x0], $0x1;
	s1 =	sadd.s32 $0xFFFFFFFF, s1;
	s2 =	sadd.s32 s2, s0  }
0x3c2: {  	p1 =	sne.s32 s1, $0x0;
	_ =	sdelay $0x3  }
0x3c3: {  	(v2sf) =	vpush v0, $0x0;
	_ =	sdelay $0xe  }
.Ltmp42:
0x3c4: {  	s6 =	spop (v2sf);
	(pc) =	sbr.rel @p1 .LBB2_50-.Ltmp42, $4  }
0x3c5: {  	s0 =	simm.s32 $0x0;
	p2 =	sgt.u32 s6, $0x270FF  }
0x3c6: {  	s4 =	sadd.s32 $0x10, s4;
	s0 =	simm.s32 @!p2 $0x20;
	s7 =	sand.u32 @!p2 $0x3FFF8, s6  }
0x3c7: {  	s5 =	sadd.s32 $0x1, s5;
	s6 =	sand.u32 @!p2 $0x7, s6;
	s7 =	sadd.s32 @!p2 s3, s7  }
0x3c8: {  	[hbm4b:s7+s6] =	stream.linear.scatter @!p2 [tilespmem:s4], [sflag:$0x7], $0x8, $0x38;
	[tilespmem:$0x1F0F8] =	vst v63  }
.LBB2_51:
0x3c9: {  	s0 =	sadd.s32 s2, s0  }
0x3ca: {  	s2 =	sshrl.u32 s0, $0x2  }
.LBB2_52:
0x3cb: {  	s0 =	simm.s32 $0x7  }
0x3cc: {  	_ =	swait.ge [sflag:s0], s2  }
0x3cd: {  	s1 =	ssub.s32 $0x0, s2;
	[sflag:s0] =	ssyncset.done $0x0  }
0x3ce: {  	[sflag:s0] =	ssyncadd.s32 s1  }
0x3cf: {  	[sflag:s0] =	ssyncpa.u1 $0x1  }
.LBB2_53:
0x3d0: {  	_ =	sfence;
	s0 =	simm.s32 $0x1  }
0x3d1: {  	[sflag:s0] =	ssyncpa.u1 $0x1  }
0x3d2: {  	_ =	strace $0x90000053  }
0x3d3: {  	[bflag:$0x2] =	sbarrier.arrive $0xFFFF  }
0x3d4: {  	s0 =	rddreg [dreg:$0x3]  }
0x3d5: {  	s0 =	sadd.s32 @!p0 $0x100000, s0  }
0x3d6: {  	[sflag:s0] =	ssyncadd.tile.s32 @!p0 $0x1;
	_ =	shalt  }
.Lfunc_end2:
_tile_overlayer_lowered:
.L_overlay_start_2:
0x3d7: {  	(tag) =	ssettag $0x2  }
0x3d8: {  	s0 =	rddreg [dreg:$0x0];
	s2 =	stileid.u32  }
0x3d9: {  	s1 =	rddreg [dreg:$0x1];
	p0 =	sne.s32 s2, $0x0  }
0x3da: {  	s3 =	rddreg [dreg:$0x2];
	[bflag:$0x3] =	sbarrier.arrive $0xFFFF;
	s2 =	simm.s32 @!p0 $0x1C01  }
0x3db: {  	[timem:s3], [sflag:s2] =	dma.local @!p0 [hbm:s0], s1  }
0x3dc: {  	s0 =	simm.s32 @!p0 $0x1  }
0x3dd: {  	_ =	swait.ge @!p0 [sflag:s0], s1  }
0x3de: {  	s1 =	ssub.s32 @!p0 $0x0, s1;
	[sflag:s0] =	ssyncset.done @!p0 $0x0  }
0x3df: {  	[sflag:s0] =	ssyncadd.s32 @!p0 s1  }
0x3e0: {  	[bflag:$0x3] =	sbarrier.arrive $0xFFFF  }
0x3e1: {  	_ =	shalt  }

// kernel: scatter_offload_async_start
scs
__scs_entry_jumppad:
0x0: {  	(pc) =	sbr.rel $0x88, $3  }
0x1: {  	(tag) =	ssettag $0x0;
	lr =	simm.s32 $0x1  }
0x2: {  	[smem:$0x3F7C] =	sst lr;
	_ =	strace $0xD0000000  }
0x3: {  	_ = 	snop  }
0x4: {  	_ = 	snop  }
0x5: {  	_ = 	snop  }
0x6: {  	_ = 	snop  }
0x7: {  	_ = 	snop  }
__scs_overlays_trampoline_lowered:
0x8: {  	[smem:$0x3F8B] =	sst s0  }
0x9: {  	[smem:$0x3F8C] =	sst s1  }
0xa: {  	[smem:$0x3F8D] =	sst s2  }
0xb: {  	[smem:$0x3F8E] =	sst s3  }
0xc: {  	[smem:$0x3F8F] =	sst s4  }
0xd: {  	[smem:$0x3F90] =	sst s5  }
0xe: {  	[smem:$0x3F91] =	sst s6  }
0xf: {  	[smem:$0x3F92] =	sst s7  }
0x10: {  	[smem:$0x3F93] =	sst s8  }
0x11: {  	[smem:$0x3F94] =	sst s9;
	s0 =	simm.s32 @!p0 $0x0  }
0x12: {  	s1 =	sld [smem:$0x3F7A];
	s0 =	simm.s32 @p0 $0x1  }
0x13: {  	[smem:$0x3F95] =	sst s0;
	s0 =	simm.s32 @!p1 $0x0  }
0x14: {  	s2 =	sld [smem:$0x3F79];
	s0 =	simm.s32 @p1 $0x1  }
0x15: {  	[smem:$0x3F96] =	sst s0;
	s0 =	simm.s32 @!p2 $0x0  }
0x16: {  	s3 =	sld [smem:$0x3FDB];
	s0 =	simm.s32 @p2 $0x1  }
0x17: {  	s4 =	simm.s32 $0x1BF5;
	[smem:$0x3F98] =	sst s0  }
0x18: {  	s0 =	sld [smem:$0x3F7B];
	_ =	swait.ge [sflag:s4], $0x0  }
0x19: {  	s7 =	sld [smem:$0x3F7C]  }
0x1a: {  	s8 =	sadd.s32 $0xFFFFE003, lr  }
0x1b: {  	s9 =	sadd.s32 $0xFFFFFEF7, lr;
	s5 =	simm.s32 $0xFFFFFFFF;
	p2 =	slt.u32 s8, $0xFFFFF086  }
0x1c: {  	p1 =	slt.u32 s9, $0xF7A;
	s5 =	simm.s32 @!p2 $0x0  }
0x1d: {  	s5 =	simm.s32 @p1 $0x1;
	p0 =	seq.s32 s7, s2  }
0x1e: {  	s7 =	smul.u32 @!p0 $0xF7A, s2;
	p2 =	seq.s32 @!p0 s5, $0x0  }
0x1f: {  	s9 =	smul.u32 $0xF7A, s1;
	s8 =	simm.s32 @!p0 $0x1BF5;
	p2 =	por !p2, p0  }
0x20: {  	[sflag:s8] =	ssyncset.s32 @!p0 $0xFFFFF086;
	s6 =	sadd.s32 @!p0 s3, s7;
	s7 =	simm.s32 @!p0 $0x108  }
0x21: {  	s3 =	sadd.s32 s3, s9;
	s6 =	sadd.s32 @!p0 $0x88, s6;
	s7 =	simm.s32 @p2 $0x1082  }
0x22: {  	[simem:s7], [sflag:s8] =	dma.local @!p0 [hbm:s6], $0xF7A  }
0x23: {  	s9 =	sor.u32 $0xD0000000, s2;
	s6 =	simm.s32 $0x108;
	_ =	swait.ge @!p0 [sflag:s8], $0x0  }
0x24: {  	s3 =	sadd.s32 $0x88, s3;
	s6 =	simm.s32 @!p1 $0x1082;
	[sflag:s4] =	ssyncset.s32 $0xFFFFF086  }
0x25: {  	[simem:s6], [sflag:s4] =	dma.local [hbm:s3], $0xF7A  }
0x26: {  	[smem:$0x3F7C] =	sst s1;
	(tag) =	ssettag s2;
	_ =	strace s9  }
0x27: {  	s1 =	sld [smem:$0x3F8C]  }
0x28: {  	s2 =	sld [smem:$0x3F8D]  }
0x29: {  	s4 =	sld [smem:$0x3F8F]  }
0x2a: {  	p0 =	seq.s32 s5, $0x0;
	s5 =	sld [smem:$0x3F90]  }
0x2b: {  	s6 =	sld [smem:$0x3F91]  }
0x2c: {  	s7 =	sld [smem:$0x3F92]  }
0x2d: {  	s3 =	simm.s32 $0x108;
	s8 =	sld [smem:$0x3F93]  }
0x2e: {  	s3 =	simm.s32 @!p0 $0x1082;
	s9 =	sld [smem:$0x3F94]  }
0x2f: {  	lr =	sadd.s32 s0, s3;
	s0 =	sld [smem:$0x3F8B]  }
0x30: {  	s3 =	sld [smem:$0x3F8E]  }
0x31: {  	[smem:$0x3F97] =	sst s10  }
0x32: {  	s10 =	sld [smem:$0x3F95];
	_ =	sdelay $0x3  }
0x33: {  	p0 =	seq.s32 s10, $0x1;
	s10 =	sld [smem:$0x3F97];
	_ =	sdelay $0x3  }
0x34: {  	[smem:$0x3F97] =	sst s10  }
0x35: {  	s10 =	sld [smem:$0x3F96];
	_ =	sdelay $0x3  }
0x36: {  	p1 =	seq.s32 s10, $0x1;
	s10 =	sld [smem:$0x3F97];
	_ =	sdelay $0x3  }
0x37: {  	[smem:$0x3F97] =	sst s10  }
0x38: {  	s10 =	sld [smem:$0x3F98]  }
0x39: {  	_ = 	snop;
	(pc) =	sbr.ind lr, $3  }
0x3a: {  	_ = 	snop  }
0x3b: {  	_ = 	snop  }
0x3c: {  	p2 =	seq.s32 s10, $0x1;
	s10 =	sld [smem:$0x3F97]  }
0x3d: {  	_ =	shalt  }
0x3e: {  	_ =	shalt  }
0x3f: {  	_ =	shalt  }
0x40: {  	_ =	shalt  }
0x41: {  	_ =	shalt  }
0x42: {  	_ =	shalt  }
0x43: {  	_ =	shalt  }
0x44: {  	_ =	shalt  }
0x45: {  	_ =	shalt  }
0x46: {  	_ =	shalt  }
0x47: {  	_ =	shalt  }
0x48: {  	_ =	shalt  }
0x49: {  	_ =	shalt  }
0x4a: {  	_ =	shalt  }
0x4b: {  	_ =	shalt  }
0x4c: {  	_ =	shalt  }
0x4d: {  	_ =	shalt  }
0x4e: {  	_ =	shalt  }
0x4f: {  	_ =	shalt  }
0x50: {  	_ =	shalt  }
0x51: {  	_ =	shalt  }
0x52: {  	_ =	shalt  }
0x53: {  	_ =	shalt  }
0x54: {  	_ =	shalt  }
0x55: {  	_ =	shalt  }
0x56: {  	_ =	shalt  }
0x57: {  	_ =	shalt  }
0x58: {  	_ =	shalt  }
0x59: {  	_ =	shalt  }
0x5a: {  	_ =	shalt  }
0x5b: {  	_ =	shalt  }
0x5c: {  	_ =	shalt  }
0x5d: {  	_ =	shalt  }
0x5e: {  	_ =	shalt  }
0x5f: {  	_ =	shalt  }
0x60: {  	_ =	shalt  }
0x61: {  	_ =	shalt  }
0x62: {  	_ =	shalt  }
0x63: {  	_ =	shalt  }
0x64: {  	_ =	shalt  }
0x65: {  	_ =	shalt  }
0x66: {  	_ =	shalt  }
0x67: {  	_ =	shalt  }
0x68: {  	_ =	shalt  }
0x69: {  	_ =	shalt  }
0x6a: {  	_ =	shalt  }
0x6b: {  	_ =	shalt  }
0x6c: {  	_ =	shalt  }
0x6d: {  	_ =	shalt  }
0x6e: {  	_ =	shalt  }
0x6f: {  	_ =	shalt  }
0x70: {  	_ =	shalt  }
0x71: {  	_ =	shalt  }
0x72: {  	_ =	shalt  }
0x73: {  	_ =	shalt  }
0x74: {  	_ =	shalt  }
0x75: {  	_ =	shalt  }
0x76: {  	_ =	shalt  }
0x77: {  	_ =	shalt  }
0x78: {  	_ =	shalt  }
0x79: {  	_ =	shalt  }
0x7a: {  	_ =	shalt  }
0x7b: {  	_ =	shalt  }
0x7c: {  	_ =	shalt  }
0x7d: {  	_ =	shalt  }
0x7e: {  	_ =	shalt  }
0x7f: {  	_ =	shalt  }
0x80: {  	_ =	shalt  }
0x81: {  	_ =	shalt  }
0x82: {  	_ =	shalt  }
0x83: {  	_ =	shalt  }
0x84: {  	_ =	shalt  }
0x85: {  	_ =	shalt  }
0x86: {  	_ =	shalt  }
0x87: {  	_ =	shalt  }
.Lfunc_end0:
.L_simem_size_0:
called_computation_lowered:
.L_overlay_start_0:
0x88: {  	s2 =	sld [smem:$0x3FD9]  }
0x89: {  	s3 =	sld [smem:$0x3FFE];
	_ =	sdelay $0x1  }
0x8a: {  	s1 =	srdreg.scid  }
0x8b: {  	s0 =	sand.u32 $0x1, s1  }
0x8c: {  	s15 =	sshll.u32 s0, $0xA;
	s2 =	sadd.s32 s3, s2  }
0x8d: {  	s2 =	sadd.s32 s2, s15  }
0x8e: {  	[smem:$0x3FA3] =	sst s2  }
0x8f: {  	_ = 	snop  }
0x90: {  	(tm) =	ssettm $0x1  }
0x91: {  	s16 =	sld [smem:$0x3FFB];
	_ =	sdelay $0x3  }
0x92: {  	_ =	strace s16  }
0x93: {  	s2 =	sld [smem:$0x3FFC];
	_ =	sdelay $0x3  }
0x94: {  	_ =	strace s2  }
0x95: {  	s2 =	sld [smem:$0x3FFD];
	_ =	sdelay $0x3  }
0x96: {  	_ =	strace s2  }
0x97: {  	_ =	strace $0x8FFFFFFF  }
0x98: {  	s17 =	sld [smem:$0x3FDB];
	_ =	sdelay $0x1  }
0x99: {  	s18 =	simm.s32 $_scs_section_size  }
0x9a: {  	s4 =	simm.s32 $_size__tile_overlayer_lowered;
	s5 =	simm.s32 $_tile_overlayer_lowered  }
0x9b: {  	s6 =	simm.s32 $0x1BFF;
	s19 =	sshll.u32 s5, $0x1;
	s3 =	sadd.s32 s18, s17  }
0x9c: {  	s20 =	simm.s32 $0x0;
	s4 =	sshll.u32 s4, $0x1;
	s5 =	sadd.s32 s19, s3  }
0x9d: {  	[timem:s20], [sflag:s6] =	dma.local [hbm:s5], s4  }
0x9e: {  	_ =	swait.ge [sflag:s6], s4  }
0x9f: {  	s4 =	ssub.s32 $0x0, s4;
	[sflag:s6] =	ssyncset.done $0x0  }
0xa0: {  	[sflag:s6] =	ssyncadd.s32 s4;
	_ =	sdelay $0x1  }
0xa1: {  	s21 =	simm.s32 $0x1B8B  }
0xa2: {  	_ =	swait.ge [sflag:s21], $0x1  }
0xa3: {  	[sflag:s21] =	ssyncset.done $0x0  }
0xa4: {  	s22 =	sld [smem:$0x3FFE];
	[sflag:s21] =	ssyncadd.s32 $0xFFFFFFFF  }
0xa5: {  	s24 =	simm.s32 $0x1B8E;
	s23 =	sld [smem:$0x0]  }
0xa6: {  	s25 =	simm.s32 $execute0_lowered;
	[smem:$0x3FD2] =	sst s24  }
0xa7: {  	s6 =	sshll.u32 s25, $0x1;
	_ =	strace $0x80000046;
	[dreg:$0x1] =	wrdreg $0xFFFFFFFF  }
0xa8: {  	s7 =	simm.s32 $_size_execute0_lowered;
	s6 =	sadd.s32 s3, s6;
	[dreg:$0x0] =	wrdreg $0x0  }
0xa9: {  	s7 =	sshll.u32 s7, $0x1;
	[dreg:$0x2] =	wrdreg s6  }
0xaa: {  	[dreg:$0x3] =	wrdreg s7  }
0xab: {  	[dreg:$0x4] =	wrdreg $0xC0  }
0xac: {  	s26 =	simm.s32 $execute1_lowered;
	_ =	task [dreg:s20], $0x5FFFF  }
0xad: {  	s6 =	sshll.u32 s26, $0x1;
	[dreg:$0x1] =	wrdreg $0xFFFFFFFF  }
0xae: {  	s3 =	sadd.s32 s3, s6;
	[dreg:$0x0] =	wrdreg $0x60  }
0xaf: {  	[dreg:$0x2] =	wrdreg s3  }
0xb0: {  	[dreg:$0x3] =	wrdreg s22  }
0xb1: {  	[dreg:$0x4] =	wrdreg $0x9  }
0xb2: {  	_ =	task.clear_ibuf [dreg:s20], $0x5FFFF;
	_ =	strace $0x90000046  }
0xb3: {  	s28 =	simm.s32 $0x9;
	_ =	strace $0x80000048  }
0xb4: {  	_ =	swait.ge [sflag:s28], $0x1  }
0xb5: {  	[sflag:s28] =	ssyncadd.s32 $0xFFFFFFFF  }
0xb6: {  	_ =	strace $0x90000048  }
0xb7: {  	s3 =	sld [smem:$0x0]  }
0xb8: {  	s6 =	sand.u32 $0xFFFFFFFE, s1  }
0xb9: {  	p0 =	sne.s32 s1, s6  }
0xba: {  	s6 =	sshll.u32 @p0 s6, $0xE  }
0xbb: {  	s6 =	sadd.s32 @p0 $0x11BF3, s6;
	s7 =	sshll.u32 @p0 s3, $0x11  }
0xbc: {  	s6 =	sor.u32 @p0 s7, s6  }
0xbd: {  	[sflag:s6] =	ssyncadd.remote.s32 @p0 $0x1;
	_ =	sdelay $0x1  }
0xbe: {  	s6 =	simm.s32 @p0 $0x1BF3  }
0xbf: {  	_ =	swait.eq @p0 [sflag:s6], $0x1  }
0xc0: {  	[sflag:s6] =	ssyncadd.s32 @p0 $0xFFFFFFFF  }
0xc1: {  	s7 =	sshll.u32 @!p0 s1, $0xE  }
0xc2: {  	s7 =	sor.u32 @!p0 $0x4000, s7;
	s6 =	simm.s32 @!p0 $0x1BF3  }
0xc3: {  	s3 =	sshll.u32 @!p0 s3, $0x11;
	s7 =	sadd.s32 @!p0 $0x11BF3, s7;
	_ =	swait.eq @!p0 [sflag:s6], $0x1  }
0xc4: {  	s3 =	sor.u32 @!p0 s3, s7;
	[sflag:s6] =	ssyncadd.s32 @!p0 $0xFFFFFFFF  }
0xc5: {  	[sflag:s3] =	ssyncadd.remote.s32 @!p0 $0x1  }
0xc6: {  	_ =	strace $0x80000049;
	[dreg:$0x1] =	wrdreg $0xFFFFFFFF  }
0xc7: {  	[dreg:$0x0] =	wrdreg $0x2030  }
0xc8: {  	[dreg:$0x2] =	wrdreg s22  }
0xc9: {  	[dreg:$0x3] =	wrdreg s1  }
0xca: {  	[dreg:$0x4] =	wrdreg s23  }
0xcb: {  	[dreg:$0x5] =	wrdreg $0xA  }
0xcc: {  	_ =	task.clear_ibuf [dreg:s20], $0x6FFFF;
	_ =	strace $0x90000049  }
0xcd: {  	s29 =	simm.s32 $0xA;
	_ =	strace $0x8000004B  }
0xce: {  	_ =	swait.ge [sflag:s29], $0x1  }
0xcf: {  	[sflag:s29] =	ssyncadd.s32 $0xFFFFFFFF  }
0xd0: {  	_ =	strace $0x9000004B  }
0xd1: {  	_ =	sfence  }
0xd2: {  	s30 =	sld [smem:$0x0];
	_ =	sdelay $0x2  }
0xd3: {  	s31 =	sshll.u32 s1, $0xD;
	s1 =	sshrl.u32 s1, $0x2  }
0xd4: {  	s4 =	sand.u32 $0x4000, s31;
	s1 =	sadd.s32 s1, s30  }
0xd5: {  	s0 =	sor.u32 s4, s0;
	s1 =	sshll.u32 s1, $0x11  }
0xd6: {  	s0 =	sor.u32 s1, s0  }
0xd7: {  	s0 =	sadd.s32 $0x8F2B, s0  }
0xd8: {  	[sflag:s0] =	ssyncadd.remote.s32 $0x1  }
0xd9: {  	_ =	sfence.sel $0xFFFF  }
0xda: {  	[dreg:$0x0] =	wrdreg $0xFFFFFFFF;
	(pc) =	sbr.abs _section_cstart, $3  }
0xdb: {  	[dreg:$0x1] =	wrdreg $0xFFFFFFFF  }
0xdc: {  	_ =	task.clear_ibuf [dreg:s20], $0x2FFFF;
	_ =	strace $0x9FFFFFFF  }
0xdd: {  	(tm) =	ssettm $0x7FFFFFFF  }
tec
execute0_lowered:
.L_overlay_start_1:
0x0: {  	(tag) =	ssettag $0x1  }
0x1: {  	s2 =	rddreg [dreg:$0x0]  }
0x2: {  	s7 =	rddreg [dreg:$0x1]  }
0x3: {  	s0 =	rddreg [dreg:$0x2]  }
0x4: {  	s3 =	stileid.u32;
	[bflag:$0x3] =	sbarrier.arrive $0xFFFF;
	s1 =	simm.s32 $_size_execute1_lowered  }
0x5: {  	s29 =	srdreg.scid;
	s9 =	simm.s32 $0x2;
	p0 =	sne.s32 s3, $0x0  }
0x6: {  	s1 =	sshll.u32 s1, $0x1;
	s4 =	simm.s32 @!p0 $0x1C3F;
	s5 =	simm.s32 @!p0 $0x4060  }
0x7: {  	[timem:s5], [sflag:s4] =	dma.local @!p0 [hbm:s2], s1  }
0x8: {  	s13 =	simm.s32 $0x0;
	s10 =	simm.s32 $0x80;
	s2 =	sshll.u32 s29, $0x9  }
0x9: {  	s12 =	simm.s32 $0x0;
	s3 =	sshll.u32 s3, $0xA;
	s2 =	sand.u32 $0x200, s2  }
0xa: {  	s11 =	simm.s32 $0x0;
	_ =	strace $0x80000047;
	s2 =	sor.u32 s3, s2  }
0xb: {  	s3 =	sshll.u32 s2, $0x4;
	p1 =	slt.u32 s2, $0x2710;
	s31 =	smax.u32 s2, $0x2510  }
0xc: {  	s5 =	ssub.s32 $0x2710, s2;
	s4 =	sadd.s32 $0xFFFD8F00, s3;
	s6 =	sshll.u32 s31, $0x7  }
0xd: {  	s4 =	smov.u32 @p1 s3;
	s3 =	simm.s32 $0x1;
	p1 =	sgt.s32 s5, $0x0  }
0xe: {  	s6 =	ssub.s32 $0x138800, s6;
	s8 =	sadd.s32 s4, s7;
	[sflag:s3] =	ssyncpa.u1 $0x0  }
.Ltmp0:
0xf: {  	s5 =	simm.s32 @!p1 $0x0;
	s4 =	simm.s32 $0x1;
	(pc) =	sbr.rel .LBB2_1-.Ltmp0, $4  }
0x10: {  	s6 =	sshrl.u32 s6, $0x2;
	s7 =	sadd.s32 $0x5C600, s7;
	s30 =	sand.u32 $0x3F10, s5  }
0x11: {  	s5 =	simm.s32 $0x3;
	[sflag:s9] =	ssyncpa.u1 $0x0;
	p1 =	sne.s32 s30, $0x0  }
0x12: {  	s4 =	simm.s32 @!p1 $0x0;
	s5 =	simm.s32 @!p1 $0x2;
	p1 =	sgt.u32 s2, $0x270F  }
0x13: {  	s8 =	sadd.s32 $0x35400, s8;
	s9 =	simm.s32 $0x20;
	s6 =	simm.s32 @p1 $0x0  }
.LBB2_5:
0x14: {  	_ =	sdelay $0x3  }
0x15: {  	[tilespmem:v1+s16+$0x0 ss:$0x1] =	vst.idx.msk $0xffff, v2  }
.LBB2_6:
0x16: {  	s16 =	smulhi.u32 $0xD1B71759, s12;
	_ =	sdelay $0x1  }
0x17: {  	s16 =	sshrl.u32 s16, $0xD  }
0x18: {  	s16 =	smul.u32 $0x2710, s16;
	_ =	sdelay $0x1  }
0x19: {  	s16 =	ssub.s32 s12, s16  }
0x1a: {  	s16 =	sshll.u32 s16, $0x4  }
0x1b: {  	s16 =	sadd.s32 s7, s16  }
0x1c: {  	[hbm4b:s16+s9] =	stream.strided.scatter [tilespmem:s15], [sflag:$0x2], s14, s10, s9, $0x38;
	[tilespmem:$0x10000] =	vst v63  }
.LBB2_7:
0x1d: {  	p1 =	slt.u32 s11, $0x2  }
0x1e: {  	p2 =	sgt.s32 @!p1 s13, $0x2510  }
0x1f: {  	p2 =	por !p2, p1  }
0x20: {  	p3 =	sgt.s32 @!p1 s13, $0x270F;
	s13 =	simm.s32 @p2 $0x2510  }
0x21: {  	s13 =	sshll.u32 @!p1 s13, $0x7  }
0x22: {  	s13 =	ssub.s32 @!p1 $0x138800, s13  }
0x23: {  	s11 =	sadd.s32 $0x1, s11;
	p2 =	por !p3, p1;
	s13 =	sshrl.u32 @!p1 s13, $0x2  }
0x24: {  	s13 =	simm.s32 @!p2 $0x0;
	p2 =	sne.s32 s11, s5  }
.Ltmp1:
0x25: {  	_ = 	snop;
	(pc) =	sbr.rel @!p2 .LBB2_8-.Ltmp1, $4  }
0x26: {  	s14 =	simm.s32 @!p1 $0x2  }
0x27: {  	_ =	swait.ge @!p1 [sflag:s14], s13  }
0x28: {  	s15 =	ssub.s32 @!p1 $0x0, s13;
	[sflag:s14] =	ssyncset.done @!p1 $0x0  }
0x29: {  	s13 =	smov.u32 s12;
	s12 =	smov.u32 s2;
	[sflag:s14] =	ssyncadd.s32 @!p1 s15  }
.LBB2_1:
0x2a: {  	p1 =	sge.u32 s11, s4;
	s31 =	sadd.s32 $0xFFFFFFFF, s11  }
0x2b: {  	s14 =	simm.s32 @!p1 $0x20;
	s15 =	simm.s32 @!p1 $0x80;
	s16 =	simm.s32 @!p1 $0x4000  }
0x2c: {  	[tilespmem:s16], [sflag:$0x1] =	stream.strided.gather @!p1 [hbm4b:s8+s14], s6, s15, s14, $0x38;
	[tilespmem:$0x10000] =	vst v63  }
0x2d: {  	p1 =	sge.u32 s31, s4  }
.Ltmp2:
0x2e: {  	_ = 	snop;
	(pc) =	sbr.rel @p1 .LBB2_7-.Ltmp2, $1  }
0x2f: {  	_ =	sdelay $0x3  }
0x30: {  	p1 =	sgt.s32 s12, $0x2510;
	s14 =	smov.u32 s12  }
0x31: {  	s14 =	simm.s32 @!p1 $0x2510  }
0x32: {  	s14 =	sshll.u32 s14, $0x7  }
0x33: {  	s14 =	ssub.s32 $0x138800, s14  }
0x34: {  	p1 =	sgt.u32 s12, $0x270F;
	s14 =	sshrl.u32 s14, $0x2  }
0x35: {  	s15 =	smov.u32 s12;
	s14 =	simm.s32 @p1 $0x0;
	p1 =	slt.s32 s12, $0x2510  }
0x36: {  	s15 =	simm.s32 @!p1 $0x2510  }
0x37: {  	s16 =	ssub.s32 s15, s12  }
0x38: {  	p1 =	slt.s32 s16, $0xFFFFFE01  }
.Ltmp3:
0x39: {  	_ = 	snop;
	(pc) =	sbr.rel @p1 .LBB2_6-.Ltmp3, $4  }
0x3a: {  	_ = 	snop  }
0x3b: {  	s17 =	sshll.u32 s11, $0xE;
	_ =	swait.ge [sflag:s3], s14  }
0x3c: {  	s17 =	sand.u32 $0x4000, s17;
	s18 =	ssub.s32 $0x0, s14;
	[sflag:s3] =	ssyncset.done $0x0  }
0x3d: {  	s15 =	sor.u32 $0x8000, s17;
	[sflag:s3] =	ssyncadd.s32 s18  }
0x3e: {  	v0 =	vmov s17;
	_ =	sdelay $0x1  }
0x3f: {  	s30 =	sadd.s32 $0x200, s16  }
0x40: {  	s31 =	simm.s32 $0x0;
	p1 =	sne.s32 s30, $0x1  }
.Ltmp4:
0x41: {  	s16 =	sand.u32 $0x3FE0, s31;
	(pc) =	sbr.rel @!p1 .LBB2_5-.Ltmp4, $2  }
0x42: {  	v1 =	vmov s15;
	v2 =	vld.idx.msk [tilespmem:v0+s16+$0x0 ss:$0x1], $0xffff;
	_ =	sdelay $0x2  }
0x43: {  	s18 =	simm.s32 $0x20;
	s17 =	sadd.s32 $0xFFFFFFFF, s30  }
.LBB2_4:
0x44: {  	s19 =	sand.u32 $0x3FE0, s18;
	p1 =	sne.s32 s17, $0x1;
	s17 =	sadd.s32 $0xFFFFFFFF, s17  }
.Ltmp5:
0x45: {  	[tilespmem:v1+s16+$0x0 ss:$0x1] =	vst.idx.msk $0xffff, v2;
	v2 =	vld.idx.msk [tilespmem:v0+s19+$0x0 ss:$0x1], $0xffff;
	s16 =	smov.u32 s19;
	(pc) =	sbr.rel @p1 .LBB2_4-.Ltmp5, $2  }
0x46: {  	_ =	sdelay $0x2  }
0x47: {  	s18 =	sadd.s32 $0x20, s18  }
.Ltmp6:
0x48: {  	_ = 	snop;
	(pc) =	sbr.rel .LBB2_5-.Ltmp6, $1  }
0x49: {  	_ =	sdelay $0x3  }
.LBB2_8:
0x4a: {  	_ =	sfence.sel $0x180000  }
0x4b: {  	s2 =	simm.s32 $0x1;
	[bflag:$0x0] =	sbarrier.arrive $0xFFFF  }
0x4c: {  	s31 =	simm.s32 $0x2;
	[sflag:s2] =	ssyncpa.u1 $0x1  }
0x4d: {  	[sflag:s31] =	ssyncpa.u1 $0x1  }
0x4e: {  	_ =	strace $0x90000047  }
0x4f: {  	s0 =	sadd.s32 @!p0 $0x100000, s0;
	[bflag:$0x2] =	sbarrier.arrive $0xFFFF  }
0x50: {  	[sflag:s0] =	ssyncadd.tile.s32 @!p0 $0x1;
	s0 =	simm.s32 @!p0 $0x3F  }
0x51: {  	_ =	swait.ge @!p0 [sflag:s0], s1  }
0x52: {  	s1 =	ssub.s32 @!p0 $0x0, s1;
	[sflag:s0] =	ssyncset.done @!p0 $0x0  }
0x53: {  	[sflag:s0] =	ssyncadd.s32 @!p0 s1  }
0x54: {  	[bflag:$0x3] =	sbarrier.arrive $0xFFFF  }
0x55: {  	_ =	shalt  }
.Lfunc_end2:
execute1_lowered:
.L_overlay_start_2:
0x56: {  	(tag) =	ssettag $0x2  }
0x57: {  	s11 =	rddreg [dreg:$0x0]  }
0x58: {  	s2 =	rddreg [dreg:$0x1];
	_ =	strace $0x8000004A;
	s12 =	simm.s32 $0x1  }
0x59: {  	v0 =	vimm.s32 $0x0;
	[sflag:s12] =	ssyncpa.u1 $0x0  }
0x5a: {  	[tilespmem:$0x28] =	vst v0  }
0x5b: {  	[tilespmem:$0x38] =	vst v0  }
0x5c: {  	[tilespmem:$0x48] =	vst v0  }
0x5d: {  	[tilespmem:$0x58] =	vst v0  }
0x5e: {  	[tilespmem:$0x68] =	vst v0  }
0x5f: {  	[tilespmem:$0x78] =	vst v0  }
0x60: {  	[tilespmem:$0x88] =	vst v0  }
0x61: {  	[tilespmem:$0x98] =	vst v0  }
0x62: {  	[tilespmem:$0xA8] =	vst v0  }
0x63: {  	[tilespmem:$0xB8] =	vst v0  }
0x64: {  	[tilespmem:$0xC8] =	vst v0  }
0x65: {  	[tilespmem:$0xD8] =	vst v0  }
0x66: {  	[tilespmem:$0xE8] =	vst v0  }
0x67: {  	[tilespmem:$0xF8] =	vst v0  }
0x68: {  	[tilespmem:$0x108] =	vst v0  }
0x69: {  	[tilespmem:$0x118] =	vst v0  }
0x6a: {  	[tilespmem:$0x128] =	vst v0  }
0x6b: {  	[tilespmem:$0x138] =	vst v0  }
0x6c: {  	[tilespmem:$0x148] =	vst v0  }
0x6d: {  	[tilespmem:$0x158] =	vst v0  }
0x6e: {  	[tilespmem:$0x168] =	vst v0  }
0x6f: {  	[tilespmem:$0x178] =	vst v0  }
0x70: {  	[tilespmem:$0x188] =	vst v0  }
0x71: {  	[tilespmem:$0x198] =	vst v0  }
0x72: {  	[tilespmem:$0x1A8] =	vst v0  }
0x73: {  	[tilespmem:$0x1B8] =	vst v0  }
0x74: {  	[tilespmem:$0x1C8] =	vst v0  }
0x75: {  	[tilespmem:$0x1D8] =	vst v0  }
0x76: {  	[tilespmem:$0x1E8] =	vst v0  }
0x77: {  	[tilespmem:$0x1F8] =	vst v0  }
0x78: {  	[tilespmem:$0x208] =	vst v0  }
0x79: {  	[tilespmem:$0x218] =	vst v0  }
0x7a: {  	[tilespmem:$0x228] =	vst v0  }
0x7b: {  	[tilespmem:$0x238] =	vst v0  }
0x7c: {  	[tilespmem:$0x248] =	vst v0  }
0x7d: {  	[tilespmem:$0x258] =	vst v0  }
0x7e: {  	[tilespmem:$0x268] =	vst v0  }
0x7f: {  	[tilespmem:$0x278] =	vst v0  }
0x80: {  	[tilespmem:$0x288] =	vst v0  }
0x81: {  	[tilespmem:$0x298] =	vst v0  }
0x82: {  	[tilespmem:$0x2A8] =	vst v0  }
0x83: {  	[tilespmem:$0x2B8] =	vst v0  }
0x84: {  	[tilespmem:$0x2C8] =	vst v0  }
0x85: {  	[tilespmem:$0x2D8] =	vst v0  }
0x86: {  	[tilespmem:$0x2E8] =	vst v0  }
0x87: {  	[tilespmem:$0x2F8] =	vst v0  }
0x88: {  	[tilespmem:$0x308] =	vst v0  }
0x89: {  	[tilespmem:$0x318] =	vst v0  }
0x8a: {  	[tilespmem:$0x328] =	vst v0  }
0x8b: {  	[tilespmem:$0x338] =	vst v0  }
0x8c: {  	[tilespmem:$0x348] =	vst v0  }
0x8d: {  	[tilespmem:$0x358] =	vst v0  }
0x8e: {  	[tilespmem:$0x368] =	vst v0  }
0x8f: {  	[tilespmem:$0x378] =	vst v0  }
0x90: {  	[tilespmem:$0x388] =	vst v0  }
0x91: {  	[tilespmem:$0x398] =	vst v0  }
0x92: {  	[tilespmem:$0x3A8] =	vst v0  }
0x93: {  	[tilespmem:$0x3B8] =	vst v0  }
0x94: {  	[tilespmem:$0x3C8] =	vst v0  }
0x95: {  	[tilespmem:$0x3D8] =	vst v0  }
0x96: {  	[tilespmem:$0x3E8] =	vst v0  }
0x97: {  	[tilespmem:$0x3F8] =	vst v0  }
0x98: {  	[tilespmem:$0x408] =	vst v0  }
0x99: {  	[tilespmem:$0x418] =	vst v0  }
0x9a: {  	[tilespmem:$0x428] =	vst v0  }
0x9b: {  	[tilespmem:$0x438] =	vst v0  }
0x9c: {  	[tilespmem:$0x448] =	vst v0  }
0x9d: {  	[tilespmem:$0x458] =	vst v0  }
0x9e: {  	[tilespmem:$0x468] =	vst v0  }
0x9f: {  	[tilespmem:$0x478] =	vst v0  }
0xa0: {  	[tilespmem:$0x488] =	vst v0  }
0xa1: {  	[tilespmem:$0x498] =	vst v0  }
0xa2: {  	[tilespmem:$0x4A8] =	vst v0  }
0xa3: {  	[tilespmem:$0x4B8] =	vst v0  }
0xa4: {  	[tilespmem:$0x4C8] =	vst v0  }
0xa5: {  	[tilespmem:$0x4D8] =	vst v0  }
0xa6: {  	[tilespmem:$0x4E8] =	vst v0  }
0xa7: {  	[tilespmem:$0x4F8] =	vst v0  }
0xa8: {  	[tilespmem:$0x508] =	vst v0  }
0xa9: {  	[tilespmem:$0x518] =	vst v0  }
0xaa: {  	[tilespmem:$0x528] =	vst v0  }
0xab: {  	[tilespmem:$0x538] =	vst v0  }
0xac: {  	[tilespmem:$0x548] =	vst v0  }
0xad: {  	[tilespmem:$0x558] =	vst v0  }
0xae: {  	[tilespmem:$0x568] =	vst v0  }
0xaf: {  	[tilespmem:$0x578] =	vst v0  }
0xb0: {  	[tilespmem:$0x588] =	vst v0  }
0xb1: {  	[tilespmem:$0x598] =	vst v0  }
0xb2: {  	[tilespmem:$0x5A8] =	vst v0  }
0xb3: {  	[tilespmem:$0x5B8] =	vst v0  }
0xb4: {  	[tilespmem:$0x5C8] =	vst v0  }
0xb5: {  	[tilespmem:$0x5D8] =	vst v0  }
0xb6: {  	[tilespmem:$0x5E8] =	vst v0  }
0xb7: {  	[tilespmem:$0x5F8] =	vst v0  }
0xb8: {  	[tilespmem:$0x608] =	vst v0  }
0xb9: {  	[tilespmem:$0x618] =	vst v0  }
0xba: {  	[tilespmem:$0x628] =	vst v0  }
0xbb: {  	[tilespmem:$0x638] =	vst v0  }
0xbc: {  	[tilespmem:$0x648] =	vst v0  }
0xbd: {  	[tilespmem:$0x658] =	vst v0  }
0xbe: {  	[tilespmem:$0x668] =	vst v0  }
0xbf: {  	[tilespmem:$0x678] =	vst v0  }
0xc0: {  	[tilespmem:$0x688] =	vst v0  }
0xc1: {  	[tilespmem:$0x698] =	vst v0  }
0xc2: {  	[tilespmem:$0x6A8] =	vst v0  }
0xc3: {  	[tilespmem:$0x6B8] =	vst v0  }
0xc4: {  	[tilespmem:$0x6C8] =	vst v0  }
0xc5: {  	[tilespmem:$0x6D8] =	vst v0  }
0xc6: {  	[tilespmem:$0x6E8] =	vst v0  }
0xc7: {  	[tilespmem:$0x6F8] =	vst v0  }
0xc8: {  	[tilespmem:$0x708] =	vst v0  }
0xc9: {  	[tilespmem:$0x718] =	vst v0  }
0xca: {  	[tilespmem:$0x728] =	vst v0  }
0xcb: {  	[tilespmem:$0x738] =	vst v0  }
0xcc: {  	[tilespmem:$0x748] =	vst v0  }
0xcd: {  	[tilespmem:$0x758] =	vst v0  }
0xce: {  	[tilespmem:$0x768] =	vst v0  }
0xcf: {  	[tilespmem:$0x778] =	vst v0  }
0xd0: {  	[tilespmem:$0x788] =	vst v0  }
0xd1: {  	[tilespmem:$0x798] =	vst v0  }
0xd2: {  	[tilespmem:$0x7A8] =	vst v0  }
0xd3: {  	[tilespmem:$0x7B8] =	vst v0  }
0xd4: {  	[tilespmem:$0x7C8] =	vst v0  }
0xd5: {  	[tilespmem:$0x7D8] =	vst v0  }
0xd6: {  	[tilespmem:$0x7E8] =	vst v0  }
0xd7: {  	[tilespmem:$0x7F8] =	vst v0  }
0xd8: {  	[tilespmem:$0x808] =	vst v0  }
0xd9: {  	[tilespmem:$0x818] =	vst v0  }
0xda: {  	[tilespmem:$0x828] =	vst v0  }
0xdb: {  	[tilespmem:$0x838] =	vst v0  }
0xdc: {  	[tilespmem:$0x848] =	vst v0  }
0xdd: {  	[tilespmem:$0x858] =	vst v0  }
0xde: {  	[tilespmem:$0x868] =	vst v0  }
0xdf: {  	[tilespmem:$0x878] =	vst v0  }
0xe0: {  	[tilespmem:$0x888] =	vst v0  }
0xe1: {  	[tilespmem:$0x898] =	vst v0  }
0xe2: {  	[tilespmem:$0x8A8] =	vst v0  }
0xe3: {  	[tilespmem:$0x8B8] =	vst v0  }
0xe4: {  	[tilespmem:$0x8C8] =	vst v0  }
0xe5: {  	[tilespmem:$0x8D8] =	vst v0  }
0xe6: {  	[tilespmem:$0x8E8] =	vst v0  }
0xe7: {  	[tilespmem:$0x8F8] =	vst v0  }
0xe8: {  	[tilespmem:$0x908] =	vst v0  }
0xe9: {  	[tilespmem:$0x918] =	vst v0  }
0xea: {  	[tilespmem:$0x928] =	vst v0  }
0xeb: {  	[tilespmem:$0x938] =	vst v0  }
0xec: {  	[tilespmem:$0x948] =	vst v0  }
0xed: {  	[tilespmem:$0x958] =	vst v0  }
0xee: {  	[tilespmem:$0x968] =	vst v0  }
0xef: {  	[tilespmem:$0x978] =	vst v0  }
0xf0: {  	[tilespmem:$0x988] =	vst v0  }
0xf1: {  	[tilespmem:$0x998] =	vst v0  }
0xf2: {  	[tilespmem:$0x9A8] =	vst v0  }
0xf3: {  	[tilespmem:$0x9B8] =	vst v0  }
0xf4: {  	[tilespmem:$0x9C8] =	vst v0  }
0xf5: {  	[tilespmem:$0x9D8] =	vst v0  }
0xf6: {  	[tilespmem:$0x9E8] =	vst v0  }
0xf7: {  	[tilespmem:$0x9F8] =	vst v0  }
0xf8: {  	[tilespmem:$0xA08] =	vst v0  }
0xf9: {  	[tilespmem:$0xA18] =	vst v0  }
0xfa: {  	[tilespmem:$0xA28] =	vst v0  }
0xfb: {  	[tilespmem:$0xA38] =	vst v0  }
0xfc: {  	[tilespmem:$0xA48] =	vst v0  }
0xfd: {  	[tilespmem:$0xA58] =	vst v0  }
0xfe: {  	[tilespmem:$0xA68] =	vst v0  }
0xff: {  	[tilespmem:$0xA78] =	vst v0  }
0x100: {  	[tilespmem:$0xA88] =	vst v0  }
0x101: {  	[tilespmem:$0xA98] =	vst v0  }
0x102: {  	[tilespmem:$0xAA8] =	vst v0  }
0x103: {  	[tilespmem:$0xAB8] =	vst v0  }
0x104: {  	[tilespmem:$0xAC8] =	vst v0  }
0x105: {  	[tilespmem:$0xAD8] =	vst v0  }
0x106: {  	[tilespmem:$0xAE8] =	vst v0  }
0x107: {  	[tilespmem:$0xAF8] =	vst v0  }
0x108: {  	[tilespmem:$0xB08] =	vst v0  }
0x109: {  	[tilespmem:$0xB18] =	vst v0  }
0x10a: {  	[tilespmem:$0xB28] =	vst v0  }
0x10b: {  	[tilespmem:$0xB38] =	vst v0  }
0x10c: {  	[tilespmem:$0xB48] =	vst v0  }
0x10d: {  	[tilespmem:$0xB58] =	vst v0  }
0x10e: {  	[tilespmem:$0xB68] =	vst v0  }
0x10f: {  	[tilespmem:$0xB78] =	vst v0  }
0x110: {  	[tilespmem:$0xB88] =	vst v0  }
0x111: {  	[tilespmem:$0xB98] =	vst v0  }
0x112: {  	[tilespmem:$0xBA8] =	vst v0  }
0x113: {  	[tilespmem:$0xBB8] =	vst v0  }
0x114: {  	[tilespmem:$0xBC8] =	vst v0  }
0x115: {  	[tilespmem:$0xBD8] =	vst v0  }
0x116: {  	[tilespmem:$0xBE8] =	vst v0  }
0x117: {  	[tilespmem:$0xBF8] =	vst v0  }
0x118: {  	[tilespmem:$0xC08] =	vst v0  }
0x119: {  	[tilespmem:$0xC18] =	vst v0  }
0x11a: {  	[tilespmem:$0xC28] =	vst v0  }
0x11b: {  	[tilespmem:$0xC38] =	vst v0  }
0x11c: {  	[tilespmem:$0xC48] =	vst v0  }
0x11d: {  	[tilespmem:$0xC58] =	vst v0  }
0x11e: {  	[tilespmem:$0xC68] =	vst v0  }
0x11f: {  	[tilespmem:$0xC78] =	vst v0  }
0x120: {  	[tilespmem:$0xC88] =	vst v0  }
0x121: {  	[tilespmem:$0xC98] =	vst v0  }
0x122: {  	[tilespmem:$0xCA8] =	vst v0  }
0x123: {  	[tilespmem:$0xCB8] =	vst v0  }
0x124: {  	[tilespmem:$0xCC8] =	vst v0  }
0x125: {  	[tilespmem:$0xCD8] =	vst v0  }
0x126: {  	[tilespmem:$0xCE8] =	vst v0  }
0x127: {  	[tilespmem:$0xCF8] =	vst v0  }
0x128: {  	[tilespmem:$0xD08] =	vst v0  }
0x129: {  	[tilespmem:$0xD18] =	vst v0  }
0x12a: {  	[tilespmem:$0xD28] =	vst v0  }
0x12b: {  	[tilespmem:$0xD38] =	vst v0  }
0x12c: {  	[tilespmem:$0xD48] =	vst v0  }
0x12d: {  	[tilespmem:$0xD58] =	vst v0  }
0x12e: {  	[tilespmem:$0xD68] =	vst v0  }
0x12f: {  	[tilespmem:$0xD78] =	vst v0  }
0x130: {  	[tilespmem:$0xD88] =	vst v0  }
0x131: {  	[tilespmem:$0xD98] =	vst v0  }
0x132: {  	[tilespmem:$0xDA8] =	vst v0  }
0x133: {  	[tilespmem:$0xDB8] =	vst v0  }
0x134: {  	[tilespmem:$0xDC8] =	vst v0  }
0x135: {  	[tilespmem:$0xDD8] =	vst v0  }
0x136: {  	[tilespmem:$0xDE8] =	vst v0  }
0x137: {  	[tilespmem:$0xDF8] =	vst v0  }
0x138: {  	[tilespmem:$0xE08] =	vst v0  }
0x139: {  	[tilespmem:$0xE18] =	vst v0  }
0x13a: {  	[tilespmem:$0xE28] =	vst v0  }
0x13b: {  	[tilespmem:$0xE38] =	vst v0  }
0x13c: {  	[tilespmem:$0xE48] =	vst v0  }
0x13d: {  	[tilespmem:$0xE58] =	vst v0  }
0x13e: {  	[tilespmem:$0xE68] =	vst v0  }
0x13f: {  	[tilespmem:$0xE78] =	vst v0  }
0x140: {  	[tilespmem:$0xE88] =	vst v0  }
0x141: {  	[tilespmem:$0xE98] =	vst v0  }
0x142: {  	[tilespmem:$0xEA8] =	vst v0  }
0x143: {  	[tilespmem:$0xEB8] =	vst v0  }
0x144: {  	[tilespmem:$0xEC8] =	vst v0  }
0x145: {  	[tilespmem:$0xED8] =	vst v0  }
0x146: {  	[tilespmem:$0xEE8] =	vst v0  }
0x147: {  	[tilespmem:$0xEF8] =	vst v0  }
0x148: {  	[tilespmem:$0xF08] =	vst v0  }
0x149: {  	[tilespmem:$0xF18] =	vst v0  }
0x14a: {  	[tilespmem:$0xF28] =	vst v0  }
0x14b: {  	[tilespmem:$0xF38] =	vst v0  }
0x14c: {  	[tilespmem:$0xF48] =	vst v0  }
0x14d: {  	[tilespmem:$0xF58] =	vst v0  }
0x14e: {  	[tilespmem:$0xF68] =	vst v0  }
0x14f: {  	[tilespmem:$0xF78] =	vst v0  }
0x150: {  	[tilespmem:$0xF88] =	vst v0  }
0x151: {  	[tilespmem:$0xF98] =	vst v0  }
0x152: {  	[tilespmem:$0xFA8] =	vst v0  }
0x153: {  	[tilespmem:$0xFB8] =	vst v0  }
0x154: {  	[tilespmem:$0xFC8] =	vst v0  }
0x155: {  	[tilespmem:$0xFD8] =	vst v0  }
0x156: {  	[tilespmem:$0xFE8] =	vst v0  }
0x157: {  	[tilespmem:$0xFF8] =	vst v0  }
0x158: {  	[tilespmem:$0x1028] =	vst v0  }
0x159: {  	[tilespmem:$0x10E8] =	vst v0  }
0x15a: {  	[tilespmem:$0x1068] =	vst v0  }
0x15b: {  	[tilespmem:$0x1B28] =	vst v0  }
0x15c: {  	[tilespmem:$0x1B18] =	vst v0  }
0x15d: {  	[tilespmem:$0x1B08] =	vst v0  }
0x15e: {  	[tilespmem:$0x1AF8] =	vst v0  }
0x15f: {  	[tilespmem:$0x1AE8] =	vst v0  }
0x160: {  	[tilespmem:$0x1AD8] =	vst v0  }
0x161: {  	[tilespmem:$0x1AC8] =	vst v0  }
0x162: {  	[tilespmem:$0x1AB8] =	vst v0  }
0x163: {  	[tilespmem:$0x1AA8] =	vst v0  }
0x164: {  	[tilespmem:$0x1A98] =	vst v0  }
0x165: {  	[tilespmem:$0x1A88] =	vst v0  }
0x166: {  	[tilespmem:$0x1A78] =	vst v0  }
0x167: {  	[tilespmem:$0x1A68] =	vst v0  }
0x168: {  	[tilespmem:$0x1A58] =	vst v0  }
0x169: {  	[tilespmem:$0x1A48] =	vst v0  }
0x16a: {  	[tilespmem:$0x1A38] =	vst v0  }
0x16b: {  	[tilespmem:$0x1A28] =	vst v0  }
0x16c: {  	[tilespmem:$0x1A18] =	vst v0  }
0x16d: {  	[tilespmem:$0x1A08] =	vst v0  }
0x16e: {  	[tilespmem:$0x19F8] =	vst v0  }
0x16f: {  	[tilespmem:$0x19E8] =	vst v0  }
0x170: {  	[tilespmem:$0x19D8] =	vst v0  }
0x171: {  	[tilespmem:$0x19C8] =	vst v0  }
0x172: {  	[tilespmem:$0x19B8] =	vst v0  }
0x173: {  	[tilespmem:$0x19A8] =	vst v0  }
0x174: {  	[tilespmem:$0x1998] =	vst v0  }
0x175: {  	[tilespmem:$0x1988] =	vst v0  }
0x176: {  	[tilespmem:$0x1978] =	vst v0  }
0x177: {  	[tilespmem:$0x1968] =	vst v0  }
0x178: {  	[tilespmem:$0x1958] =	vst v0  }
0x179: {  	[tilespmem:$0x1948] =	vst v0  }
0x17a: {  	[tilespmem:$0x1938] =	vst v0  }
0x17b: {  	[tilespmem:$0x1928] =	vst v0  }
0x17c: {  	[tilespmem:$0x1918] =	vst v0  }
0x17d: {  	[tilespmem:$0x1908] =	vst v0  }
0x17e: {  	[tilespmem:$0x18F8] =	vst v0  }
0x17f: {  	[tilespmem:$0x18E8] =	vst v0  }
0x180: {  	[tilespmem:$0x18D8] =	vst v0  }
0x181: {  	[tilespmem:$0x18C8] =	vst v0  }
0x182: {  	[tilespmem:$0x18B8] =	vst v0  }
0x183: {  	[tilespmem:$0x18A8] =	vst v0  }
0x184: {  	[tilespmem:$0x1898] =	vst v0  }
0x185: {  	[tilespmem:$0x1888] =	vst v0  }
0x186: {  	[tilespmem:$0x1878] =	vst v0  }
0x187: {  	[tilespmem:$0x1868] =	vst v0  }
0x188: {  	[tilespmem:$0x1858] =	vst v0  }
0x189: {  	[tilespmem:$0x1848] =	vst v0  }
0x18a: {  	[tilespmem:$0x1838] =	vst v0  }
0x18b: {  	[tilespmem:$0x1828] =	vst v0  }
0x18c: {  	[tilespmem:$0x1818] =	vst v0  }
0x18d: {  	[tilespmem:$0x1808] =	vst v0  }
0x18e: {  	[tilespmem:$0x17F8] =	vst v0  }
0x18f: {  	[tilespmem:$0x17E8] =	vst v0  }
0x190: {  	[tilespmem:$0x17D8] =	vst v0  }
0x191: {  	[tilespmem:$0x17C8] =	vst v0  }
0x192: {  	[tilespmem:$0x17B8] =	vst v0  }
0x193: {  	[tilespmem:$0x17A8] =	vst v0  }
0x194: {  	[tilespmem:$0x1798] =	vst v0  }
0x195: {  	[tilespmem:$0x1788] =	vst v0  }
0x196: {  	[tilespmem:$0x1778] =	vst v0  }
0x197: {  	[tilespmem:$0x1768] =	vst v0  }
0x198: {  	[tilespmem:$0x1758] =	vst v0  }
0x199: {  	[tilespmem:$0x1748] =	vst v0  }
0x19a: {  	[tilespmem:$0x1738] =	vst v0  }
0x19b: {  	[tilespmem:$0x1728] =	vst v0  }
0x19c: {  	[tilespmem:$0x1718] =	vst v0  }
0x19d: {  	[tilespmem:$0x1708] =	vst v0  }
0x19e: {  	[tilespmem:$0x16F8] =	vst v0  }
0x19f: {  	[tilespmem:$0x16E8] =	vst v0  }
0x1a0: {  	[tilespmem:$0x16D8] =	vst v0  }
0x1a1: {  	[tilespmem:$0x16C8] =	vst v0  }
0x1a2: {  	[tilespmem:$0x16B8] =	vst v0  }
0x1a3: {  	[tilespmem:$0x16A8] =	vst v0  }
0x1a4: {  	[tilespmem:$0x1698] =	vst v0  }
0x1a5: {  	[tilespmem:$0x1688] =	vst v0  }
0x1a6: {  	[tilespmem:$0x1678] =	vst v0  }
0x1a7: {  	[tilespmem:$0x1668] =	vst v0  }
0x1a8: {  	[tilespmem:$0x1658] =	vst v0  }
0x1a9: {  	[tilespmem:$0x1648] =	vst v0  }
0x1aa: {  	[tilespmem:$0x1638] =	vst v0  }
0x1ab: {  	[tilespmem:$0x1628] =	vst v0  }
0x1ac: {  	[tilespmem:$0x1618] =	vst v0  }
0x1ad: {  	[tilespmem:$0x1608] =	vst v0  }
0x1ae: {  	[tilespmem:$0x15F8] =	vst v0  }
0x1af: {  	[tilespmem:$0x15E8] =	vst v0  }
0x1b0: {  	[tilespmem:$0x15D8] =	vst v0  }
0x1b1: {  	[tilespmem:$0x15C8] =	vst v0  }
0x1b2: {  	[tilespmem:$0x15B8] =	vst v0  }
0x1b3: {  	[tilespmem:$0x15A8] =	vst v0  }
0x1b4: {  	[tilespmem:$0x1598] =	vst v0  }
0x1b5: {  	[tilespmem:$0x1588] =	vst v0  }
0x1b6: {  	[tilespmem:$0x1578] =	vst v0  }
0x1b7: {  	[tilespmem:$0x1568] =	vst v0  }
0x1b8: {  	[tilespmem:$0x1558] =	vst v0  }
0x1b9: {  	[tilespmem:$0x1548] =	vst v0  }
0x1ba: {  	[tilespmem:$0x1538] =	vst v0  }
0x1bb: {  	[tilespmem:$0x1528] =	vst v0  }
0x1bc: {  	[tilespmem:$0x1518] =	vst v0  }
0x1bd: {  	[tilespmem:$0x1508] =	vst v0  }
0x1be: {  	[tilespmem:$0x14F8] =	vst v0  }
0x1bf: {  	[tilespmem:$0x14E8] =	vst v0  }
0x1c0: {  	[tilespmem:$0x14D8] =	vst v0  }
0x1c1: {  	[tilespmem:$0x14C8] =	vst v0  }
0x1c2: {  	[tilespmem:$0x14B8] =	vst v0  }
0x1c3: {  	[tilespmem:$0x14A8] =	vst v0  }
0x1c4: {  	[tilespmem:$0x1498] =	vst v0  }
0x1c5: {  	[tilespmem:$0x1488] =	vst v0  }
0x1c6: {  	[tilespmem:$0x1478] =	vst v0  }
0x1c7: {  	[tilespmem:$0x1468] =	vst v0  }
0x1c8: {  	[tilespmem:$0x1458] =	vst v0  }
0x1c9: {  	[tilespmem:$0x1448] =	vst v0  }
0x1ca: {  	[tilespmem:$0x1438] =	vst v0  }
0x1cb: {  	[tilespmem:$0x1428] =	vst v0  }
0x1cc: {  	[tilespmem:$0x1418] =	vst v0  }
0x1cd: {  	[tilespmem:$0x1408] =	vst v0  }
0x1ce: {  	[tilespmem:$0x13F8] =	vst v0  }
0x1cf: {  	[tilespmem:$0x13E8] =	vst v0  }
0x1d0: {  	[tilespmem:$0x13D8] =	vst v0  }
0x1d1: {  	[tilespmem:$0x13C8] =	vst v0  }
0x1d2: {  	[tilespmem:$0x13B8] =	vst v0  }
0x1d3: {  	[tilespmem:$0x13A8] =	vst v0  }
0x1d4: {  	[tilespmem:$0x1398] =	vst v0  }
0x1d5: {  	[tilespmem:$0x1388] =	vst v0  }
0x1d6: {  	[tilespmem:$0x1378] =	vst v0  }
0x1d7: {  	[tilespmem:$0x1368] =	vst v0  }
0x1d8: {  	[tilespmem:$0x1358] =	vst v0  }
0x1d9: {  	[tilespmem:$0x1348] =	vst v0  }
0x1da: {  	[tilespmem:$0x1338] =	vst v0  }
0x1db: {  	[tilespmem:$0x1328] =	vst v0  }
0x1dc: {  	[tilespmem:$0x1318] =	vst v0  }
0x1dd: {  	[tilespmem:$0x1308] =	vst v0  }
0x1de: {  	[tilespmem:$0x12F8] =	vst v0  }
0x1df: {  	[tilespmem:$0x12E8] =	vst v0  }
0x1e0: {  	[tilespmem:$0x12D8] =	vst v0  }
0x1e1: {  	[tilespmem:$0x12C8] =	vst v0  }
0x1e2: {  	[tilespmem:$0x12B8] =	vst v0  }
0x1e3: {  	[tilespmem:$0x12A8] =	vst v0  }
0x1e4: {  	[tilespmem:$0x1298] =	vst v0  }
0x1e5: {  	[tilespmem:$0x1288] =	vst v0  }
0x1e6: {  	[tilespmem:$0x1278] =	vst v0  }
0x1e7: {  	[tilespmem:$0x1268] =	vst v0  }
0x1e8: {  	[tilespmem:$0x1258] =	vst v0  }
0x1e9: {  	[tilespmem:$0x1248] =	vst v0  }
0x1ea: {  	[tilespmem:$0x1238] =	vst v0  }
0x1eb: {  	[tilespmem:$0x1228] =	vst v0  }
0x1ec: {  	[tilespmem:$0x1218] =	vst v0  }
0x1ed: {  	[tilespmem:$0x1208] =	vst v0  }
0x1ee: {  	[tilespmem:$0x11F8] =	vst v0  }
0x1ef: {  	[tilespmem:$0x11E8] =	vst v0  }
0x1f0: {  	[tilespmem:$0x11D8] =	vst v0  }
0x1f1: {  	[tilespmem:$0x11C8] =	vst v0  }
0x1f2: {  	[tilespmem:$0x11B8] =	vst v0  }
0x1f3: {  	[tilespmem:$0x11A8] =	vst v0  }
0x1f4: {  	[tilespmem:$0x1198] =	vst v0  }
0x1f5: {  	[tilespmem:$0x1188] =	vst v0  }
0x1f6: {  	[tilespmem:$0x1178] =	vst v0  }
0x1f7: {  	[tilespmem:$0x1168] =	vst v0  }
0x1f8: {  	[tilespmem:$0x1158] =	vst v0  }
0x1f9: {  	[tilespmem:$0x1148] =	vst v0  }
0x1fa: {  	[tilespmem:$0x1138] =	vst v0  }
0x1fb: {  	[tilespmem:$0x1128] =	vst v0  }
0x1fc: {  	[tilespmem:$0x1118] =	vst v0  }
0x1fd: {  	s4 =	stileid.u32;
	[tilespmem:$0x1108] =	vst v0  }
0x1fe: {  	s0 =	smul.u32 $0x17, s4;
	[tilespmem:$0x10F8] =	vst v0  }
0x1ff: {  	s1 =	smin.u32 s4, $0x3;
	[tilespmem:$0x10C8] =	vst v0  }
0x200: {  	[tilespmem:$0x10D8] =	vst v0;
	s0 =	sadd.s32 s1, s0  }
0x201: {  	p0 =	slt.u32 s4, $0x3;
	[tilespmem:$0x10B8] =	vst v0;
	s1 =	simm.s32 $0x2880;
	s6 =	smul.u32 $0x1B0, s0  }
0x202: {  	s1 =	simm.s32 @!p0 $0x26D0;
	[tilespmem:$0x1038] =	vst v0  }
0x203: {  	[tilespmem:$0x10A8] =	vst v0;
	s0 =	sadd.s32 s1, s6  }
0x204: {  	s3 =	simm.s32 $0x2;
	s8 =	simm.s32 $0x9;
	[tilespmem:$0x1098] =	vst v0;
	s7 =	smin.u32 s0, $0x27100  }
0x205: {  	s10 =	simm.s32 $0xA;
	s30 =	simm.s32 $0xB;
	[tilespmem:$0x1088] =	vst v0;
	s0 =	ssub.s32 s7, s6  }
0x206: {  	s16 =	simm.s32 $0x0;
	p4 =	por $0x0, $0x0;
	[tilespmem:$0x1078] =	vst v0;
	p0 =	sgt.s32 s0, $0x0  }
0x207: {  	s17 =	simm.s32 $0xC;
	s21 =	simm.s32 $0x0;
	[tilespmem:$0x1058] =	vst v0;
	s0 =	simm.s32 @!p0 $0x0  }
0x208: {  	s18 =	simm.s32 $0x0;
	s2 =	sand.u32 $0x1, s2;
	[tilespmem:$0x1048] =	vst v0;
	s29 =	smulhi.u32 $0x4BDA12F7, s0  }
0x209: {  	s20 =	simm.s32 $0x0;
	s31 =	sshll.u32 s4, $0x5;
	[tilespmem:$0x1018] =	vst v0;
	[dreg:$0x5] =	wrdreg s2  }
0x20a: {  	s2 =	smul.u32 $0x4E20, s2;
	[tilespmem:$0x1008] =	vst v0;
	[sflag:s3] =	ssyncpa.u1 $0x0;
	s1 =	sshrl.u32 s29, $0x7  }
0x20b: {  	v0 =	vimm.s32 $0xFFFFFFFF;
	s3 =	sadd.s32 $0x5C600, s11;
	[dreg:$0x4] =	wrdreg s31;
	s5 =	smul.u32 $0x1B0, s1  }
.Ltmp7:
0x20c: {  	[tilespmem:$0x3648] =	vst v0;
	[sflag:s8] =	ssyncpa.u1 $0x0;
	s2 =	sadd.s32 s2, s11;
	(pc) =	sbr.rel .LBB3_1-.Ltmp7, $4  }
0x20d: {  	[sflag:s10] =	ssyncpa.u1 $0x0;
	s11 =	sadd.s32 $0x51B1000, s11;
	p0 =	sne.s32 s0, s5  }
0x20e: {  	[sflag:s30] =	ssyncpa.u1 $0x0;
	s14 =	sadd.s32 $0x21800, s2;
	s12 =	simm.s32 @!p0 $0x0  }
0x20f: {  	s15 =	sadd.s32 $0xDC00, s2;
	s19 =	smov.u32 s6;
	s12 =	sadd.s32 s12, s1  }
0x210: {  	v0 =	vlaneseq.u32;
	[dreg:$0x6] =	wrdreg s6;
	p0 =	por $0x1, $0x1;
	s4 =	sadd.s32 $0x1, s12  }
.LBB3_18:
0x211: {  	s0 =	simm.s32 $0x2  }
0x212: {  	_ =	swait.ge [sflag:s0], $0x0  }
0x213: {  	[sflag:s0] =	ssyncset.done $0x0;
	s0 =	simm.s32 $0x0  }
.LBB3_19:
0x214: {  	_ =	swait.ge [sflag:s17], s0  }
0x215: {  	s31 =	ssub.s32 $0x0, s0;
	v1 =	vmov s23;
	vm0 =	veq.s32 v0, $0x0;
	[sflag:s17] =	ssyncset.done $0x0  }
0x216: {  	vm15 =	veq.s32 v0, $0x2;
	v1 =	vsel vm0, s28, v1;
	[sflag:s17] =	ssyncadd.s32 s31  }
0x217: {  	v1 =	vsel vm15, s21, v1;
	[sflag:s17] =	ssyncpa.u1 $0x1  }
0x218: {  	[tilespmem:$0x3648] =	vst v1  }
.LBB3_20:
0x219: {  	s0 =	sadd.s32 $0x1B0, s19  }
0x21a: {  	s1 =	smov.u32 s6;
	p1 =	slt.s32 s0, s7  }
0x21b: {  	s1 =	smov.u32 @p1 s0;
	p1 =	sne.s32 s20, s4  }
.Ltmp8:
0x21c: {  	_ = 	snop;
	(pc) =	sbr.rel @!p1 .LBB3_21-.Ltmp8, $4  }
0x21d: {  	_ = 	snop  }
0x21e: {  	s21 =	smov.u32 s18  }
0x21f: {  	s31 =	sadd.s32 $0x1, s20;
	s18 =	smov.u32 s19;
	p0 =	por !p0, !p0  }
0x220: {  	p4 =	por !p4, !p4;
	s20 =	smov.u32 s31;
	s19 =	smov.u32 s1  }
.LBB3_1:
0x221: {  	p2 =	sge.u32 s20, s12  }
0x222: {  	s0 =	smulhi.u32 @!p2 $0xAAAAAAAB, s20  }
0x223: {  	s1 =	smov.u32 s19;
	p3 =	sgt.s32 @!p2 s19, $0x26F50  }
0x224: {  	s2 =	sshra.s32 @!p2 s19, $0x1F;
	p3 =	por !p3, p2;
	s0 =	sshrl.u32 @!p2 s0, $0x1  }
0x225: {  	s2 =	sand.u32 @!p2 s2, s19;
	s1 =	simm.s32 @p3 $0x26F50;
	s0 =	smul.u32 @!p2 $0x3, s0  }
0x226: {  	s1 =	ssub.s32 @!p2 s1, s2  }
0x227: {  	s23 =	sadd.s32 $0xFFFFFFFF, s20;
	s1 =	sadd.s32 @!p2 $0xFFFD90B0, s1;
	s0 =	ssub.s32 @!p2 s20, s0  }
0x228: {  	s2 =	sshll.u32 @!p2 s1, $0x2;
	p3 =	sgt.s32 @!p2 s1, $0x1AF;
	s0 =	smul.u32 @!p2 $0x6C0, s0  }
0x229: {  	s5 =	sand.u32 @!p2 $0x7, s19;
	s1 =	ssub.s32 @!p2 $0x6C0, s2;
	p3 =	por !p3, p2  }
0x22a: {  	s2 =	sshrl.u32 @!p2 s19, $0x3;
	s1 =	sshrl.u32 @!p2 s1, $0x2;
	s0 =	sshrl.u32 @!p2 s0, $0x2  }
0x22b: {  	s2 =	sadd.s32 @!p2 s2, s14;
	s1 =	simm.s32 @!p3 $0x0;
	s0 =	sadd.s32 @!p2 $0x3888, s0  }
0x22c: {  	[tilespmem:s0], [sflag:$0xA] =	stream.linear.gather @!p2 [hbm4b:s2+s5], s1, $0x38;
	[tilespmem:$0x1F0F8] =	vst v63  }
0x22d: {  	p2 =	sge.u32 s23, s12  }
0x22e: {  	p3 =	sgt.s32 @!p2 s18, $0x26F50  }
0x22f: {  	s0 =	smov.u32 s18;
	s1 =	sshra.s32 @!p2 s18, $0x1F;
	p3 =	por !p3, p2  }
0x230: {  	s1 =	sand.u32 @!p2 s1, s18;
	s0 =	simm.s32 @p3 $0x26F50  }
0x231: {  	s0 =	ssub.s32 @!p2 s0, s1  }
0x232: {  	s0 =	sadd.s32 @!p2 $0xFFFD90B0, s0  }
0x233: {  	s1 =	sshll.u32 @!p2 s0, $0x2  }
0x234: {  	p3 =	sgt.s32 @!p2 s0, $0x1AF;
	s0 =	ssub.s32 @!p2 $0x6C0, s1  }
0x235: {  	s22 =	ssub.s32 @!p2 $0x27100, s18;
	p3 =	por !p3, p2;
	s0 =	sshrl.u32 @!p2 s0, $0x2  }
0x236: {  	s1 =	sand.u32 @!p2 $0x1, s23;
	s0 =	simm.s32 @!p3 $0x0;
	p3 =	slt.s32 @!p2 s22, $0x1  }
0x237: {  	s2 =	simm.s32 @!p2 $0xA;
	s1 =	smul.u32 @!p2 $0x6C0, s1;
	p3 =	por p2, p3  }
.Ltmp9:
0x238: {  	_ =	swait.ge @!p2 [sflag:s2], s0;
	(pc) =	sbr.rel @p3 .LBB3_7-.Ltmp9, $4  }
0x239: {  	s5 =	ssub.s32 @!p2 $0x0, s0;
	[sflag:s2] =	ssyncset.done @!p2 $0x0  }
0x23a: {  	s1 =	sshrl.u32 @!p2 s1, $0x2;
	[sflag:s2] =	ssyncadd.s32 @!p2 s5;
	s2 =	sshrl.u32 @!p2 s18, $0x3  }
0x23b: {  	s1 =	sadd.s32 @!p2 $0x3D98, s1;
	s5 =	sand.u32 @!p2 $0x7, s18;
	s2 =	sadd.s32 @!p2 s2, s15  }
0x23c: {  	[tilespmem:s1], [sflag:$0xB] =	stream.linear.gather @!p2 [hbm4b:s2+s5], s0, $0x38;
	[tilespmem:$0x1F0F8] =	vst v63  }
0x23d: {  	s0 =	smulhi.u32 $0xAAAAAAAB, s23;
	_ =	sdelay $0x1  }
0x23e: {  	s0 =	sshrl.u32 s0, $0x1  }
0x23f: {  	s0 =	smul.u32 $0x3, s0;
	_ =	sdelay $0x1  }
0x240: {  	s0 =	ssub.s32 s23, s0  }
0x241: {  	s1 =	simm.s32 $0x1;
	s0 =	smul.u32 $0x6C0, s0  }
.Ltmp10:
0x242: {  	s1 =	simm.s32 @!p0 $0x0;
	(pc) =	sbr.rel .LBB3_4-.Ltmp10, $4  }
0x243: {  	s1 =	smul.u32 $0x36000, s1  }
0x244: {  	p3 =	slt.s32 @!p2 s22, $0x1B0;
	s0 =	sshrl.u32 s0, $0x2  }
0x245: {  	p2 =	por !p3, p2;
	s1 =	sshrl.u32 s1, $0x2;
	s0 =	sadd.s32 $0x3888, s0  }
0x246: {  	s24 =	simm.s32 $0x0;
	s22 =	simm.s32 @p2 $0x1B0;
	s23 =	sadd.s32 $0x40F8, s1;
	v1 =	vmov s0  }
.LBB3_3:
0x247: {  	p2 =	sge.s32 s24, s22  }
.Ltmp11:
0x248: {  	_ = 	snop;
	(pc) =	sbr.rel @p2 .LBB3_7-.Ltmp11, $2  }
0x249: {  	_ =	sdelay $0x2  }
0x24a: {  	s23 =	sadd.s32 $0x800, s23  }
.LBB3_4:
0x24b: {  	p2 =	sle.s32 s22, s24  }
.Ltmp12:
0x24c: {  	_ = 	snop;
	(pc) =	sbr.rel @p2 .LBB3_3-.Ltmp12, $2  }
0x24d: {  	_ =	sdelay $0x2  }
0x24e: {  	s0 =	smov.u32 s24;
	s24 =	sadd.s32 $0x10, s24  }
0x24f: {  	s1 =	ssub.s32 s22, s0  }
0x250: {  	p2 =	slt.s32 s1, $0x10  }
0x251: {  	s1 =	simm.s32 @!p2 $0x10  }
0x252: {  	v2 =	vmov s1  }
0x253: {  	vm0 =	vgt.s32 v2, v0;
	_ =	sdelay $0x5  }
0x254: {  	v2 =	vld.idx.msk [tilespmem:v1+s0+$0x0 ss:$0x1], vm0;
	_ =	sdelay $0x2  }
0x255: {  	p2 =	slt.s32 s24, s22;
	s1 =	smov.u32 s22  }
0x256: {  	s2 =	smov.u32 s23;
	s25 =	simm.s32 $0x0;
	s1 =	smov.u32 @p2 s24  }
.LBB3_6:
0x257: {  	(v2sf) =	vpush v2, s25;
	_ =	sdelay $0xc  }
0x258: {  	s25 =	sadd.s32 $0x1, s25  }
0x259: {  	s31 =	sadd.s32 s25, s0  }
0x25a: {  	p2 =	slt.s32 s31, s1;
	s5 =	spop (v2sf)  }
.Ltmp13:
0x25b: {  	s5 =	sshll.u32 s5, $0x4;
	(pc) =	sbr.rel @p2 .LBB3_6-.Ltmp13, $4  }
0x25c: {  	s5 =	sand.u32 $0x1FFFFFF0, s5  }
0x25d: {  	s5 =	sadd.s32 s11, s5  }
0x25e: {  	[tilespmem:s2], [sflag:$0x9] =	stream.linear.gather [hbm4b:s5+s16], $0x8, $0x38;
	[tilespmem:$0x1F0F8] =	vst v63  }
0x25f: {  	s2 =	sadd.s32 $0x80, s2  }
.Ltmp14:
0x260: {  	_ = 	snop;
	(pc) =	sbr.rel .LBB3_3-.Ltmp14, $1  }
0x261: {  	_ =	sdelay $0x3  }
.LBB3_7:
0x262: {  	p2 =	slt.u32 s20, $0x2  }
.Ltmp15:
0x263: {  	_ = 	snop;
	(pc) =	sbr.rel @p2 .LBB3_20-.Ltmp15, $1  }
0x264: {  	_ =	sdelay $0x3  }
0x265: {  	p2 =	sgt.s32 s21, $0x26F50  }
0x266: {  	s0 =	smov.u32 s21;
	s1 =	sshra.s32 s21, $0x1F;
	s2 =	ssub.s32 $0x27100, s21  }
0x267: {  	s0 =	simm.s32 @!p2 $0x26F50;
	s1 =	sand.u32 s1, s21;
	p2 =	slt.s32 s2, $0x1B0  }
0x268: {  	s0 =	ssub.s32 s0, s1;
	s2 =	simm.s32 @!p2 $0x1B0  }
0x269: {  	s0 =	sadd.s32 $0xFFFD90B0, s0;
	s24 =	sshll.u32 s2, $0x3  }
0x26a: {  	s28 =	simm.s32 $0x9;
	s25 =	sshll.u32 s0, $0x2;
	s1 =	sand.u32 $0x3FFFFFF8, s24  }
0x26b: {  	p2 =	sgt.s32 s0, $0x1AF;
	s26 =	ssub.s32 $0x6C0, s25;
	_ =	swait.ge [sflag:s28], s1  }
0x26c: {  	s1 =	ssub.s32 $0x0, s1;
	[sflag:s28] =	ssyncset.done $0x0;
	s0 =	sshrl.u32 s26, $0x2  }
0x26d: {  	s30 =	simm.s32 $0xB;
	[sflag:s28] =	ssyncadd.s32 s1;
	s0 =	simm.s32 @p2 $0x0  }
0x26e: {  	_ =	swait.ge [sflag:s30], s0  }
0x26f: {  	s0 =	ssub.s32 $0x0, s0;
	[sflag:s30] =	ssyncset.done $0x0  }
0x270: {  	[sflag:s30] =	ssyncadd.s32 s0  }
0x271: {  	v1 =	vld [tilespmem:$0x3648];
	_ =	sdelay $0x4  }
0x272: {  	(v2sf) =	vpush v1, $0x0  }
0x273: {  	(v2sf) =	vpush v1, $0x1  }
0x274: {  	(v2sf) =	vpush v1, $0x2;
	_ =	sdelay $0x3  }
0x275: {  	s0 =	sadd.s32 $0x1B0, s21  }
0x276: {  	s1 =	ssub.s32 $0x4E200, s21;
	p2 =	slt.s32 s7, s0  }
0x277: {  	s0 =	smov.u32 @p2 s7;
	p2 =	sgt.s32 s1, $0x0  }
0x278: {  	s25 =	ssub.s32 s0, s21;
	s1 =	simm.s32 @!p2 $0x0  }
0x279: {  	p2 =	slt.s32 s1, s25  }
0x27a: {  	s25 =	smov.u32 @p2 s1  }
0x27b: {  	s24 =	simm.s32 $0x1;
	p2 =	slt.s32 s25, $0x1  }
.Ltmp16:
0x27c: {  	s24 =	simm.s32 @!p4 $0x0;
	(pc) =	sbr.rel @p2 .LBB3_12-.Ltmp16, $4  }
0x27d: {  	s31 =	smul.u32 $0x6C0, s24  }
0x27e: {  	s26 =	spop (v2sf)  }
0x27f: {  	s0 =	sshrl.u32 s31, $0x2;
	s29 =	spop (v2sf)  }
0x280: {  	s22 =	sadd.s32 $0x3D98, s0;
	s21 =	spop (v2sf)  }
0x281: {  	s0 =	smin.u32 s25, $0x10  }
0x282: {  	v1 =	vmov s0  }
0x283: {  	p3 =	sgt.s32 s25, $0x10;
	vm1 =	vgt.u32 v1, v0  }
.Ltmp17:
0x284: {  	_ = 	snop;
	(pc) =	sbr.rel @!p3 .LBB3_11-.Ltmp17, $2  }
0x285: {  	_ =	sdelay $0x2  }
0x286: {  	s23 =	simm.s32 $0x10;
	s28 =	sadd.s32 $0xFFFFFFF0, s25;
	s0 =	smov.u32 s22;
	vm0 =	vmmov vm1  }
.LBB3_10:
0x287: {  	s1 =	smin.u32 s28, $0x10;
	s23 =	sadd.s32 $0x10, s23;
	v1 =	vld.msk [tilespmem:s0+$0x0 ss:$0x1], vm1  }
0x288: {  	v2 =	vmov s1;
	p3 =	slt.s32 s23, s25  }
0x289: {  	vm1 =	vgt.u32 v2, v0  }
.Ltmp18:
0x28a: {  	(pc) =	sbr.rel @p3 .LBB3_10-.Ltmp18, $3  }
0x28b: {  	_ =	sdelay $0x1  }
0x28c: {  	v1 =	vshll.u32 v1, $0x4  }
0x28d: {  	s28 =	sadd.s32 $0xFFFFFFF0, s28;
	[tilespmem:s0+$0x0] =	vst.msk vm0, v1;
	s0 =	sadd.s32 $0x10, s0;
	vm0 =	vmmov vm1  }
.LBB3_11:
0x28e: {  	_ =	sdelay $0x4  }
0x28f: {  	v1 =	vld.msk [tilespmem:s0+$0x0 ss:$0x1], vm1;
	_ =	sdelay $0x4  }
0x290: {  	v1 =	vshll.u32 v1, $0x4  }
0x291: {  	[tilespmem:s0+$0x0] =	vst.msk vm0, v1  }
.LBB3_12:
0x292: {  	s0 =	sand.u32 $0x1, s20  }
0x293: {  	s0 =	smul.u32 $0x1B0, s0  }
0x294: {  	p3 =	sne.s32 s29, $0xFFFFFFFF  }
0x295: {  	v1 =	vld.msk @!p3 [tilespmem:s0+$0x3D98], $0x1;
	_ =	sdelay $0x4  }
0x296: {  	(v2sf) =	vpush @!p3 v1, $0x0;
	_ =	sdelay $0xc  }
.Ltmp19:
0x297: {  	_ = 	snop;
	(pc) =	sbr.rel @p2 .LBB3_18-.Ltmp19, $4  }
0x298: {  	_ = 	snop  }
0x299: {  	s28 =	spop @!p3 (v2sf)  }
0x29a: {  	s21 =	simm.s32 @!p3 $0x0;
	s23 =	smov.u32 s28  }
0x29b: {  	[sflag:s17] =	ssyncpa.u1 $0x0;
	s28 =	smov.u32 @p3 s26;
	s23 =	smov.u32 @p3 s29  }
0x29c: {  	v1 =	vld.msk [tilespmem:s22+$0x0], $0x1;
	_ =	sdelay $0x4  }
0x29d: {  	(v2sf) =	vpush v1, $0x0;
	_ =	sdelay $0xe  }
0x29e: {  	s0 =	simm.s32 @!p4 $0x0;
	s26 =	smul.u32 $0x36000, s24;
	s31 =	spop (v2sf)  }
0x29f: {  	s29 =	ssub.s32 $0x0, s25;
	s0 =	simm.s32 @p4 $0x1;
	p2 =	seq.s32 s28, s31  }
0x2a0: {  	s1 =	smov.u32 s28;
	[smem:$0x7FD] =	sst s0;
	p3 =	sgt.s32 @!p2 s28, $0x0  }
0x2a1: {  	s0 =	sshrl.u32 s26, $0x2;
	s26 =	sadd.s32 $0x1, s29;
	p3 =	por !p3, p2  }
0x2a2: {  	s1 =	simm.s32 @p3 $0x0;
	p3 =	seq.s32 s26, $0x0  }
.Ltmp20:
0x2a3: {  	_ = 	snop;
	(pc) =	sbr.rel @p3 .LBB3_15-.Ltmp20, $4  }
0x2a4: {  	s6 =	smov.u32 s4;
	s25 =	simm.s32 $0x0  }
0x2a5: {  	s24 =	sadd.s32 $0x40F8, s0;
	s0 =	simm.s32 @!p2 $0x1;
	s2 =	smin.u32 @!p2 s1, $0x270FF  }
0x2a6: {  	s30 =	sadd.s32 $0x1, s22;
	s0 =	smov.u32 @p2 s25;
	s5 =	sand.u32 @!p2 $0x3FFF8, s2  }
0x2a7: {  	s1 =	simm.s32 @!p2 $0x1B38;
	s2 =	sand.u32 @!p2 $0x7, s2;
	s5 =	sadd.s32 @!p2 s3, s5  }
.LBB3_14:
0x2a8: {  	s4 =	smov.u32 s0  }
0x2a9: {  	[tilespmem:s1], [sflag:$0x2] =	stream.linear.gather @!p2 [hbm4b:s5+s2], $0x8, $0x38;
	[tilespmem:$0x1F0F8] =	vst v63  }
0x2aa: {  	s26 =	sadd.s32 $0x1, s26;
	s2 =	smov.u32 s31;
	v1 =	vld.msk [tilespmem:s30+$0x0], $0x1  }
0x2ab: {  	p3 =	seq.s32 s26, $0x0;
	_ =	sdelay $0x3  }
0x2ac: {  	(v2sf) =	vpush v1, $0x0;
	_ =	sdelay $0xe  }
0x2ad: {  	s31 =	spop (v2sf)  }
0x2ae: {  	p2 =	seq.s32 s2, s31  }
0x2af: {  	p4 =	sgt.s32 @!p2 s2, $0x0;
	s1 =	sshll.u32 @!p2 s0, $0x6;
	s0 =	sadd.s32 @!p2 $0x1, s0  }
.Ltmp21:
0x2b0: {  	p4 =	por !p4, p2;
	s1 =	sshra.s32 @!p2 s1, $0x2;
	(pc) =	sbr.rel @!p3 .LBB3_14-.Ltmp21, $4  }
0x2b1: {  	s0 =	smov.u32 @p2 s4;
	s2 =	simm.s32 @p4 $0x0;
	s1 =	sadd.s32 @!p2 $0x1B38, s1  }
0x2b2: {  	s2 =	smin.u32 @!p2 s2, $0x270FF  }
0x2b3: {  	s4 =	sand.u32 @!p2 $0x3FFF8, s2;
	s2 =	sand.u32 @!p2 $0x7, s2  }
0x2b4: {  	s30 =	sadd.s32 $0x1, s30;
	s5 =	sadd.s32 @!p2 s3, s4  }
.LBB3_15:
0x2b5: {  	[tilespmem:s1], [sflag:$0x2] =	stream.linear.gather @!p2 [hbm4b:s5+s2], $0x8, $0x38;
	[tilespmem:$0x1F0F8] =	vst v63  }
0x2b6: {  	s0 =	sshll.u32 s0, $0x3  }
0x2b7: {  	s31 =	simm.s32 $0x2;
	s0 =	sand.u32 $0x3FFFFFF8, s0  }
0x2b8: {  	_ =	swait.ge [sflag:s31], s0  }
0x2b9: {  	s0 =	ssub.s32 $0x0, s0;
	[sflag:s31] =	ssyncset.done $0x0  }
0x2ba: {  	[sflag:s31] =	ssyncadd.s32 s0  }
0x2bb: {  	v1 =	vld.msk [tilespmem:s22+$0x0], $0x1;
	_ =	sdelay $0x4  }
0x2bc: {  	(v2sf) =	vpush v1, $0x0;
	_ =	sdelay $0xe  }
0x2bd: {  	s26 =	spop (v2sf)  }
0x2be: {  	p2 =	sne.s32 s28, s26  }
0x2bf: {  	p4 =	sne.s32 @p2 s28, s23  }
0x2c0: {  	p3 =	por !p4, !p2  }
0x2c1: {  	s0 =	simm.s32 @!p3 $0x0  }
0x2c2: {  	v1 =	vld.msk @!p3 [tilespmem:s0+$0x1B38], $0xff  }
0x2c3: {  	p5 =	sgt.u32 @!p3 s28, $0x270FF  }
0x2c4: {  	s1 =	sshll.u32 @!p3 s21, $0x6;
	p6 =	por @p2 p5, !p4  }
0x2c5: {  	s1 =	sshra.s32 @!p3 s1, $0x2;
	p1 =	por p6, !p2;
	p6 =	por p4, !p2  }
0x2c6: {  	s2 =	sadd.s32 @!p3 $0x28, s1;
	s4 =	sand.u32 @!p1 $0x3FFF8, s28;
	s5 =	sshll.u32 @!p6 s21, $0x6  }
0x2c7: {  	s28 =	sand.u32 @!p1 $0x7, s28;
	[tilespmem:s1+$0x28] =	vst.add.f32.msk @!p3 $0xff, v1;
	s1 =	sadd.s32 @!p1 s3, s4;
	s4 =	sshra.s32 @!p6 s5, $0x2  }
0x2c8: {  	[hbm4b:s1+s28] =	stream.linear.scatter @!p1 [tilespmem:s2], [sflag:$0xC], $0x8, $0x38;
	[tilespmem:$0x1F0F8] =	vst v63  }
0x2c9: {  	s0 =	rddreg [dreg:$0x4];
	s1 =	sadd.s32 @!p6 $0x28, s4;
	s2 =	simm.s32 @!p6 $0x1  }
0x2ca: {  	[spmem:s0] =	stream.linear.scatter @!p6 [tilespmem:s1], [sflag:$0x1], $0x8, $0x38;
	[tilespmem:$0x1F0F8] =	vst v63  }
0x2cb: {  	s0 =	sadd.s32 @p2 $0x1, s21;
	_ =	swait.ge @!p6 [sflag:s2], $0x8  }
0x2cc: {  	s1 =	sshrl.u32 @p2 s0, $0x4;
	[sflag:s2] =	ssyncset.done @!p6 $0x0  }
0x2cd: {  	s1 =	smulhi.u32 @p2 $0x97B425F, s1;
	[sflag:s2] =	ssyncadd.s32 @!p6 $0xFFFFFFF8  }
0x2ce: {  	s28 =	sadd.s32 $0x1, s29;
	v1 =	vld.msk @p2 [tilespmem:s24+$0x0], $0xff  }
0x2cf: {  	p1 =	por @p2 !p5, !p4;
	p4 =	seq.s32 s28, $0x0;
	s1 =	smul.u32 @p2 $0x1B0, s1  }
.Ltmp22:
0x2d0: {  	p1 =	por !p1, !p2;
	s2 =	simm.s32 @!p3 $0x0;
	(pc) =	sbr.rel @p4 .LBB3_17-.Ltmp22, $4  }
0x2d1: {  	s4 =	sshll.u32 @!p2 s21, $0x6;
	s2 =	simm.s32 @!p1 $0x20;
	s0 =	ssub.s32 @p2 s0, s1  }
0x2d2: {  	s29 =	simm.s32 $0x0;
	s2 =	sadd.s32 @!p3 $0x0, s2;
	s5 =	sshll.u32 @p2 s0, $0x4  }
0x2d3: {  	s30 =	sshra.s32 @!p2 s4, $0x2;
	s1 =	simm.s32 @p2 $0x1;
	s2 =	smov.u32 @p3 s25;
	[tilespmem:s5+$0x28] =	vst.msk @p2 $0xff, v1  }
0x2d4: {  	s21 =	smov.u32 @p2 s0;
	s29 =	smov.u32 @p2 s2;
	s25 =	smov.u32 @p2 s1;
	v1 =	vld.msk @!p2 [tilespmem:s24+$0x0], $0xff  }
.LBB3_16:
0x2d5: {  	_ =	sdelay $0x3  }
0x2d6: {  	s22 =	sadd.s32 $0x1, s22;
	[tilespmem:s30+$0x28] =	vst.add.f32.msk @!p2 $0xff, v1  }
0x2d7: {  	v1 =	vld.msk [tilespmem:s22+$0x0], $0x1;
	_ =	sdelay $0x4  }
0x2d8: {  	(v2sf) =	vpush v1, $0x0;
	_ =	sdelay $0xe  }
0x2d9: {  	s0 =	smov.u32 s26;
	s26 =	spop (v2sf)  }
0x2da: {  	p2 =	sne.s32 s0, s26  }
0x2db: {  	p5 =	sne.s32 @p2 s0, s23  }
0x2dc: {  	s4 =	sshll.u32 @!p2 s21, $0x6;
	p4 =	por !p5, !p2  }
0x2dd: {  	s30 =	sshra.s32 @!p2 s4, $0x2;
	s4 =	sshll.u32 @!p4 s25, $0x6  }
0x2de: {  	s4 =	sshra.s32 @!p4 s4, $0x2  }
0x2df: {  	p1 =	sgt.u32 @!p4 s0, $0x270FF;
	v1 =	vld.msk @!p4 [tilespmem:s4+$0x1B38], $0xff  }
0x2e0: {  	s31 =	sshll.u32 @!p4 s21, $0x6;
	p6 =	por @p2 p1, !p5;
	p1 =	por @p2 !p1, !p5  }
0x2e1: {  	s8 =	simm.s32 @!p4 $0x0;
	s31 =	sshra.s32 @!p4 s31, $0x2;
	p1 =	por !p1, !p2  }
0x2e2: {  	p5 =	por p5, !p2;
	s8 =	simm.s32 @!p1 $0x20;
	p1 =	por p6, !p2  }
0x2e3: {  	s4 =	sadd.s32 @!p4 $0x28, s31;
	s13 =	sshll.u32 @!p5 s21, $0x6;
	s10 =	sand.u32 @!p1 $0x3FFF8, s0  }
0x2e4: {  	s13 =	sshra.s32 @!p5 s13, $0x2;
	s0 =	sand.u32 @!p1 $0x7, s0;
	s10 =	sadd.s32 @!p1 s3, s10;
	[tilespmem:s31+$0x28] =	vst.add.f32.msk @!p4 $0xff, v1  }
0x2e5: {  	[hbm4b:s10+s0] =	stream.linear.scatter @!p1 [tilespmem:s4], [sflag:$0xC], $0x8, $0x38;
	[tilespmem:$0x1F0F8] =	vst v63  }
0x2e6: {  	s1 =	rddreg [dreg:$0x4];
	s0 =	sadd.s32 @!p5 $0x28, s13;
	s4 =	simm.s32 @!p5 $0x1  }
0x2e7: {  	[spmem:s1] =	stream.linear.scatter @!p5 [tilespmem:s0], [sflag:$0x1], $0x8, $0x38;
	[tilespmem:$0x1F0F8] =	vst v63  }
0x2e8: {  	s2 =	sadd.s32 @p2 $0x1, s21;
	_ =	swait.ge @!p5 [sflag:s4], $0x8  }
0x2e9: {  	s5 =	sshrl.u32 @p2 s2, $0x4;
	[sflag:s4] =	ssyncset.done @!p5 $0x0  }
0x2ea: {  	s24 =	sadd.s32 $0x80, s24;
	s5 =	smulhi.u32 @p2 $0x97B425F, s5;
	[sflag:s4] =	ssyncadd.s32 @!p5 $0xFFFFFFF8  }
0x2eb: {  	s28 =	sadd.s32 $0x1, s28;
	v1 =	vld.msk @p2 [tilespmem:s24+$0x0], $0xff  }
0x2ec: {  	p3 =	seq.s32 s28, $0x0;
	s5 =	smul.u32 @p2 $0x1B0, s5  }
.Ltmp23:
0x2ed: {  	_ = 	snop;
	(pc) =	sbr.rel @!p3 .LBB3_16-.Ltmp23, $4  }
0x2ee: {  	s2 =	ssub.s32 @p2 s2, s5  }
0x2ef: {  	s8 =	sadd.s32 @!p4 s8, s29;
	s5 =	sshll.u32 @p2 s2, $0x4  }
0x2f0: {  	s9 =	sadd.s32 @p2 $0x1, s25;
	s8 =	smov.u32 @p4 s29;
	[tilespmem:s5+$0x28] =	vst.msk @p2 $0xff, v1  }
0x2f1: {  	s25 =	smov.u32 @p2 s9;
	s21 =	smov.u32 @p2 s2;
	s29 =	smov.u32 @p2 s8;
	v1 =	vld.msk @!p2 [tilespmem:s24+$0x0], $0xff  }
.LBB3_17:
.Ltmp24:
0x2f2: {  	_ = 	snop;
	(pc) =	sbr.rel .LBB3_19-.Ltmp24, $3  }
0x2f3: {  	s1 =	sld [smem:$0x7FD];
	_ =	sdelay $0x1  }
0x2f4: {  	s0 =	sshrl.u32 s29, $0x2;
	s28 =	smov.u32 s26  }
0x2f5: {  	s4 =	smov.u32 s6;
	s6 =	rddreg [dreg:$0x6];
	p4 =	seq.s32 s1, $0x1;
	[tilespmem:s30+$0x28] =	vst.add.f32.msk @!p2 $0xff, v1  }
.LBB3_21:
0x2f6: {  	_ =	sfence.sel $0x180000  }
0x2f7: {  	s0 =	simm.s32 $0x9;
	[bflag:$0x0] =	sbarrier.arrive $0xFFFF  }
0x2f8: {  	s24 =	simm.s32 $0xA;
	[sflag:s0] =	ssyncpa.u1 $0x1  }
0x2f9: {  	s25 =	simm.s32 $0xB;
	[sflag:s24] =	ssyncpa.u1 $0x1  }
0x2fa: {  	s26 =	simm.s32 $0x2;
	[sflag:s25] =	ssyncpa.u1 $0x1  }
0x2fb: {  	[sflag:s26] =	ssyncpa.u1 $0x1  }
0x2fc: {  	v0 =	vld [tilespmem:$0x3648];
	_ =	sdelay $0x4  }
0x2fd: {  	(v2sf) =	vpush v0, $0x0  }
0x2fe: {  	(v2sf) =	vpush v0, $0x1;
	_ =	sdelay $0x1  }
0x2ff: {  	(v2sf) =	vpush v0, $0x2;
	_ =	sdelay $0xb  }
0x300: {  	s0 =	spop (v2sf)  }
0x301: {  	s1 =	spop (v2sf)  }
0x302: {  	s2 =	smov.u32 s0;
	p0 =	sne.s32 s0, s1  }
0x303: {  	s4 =	spop (v2sf);
	s2 =	simm.s32 @!p0 $0xFFFFFFFF  }
0x304: {  	v2 =	vimm.s32 $0x1;
	v3 =	vlaneseq.u32;
	p0 =	seq.s32 s4, $0xFFFFFFFF;
	v1 =	vmov s2  }
0x305: {  	s16 =	stileid.u32;
	v0 =	vperm.xlane v0, v2;
	p1 =	sne.s32 @!p0 s0, s1;
	v1 =	vperm.xlane v1, v3  }
0x306: {  	vm0 =	vcmask $0x3F04;
	s6 =	simm.s32 $0x3648;
	s0 =	simm.s32 @!p0 $0x1;
	p1 =	por !p1, p0  }
0x307: {  	s2 =	sshll.u32 s16, $0x1;
	s1 =	sshll.u32 @!p0 s4, $0x6;
	s0 =	simm.s32 @p1 $0x0;
	v0 =	vsel vm0, v1, v0  }
0x308: {  	s5 =	sor.u32 $0x200, s2;
	s1 =	sshra.s32 @!p0 s1, $0x2;
	s0 =	sor.u32 @!p0 s0, s2;
	[tilespmem:$0x3648] =	vst v0  }
0x309: {  	[spmem:s5] =	stream.linear.scatter [tilespmem:s6], [sflag:$0x1], $0x2, $0x38;
	[tilespmem:$0x1F0F8] =	vst v63  }
0x30a: {  	s1 =	sadd.s32 @!p0 $0x28, s1;
	s0 =	sshll.u32 @!p0 s0, $0x4  }
0x30b: {  	[spmem:s0] =	stream.linear.scatter @!p0 [tilespmem:s1], [sflag:$0x1], $0x10, $0x38;
	[tilespmem:$0x1F0F8] =	vst v63  }
0x30c: {  	s0 =	simm.s32 @!p0 $0x12  }
0x30d: {  	s28 =	simm.s32 $0x1;
	s0 =	simm.s32 @p0 $0x2  }
0x30e: {  	_ =	swait.ge [sflag:s28], s0  }
0x30f: {  	s0 =	ssub.s32 $0x0, s0;
	[sflag:s28] =	ssyncset.done $0x0  }
0x310: {  	p0 =	sne.s32 s16, $0x0;
	[sflag:s28] =	ssyncadd.s32 s0  }
.Ltmp25:
0x311: {  	_ =	sfence.stream.spmem;
	(pc) =	sbr.rel @p0 .LBB3_38-.Ltmp25, $4  }
0x312: {  	s29 =	simm.s32 $0x3;
	[bflag:$0x0] =	sbarrier.arrive $0xFFFF  }
0x313: {  	s30 =	simm.s32 $0x4;
	[sflag:s29] =	ssyncpa.u1 $0x1  }
0x314: {  	s31 =	simm.s32 $0x3C;
	[sflag:s30] =	ssyncpa.u1 $0x1  }
0x315: {  	s17 =	rddreg [dreg:$0x5];
	[sflag:s31] =	ssyncpa.u1 $0x1  }
0x316: {  	_ =	sfence.stream.spmem;
	s0 =	simm.s32 $0x5  }
0x317: {  	s1 =	simm.s32 $0x200;
	s2 =	simm.s32 $0x3658;
	[sflag:s0] =	ssyncpa.u1 $0x0  }
0x318: {  	[tilespmem:s2], [sflag:$0x5] =	stream.linear.gather [spmem:s1], $0x20, $0x38;
	[tilespmem:$0x1F0F8] =	vst v63  }
0x319: {  	s26 =	simm.s32 $0x0;
	s28 =	simm.s32 $0x3678  }
0x31a: {  	[tilespmem:s28], [sflag:$0x5] =	stream.linear.gather [spmem:s26], $0x200, $0x38;
	[tilespmem:$0x1F0F8] =	vst v63  }
0x31b: {  	_ =	swait.ge [sflag:s0], $0x220  }
0x31c: {  	[sflag:s0] =	ssyncset.done $0x0  }
0x31d: {  	s29 =	simm.s32 $0x0;
	[sflag:s0] =	ssyncadd.s32 $0xFFFFFDE0  }
0x31e: {  	v0 =	vld.msk [tilespmem:s29+$0x3658], $0x1;
	_ =	sdelay $0x1  }
0x31f: {  	s30 =	simm.s32 $0x1  }
0x320: {  	v1 =	vld.msk [tilespmem:s30+$0x3658], $0x1;
	_ =	sdelay $0x1  }
0x321: {  	(v2sf) =	vpush v0, $0x0;
	_ =	sdelay $0x2  }
0x322: {  	(v2sf) =	vpush v1, $0x0;
	_ =	sdelay $0x2  }
0x323: {  	s31 =	simm.s32 $0x2  }
0x324: {  	v0 =	vld.msk [tilespmem:s31+$0x3658], $0x1;
	_ =	sdelay $0x2  }
0x325: {  	s6 =	simm.s32 $0xFFFFFFFF;
	s1 =	simm.s32 $0xFFFFFFFF;
	s0 =	simm.s32 $0xC  }
.LBB3_23:
0x326: {  	s2 =	smov.u32 s6;
	s4 =	smov.u32 s1  }
0x327: {  	s1 =	sshra.s32 s0, $0x2;
	p1 =	sne.s32 s0, $0x7C;
	s0 =	sadd.s32 $0x4, s0;
	(v2sf) =	vpush v0, $0x0  }
0x328: {  	v0 =	vld.msk [tilespmem:s1+$0x3658], $0x1  }
.Ltmp26:
0x329: {  	(pc) =	sbr.rel @p1 .LBB3_23-.Ltmp26, $4  }
0x32a: {  	s6 =	spop (v2sf)  }
0x32b: {  	p2 =	sne.s32 s4, $0xFFFFFFFF;
	s1 =	smov.u32 s6  }
0x32c: {  	p3 =	seq.s32 s6, $0xFFFFFFFF;
	s1 =	smov.u32 @p2 s4  }
0x32d: {  	s6 =	smov.u32 @p3 s2;
	s1 =	smov.u32 @p3 s4  }
0x32e: {  	(v2sf) =	vpush v0, $0x0;
	_ =	sdelay $0x8  }
0x32f: {  	s0 =	spop (v2sf)  }
0x330: {  	p1 =	sne.s32 s1, $0xFFFFFFFF;
	s2 =	smov.u32 s0  }
0x331: {  	s9 =	simm.s32 $0x6;
	p2 =	seq.s32 s0, $0xFFFFFFFF;
	s2 =	smov.u32 @p1 s1  }
0x332: {  	s10 =	simm.s32 $0x3638;
	s2 =	smov.u32 @p2 s1;
	s1 =	spop (v2sf)  }
0x333: {  	s0 =	smov.u32 @p2 s6;
	p1 =	sne.s32 s2, $0xFFFFFFFF;
	s4 =	smov.u32 s1  }
.Ltmp27:
0x334: {  	p2 =	seq.s32 s1, $0xFFFFFFFF;
	s4 =	smov.u32 @p1 s2;
	(pc) =	sbr.rel .LBB3_25-.Ltmp27, $4  }
0x335: {  	s11 =	simm.s32 $0x0;
	s4 =	smov.u32 @p2 s2;
	s7 =	spop (v2sf)  }
0x336: {  	[sflag:s9] =	ssyncpa.u1 $0x0;
	p1 =	sne.s32 s4, $0xFFFFFFFF;
	s8 =	smov.u32 s7  }
0x337: {  	s1 =	smov.u32 @p2 s0;
	p2 =	seq.s32 s7, $0xFFFFFFFF;
	s8 =	smov.u32 @p1 s4  }
0x338: {  	s6 =	simm.s32 $0x0;
	s7 =	smov.u32 @p2 s1;
	s8 =	smov.u32 @p2 s4  }
.LBB3_30:
0x339: {  	p1 =	sgt.u32 s12, $0x270FF  }
0x33a: {  	p2 =	seq.s32 @!p1 s12, s8  }
0x33b: {  	p1 =	por p1, p2  }
0x33c: {  	p2 =	sne.s32 @!p1 s12, s7  }
0x33d: {  	p1 =	por p1, !p2  }
0x33e: {  	s0 =	sshll.u32 @p1 s11, $0x6  }
0x33f: {  	s0 =	sand.u32 @!p1 $0x3FFF8, s12  }
0x340: {  	s1 =	sand.u32 @!p1 $0x7, s12;
	s0 =	sadd.s32 @!p1 s3, s0  }
0x341: {  	[tilespmem:s10], [sflag:$0x6] =	stream.linear.gather @!p1 [hbm4b:s0+s1], $0x8, $0x38;
	[tilespmem:$0x1F0F8] =	vst v63  }
0x342: {  	_ =	swait.ge @!p1 [sflag:s9], $0x8  }
0x343: {  	[sflag:s9] =	ssyncset.done @!p1 $0x0  }
0x344: {  	[sflag:s9] =	ssyncadd.s32 @!p1 $0xFFFFFFF8  }
0x345: {  	v1 =	vld @!p1 [tilespmem:$0x3638];
	_ =	sdelay $0x2  }
0x346: {  	s0 =	sshll.u32 @!p1 s11, $0x6  }
0x347: {  	s1 =	sshrl.u32 @!p1 s0, $0x2  }
0x348: {  	[tilespmem:s1+$0x3678] =	vst.add.f32.msk @!p1 $0xffff, v1  }
0x349: {  	s0 =	sshrl.u32 s0, $0x2;
	[tilespmem:s6+$0x3658] =	vst.msk $0x1, v0  }
0x34a: {  	v0 =	vld [tilespmem:s0+$0x3678];
	_ =	sdelay $0x2  }
0x34b: {  	s31 =	sshll.u32 s6, $0x6  }
0x34c: {  	s0 =	sshra.s32 s31, $0x2  }
0x34d: {  	s6 =	sadd.s32 $0x1, s6;
	[tilespmem:s0+$0x3678] =	vst v0  }
.LBB3_32:
0x34e: {  	s11 =	sadd.s32 $0x1, s11  }
0x34f: {  	p1 =	sne.s32 s11, $0x20  }
.Ltmp28:
0x350: {  	_ = 	snop;
	(pc) =	sbr.rel @!p1 .LBB3_33-.Ltmp28, $1  }
0x351: {  	_ =	sdelay $0x3  }
.LBB3_25:
0x352: {  	v0 =	vld.msk [tilespmem:s11+$0x3658], $0x1;
	_ =	sdelay $0x4  }
0x353: {  	(v2sf) =	vpush v0, $0x0;
	_ =	sdelay $0xe  }
0x354: {  	s12 =	spop (v2sf)  }
0x355: {  	p1 =	seq.s32 s12, $0xFFFFFFFF  }
.Ltmp29:
0x356: {  	_ = 	snop;
	(pc) =	sbr.rel @p1 .LBB3_32-.Ltmp29, $1  }
0x357: {  	_ =	sdelay $0x3  }
0x358: {  	p1 =	slt.s32 s6, $0x1  }
.Ltmp30:
0x359: {  	_ = 	snop;
	(pc) =	sbr.rel @p1 .LBB3_30-.Ltmp30, $1  }
0x35a: {  	_ =	sdelay $0x3  }
0x35b: {  	s13 =	simm.s32 $0x3658;
	p1 =	por $0x0, $0x0  }
0x35c: {  	v1 =	vld.msk @!p1 [tilespmem:s13+$0x0], $0x1;
	_ =	sdelay $0x4  }
0x35d: {  	(v2sf) =	vpush @!p1 v1, $0x0;
	_ =	sdelay $0xd  }
0x35e: {  	p3 =	sne.s32 s6, $0x1  }
.Ltmp31:
0x35f: {  	s0 =	spop @!p1 (v2sf);
	(pc) =	sbr.rel @!p3 .LBB3_29-.Ltmp31, $4  }
0x360: {  	p2 =	seq.s32 @!p1 s12, s0  }
0x361: {  	s14 =	simm.s32 $0x0;
	p2 =	por !p2, p1  }
0x362: {  	s0 =	simm.s32 $0xFFFFFFFF;
	s14 =	simm.s32 @p2 $0xFFFFFFFF  }
0x363: {  	s15 =	simm.s32 $0x1;
	s14 =	smov.u32 @p1 s0  }
.LBB3_28:
0x364: {  	s0 =	smov.u32 s14;
	p1 =	sne.s32 s14, $0xFFFFFFFF  }
0x365: {  	s13 =	sadd.s32 $0x1, s13;
	s14 =	smov.u32 s15;
	s15 =	sadd.s32 $0x1, s15  }
0x366: {  	p2 =	sne.s32 s6, s15;
	v1 =	vld.msk @!p1 [tilespmem:s13+$0x0], $0x1;
	_ =	sdelay $0x4  }
0x367: {  	(v2sf) =	vpush @!p1 v1, $0x0;
	_ =	sdelay $0xe  }
.Ltmp32:
0x368: {  	s1 =	spop @!p1 (v2sf);
	(pc) =	sbr.rel @p2 .LBB3_28-.Ltmp32, $4  }
0x369: {  	p3 =	seq.s32 @!p1 s12, s1  }
0x36a: {  	p3 =	por !p3, p1  }
0x36b: {  	s14 =	simm.s32 @p3 $0xFFFFFFFF  }
0x36c: {  	s14 =	smov.u32 @p1 s0  }
.LBB3_29:
0x36d: {  	p1 =	sne.s32 s14, $0xFFFFFFFF  }
.Ltmp33:
0x36e: {  	_ = 	snop;
	(pc) =	sbr.rel @!p1 .LBB3_30-.Ltmp33, $1  }
0x36f: {  	_ =	sdelay $0x3  }
0x370: {  	s0 =	sshll.u32 s11, $0x4  }
0x371: {  	s0 =	sand.u32 $0x3FFFFFF0, s0  }
0x372: {  	v0 =	vld [tilespmem:s0+$0x3678]  }
.Ltmp34:
0x373: {  	_ = 	snop;
	(pc) =	sbr.rel .LBB3_32-.Ltmp34, $4  }
0x374: {  	_ = 	snop  }
0x375: {  	s31 =	sshll.u32 s14, $0x6  }
0x376: {  	s0 =	sshra.s32 s31, $0x2  }
0x377: {  	[tilespmem:s0+$0x3678] =	vst.add.f32.msk $0xffff, v0  }
.LBB3_33:
0x378: {  	s0 =	simm.s32 $0x6;
	p1 =	seq.s32 s6, $0x0  }
0x379: {  	[sflag:s0] =	ssyncpa.u1 $0x1;
	v0 =	vimm.s32 @p1 $0xFFFFFFFF  }
0x37a: {  	s9 =	sadd.s32 $0xFFFFFFFF, s6;
	[tilespmem:$0x3878] =	vst @p1 v0  }
0x37b: {  	v0 =	vld.msk @!p1 [tilespmem:s9+$0x3658], $0x1;
	_ =	sdelay $0x1  }
0x37c: {  	v1 =	vld.msk @!p1 [tilespmem:$0x3658], $0x1;
	_ =	sdelay $0x2  }
0x37d: {  	p2 =	seq.s32 @!p1 s9, $0x0;
	v0 =	vbroadcast @!p1 v0, $0x0  }
0x37e: {  	vm0 =	vmmov @!p1 $0x1;
	p2 =	por !p2, p1  }
0x37f: {  	v1 =	vnsel @!p1 vm0, $0xFFFFFFFF, v1;
	vm0 =	vcmask @!p1 $0x308;
	v0 =	vpsel !p2, $0xFFFFFFFF, v0  }
0x380: {  	p2 =	sne.s32 @!p1 s8, s7;
	v0 =	vsel @!p1 vm0, v1, v0  }
0x381: {  	s0 =	simm.s32 @!p1 $0x3678;
	s1 =	simm.s32 @!p1 $0x0;
	p3 =	por !p2, p1;
	[tilespmem:$0x3878] =	vst @!p1 v0  }
0x382: {  	[spmem:s1] =	stream.linear.scatter @!p1 [tilespmem:s0], [sflag:$0x1], $0x10, $0x38;
	[tilespmem:$0x1F0F8] =	vst v63  }
0x383: {  	s0 =	sshll.u32 @!p3 s9, $0x6  }
0x384: {  	s0 =	sshra.s32 @!p3 s0, $0x2  }
0x385: {  	s1 =	simm.s32 @!p3 $0x10;
	s0 =	sadd.s32 @!p3 $0x3678, s0  }
0x386: {  	[spmem:s1] =	stream.linear.scatter @!p3 [tilespmem:s0], [sflag:$0x1], $0x10, $0x38;
	[tilespmem:$0x1F0F8] =	vst v63  }
0x387: {  	s0 =	simm.s32 @!p3 $0x1  }
0x388: {  	_ =	swait.ge @!p3 [sflag:s0], $0x20  }
0x389: {  	p1 =	por p2, p1;
	[sflag:s0] =	ssyncset.done @!p3 $0x0  }
0x38a: {  	[sflag:s0] =	ssyncadd.s32 @!p3 $0xFFFFFFE0;
	s0 =	simm.s32 @!p1 $0x1  }
0x38b: {  	_ =	swait.ge @!p1 [sflag:s0], $0x10  }
0x38c: {  	s29 =	simm.s32 $0x3878;
	[sflag:s0] =	ssyncset.done @!p1 $0x0  }
0x38d: {  	s30 =	simm.s32 $0x200;
	s31 =	simm.s32 $0x1;
	[sflag:s0] =	ssyncadd.s32 @!p1 $0xFFFFFFF0  }
0x38e: {  	[spmem:s30] =	stream.linear.scatter [tilespmem:s29], [sflag:$0x1], $0x10, $0x38;
	[tilespmem:$0x1F0F8] =	vst v63  }
0x38f: {  	_ =	swait.ge [sflag:s31], $0x10  }
0x390: {  	[sflag:s31] =	ssyncset.done $0x0  }
0x391: {  	p1 =	seq.s32 s17, $0x0;
	s8 =	rddreg [dreg:$0x1];
	[sflag:s31] =	ssyncadd.s32 $0xFFFFFFF0  }
0x392: {  	s1 =	sshll.u32 @p1 s8, $0xE;
	s7 =	rddreg [dreg:$0x2]  }
0x393: {  	s0 =	sadd.s32 @p1 $0x15C3C, s1;
	s1 =	sshll.u32 @p1 s7, $0x11  }
0x394: {  	_ =	sfence.stream.spmem;
	s0 =	sor.u32 @p1 s1, s0  }
0x395: {  	[sflag:s0] =	ssyncadd.remote.s32 @p1 $0x1;
	s0 =	simm.s32 @p1 $0x4  }
0x396: {  	s2 =	simm.s32 @!p1 $0x3C;
	s1 =	sand.u32 $0xFFFFFFFE, s8;
	_ =	swait.ge @p1 [sflag:s0], $0x6  }
0x397: {  	s4 =	simm.s32 @!p1 $0x0;
	s1 =	sadd.s32 @!p1 $0x4, s1;
	[sflag:s0] =	ssyncset.done @p1 $0x0  }
0x398: {  	s5 =	simm.s32 @!p1 $0x20;
	[sflag:s0] =	ssyncadd.s32 @p1 $0xFFFFFFFA;
	s0 =	sshll.u32 @!p1 s1, $0x1A  }
0x399: {  	s1 =	sshll.u32 @!p1 s1, $0xD;
	s0 =	sor.u32 @!p1 s0, s7;
	_ =	swait.eq @!p1 [sflag:s2], $0x1  }
0x39a: {  	s1 =	sor.u32 @!p1 $0x1C04, s1;
	s2 =	simm.s32 @!p1 $0x1C03;
	s0 =	sor.u32 @!p1 $0x80004000, s0  }
0x39b: {  	[spmem:s5], [sflag:s1] =	dma.general @!p1 [spmem:s4], [sflag:s2], length:$0x4, [dreg:$0x0], stride_count:$0x0, ici_dest:s0, dma_misc:DstOpCode:WRITE  }
0x39c: {  	p2 =	slt.s32 s9, $0x2;
	s4 =	simm.s32 @!p1 $0x40;
	s5 =	simm.s32 @!p1 $0x42  }
0x39d: {  	[spmem:s5], [sflag:s1] =	dma.general @!p1 [spmem:s4], [sflag:s2], length:$0x2, [dreg:$0x0], stride_count:$0x0, ici_dest:s0, dma_misc:DstOpCode:WRITE  }
.Ltmp35:
0x39e: {  	s0 =	simm.s32 @!p1 $0x3;
	(pc) =	sbr.rel @p2 .LBB3_37-.Ltmp35, $4  }
0x39f: {  	s1 =	sshll.u32 @!p1 s8, $0xE;
	_ =	swait.ge @!p1 [sflag:s0], $0x6  }
0x3a0: {  	s2 =	sshll.u32 @!p1 s7, $0x11;
	s1 =	sadd.s32 @!p1 $0x11C3C, s1;
	[sflag:s0] =	ssyncset.done @!p1 $0x0  }
0x3a1: {  	[sflag:s0] =	ssyncadd.s32 @!p1 $0xFFFFFFFA;
	s0 =	sor.u32 @!p1 s2, s1  }
0x3a2: {  	[sflag:s0] =	ssyncadd.remote.s32 @!p1 $0xFFFFFFFF;
	s0 =	simm.s32 $0x0  }
0x3a3: {  	s0 =	simm.s32 $0x3659  }
0x3a4: {  	v0 =	vld.msk [tilespmem:s0+$0x0], $0x1;
	_ =	sdelay $0x4  }
0x3a5: {  	(v2sf) =	vpush v0, $0x0;
	_ =	sdelay $0xd  }
0x3a6: {  	s2 =	sadd.s32 $0xFFFFFFFE, s6  }
0x3a7: {  	s2 =	sadd.s32 $0xFFFFFFFF, s2;
	s0 =	spop (v2sf)  }
0x3a8: {  	p2 =	sne.s32 s2, $0x0;
	p1 =	sgt.u32 s0, $0x270FF  }
.Ltmp36:
0x3a9: {  	s4 =	sand.u32 @!p1 $0x3FFF8, s0;
	(pc) =	sbr.rel @!p2 .LBB3_36-.Ltmp36, $4  }
0x3aa: {  	s1 =	simm.s32 $0x3688;
	s0 =	sand.u32 @!p1 $0x7, s0;
	s4 =	sadd.s32 @!p1 s3, s4  }
0x3ab: {  	[hbm4b:s4+s0] =	stream.linear.scatter @!p1 [tilespmem:s1], [sflag:$0x5], $0x8, $0x38;
	[tilespmem:$0x1F0F8] =	vst v63  }
0x3ac: {  	s0 =	simm.s32 $0x0  }
0x3ad: {  	s6 =	simm.s32 $0x0;
	s7 =	simm.s32 $0x365A;
	s0 =	simm.s32 @!p1 $0x20  }
.LBB3_35:
0x3ae: {  	v0 =	vld.msk [tilespmem:s7+$0x0], $0x1;
	s2 =	sadd.s32 $0xFFFFFFFF, s2;
	s6 =	sadd.s32 s6, s0  }
0x3af: {  	p1 =	sne.s32 s2, $0x0;
	_ =	sdelay $0x3  }
0x3b0: {  	(v2sf) =	vpush v0, $0x0;
	_ =	sdelay $0xe  }
.Ltmp37:
0x3b1: {  	s4 =	spop (v2sf);
	(pc) =	sbr.rel @p1 .LBB3_35-.Ltmp37, $4  }
0x3b2: {  	s0 =	simm.s32 $0x0;
	p2 =	sgt.u32 s4, $0x270FF  }
0x3b3: {  	s1 =	sadd.s32 $0x10, s1;
	s0 =	simm.s32 @!p2 $0x20;
	s5 =	sand.u32 @!p2 $0x3FFF8, s4  }
0x3b4: {  	s7 =	sadd.s32 $0x1, s7;
	s4 =	sand.u32 @!p2 $0x7, s4;
	s5 =	sadd.s32 @!p2 s3, s5  }
0x3b5: {  	[hbm4b:s5+s4] =	stream.linear.scatter @!p2 [tilespmem:s1], [sflag:$0x5], $0x8, $0x38;
	[tilespmem:$0x1F0F8] =	vst v63  }
.LBB3_36:
0x3b6: {  	s0 =	sadd.s32 s6, s0  }
0x3b7: {  	s0 =	sshrl.u32 s0, $0x2  }
.LBB3_37:
0x3b8: {  	s1 =	simm.s32 $0x5  }
0x3b9: {  	_ =	swait.ge [sflag:s1], s0  }
0x3ba: {  	s31 =	ssub.s32 $0x0, s0;
	[sflag:s1] =	ssyncset.done $0x0  }
0x3bb: {  	[sflag:s1] =	ssyncadd.s32 s31  }
0x3bc: {  	[sflag:s1] =	ssyncpa.u1 $0x1  }
.LBB3_38:
0x3bd: {  	s0 =	sor.u32 s17, s16  }
0x3be: {  	p1 =	sne.s32 s0, $0x0  }
.Ltmp38:
0x3bf: {  	_ = 	snop;
	(pc) =	sbr.rel @p1 .LBB3_53-.Ltmp38, $3  }
0x3c0: {  	_ =	sdelay $0x1  }
0x3c1: {  	[bflag:$0x0] =	sbarrier.arrive $0xFFFF  }
0x3c2: {  	_ =	sfence  }
0x3c3: {  	s0 =	simm.s32 $0x7  }
0x3c4: {  	s1 =	simm.s32 $0x200;
	s2 =	simm.s32 $0x3658;
	[sflag:s0] =	ssyncpa.u1 $0x0  }
0x3c5: {  	[tilespmem:s2], [sflag:$0x7] =	stream.linear.gather [spmem:s1], $0x20, $0x38;
	[tilespmem:$0x1F0F8] =	vst v63  }
0x3c6: {  	s30 =	simm.s32 $0x3678;
	s1 =	simm.s32 $0x0  }
0x3c7: {  	[tilespmem:s30], [sflag:$0x7] =	stream.linear.gather [spmem:s1], $0x200, $0x38;
	[tilespmem:$0x1F0F8] =	vst v63  }
.Ltmp39:
0x3c8: {  	_ = 	snop;
	(pc) =	sbr.rel .LBB3_40-.Ltmp39, $4  }
0x3c9: {  	_ =	swait.ge [sflag:s0], $0x220  }
0x3ca: {  	[sflag:s0] =	ssyncset.done $0x0  }
0x3cb: {  	s31 =	simm.s32 $0x8;
	[sflag:s0] =	ssyncadd.s32 $0xFFFFFDE0  }
0x3cc: {  	s2 =	simm.s32 $0x0;
	[sflag:s31] =	ssyncpa.u1 $0x0  }
.LBB3_45:
0x3cd: {  	p1 =	slt.u32 s4, $0x27100  }
0x3ce: {  	s0 =	sand.u32 @p1 $0x3FFF8, s4  }
0x3cf: {  	s4 =	sand.u32 @p1 $0x7, s4;
	s5 =	simm.s32 @p1 $0x3638;
	s0 =	sadd.s32 @p1 s3, s0  }
0x3d0: {  	[tilespmem:s5], [sflag:$0x8] =	stream.linear.gather @p1 [hbm4b:s0+s4], $0x8, $0x38;
	[tilespmem:$0x1F0F8] =	vst v63  }
0x3d1: {  	s0 =	simm.s32 @p1 $0x8  }
0x3d2: {  	_ =	swait.ge @p1 [sflag:s0], $0x8  }
0x3d3: {  	[sflag:s0] =	ssyncset.done @p1 $0x0  }
0x3d4: {  	[sflag:s0] =	ssyncadd.s32 @p1 $0xFFFFFFF8  }
0x3d5: {  	v1 =	vld @p1 [tilespmem:$0x3638];
	_ =	sdelay $0x2  }
0x3d6: {  	s0 =	sshll.u32 @p1 s2, $0x6  }
0x3d7: {  	s5 =	sshll.u32 @!p1 s2, $0x6;
	s4 =	sshrl.u32 @p1 s0, $0x2  }
0x3d8: {  	s5 =	smov.u32 @p1 s0;
	[tilespmem:s4+$0x3678] =	vst.add.f32.msk @p1 $0xffff, v1  }
0x3d9: {  	s0 =	sshrl.u32 s5, $0x2;
	[tilespmem:s1+$0x3658] =	vst.msk $0x1, v0  }
0x3da: {  	v0 =	vld [tilespmem:s0+$0x3678];
	_ =	sdelay $0x2  }
0x3db: {  	s31 =	sshll.u32 s1, $0x6  }
0x3dc: {  	s0 =	sshra.s32 s31, $0x2  }
0x3dd: {  	s1 =	sadd.s32 $0x1, s1;
	[tilespmem:s0+$0x3678] =	vst v0  }
.LBB3_47:
0x3de: {  	s2 =	sadd.s32 $0x1, s2  }
0x3df: {  	p1 =	sne.s32 s2, $0x20  }
.Ltmp40:
0x3e0: {  	_ = 	snop;
	(pc) =	sbr.rel @!p1 .LBB3_48-.Ltmp40, $1  }
0x3e1: {  	_ =	sdelay $0x3  }
.LBB3_40:
0x3e2: {  	v0 =	vld.msk [tilespmem:s2+$0x3658], $0x1;
	_ =	sdelay $0x4  }
0x3e3: {  	(v2sf) =	vpush v0, $0x0;
	_ =	sdelay $0xe  }
0x3e4: {  	s4 =	spop (v2sf)  }
0x3e5: {  	p1 =	seq.s32 s4, $0xFFFFFFFF  }
.Ltmp41:
0x3e6: {  	_ = 	snop;
	(pc) =	sbr.rel @p1 .LBB3_47-.Ltmp41, $1  }
0x3e7: {  	_ =	sdelay $0x3  }
0x3e8: {  	p1 =	slt.s32 s1, $0x1  }
.Ltmp42:
0x3e9: {  	_ = 	snop;
	(pc) =	sbr.rel @p1 .LBB3_45-.Ltmp42, $1  }
0x3ea: {  	_ =	sdelay $0x3  }
0x3eb: {  	s5 =	simm.s32 $0x3658;
	p1 =	por $0x0, $0x0  }
0x3ec: {  	v1 =	vld.msk @!p1 [tilespmem:s5+$0x0], $0x1;
	_ =	sdelay $0x4  }
0x3ed: {  	(v2sf) =	vpush @!p1 v1, $0x0;
	_ =	sdelay $0xd  }
0x3ee: {  	p3 =	sne.s32 s1, $0x1  }
.Ltmp43:
0x3ef: {  	s0 =	spop @!p1 (v2sf);
	(pc) =	sbr.rel @!p3 .LBB3_44-.Ltmp43, $4  }
0x3f0: {  	p2 =	seq.s32 @!p1 s4, s0  }
0x3f1: {  	s6 =	simm.s32 $0x0;
	p2 =	por !p2, p1  }
0x3f2: {  	s0 =	simm.s32 $0xFFFFFFFF;
	s6 =	simm.s32 @p2 $0xFFFFFFFF  }
0x3f3: {  	s7 =	simm.s32 $0x1;
	s6 =	smov.u32 @p1 s0  }
.LBB3_43:
0x3f4: {  	s0 =	smov.u32 s6;
	p1 =	sne.s32 s6, $0xFFFFFFFF  }
0x3f5: {  	s5 =	sadd.s32 $0x1, s5;
	s6 =	smov.u32 s7;
	s7 =	sadd.s32 $0x1, s7  }
0x3f6: {  	p2 =	sne.s32 s1, s7;
	v1 =	vld.msk @!p1 [tilespmem:s5+$0x0], $0x1;
	_ =	sdelay $0x4  }
0x3f7: {  	(v2sf) =	vpush @!p1 v1, $0x0;
	_ =	sdelay $0xe  }
.Ltmp44:
0x3f8: {  	s8 =	spop @!p1 (v2sf);
	(pc) =	sbr.rel @p2 .LBB3_43-.Ltmp44, $4  }
0x3f9: {  	p3 =	seq.s32 @!p1 s4, s8  }
0x3fa: {  	p3 =	por !p3, p1  }
0x3fb: {  	s6 =	simm.s32 @p3 $0xFFFFFFFF  }
0x3fc: {  	s6 =	smov.u32 @p1 s0  }
.LBB3_44:
0x3fd: {  	p1 =	sne.s32 s6, $0xFFFFFFFF  }
.Ltmp45:
0x3fe: {  	_ = 	snop;
	(pc) =	sbr.rel @!p1 .LBB3_45-.Ltmp45, $1  }
0x3ff: {  	_ =	sdelay $0x3  }
0x400: {  	s0 =	sshll.u32 s2, $0x4  }
0x401: {  	s0 =	sand.u32 $0x3FFFFFF0, s0  }
0x402: {  	v0 =	vld [tilespmem:s0+$0x3678]  }
.Ltmp46:
0x403: {  	_ = 	snop;
	(pc) =	sbr.rel .LBB3_47-.Ltmp46, $4  }
0x404: {  	_ = 	snop  }
0x405: {  	s31 =	sshll.u32 s6, $0x6  }
0x406: {  	s0 =	sshra.s32 s31, $0x2  }
0x407: {  	[tilespmem:s0+$0x3678] =	vst.add.f32.msk $0xffff, v0  }
.LBB3_48:
0x408: {  	p1 =	slt.s32 s1, $0x1  }
.Ltmp47:
0x409: {  	_ = 	snop;
	(pc) =	sbr.rel @p1 .LBB3_52-.Ltmp47, $3  }
0x40a: {  	_ =	sdelay $0x1  }
0x40b: {  	s0 =	simm.s32 $0x8  }
0x40c: {  	s2 =	simm.s32 $0x0;
	[sflag:s0] =	ssyncpa.u1 $0x1  }
0x40d: {  	s0 =	simm.s32 $0x3658  }
0x40e: {  	v0 =	vld.msk [tilespmem:s0+$0x0], $0x1;
	_ =	sdelay $0x4  }
0x40f: {  	(v2sf) =	vpush v0, $0x0;
	_ =	sdelay $0xe  }
0x410: {  	s1 =	sadd.s32 $0xFFFFFFFF, s1;
	s0 =	spop (v2sf)  }
0x411: {  	p2 =	sne.s32 s1, $0x0;
	p1 =	sgt.u32 s0, $0x270FF  }
.Ltmp48:
0x412: {  	s5 =	sand.u32 @!p1 $0x3FFF8, s0;
	(pc) =	sbr.rel @!p2 .LBB3_51-.Ltmp48, $4  }
0x413: {  	s4 =	simm.s32 $0x3678;
	s0 =	sand.u32 @!p1 $0x7, s0;
	s5 =	sadd.s32 @!p1 s3, s5  }
0x414: {  	[hbm4b:s5+s0] =	stream.linear.scatter @!p1 [tilespmem:s4], [sflag:$0x7], $0x8, $0x38;
	[tilespmem:$0x1F0F8] =	vst v63  }
0x415: {  	s0 =	simm.s32 $0x0  }
0x416: {  	s5 =	simm.s32 $0x3659;
	s0 =	simm.s32 @!p1 $0x20  }
.LBB3_50:
0x417: {  	v0 =	vld.msk [tilespmem:s5+$0x0], $0x1;
	s1 =	sadd.s32 $0xFFFFFFFF, s1;
	s2 =	sadd.s32 s2, s0  }
0x418: {  	p1 =	sne.s32 s1, $0x0;
	_ =	sdelay $0x3  }
0x419: {  	(v2sf) =	vpush v0, $0x0;
	_ =	sdelay $0xe  }
.Ltmp49:
0x41a: {  	s6 =	spop (v2sf);
	(pc) =	sbr.rel @p1 .LBB3_50-.Ltmp49, $4  }
0x41b: {  	s0 =	simm.s32 $0x0;
	p2 =	sgt.u32 s6, $0x270FF  }
0x41c: {  	s4 =	sadd.s32 $0x10, s4;
	s0 =	simm.s32 @!p2 $0x20;
	s7 =	sand.u32 @!p2 $0x3FFF8, s6  }
0x41d: {  	s5 =	sadd.s32 $0x1, s5;
	s6 =	sand.u32 @!p2 $0x7, s6;
	s7 =	sadd.s32 @!p2 s3, s7  }
0x41e: {  	[hbm4b:s7+s6] =	stream.linear.scatter @!p2 [tilespmem:s4], [sflag:$0x7], $0x8, $0x38;
	[tilespmem:$0x1F0F8] =	vst v63  }
.LBB3_51:
0x41f: {  	s0 =	sadd.s32 s2, s0  }
0x420: {  	s2 =	sshrl.u32 s0, $0x2  }
.LBB3_52:
0x421: {  	s0 =	simm.s32 $0x7  }
0x422: {  	_ =	swait.ge [sflag:s0], s2  }
0x423: {  	s1 =	ssub.s32 $0x0, s2;
	[sflag:s0] =	ssyncset.done $0x0  }
0x424: {  	[sflag:s0] =	ssyncadd.s32 s1  }
0x425: {  	[sflag:s0] =	ssyncpa.u1 $0x1  }
.LBB3_53:
0x426: {  	_ =	sfence;
	s0 =	simm.s32 $0x1  }
0x427: {  	[sflag:s0] =	ssyncpa.u1 $0x1  }
0x428: {  	_ =	strace $0x9000004A  }
0x429: {  	[bflag:$0x2] =	sbarrier.arrive $0xFFFF  }
0x42a: {  	s0 =	rddreg [dreg:$0x3]  }
0x42b: {  	s0 =	sadd.s32 @!p0 $0x100000, s0  }
0x42c: {  	[sflag:s0] =	ssyncadd.tile.s32 @!p0 $0x1;
	_ =	shalt  }
.Lfunc_end3:
_tile_overlayer_lowered:
.L_overlay_start_3:
0x42d: {  	(tag) =	ssettag $0x3  }
0x42e: {  	s0 =	rddreg [dreg:$0x0];
	s2 =	stileid.u32  }
0x42f: {  	s1 =	rddreg [dreg:$0x1];
	p0 =	sne.s32 s2, $0x0  }
0x430: {  	s3 =	rddreg [dreg:$0x2];
	[bflag:$0x3] =	sbarrier.arrive $0xFFFF;
	s2 =	simm.s32 @!p0 $0x1C01  }
0x431: {  	[timem:s3], [sflag:s2] =	dma.local @!p0 [hbm:s0], s1  }
0x432: {  	s0 =	simm.s32 @!p0 $0x1  }
0x433: {  	_ =	swait.ge @!p0 [sflag:s0], s1  }
0x434: {  	s1 =	ssub.s32 @!p0 $0x0, s1;
	[sflag:s0] =	ssyncset.done @!p0 $0x0  }
0x435: {  	[sflag:s0] =	ssyncadd.s32 @!p0 s1  }
0x436: {  	[bflag:$0x3] =	sbarrier.arrive $0xFFFF  }
0x437: {  	_ =	shalt  }

</sc_bundles>
